<compile_context>
chip_gen: v7x
topology: tpu7x:2x2x1
jax: 0.10.2.dev20260603
libtpu: 0.0.44.dev20260713+nightly
codegen_flags: <defaults>
</compile_context>

<pallas_src>
import functools

import jax
import jax.numpy as jnp
from jax import lax
from jax.experimental import pallas as pl
from jax.experimental.pallas import tpu as pltpu
from jax.experimental.pallas import tpu_sc as plsc

N = 10000
E = 320000
D = 128
ED = 16
H = 128
NG = 64
OUT = 10

_NC = 2
_NS = 16
_NW = _NC * _NS
_L = 16
_C = 128
_NCHUNK = E // _C
_NIT = (_NCHUNK + _NW - 1) // _NW
_NB = 2
_NBI = 4
_RC = 80
_NZCH = N // _RC



def _mm_body(a_ref, w_ref, o_ref):
    o_ref[...] = jnp.dot(a_ref[...], w_ref[...],
                         preferred_element_type=jnp.float32)


def _mm(a, w, blk):
    m, k = a.shape
    n = w.shape[1]
    return pl.pallas_call(
        _mm_body,
        grid=(m // blk,),
        in_specs=[
            pl.BlockSpec((blk, k), lambda i: (i, 0)),
            pl.BlockSpec((k, n), lambda i: (0, 0)),
        ],
        out_specs=pl.BlockSpec((blk, n), lambda i: (i, 0)),
        out_shape=jax.ShapeDtypeStruct((m, n), jnp.float32),
    )(a, w)


def _pack_rows(h):
    b = lax.bitcast_convert_type(h, jnp.uint32)
    rb = b + jnp.uint32(0x7FFF) + ((b >> 16) & jnp.uint32(1))
    lo = jnp.concatenate([rb[:, 0:16], rb[:, 32:48], rb[:, 64:80],
                          rb[:, 96:112]], axis=1)
    hi = jnp.concatenate([rb[:, 16:32], rb[:, 48:64], rb[:, 80:96],
                          rb[:, 112:128]], axis=1)
    return lax.bitcast_convert_type((lo >> 16) | (hi & jnp.uint32(0xFFFF0000)),
                                    jnp.int32)


def _mm_e_body(a_ref, w_ref, op_ref):
    e = jnp.dot(a_ref[...], w_ref[...], preferred_element_type=jnp.float32)
    pk = _pack_rows(e)
    half = pk.shape[0] // 2
    op_ref[...] = jnp.concatenate([pk[:half], pk[half:]], axis=1)


def _mm_e(a, w, blk):
    m, k = a.shape
    n = w.shape[1]
    return pl.pallas_call(
        _mm_e_body,
        grid=(m // blk,),
        in_specs=[
            pl.BlockSpec((blk, k), lambda i: (i, 0)),
            pl.BlockSpec((k, n), lambda i: (0, 0)),
        ],
        out_specs=pl.BlockSpec((blk // 2, n), lambda i: (i, 0)),
        out_shape=jax.ShapeDtypeStruct((m // 2, n), jnp.int32),
    )(a, w)



@functools.lru_cache(maxsize=None)
def _sc_edge_kernel():
    return functools.partial(
        pl.kernel,
        out_type=jax.ShapeDtypeStruct((_NC, N, H), jnp.float32),
        mesh=plsc.VectorSubcoreMesh(core_axis_name="c", subcore_axis_name="s",
                                    num_cores=_NC, num_subcores=_NS),
        scratch_types=[
            pltpu.VMEM((_NBI, 2, _C), jnp.int32),
            pltpu.VMEM((_NB, _C // 2, H), jnp.int32),
            pltpu.VMEM((_NB, _C, H), jnp.float32),
            pltpu.VMEM_SHARED((N, H), jnp.float32),
            pltpu.SemaphoreType.DMA,
            pltpu.SemaphoreType.DMA,
            pltpu.SemaphoreType.DMA,
            pltpu.SemaphoreType.DMA,
        ],
    )(_sc_edge_body)


def _sc_edge(hs, ep, ei3):
    return _sc_edge_kernel()(hs, ep, ei3)


def _sc_edge_body(hs_hbm, ep_hbm, ei_hbm, out_hbm, idx, ebuf, rows, agg,
                  sem_i, sem_e, sem_g, sem_s):
    c = lax.axis_index("c")
    s = lax.axis_index("s")
    wid = s * _NC + c

    def chunk_of(i):
        return i * _NW + wid

    def valid(i):
        return chunk_of(i) < _NCHUNK

    def issue_idx(i, b):
        pltpu.async_copy(ei_hbm.at[chunk_of(i)], idx.at[b], sem_i)

    def wait_idx(b):
        pltpu.make_async_copy(ei_hbm.at[0], idx.at[b], sem_i).wait()

    def issue_e(i, b):
        base = chunk_of(i) * (_C // 2)
        pltpu.async_copy(ep_hbm.at[pl.ds(base, _C // 2), :], ebuf.at[b],
                         sem_e)

    def wait_e(b):
        pltpu.make_async_copy(ep_hbm.at[pl.ds(0, _C // 2), :], ebuf.at[b],
                              sem_e).wait()

    def issue_gather(b, bi):
        pltpu.async_copy(hs_hbm.at[idx.at[bi, 0]], rows.at[b], sem_g)

    def wait_gather(b, bi):
        pltpu.make_async_copy(hs_hbm.at[idx.at[bi, 0]], rows.at[b],
                              sem_g).wait()

    def issue_scatter(b, bi):
        pltpu.async_copy(rows.at[b], agg.at[idx.at[bi, 1]], sem_s, add=True)

    def wait_scatter(b, bi):
        pltpu.make_async_copy(rows.at[b], agg.at[idx.at[bi, 1]],
                              sem_s).wait()

    zv = jnp.zeros((_L,), jnp.float32)

    @pl.loop(0, _RC)
    def _zero_rows(r):
        for j in range(H // _L):
            rows[0, r, pl.ds(j * _L, _L)] = zv

    for j in range((_NZCH + _NS - 1) // _NS):
        t = j * _NS + s

        @pl.when(t < _NZCH)
        def _():
            pltpu.sync_copy(rows.at[0, pl.ds(0, _RC)],
                            agg.at[pl.ds(t * _RC, _RC)])
    plsc.subcore_barrier()

    issue_idx(0, 0)
    issue_idx(1, 1)
    issue_e(0, 0)
    wait_idx(0)
    issue_gather(0, 0)

    @pl.loop(0, _NIT)
    def _pipe(i):
        b = lax.rem(i, _NB)
        bn = lax.rem(i + 1, _NB)
        bi = lax.rem(i, _NBI)
        bin_ = lax.rem(i + 1, _NBI)

        @pl.when(jnp.logical_and(i >= 1, valid(i - 1)))
        def _():
            wait_scatter(bn, lax.rem(i + 3, _NBI))

        @pl.when(valid(i + 1))
        def _():
            wait_idx(bin_)
            issue_gather(bn, bin_)

        @pl.when(valid(i + 2))
        def _():
            issue_idx(i + 2, lax.rem(i + 2, _NBI))

        @pl.when(valid(i + 1))
        def _():
            issue_e(i + 1, bn)

        @pl.when(valid(i))
        def _():
            wait_gather(b, bi)
            wait_e(b)

            @pl.loop(0, _C // 2)
            def _relu_rows(rr):
                for k in range(2):
                    r = 2 * rr + k
                    for g in range(H // (2 * _L)):
                        w = ebuf[b, rr, pl.ds(64 * k + g * _L, _L)]
                        lo = lax.bitcast_convert_type(w << 16, jnp.float32)
                        hi = lax.bitcast_convert_type(
                            w & jnp.int32(-65536), jnp.float32)
                        sl_lo = pl.ds(2 * g * _L, _L)
                        sl_hi = pl.ds((2 * g + 1) * _L, _L)
                        rows[b, r, sl_lo] = jnp.maximum(
                            rows[b, r, sl_lo] + lo, 0.0)
                        rows[b, r, sl_hi] = jnp.maximum(
                            rows[b, r, sl_hi] + hi, 0.0)

            issue_scatter(b, bi)

    @pl.when(valid(_NIT - 1))
    def _():
        wait_scatter(0, 0)

    plsc.subcore_barrier()
    for j in range((_NZCH + _NS - 1) // _NS):
        t = j * _NS + s

        @pl.when(t < _NZCH)
        def _():
            pltpu.sync_copy(agg.at[pl.ds(t * _RC, _RC)],
                            out_hbm.at[c, pl.ds(t * _RC, _RC)])



def _finish_body(hs_ref, agg0_ref, agg1_ref, batch_ref, eps_ref, wo_ref,
                 bo_ref, wxn_ref, hsn_ref, pooled_ref):
    i = pl.program_id(0)
    t = (1.0 + eps_ref[0, 0]) * hs_ref[...] + agg0_ref[...] + agg1_ref[...]
    u = jnp.dot(t, wo_ref[...], preferred_element_type=jnp.float32)
    h = jnp.maximum(u + bo_ref[...], 0.0)
    hsn_ref[...] = jnp.dot(h, wxn_ref[...], preferred_element_type=jnp.float32)
    oh = (batch_ref[...] ==
          lax.broadcasted_iota(jnp.int32, (1, NG), 1)).astype(jnp.float32)
    contrib = lax.dot_general(oh, h, (((0,), (0,)), ((), ())),
                              preferred_element_type=jnp.float32)

    @pl.when(i == 0)
    def _():
        pooled_ref[...] = jnp.zeros_like(pooled_ref)

    pooled_ref[...] += contrib


def _finish(hs, agg0, agg1, batch2, eps, wo, bo2, wxn):
    blk = 1000
    return pl.pallas_call(
        _finish_body,
        grid=(N // blk,),
        in_specs=[
            pl.BlockSpec((blk, H), lambda i: (i, 0)),
            pl.BlockSpec((blk, H), lambda i: (i, 0)),
            pl.BlockSpec((blk, H), lambda i: (i, 0)),
            pl.BlockSpec((blk, 1), lambda i: (i, 0)),
            pl.BlockSpec((1, 1), lambda i: (0, 0)),
            pl.BlockSpec((H, H), lambda i: (0, 0)),
            pl.BlockSpec((1, H), lambda i: (0, 0)),
            pl.BlockSpec((H, H), lambda i: (0, 0)),
        ],
        out_specs=[
            pl.BlockSpec((blk, H), lambda i: (i, 0)),
            pl.BlockSpec((NG, H), lambda i: (0, 0)),
        ],
        out_shape=[
            jax.ShapeDtypeStruct((N, H), jnp.float32),
            jax.ShapeDtypeStruct((NG, H), jnp.float32),
        ],
    )(hs, agg0, agg1, batch2, eps, wo, bo2, wxn)



def _head_body(p1_ref, p2_ref, p3_ref, batch_ref, w1_ref, b1_ref, w2_ref,
               b2_ref, o_ref):
    oh = (batch_ref[...] ==
          lax.broadcasted_iota(jnp.int32, (1, NG), 1)).astype(jnp.float32)
    ones = jnp.ones((N, 1), jnp.float32)
    cnt = lax.dot_general(oh, ones, (((0,), (0,)), ((), ())),
                          preferred_element_type=jnp.float32)
    denom = jnp.maximum(cnt, 1.0)
    hcat = jnp.concatenate(
        [p1_ref[...] / denom, p2_ref[...] / denom, p3_ref[...] / denom],
        axis=1)
    hl = jnp.maximum(
        jnp.dot(hcat, w1_ref[...], preferred_element_type=jnp.float32)
        + b1_ref[...], 0.0)
    logits = jnp.dot(hl, w2_ref[...], preferred_element_type=jnp.float32) \
        + b2_ref[...]
    m = jnp.max(logits, axis=1, keepdims=True)
    lse = jnp.log(jnp.sum(jnp.exp(logits - m), axis=1, keepdims=True)) + m
    o_ref[...] = logits - lse


def _head(p1, p2, p3, batch2, w1, b12, w2, b22):
    return pl.pallas_call(
        _head_body,
        out_shape=jax.ShapeDtypeStruct((NG, OUT), jnp.float32),
    )(p1, p2, p3, batch2, w1, b12, w2, b22)



def kernel(x, edge_index, edge_attr, batch, Wx1, We1, Wo1, bo1, eps1, Wx2,
           We2, Wo2, bo2, eps2, Wx3, We3, Wo3, bo3, eps3, lin1_W, lin1_b,
           lin2_W, lin2_b):
    batch2 = batch.reshape(N, 1)
    eye = jnp.eye(H, dtype=jnp.float32)
    ei3 = edge_index.reshape(2, _NCHUNK, _C).transpose(1, 0, 2)
    ea_shuf = edge_attr.reshape(E // 4000, 2000, 2, ED).transpose(
        0, 2, 1, 3).reshape(E, ED)

    hs = _mm(x, Wx1, 1000)
    pooled = []
    layers = [
        (We1, Wo1, bo1, eps1, Wx2),
        (We2, Wo2, bo2, eps2, Wx3),
        (We3, Wo3, bo3, eps3, eye),
    ]
    for we, wo, bo, eps, wxn in layers:
        ep = _mm_e(ea_shuf, we, 4000)
        aggp = _sc_edge(hs, ep, ei3)
        hs, p = _finish(hs, aggp[0], aggp[1], batch2, eps.reshape(1, 1), wo,
                        bo.reshape(1, H), wxn)
        pooled.append(p)

    return _head(pooled[0], pooled[1], pooled[2], batch2, lin1_W,
                 lin1_b.reshape(1, 3 * H), lin2_W, lin2_b.reshape(1, OUT))

# --- scband reference (transcript-rebuilt; emitter-appended) ---
"""Pipeline reference for scband-einmodel-78374563217904 (READ-ONLY COPY).

The authoritative reference and input builder live on the scoring server;
editing this copy changes nothing except your own understanding.
"""

import jax, jax.numpy as jnp
import numpy as np

N = 10000
E = 320000
D = 128
ED = 16
H = 128
NG = 64
OUT = 10

def _init_linear(key, fan_in, fan_out):
    return jax.random.normal(key, (fan_in, fan_out), dtype=jnp.float32) / np.sqrt(fan_in)

def setup_inputs(seed: int = 0):
    key = jax.random.key(seed)
    ks = jax.random.split(key, 24)
    inp = {}
    inp["x"] = jax.random.normal(ks[0], (N, D), dtype=jnp.float32)
    inp["edge_index"] = jax.random.randint(ks[1], (2, E), 0, N, dtype=jnp.int32)
    inp["edge_attr"] = jax.random.normal(ks[2], (E, ED), dtype=jnp.float32)
    inp["batch"] = jnp.sort(jax.random.randint(ks[3], (N,), 0, NG, dtype=jnp.int32))
    dims = [D, H, H]
    for i in range(3):
        inp["Wx%d" % (i + 1)] = _init_linear(ks[4 + 4 * i], dims[i], H)
        inp["We%d" % (i + 1)] = _init_linear(ks[5 + 4 * i], ED, H)
        inp["Wo%d" % (i + 1)] = _init_linear(ks[6 + 4 * i], H, H)
        inp["bo%d" % (i + 1)] = jnp.zeros((H,), dtype=jnp.float32)
        inp["eps%d" % (i + 1)] = jnp.zeros((), dtype=jnp.float32)
    inp["lin1_W"] = _init_linear(ks[16], 3 * H, 3 * H)
    inp["lin1_b"] = jnp.zeros((3 * H,), dtype=jnp.float32)
    inp["lin2_W"] = _init_linear(ks[17], 3 * H, OUT)
    inp["lin2_b"] = jnp.zeros((OUT,), dtype=jnp.float32)
    return inp

def reference(x, edge_index, edge_attr, batch, Wx1, We1, Wo1, bo1, eps1, Wx2, We2, Wo2, bo2, eps2, Wx3, We3, Wo3, bo3, eps3, lin1_W, lin1_b, lin2_W, lin2_b):
    src = edge_index[0]
    dst = edge_index[1]

    def conv(h, Wx, We, Wo, bo, eps):
        hs = h @ Wx
        e = edge_attr @ We
        msg = jax.nn.relu(hs[src] + e)
        agg = jax.ops.segment_sum(msg, dst, num_segments=h.shape[0])
        return ((1.0 + eps) * hs + agg) @ Wo + bo

    h1 = jax.nn.relu(conv(x, Wx1, We1, Wo1, bo1, eps1))
    h2 = jax.nn.relu(conv(h1, Wx2, We2, Wo2, bo2, eps2))
    h3 = jax.nn.relu(conv(h2, Wx3, We3, Wo3, bo3, eps3))

    def gmp(h):
        s = jax.ops.segment_sum(h, batch, num_segments=NG)
        c = jax.ops.segment_sum(jnp.ones((h.shape[0], 1), h.dtype), batch, num_segments=NG)
        return s / jnp.maximum(c, 1.0)

    hcat = jnp.concatenate([gmp(h1), gmp(h2), gmp(h3)], axis=1)
    hl = jax.nn.relu(hcat @ lin1_W + lin1_b)
    logits = hl @ lin2_W + lin2_b
    return jax.nn.log_softmax(logits, axis=1)

if __name__ == "__main__":
    import jax
    _d = setup_inputs()
    print(jax.jit(kernel)(*tuple(_d.values())))

</pallas_src>

<mosaic_0001>
#map = affine_map<(d0, d1) -> (0, 0)>
#map1 = affine_map<(d0, d1) -> (0, 0, 0)>
module attributes {stable_mosaic.version = 14 : i64} {
  func.func @_sc_edge_body(%arg0: i32, %arg1: i32, %arg2: memref<10000x128xf32, #tpu.memory_space<hbm>>, %arg3: memref<160000x128xi32, #tpu.memory_space<hbm>>, %arg4: memref<2500x2x128xi32, #tpu.memory_space<hbm>>, %arg5: memref<2x10000x128xf32, #tpu.memory_space<hbm>>, %arg6: memref<4x2x128xi32, #tpu.memory_space<vmem>>, %arg7: memref<2x64x128xi32, #tpu.memory_space<vmem>>, %arg8: memref<2x128x128xf32, #tpu.memory_space<vmem>>, %arg9: memref<10000x128xf32, #tpu.memory_space<vmem_shared>>, %arg10: memref<!tpu.dma_semaphore, #tpu.memory_space<semaphore_mem>>, %arg11: memref<!tpu.dma_semaphore, #tpu.memory_space<semaphore_mem>>, %arg12: memref<!tpu.dma_semaphore, #tpu.memory_space<semaphore_mem>>, %arg13: memref<!tpu.dma_semaphore, #tpu.memory_space<semaphore_mem>>) attributes {dimension_semantics = [#tpu.dimension_semantics<core_parallel>, #tpu.dimension_semantics<subcore_parallel>], iteration_bounds = array<i64: 2, 16>, scalar_prefetch = 0 : i64, scratch_operands = 8 : i64, tpu.core_type = #tpu.core_type<sc_vector_subcore>, window_params = [{transform_indices = #map}, {transform_indices = #map}, {transform_indices = #map1}, {transform_indices = #map1}]} {
    %mul3A = arith.constant 2 : i32
    %mul3A_0 = arith.muli %arg1, %mul3A : i32
    %add3A = arith.addi %mul3A_0, %arg0 : i32
    %broadcast_in_dim3A = arith.constant 0.000000e+00 : f32
    %broadcast_in_dim3A_1 = vector.broadcast %broadcast_in_dim3A : f32 to vector<16xf32>
    %scan3A = arith.constant 0 : i32
    %scan3A_2 = arith.constant 80 : i32
    %scan3A_3 = arith.addi %scan3A, %scan3A_2 : i32
    %scan3A_4 = arith.constant 1 : i32
    scf.for %scan3A_212 = %scan3A to %scan3A_3 step %scan3A_4  : i32 {
      %mul3A_213 = arith.constant 1 : i32
      %mul3A_214 = arith.muli %scan3A_212, %mul3A_213 : i32
      %add3A_215 = arith.constant 0 : i32
      %add3A_216 = arith.addi %add3A_215, %mul3A_214 : i32
      %swap3A = arith.constant 0 : i32
      %swap3A_217 = arith.index_cast %swap3A : i32 to index
      %swap3A_218 = arith.index_cast %add3A_216 : i32 to index
      %swap3A_219 = arith.constant 0 : index
      %swap3A_220 = tpu.vector_load %arg8[%swap3A_217, %swap3A_218, %swap3A_219] {strides = array<i32>} : memref<2x128x128xf32, #tpu.memory_space<vmem>>, vector<1x1x16xf32>,
      %swap3A_221 = vector.shape_cast %swap3A_220 : vector<1x1x16xf32> to vector<16xf32>
      %swap3A_222 = vector.shape_cast %broadcast_in_dim3A_1 : vector<16xf32> to vector<1x1x16xf32>
      tpu.vector_store %arg8[%swap3A_217, %swap3A_218, %swap3A_219], %swap3A_222 {strides = array<i32>} : memref<2x128x128xf32, #tpu.memory_space<vmem>>, vector<1x1x16xf32>,
      %swap3A_223 = arith.constant 0 : i32
      %swap3A_224 = arith.index_cast %swap3A_223 : i32 to index
      %swap3A_225 = arith.index_cast %add3A_216 : i32 to index
      %swap3A_226 = arith.constant 16 : index
      %swap3A_227 = tpu.vector_load %arg8[%swap3A_224, %swap3A_225, %swap3A_226] {strides = array<i32>} : memref<2x128x128xf32, #tpu.memory_space<vmem>>, vector<1x1x16xf32>,
      %swap3A_228 = vector.shape_cast %swap3A_227 : vector<1x1x16xf32> to vector<16xf32>
      %swap3A_229 = vector.shape_cast %broadcast_in_dim3A_1 : vector<16xf32> to vector<1x1x16xf32>
      tpu.vector_store %arg8[%swap3A_224, %swap3A_225, %swap3A_226], %swap3A_229 {strides = array<i32>} : memref<2x128x128xf32, #tpu.memory_space<vmem>>, vector<1x1x16xf32>,
      %swap3A_230 = arith.constant 0 : i32
      %swap3A_231 = arith.index_cast %swap3A_230 : i32 to index
      %swap3A_232 = arith.index_cast %add3A_216 : i32 to index
      %swap3A_233 = arith.constant 32 : index
      %swap3A_234 = tpu.vector_load %arg8[%swap3A_231, %swap3A_232, %swap3A_233] {strides = array<i32>} : memref<2x128x128xf32, #tpu.memory_space<vmem>>, vector<1x1x16xf32>,
      %swap3A_235 = vector.shape_cast %swap3A_234 : vector<1x1x16xf32> to vector<16xf32>
      %swap3A_236 = vector.shape_cast %broadcast_in_dim3A_1 : vector<16xf32> to vector<1x1x16xf32>
      tpu.vector_store %arg8[%swap3A_231, %swap3A_232, %swap3A_233], %swap3A_236 {strides = array<i32>} : memref<2x128x128xf32, #tpu.memory_space<vmem>>, vector<1x1x16xf32>,
      %swap3A_237 = arith.constant 0 : i32
      %swap3A_238 = arith.index_cast %swap3A_237 : i32 to index
      %swap3A_239 = arith.index_cast %add3A_216 : i32 to index
      %swap3A_240 = arith.constant 48 : index
      %swap3A_241 = tpu.vector_load %arg8[%swap3A_238, %swap3A_239, %swap3A_240] {strides = array<i32>} : memref<2x128x128xf32, #tpu.memory_space<vmem>>, vector<1x1x16xf32>,
      %swap3A_242 = vector.shape_cast %swap3A_241 : vector<1x1x16xf32> to vector<16xf32>
      %swap3A_243 = vector.shape_cast %broadcast_in_dim3A_1 : vector<16xf32> to vector<1x1x16xf32>
      tpu.vector_store %arg8[%swap3A_238, %swap3A_239, %swap3A_240], %swap3A_243 {strides = array<i32>} : memref<2x128x128xf32, #tpu.memory_space<vmem>>, vector<1x1x16xf32>,
      %swap3A_244 = arith.constant 0 : i32
      %swap3A_245 = arith.index_cast %swap3A_244 : i32 to index
      %swap3A_246 = arith.index_cast %add3A_216 : i32 to index
      %swap3A_247 = arith.constant 64 : index
      %swap3A_248 = tpu.vector_load %arg8[%swap3A_245, %swap3A_246, %swap3A_247] {strides = array<i32>} : memref<2x128x128xf32, #tpu.memory_space<vmem>>, vector<1x1x16xf32>,
      %swap3A_249 = vector.shape_cast %swap3A_248 : vector<1x1x16xf32> to vector<16xf32>
      %swap3A_250 = vector.shape_cast %broadcast_in_dim3A_1 : vector<16xf32> to vector<1x1x16xf32>
      tpu.vector_store %arg8[%swap3A_245, %swap3A_246, %swap3A_247], %swap3A_250 {strides = array<i32>} : memref<2x128x128xf32, #tpu.memory_space<vmem>>, vector<1x1x16xf32>,
      %swap3A_251 = arith.constant 0 : i32
      %swap3A_252 = arith.index_cast %swap3A_251 : i32 to index
      %swap3A_253 = arith.index_cast %add3A_216 : i32 to index
      %swap3A_254 = arith.constant 80 : index
      %swap3A_255 = tpu.vector_load %arg8[%swap3A_252, %swap3A_253, %swap3A_254] {strides = array<i32>} : memref<2x128x128xf32, #tpu.memory_space<vmem>>, vector<1x1x16xf32>,
      %swap3A_256 = vector.shape_cast %swap3A_255 : vector<1x1x16xf32> to vector<16xf32>
      %swap3A_257 = vector.shape_cast %broadcast_in_dim3A_1 : vector<16xf32> to vector<1x1x16xf32>
      tpu.vector_store %arg8[%swap3A_252, %swap3A_253, %swap3A_254], %swap3A_257 {strides = array<i32>} : memref<2x128x128xf32, #tpu.memory_space<vmem>>, vector<1x1x16xf32>,
      %swap3A_258 = arith.constant 0 : i32
      %swap3A_259 = arith.index_cast %swap3A_258 : i32 to index
      %swap3A_260 = arith.index_cast %add3A_216 : i32 to index
      %swap3A_261 = arith.constant 96 : index
      %swap3A_262 = tpu.vector_load %arg8[%swap3A_259, %swap3A_260, %swap3A_261] {strides = array<i32>} : memref<2x128x128xf32, #tpu.memory_space<vmem>>, vector<1x1x16xf32>,
      %swap3A_263 = vector.shape_cast %swap3A_262 : vector<1x1x16xf32> to vector<16xf32>
      %swap3A_264 = vector.shape_cast %broadcast_in_dim3A_1 : vector<16xf32> to vector<1x1x16xf32>
      tpu.vector_store %arg8[%swap3A_259, %swap3A_260, %swap3A_261], %swap3A_264 {strides = array<i32>} : memref<2x128x128xf32, #tpu.memory_space<vmem>>, vector<1x1x16xf32>,
      %swap3A_265 = arith.constant 0 : i32
      %swap3A_266 = arith.index_cast %swap3A_265 : i32 to index
      %swap3A_267 = arith.index_cast %add3A_216 : i32 to index
      %swap3A_268 = arith.constant 112 : index
      %swap3A_269 = tpu.vector_load %arg8[%swap3A_266, %swap3A_267, %swap3A_268] {strides = array<i32>} : memref<2x128x128xf32, #tpu.memory_space<vmem>>, vector<1x1x16xf32>,
      %swap3A_270 = vector.shape_cast %swap3A_269 : vector<1x1x16xf32> to vector<16xf32>
      %swap3A_271 = vector.shape_cast %broadcast_in_dim3A_1 : vector<16xf32> to vector<1x1x16xf32>
      tpu.vector_store %arg8[%swap3A_266, %swap3A_267, %swap3A_268], %swap3A_271 {strides = array<i32>} : memref<2x128x128xf32, #tpu.memory_space<vmem>>, vector<1x1x16xf32>,
    }
    %scan3A_5 = arith.constant 80 : i32
    %add3A_6 = arith.constant 0 : i32
    %add3A_7 = arith.addi %add3A_6, %arg1 : i32
    %lt3A = arith.constant 125 : i32
    %lt3A_8 = arith.cmpi slt, %add3A_7, %lt3A : i32
    %convert_element_type3A = arith.extui %lt3A_8 : i1 to i32
    %cond3A = arith.constant 0 : i32
    %cond3A_9 = arith.cmpi ne, %convert_element_type3A, %cond3A : i32
    scf.if %cond3A_9 {
      %mul3A_212 = arith.constant 80 : i32
      %mul3A_213 = arith.muli %add3A_7, %mul3A_212 : i32
      %run_scoped3A = arith.constant 0 : i32
      "tpu.region"() ({
        %run_scoped3A_214 = tpu.sem_alloc : memref<!tpu.dma_semaphore, #tpu.memory_space<semaphore_mem>>
        %dma_start3A_215 = arith.constant 0 : i32
        %dma_start3A_216 = arith.constant 0 : i32
        %dma_start3A_217 = tpu.memref_slice %arg8[%run_scoped3A, %dma_start3A_215, %dma_start3A_216] : memref<2x128x128xf32, #tpu.memory_space<vmem>> -> memref<1x80x128xf32, #tpu.memory_space<vmem>>
        %dma_start3A_218 = tpu.memref_squeeze %dma_start3A_217 : memref<1x80x128xf32, #tpu.memory_space<vmem>> -> memref<80x128xf32, #tpu.memory_space<vmem>>
        %dma_start3A_219 = arith.constant 0 : i32
        %dma_start3A_220 = tpu.memref_slice %arg9[%mul3A_213, %dma_start3A_219] : memref<10000x128xf32, #tpu.memory_space<vmem_shared>> -> memref<80x128xf32, #tpu.memory_space<vmem_shared>>
        %dma_start3A_221 = arith.constant 0 : i32
        %dma_start3A_222 = tpu.memref_slice %arg9[%mul3A_213, %dma_start3A_221] : memref<10000x128xf32, #tpu.memory_space<vmem_shared>> -> memref<80x128xf32, #tpu.memory_space<vmem_shared>>
        %dma_start3A_223 = arith.constant 0 : i32
        %dma_start3A_224 = arith.constant 0 : i32
        %dma_start3A_225 = tpu.memref_slice %arg8[%run_scoped3A, %dma_start3A_223, %dma_start3A_224] : memref<2x128x128xf32, #tpu.memory_space<vmem>> -> memref<1x80x128xf32, #tpu.memory_space<vmem>>
        %dma_start3A_226 = tpu.memref_squeeze %dma_start3A_225 : memref<1x80x128xf32, #tpu.memory_space<vmem>> -> memref<80x128xf32, #tpu.memory_space<vmem>>
        tpu.enqueue_dma source(%dma_start3A_226 : memref<80x128xf32, #tpu.memory_space<vmem>>) target(%dma_start3A_222 : memref<80x128xf32, #tpu.memory_space<vmem_shared>>) target_semaphore(%run_scoped3A_214 : memref<!tpu.dma_semaphore, #tpu.memory_space<semaphore_mem>>)
        %dma_wait3A_227 = arith.constant 0 : i32
        %dma_wait3A_228 = arith.constant 0 : i32
        %dma_wait3A_229 = tpu.memref_slice %arg8[%run_scoped3A, %dma_wait3A_227, %dma_wait3A_228] : memref<2x128x128xf32, #tpu.memory_space<vmem>> -> memref<1x80x128xf32, #tpu.memory_space<vmem>>
        %dma_wait3A_230 = tpu.memref_squeeze %dma_wait3A_229 : memref<1x80x128xf32, #tpu.memory_space<vmem>> -> memref<80x128xf32, #tpu.memory_space<vmem>>
        %dma_wait3A_231 = arith.constant 0 : i32
        %dma_wait3A_232 = tpu.memref_slice %arg9[%mul3A_213, %dma_wait3A_231] : memref<10000x128xf32, #tpu.memory_space<vmem_shared>> -> memref<80x128xf32, #tpu.memory_space<vmem_shared>>
        %dma_wait3A_233 = arith.constant 0 : i32
        %dma_wait3A_234 = tpu.memref_slice %arg9[%mul3A_213, %dma_wait3A_233] : memref<10000x128xf32, #tpu.memory_space<vmem_shared>> -> memref<80x128xf32, #tpu.memory_space<vmem_shared>>
        %dma_wait3A_235 = arith.constant 0 : i32
        %dma_wait3A_236 = arith.constant 0 : i32
        %dma_wait3A_237 = tpu.memref_slice %arg8[%run_scoped3A, %dma_wait3A_235, %dma_wait3A_236] : memref<2x128x128xf32, #tpu.memory_space<vmem>> -> memref<1x80x128xf32, #tpu.memory_space<vmem>>
        %dma_wait3A_238 = tpu.memref_squeeze %dma_wait3A_237 : memref<1x80x128xf32, #tpu.memory_space<vmem>> -> memref<80x128xf32, #tpu.memory_space<vmem>>
        tpu.wait_dma2 semaphore(%run_scoped3A_214 : memref<!tpu.dma_semaphore, #tpu.memory_space<semaphore_mem>>) src(%dma_wait3A_238 : memref<80x128xf32, #tpu.memory_space<vmem>>) dst(%dma_wait3A_234 : memref<80x128xf32, #tpu.memory_space<vmem_shared>>)
        tpu.yield
      }) : () -> ()
    } else {
    }
    %add3A_10 = arith.constant 16 : i32
    %add3A_11 = arith.addi %add3A_10, %arg1 : i32
    %lt3A_12 = arith.constant 125 : i32
    %lt3A_13 = arith.cmpi slt, %add3A_11, %lt3A_12 : i32
    %convert_element_type3A_14 = arith.extui %lt3A_13 : i1 to i32
    %cond3A_15 = arith.constant 0 : i32
    %cond3A_16 = arith.cmpi ne, %convert_element_type3A_14, %cond3A_15 : i32
    scf.if %cond3A_16 {
      %mul3A_212 = arith.constant 80 : i32
      %mul3A_213 = arith.muli %add3A_11, %mul3A_212 : i32
      %run_scoped3A = arith.constant 0 : i32
      "tpu.region"() ({
        %run_scoped3A_214 = tpu.sem_alloc : memref<!tpu.dma_semaphore, #tpu.memory_space<semaphore_mem>>
        %dma_start3A_215 = arith.constant 0 : i32
        %dma_start3A_216 = arith.constant 0 : i32
        %dma_start3A_217 = tpu.memref_slice %arg8[%run_scoped3A, %dma_start3A_215, %dma_start3A_216] : memref<2x128x128xf32, #tpu.memory_space<vmem>> -> memref<1x80x128xf32, #tpu.memory_space<vmem>>
        %dma_start3A_218 = tpu.memref_squeeze %dma_start3A_217 : memref<1x80x128xf32, #tpu.memory_space<vmem>> -> memref<80x128xf32, #tpu.memory_space<vmem>>
        %dma_start3A_219 = arith.constant 0 : i32
        %dma_start3A_220 = tpu.memref_slice %arg9[%mul3A_213, %dma_start3A_219] : memref<10000x128xf32, #tpu.memory_space<vmem_shared>> -> memref<80x128xf32, #tpu.memory_space<vmem_shared>>
        %dma_start3A_221 = arith.constant 0 : i32
        %dma_start3A_222 = tpu.memref_slice %arg9[%mul3A_213, %dma_start3A_221] : memref<10000x128xf32, #tpu.memory_space<vmem_shared>> -> memref<80x128xf32, #tpu.memory_space<vmem_shared>>
        %dma_start3A_223 = arith.constant 0 : i32
        %dma_start3A_224 = arith.constant 0 : i32
        %dma_start3A_225 = tpu.memref_slice %arg8[%run_scoped3A, %dma_start3A_223, %dma_start3A_224] : memref<2x128x128xf32, #tpu.memory_space<vmem>> -> memref<1x80x128xf32, #tpu.memory_space<vmem>>
        %dma_start3A_226 = tpu.memref_squeeze %dma_start3A_225 : memref<1x80x128xf32, #tpu.memory_space<vmem>> -> memref<80x128xf32, #tpu.memory_space<vmem>>
        tpu.enqueue_dma source(%dma_start3A_226 : memref<80x128xf32, #tpu.memory_space<vmem>>) target(%dma_start3A_222 : memref<80x128xf32, #tpu.memory_space<vmem_shared>>) target_semaphore(%run_scoped3A_214 : memref<!tpu.dma_semaphore, #tpu.memory_space<semaphore_mem>>)
        %dma_wait3A_227 = arith.constant 0 : i32
        %dma_wait3A_228 = arith.constant 0 : i32
        %dma_wait3A_229 = tpu.memref_slice %arg8[%run_scoped3A, %dma_wait3A_227, %dma_wait3A_228] : memref<2x128x128xf32, #tpu.memory_space<vmem>> -> memref<1x80x128xf32, #tpu.memory_space<vmem>>
        %dma_wait3A_230 = tpu.memref_squeeze %dma_wait3A_229 : memref<1x80x128xf32, #tpu.memory_space<vmem>> -> memref<80x128xf32, #tpu.memory_space<vmem>>
        %dma_wait3A_231 = arith.constant 0 : i32
        %dma_wait3A_232 = tpu.memref_slice %arg9[%mul3A_213, %dma_wait3A_231] : memref<10000x128xf32, #tpu.memory_space<vmem_shared>> -> memref<80x128xf32, #tpu.memory_space<vmem_shared>>
        %dma_wait3A_233 = arith.constant 0 : i32
        %dma_wait3A_234 = tpu.memref_slice %arg9[%mul3A_213, %dma_wait3A_233] : memref<10000x128xf32, #tpu.memory_space<vmem_shared>> -> memref<80x128xf32, #tpu.memory_space<vmem_shared>>
        %dma_wait3A_235 = arith.constant 0 : i32
        %dma_wait3A_236 = arith.constant 0 : i32
        %dma_wait3A_237 = tpu.memref_slice %arg8[%run_scoped3A, %dma_wait3A_235, %dma_wait3A_236] : memref<2x128x128xf32, #tpu.memory_space<vmem>> -> memref<1x80x128xf32, #tpu.memory_space<vmem>>
        %dma_wait3A_238 = tpu.memref_squeeze %dma_wait3A_237 : memref<1x80x128xf32, #tpu.memory_space<vmem>> -> memref<80x128xf32, #tpu.memory_space<vmem>>
        tpu.wait_dma2 semaphore(%run_scoped3A_214 : memref<!tpu.dma_semaphore, #tpu.memory_space<semaphore_mem>>) src(%dma_wait3A_238 : memref<80x128xf32, #tpu.memory_space<vmem>>) dst(%dma_wait3A_234 : memref<80x128xf32, #tpu.memory_space<vmem_shared>>)
        tpu.yield
      }) : () -> ()
    } else {
    }
    %add3A_17 = arith.constant 32 : i32
    %add3A_18 = arith.addi %add3A_17, %arg1 : i32
    %lt3A_19 = arith.constant 125 : i32
    %lt3A_20 = arith.cmpi slt, %add3A_18, %lt3A_19 : i32
    %convert_element_type3A_21 = arith.extui %lt3A_20 : i1 to i32
    %cond3A_22 = arith.constant 0 : i32
    %cond3A_23 = arith.cmpi ne, %convert_element_type3A_21, %cond3A_22 : i32
    scf.if %cond3A_23 {
      %mul3A_212 = arith.constant 80 : i32
      %mul3A_213 = arith.muli %add3A_18, %mul3A_212 : i32
      %run_scoped3A = arith.constant 0 : i32
      "tpu.region"() ({
        %run_scoped3A_214 = tpu.sem_alloc : memref<!tpu.dma_semaphore, #tpu.memory_space<semaphore_mem>>
        %dma_start3A_215 = arith.constant 0 : i32
        %dma_start3A_216 = arith.constant 0 : i32
        %dma_start3A_217 = tpu.memref_slice %arg8[%run_scoped3A, %dma_start3A_215, %dma_start3A_216] : memref<2x128x128xf32, #tpu.memory_space<vmem>> -> memref<1x80x128xf32, #tpu.memory_space<vmem>>
        %dma_start3A_218 = tpu.memref_squeeze %dma_start3A_217 : memref<1x80x128xf32, #tpu.memory_space<vmem>> -> memref<80x128xf32, #tpu.memory_space<vmem>>
        %dma_start3A_219 = arith.constant 0 : i32
        %dma_start3A_220 = tpu.memref_slice %arg9[%mul3A_213, %dma_start3A_219] : memref<10000x128xf32, #tpu.memory_space<vmem_shared>> -> memref<80x128xf32, #tpu.memory_space<vmem_shared>>
        %dma_start3A_221 = arith.constant 0 : i32
        %dma_start3A_222 = tpu.memref_slice %arg9[%mul3A_213, %dma_start3A_221] : memref<10000x128xf32, #tpu.memory_space<vmem_shared>> -> memref<80x128xf32, #tpu.memory_space<vmem_shared>>
        %dma_start3A_223 = arith.constant 0 : i32
        %dma_start3A_224 = arith.constant 0 : i32
        %dma_start3A_225 = tpu.memref_slice %arg8[%run_scoped3A, %dma_start3A_223, %dma_start3A_224] : memref<2x128x128xf32, #tpu.memory_space<vmem>> -> memref<1x80x128xf32, #tpu.memory_space<vmem>>
        %dma_start3A_226 = tpu.memref_squeeze %dma_start3A_225 : memref<1x80x128xf32, #tpu.memory_space<vmem>> -> memref<80x128xf32, #tpu.memory_space<vmem>>
        tpu.enqueue_dma source(%dma_start3A_226 : memref<80x128xf32, #tpu.memory_space<vmem>>) target(%dma_start3A_222 : memref<80x128xf32, #tpu.memory_space<vmem_shared>>) target_semaphore(%run_scoped3A_214 : memref<!tpu.dma_semaphore, #tpu.memory_space<semaphore_mem>>)
        %dma_wait3A_227 = arith.constant 0 : i32
        %dma_wait3A_228 = arith.constant 0 : i32
        %dma_wait3A_229 = tpu.memref_slice %arg8[%run_scoped3A, %dma_wait3A_227, %dma_wait3A_228] : memref<2x128x128xf32, #tpu.memory_space<vmem>> -> memref<1x80x128xf32, #tpu.memory_space<vmem>>
        %dma_wait3A_230 = tpu.memref_squeeze %dma_wait3A_229 : memref<1x80x128xf32, #tpu.memory_space<vmem>> -> memref<80x128xf32, #tpu.memory_space<vmem>>
        %dma_wait3A_231 = arith.constant 0 : i32
        %dma_wait3A_232 = tpu.memref_slice %arg9[%mul3A_213, %dma_wait3A_231] : memref<10000x128xf32, #tpu.memory_space<vmem_shared>> -> memref<80x128xf32, #tpu.memory_space<vmem_shared>>
        %dma_wait3A_233 = arith.constant 0 : i32
        %dma_wait3A_234 = tpu.memref_slice %arg9[%mul3A_213, %dma_wait3A_233] : memref<10000x128xf32, #tpu.memory_space<vmem_shared>> -> memref<80x128xf32, #tpu.memory_space<vmem_shared>>
        %dma_wait3A_235 = arith.constant 0 : i32
        %dma_wait3A_236 = arith.constant 0 : i32
        %dma_wait3A_237 = tpu.memref_slice %arg8[%run_scoped3A, %dma_wait3A_235, %dma_wait3A_236] : memref<2x128x128xf32, #tpu.memory_space<vmem>> -> memref<1x80x128xf32, #tpu.memory_space<vmem>>
        %dma_wait3A_238 = tpu.memref_squeeze %dma_wait3A_237 : memref<1x80x128xf32, #tpu.memory_space<vmem>> -> memref<80x128xf32, #tpu.memory_space<vmem>>
        tpu.wait_dma2 semaphore(%run_scoped3A_214 : memref<!tpu.dma_semaphore, #tpu.memory_space<semaphore_mem>>) src(%dma_wait3A_238 : memref<80x128xf32, #tpu.memory_space<vmem>>) dst(%dma_wait3A_234 : memref<80x128xf32, #tpu.memory_space<vmem_shared>>)
        tpu.yield
      }) : () -> ()
    } else {
    }
    %add3A_24 = arith.constant 48 : i32
    %add3A_25 = arith.addi %add3A_24, %arg1 : i32
    %lt3A_26 = arith.constant 125 : i32
    %lt3A_27 = arith.cmpi slt, %add3A_25, %lt3A_26 : i32
    %convert_element_type3A_28 = arith.extui %lt3A_27 : i1 to i32
    %cond3A_29 = arith.constant 0 : i32
    %cond3A_30 = arith.cmpi ne, %convert_element_type3A_28, %cond3A_29 : i32
    scf.if %cond3A_30 {
      %mul3A_212 = arith.constant 80 : i32
      %mul3A_213 = arith.muli %add3A_25, %mul3A_212 : i32
      %run_scoped3A = arith.constant 0 : i32
      "tpu.region"() ({
        %run_scoped3A_214 = tpu.sem_alloc : memref<!tpu.dma_semaphore, #tpu.memory_space<semaphore_mem>>
        %dma_start3A_215 = arith.constant 0 : i32
        %dma_start3A_216 = arith.constant 0 : i32
        %dma_start3A_217 = tpu.memref_slice %arg8[%run_scoped3A, %dma_start3A_215, %dma_start3A_216] : memref<2x128x128xf32, #tpu.memory_space<vmem>> -> memref<1x80x128xf32, #tpu.memory_space<vmem>>
        %dma_start3A_218 = tpu.memref_squeeze %dma_start3A_217 : memref<1x80x128xf32, #tpu.memory_space<vmem>> -> memref<80x128xf32, #tpu.memory_space<vmem>>
        %dma_start3A_219 = arith.constant 0 : i32
        %dma_start3A_220 = tpu.memref_slice %arg9[%mul3A_213, %dma_start3A_219] : memref<10000x128xf32, #tpu.memory_space<vmem_shared>> -> memref<80x128xf32, #tpu.memory_space<vmem_shared>>
        %dma_start3A_221 = arith.constant 0 : i32
        %dma_start3A_222 = tpu.memref_slice %arg9[%mul3A_213, %dma_start3A_221] : memref<10000x128xf32, #tpu.memory_space<vmem_shared>> -> memref<80x128xf32, #tpu.memory_space<vmem_shared>>
        %dma_start3A_223 = arith.constant 0 : i32
        %dma_start3A_224 = arith.constant 0 : i32
        %dma_start3A_225 = tpu.memref_slice %arg8[%run_scoped3A, %dma_start3A_223, %dma_start3A_224] : memref<2x128x128xf32, #tpu.memory_space<vmem>> -> memref<1x80x128xf32, #tpu.memory_space<vmem>>
        %dma_start3A_226 = tpu.memref_squeeze %dma_start3A_225 : memref<1x80x128xf32, #tpu.memory_space<vmem>> -> memref<80x128xf32, #tpu.memory_space<vmem>>
        tpu.enqueue_dma source(%dma_start3A_226 : memref<80x128xf32, #tpu.memory_space<vmem>>) target(%dma_start3A_222 : memref<80x128xf32, #tpu.memory_space<vmem_shared>>) target_semaphore(%run_scoped3A_214 : memref<!tpu.dma_semaphore, #tpu.memory_space<semaphore_mem>>)
        %dma_wait3A_227 = arith.constant 0 : i32
        %dma_wait3A_228 = arith.constant 0 : i32
        %dma_wait3A_229 = tpu.memref_slice %arg8[%run_scoped3A, %dma_wait3A_227, %dma_wait3A_228] : memref<2x128x128xf32, #tpu.memory_space<vmem>> -> memref<1x80x128xf32, #tpu.memory_space<vmem>>
        %dma_wait3A_230 = tpu.memref_squeeze %dma_wait3A_229 : memref<1x80x128xf32, #tpu.memory_space<vmem>> -> memref<80x128xf32, #tpu.memory_space<vmem>>
        %dma_wait3A_231 = arith.constant 0 : i32
        %dma_wait3A_232 = tpu.memref_slice %arg9[%mul3A_213, %dma_wait3A_231] : memref<10000x128xf32, #tpu.memory_space<vmem_shared>> -> memref<80x128xf32, #tpu.memory_space<vmem_shared>>
        %dma_wait3A_233 = arith.constant 0 : i32
        %dma_wait3A_234 = tpu.memref_slice %arg9[%mul3A_213, %dma_wait3A_233] : memref<10000x128xf32, #tpu.memory_space<vmem_shared>> -> memref<80x128xf32, #tpu.memory_space<vmem_shared>>
        %dma_wait3A_235 = arith.constant 0 : i32
        %dma_wait3A_236 = arith.constant 0 : i32
        %dma_wait3A_237 = tpu.memref_slice %arg8[%run_scoped3A, %dma_wait3A_235, %dma_wait3A_236] : memref<2x128x128xf32, #tpu.memory_space<vmem>> -> memref<1x80x128xf32, #tpu.memory_space<vmem>>
        %dma_wait3A_238 = tpu.memref_squeeze %dma_wait3A_237 : memref<1x80x128xf32, #tpu.memory_space<vmem>> -> memref<80x128xf32, #tpu.memory_space<vmem>>
        tpu.wait_dma2 semaphore(%run_scoped3A_214 : memref<!tpu.dma_semaphore, #tpu.memory_space<semaphore_mem>>) src(%dma_wait3A_238 : memref<80x128xf32, #tpu.memory_space<vmem>>) dst(%dma_wait3A_234 : memref<80x128xf32, #tpu.memory_space<vmem_shared>>)
        tpu.yield
      }) : () -> ()
    } else {
    }
    %add3A_31 = arith.constant 64 : i32
    %add3A_32 = arith.addi %add3A_31, %arg1 : i32
    %lt3A_33 = arith.constant 125 : i32
    %lt3A_34 = arith.cmpi slt, %add3A_32, %lt3A_33 : i32
    %convert_element_type3A_35 = arith.extui %lt3A_34 : i1 to i32
    %cond3A_36 = arith.constant 0 : i32
    %cond3A_37 = arith.cmpi ne, %convert_element_type3A_35, %cond3A_36 : i32
    scf.if %cond3A_37 {
      %mul3A_212 = arith.constant 80 : i32
      %mul3A_213 = arith.muli %add3A_32, %mul3A_212 : i32
      %run_scoped3A = arith.constant 0 : i32
      "tpu.region"() ({
        %run_scoped3A_214 = tpu.sem_alloc : memref<!tpu.dma_semaphore, #tpu.memory_space<semaphore_mem>>
        %dma_start3A_215 = arith.constant 0 : i32
        %dma_start3A_216 = arith.constant 0 : i32
        %dma_start3A_217 = tpu.memref_slice %arg8[%run_scoped3A, %dma_start3A_215, %dma_start3A_216] : memref<2x128x128xf32, #tpu.memory_space<vmem>> -> memref<1x80x128xf32, #tpu.memory_space<vmem>>
        %dma_start3A_218 = tpu.memref_squeeze %dma_start3A_217 : memref<1x80x128xf32, #tpu.memory_space<vmem>> -> memref<80x128xf32, #tpu.memory_space<vmem>>
        %dma_start3A_219 = arith.constant 0 : i32
        %dma_start3A_220 = tpu.memref_slice %arg9[%mul3A_213, %dma_start3A_219] : memref<10000x128xf32, #tpu.memory_space<vmem_shared>> -> memref<80x128xf32, #tpu.memory_space<vmem_shared>>
        %dma_start3A_221 = arith.constant 0 : i32
        %dma_start3A_222 = tpu.memref_slice %arg9[%mul3A_213, %dma_start3A_221] : memref<10000x128xf32, #tpu.memory_space<vmem_shared>> -> memref<80x128xf32, #tpu.memory_space<vmem_shared>>
        %dma_start3A_223 = arith.constant 0 : i32
        %dma_start3A_224 = arith.constant 0 : i32
        %dma_start3A_225 = tpu.memref_slice %arg8[%run_scoped3A, %dma_start3A_223, %dma_start3A_224] : memref<2x128x128xf32, #tpu.memory_space<vmem>> -> memref<1x80x128xf32, #tpu.memory_space<vmem>>
        %dma_start3A_226 = tpu.memref_squeeze %dma_start3A_225 : memref<1x80x128xf32, #tpu.memory_space<vmem>> -> memref<80x128xf32, #tpu.memory_space<vmem>>
        tpu.enqueue_dma source(%dma_start3A_226 : memref<80x128xf32, #tpu.memory_space<vmem>>) target(%dma_start3A_222 : memref<80x128xf32, #tpu.memory_space<vmem_shared>>) target_semaphore(%run_scoped3A_214 : memref<!tpu.dma_semaphore, #tpu.memory_space<semaphore_mem>>)
        %dma_wait3A_227 = arith.constant 0 : i32
        %dma_wait3A_228 = arith.constant 0 : i32
        %dma_wait3A_229 = tpu.memref_slice %arg8[%run_scoped3A, %dma_wait3A_227, %dma_wait3A_228] : memref<2x128x128xf32, #tpu.memory_space<vmem>> -> memref<1x80x128xf32, #tpu.memory_space<vmem>>
        %dma_wait3A_230 = tpu.memref_squeeze %dma_wait3A_229 : memref<1x80x128xf32, #tpu.memory_space<vmem>> -> memref<80x128xf32, #tpu.memory_space<vmem>>
        %dma_wait3A_231 = arith.constant 0 : i32
        %dma_wait3A_232 = tpu.memref_slice %arg9[%mul3A_213, %dma_wait3A_231] : memref<10000x128xf32, #tpu.memory_space<vmem_shared>> -> memref<80x128xf32, #tpu.memory_space<vmem_shared>>
        %dma_wait3A_233 = arith.constant 0 : i32
        %dma_wait3A_234 = tpu.memref_slice %arg9[%mul3A_213, %dma_wait3A_233] : memref<10000x128xf32, #tpu.memory_space<vmem_shared>> -> memref<80x128xf32, #tpu.memory_space<vmem_shared>>
        %dma_wait3A_235 = arith.constant 0 : i32
        %dma_wait3A_236 = arith.constant 0 : i32
        %dma_wait3A_237 = tpu.memref_slice %arg8[%run_scoped3A, %dma_wait3A_235, %dma_wait3A_236] : memref<2x128x128xf32, #tpu.memory_space<vmem>> -> memref<1x80x128xf32, #tpu.memory_space<vmem>>
        %dma_wait3A_238 = tpu.memref_squeeze %dma_wait3A_237 : memref<1x80x128xf32, #tpu.memory_space<vmem>> -> memref<80x128xf32, #tpu.memory_space<vmem>>
        tpu.wait_dma2 semaphore(%run_scoped3A_214 : memref<!tpu.dma_semaphore, #tpu.memory_space<semaphore_mem>>) src(%dma_wait3A_238 : memref<80x128xf32, #tpu.memory_space<vmem>>) dst(%dma_wait3A_234 : memref<80x128xf32, #tpu.memory_space<vmem_shared>>)
        tpu.yield
      }) : () -> ()
    } else {
    }
    %add3A_38 = arith.constant 80 : i32
    %add3A_39 = arith.addi %add3A_38, %arg1 : i32
    %lt3A_40 = arith.constant 125 : i32
    %lt3A_41 = arith.cmpi slt, %add3A_39, %lt3A_40 : i32
    %convert_element_type3A_42 = arith.extui %lt3A_41 : i1 to i32
    %cond3A_43 = arith.constant 0 : i32
    %cond3A_44 = arith.cmpi ne, %convert_element_type3A_42, %cond3A_43 : i32
    scf.if %cond3A_44 {
      %mul3A_212 = arith.constant 80 : i32
      %mul3A_213 = arith.muli %add3A_39, %mul3A_212 : i32
      %run_scoped3A = arith.constant 0 : i32
      "tpu.region"() ({
        %run_scoped3A_214 = tpu.sem_alloc : memref<!tpu.dma_semaphore, #tpu.memory_space<semaphore_mem>>
        %dma_start3A_215 = arith.constant 0 : i32
        %dma_start3A_216 = arith.constant 0 : i32
        %dma_start3A_217 = tpu.memref_slice %arg8[%run_scoped3A, %dma_start3A_215, %dma_start3A_216] : memref<2x128x128xf32, #tpu.memory_space<vmem>> -> memref<1x80x128xf32, #tpu.memory_space<vmem>>
        %dma_start3A_218 = tpu.memref_squeeze %dma_start3A_217 : memref<1x80x128xf32, #tpu.memory_space<vmem>> -> memref<80x128xf32, #tpu.memory_space<vmem>>
        %dma_start3A_219 = arith.constant 0 : i32
        %dma_start3A_220 = tpu.memref_slice %arg9[%mul3A_213, %dma_start3A_219] : memref<10000x128xf32, #tpu.memory_space<vmem_shared>> -> memref<80x128xf32, #tpu.memory_space<vmem_shared>>
        %dma_start3A_221 = arith.constant 0 : i32
        %dma_start3A_222 = tpu.memref_slice %arg9[%mul3A_213, %dma_start3A_221] : memref<10000x128xf32, #tpu.memory_space<vmem_shared>> -> memref<80x128xf32, #tpu.memory_space<vmem_shared>>
        %dma_start3A_223 = arith.constant 0 : i32
        %dma_start3A_224 = arith.constant 0 : i32
        %dma_start3A_225 = tpu.memref_slice %arg8[%run_scoped3A, %dma_start3A_223, %dma_start3A_224] : memref<2x128x128xf32, #tpu.memory_space<vmem>> -> memref<1x80x128xf32, #tpu.memory_space<vmem>>
        %dma_start3A_226 = tpu.memref_squeeze %dma_start3A_225 : memref<1x80x128xf32, #tpu.memory_space<vmem>> -> memref<80x128xf32, #tpu.memory_space<vmem>>
        tpu.enqueue_dma source(%dma_start3A_226 : memref<80x128xf32, #tpu.memory_space<vmem>>) target(%dma_start3A_222 : memref<80x128xf32, #tpu.memory_space<vmem_shared>>) target_semaphore(%run_scoped3A_214 : memref<!tpu.dma_semaphore, #tpu.memory_space<semaphore_mem>>)
        %dma_wait3A_227 = arith.constant 0 : i32
        %dma_wait3A_228 = arith.constant 0 : i32
        %dma_wait3A_229 = tpu.memref_slice %arg8[%run_scoped3A, %dma_wait3A_227, %dma_wait3A_228] : memref<2x128x128xf32, #tpu.memory_space<vmem>> -> memref<1x80x128xf32, #tpu.memory_space<vmem>>
        %dma_wait3A_230 = tpu.memref_squeeze %dma_wait3A_229 : memref<1x80x128xf32, #tpu.memory_space<vmem>> -> memref<80x128xf32, #tpu.memory_space<vmem>>
        %dma_wait3A_231 = arith.constant 0 : i32
        %dma_wait3A_232 = tpu.memref_slice %arg9[%mul3A_213, %dma_wait3A_231] : memref<10000x128xf32, #tpu.memory_space<vmem_shared>> -> memref<80x128xf32, #tpu.memory_space<vmem_shared>>
        %dma_wait3A_233 = arith.constant 0 : i32
        %dma_wait3A_234 = tpu.memref_slice %arg9[%mul3A_213, %dma_wait3A_233] : memref<10000x128xf32, #tpu.memory_space<vmem_shared>> -> memref<80x128xf32, #tpu.memory_space<vmem_shared>>
        %dma_wait3A_235 = arith.constant 0 : i32
        %dma_wait3A_236 = arith.constant 0 : i32
        %dma_wait3A_237 = tpu.memref_slice %arg8[%run_scoped3A, %dma_wait3A_235, %dma_wait3A_236] : memref<2x128x128xf32, #tpu.memory_space<vmem>> -> memref<1x80x128xf32, #tpu.memory_space<vmem>>
        %dma_wait3A_238 = tpu.memref_squeeze %dma_wait3A_237 : memref<1x80x128xf32, #tpu.memory_space<vmem>> -> memref<80x128xf32, #tpu.memory_space<vmem>>
        tpu.wait_dma2 semaphore(%run_scoped3A_214 : memref<!tpu.dma_semaphore, #tpu.memory_space<semaphore_mem>>) src(%dma_wait3A_238 : memref<80x128xf32, #tpu.memory_space<vmem>>) dst(%dma_wait3A_234 : memref<80x128xf32, #tpu.memory_space<vmem_shared>>)
        tpu.yield
      }) : () -> ()
    } else {
    }
    %add3A_45 = arith.constant 96 : i32
    %add3A_46 = arith.addi %add3A_45, %arg1 : i32
    %lt3A_47 = arith.constant 125 : i32
    %lt3A_48 = arith.cmpi slt, %add3A_46, %lt3A_47 : i32
    %convert_element_type3A_49 = arith.extui %lt3A_48 : i1 to i32
    %cond3A_50 = arith.constant 0 : i32
    %cond3A_51 = arith.cmpi ne, %convert_element_type3A_49, %cond3A_50 : i32
    scf.if %cond3A_51 {
      %mul3A_212 = arith.constant 80 : i32
      %mul3A_213 = arith.muli %add3A_46, %mul3A_212 : i32
      %run_scoped3A = arith.constant 0 : i32
      "tpu.region"() ({
        %run_scoped3A_214 = tpu.sem_alloc : memref<!tpu.dma_semaphore, #tpu.memory_space<semaphore_mem>>
        %dma_start3A_215 = arith.constant 0 : i32
        %dma_start3A_216 = arith.constant 0 : i32
        %dma_start3A_217 = tpu.memref_slice %arg8[%run_scoped3A, %dma_start3A_215, %dma_start3A_216] : memref<2x128x128xf32, #tpu.memory_space<vmem>> -> memref<1x80x128xf32, #tpu.memory_space<vmem>>
        %dma_start3A_218 = tpu.memref_squeeze %dma_start3A_217 : memref<1x80x128xf32, #tpu.memory_space<vmem>> -> memref<80x128xf32, #tpu.memory_space<vmem>>
        %dma_start3A_219 = arith.constant 0 : i32
        %dma_start3A_220 = tpu.memref_slice %arg9[%mul3A_213, %dma_start3A_219] : memref<10000x128xf32, #tpu.memory_space<vmem_shared>> -> memref<80x128xf32, #tpu.memory_space<vmem_shared>>
        %dma_start3A_221 = arith.constant 0 : i32
        %dma_start3A_222 = tpu.memref_slice %arg9[%mul3A_213, %dma_start3A_221] : memref<10000x128xf32, #tpu.memory_space<vmem_shared>> -> memref<80x128xf32, #tpu.memory_space<vmem_shared>>
        %dma_start3A_223 = arith.constant 0 : i32
        %dma_start3A_224 = arith.constant 0 : i32
        %dma_start3A_225 = tpu.memref_slice %arg8[%run_scoped3A, %dma_start3A_223, %dma_start3A_224] : memref<2x128x128xf32, #tpu.memory_space<vmem>> -> memref<1x80x128xf32, #tpu.memory_space<vmem>>
        %dma_start3A_226 = tpu.memref_squeeze %dma_start3A_225 : memref<1x80x128xf32, #tpu.memory_space<vmem>> -> memref<80x128xf32, #tpu.memory_space<vmem>>
        tpu.enqueue_dma source(%dma_start3A_226 : memref<80x128xf32, #tpu.memory_space<vmem>>) target(%dma_start3A_222 : memref<80x128xf32, #tpu.memory_space<vmem_shared>>) target_semaphore(%run_scoped3A_214 : memref<!tpu.dma_semaphore, #tpu.memory_space<semaphore_mem>>)
        %dma_wait3A_227 = arith.constant 0 : i32
        %dma_wait3A_228 = arith.constant 0 : i32
        %dma_wait3A_229 = tpu.memref_slice %arg8[%run_scoped3A, %dma_wait3A_227, %dma_wait3A_228] : memref<2x128x128xf32, #tpu.memory_space<vmem>> -> memref<1x80x128xf32, #tpu.memory_space<vmem>>
        %dma_wait3A_230 = tpu.memref_squeeze %dma_wait3A_229 : memref<1x80x128xf32, #tpu.memory_space<vmem>> -> memref<80x128xf32, #tpu.memory_space<vmem>>
        %dma_wait3A_231 = arith.constant 0 : i32
        %dma_wait3A_232 = tpu.memref_slice %arg9[%mul3A_213, %dma_wait3A_231] : memref<10000x128xf32, #tpu.memory_space<vmem_shared>> -> memref<80x128xf32, #tpu.memory_space<vmem_shared>>
        %dma_wait3A_233 = arith.constant 0 : i32
        %dma_wait3A_234 = tpu.memref_slice %arg9[%mul3A_213, %dma_wait3A_233] : memref<10000x128xf32, #tpu.memory_space<vmem_shared>> -> memref<80x128xf32, #tpu.memory_space<vmem_shared>>
        %dma_wait3A_235 = arith.constant 0 : i32
        %dma_wait3A_236 = arith.constant 0 : i32
        %dma_wait3A_237 = tpu.memref_slice %arg8[%run_scoped3A, %dma_wait3A_235, %dma_wait3A_236] : memref<2x128x128xf32, #tpu.memory_space<vmem>> -> memref<1x80x128xf32, #tpu.memory_space<vmem>>
        %dma_wait3A_238 = tpu.memref_squeeze %dma_wait3A_237 : memref<1x80x128xf32, #tpu.memory_space<vmem>> -> memref<80x128xf32, #tpu.memory_space<vmem>>
        tpu.wait_dma2 semaphore(%run_scoped3A_214 : memref<!tpu.dma_semaphore, #tpu.memory_space<semaphore_mem>>) src(%dma_wait3A_238 : memref<80x128xf32, #tpu.memory_space<vmem>>) dst(%dma_wait3A_234 : memref<80x128xf32, #tpu.memory_space<vmem_shared>>)
        tpu.yield
      }) : () -> ()
    } else {
    }
    %add3A_52 = arith.constant 112 : i32
    %add3A_53 = arith.addi %add3A_52, %arg1 : i32
    %lt3A_54 = arith.constant 125 : i32
    %lt3A_55 = arith.cmpi slt, %add3A_53, %lt3A_54 : i32
    %convert_element_type3A_56 = arith.extui %lt3A_55 : i1 to i32
    %cond3A_57 = arith.constant 0 : i32
    %cond3A_58 = arith.cmpi ne, %convert_element_type3A_56, %cond3A_57 : i32
    scf.if %cond3A_58 {
      %mul3A_212 = arith.constant 80 : i32
      %mul3A_213 = arith.muli %add3A_53, %mul3A_212 : i32
      %run_scoped3A = arith.constant 0 : i32
      "tpu.region"() ({
        %run_scoped3A_214 = tpu.sem_alloc : memref<!tpu.dma_semaphore, #tpu.memory_space<semaphore_mem>>
        %dma_start3A_215 = arith.constant 0 : i32
        %dma_start3A_216 = arith.constant 0 : i32
        %dma_start3A_217 = tpu.memref_slice %arg8[%run_scoped3A, %dma_start3A_215, %dma_start3A_216] : memref<2x128x128xf32, #tpu.memory_space<vmem>> -> memref<1x80x128xf32, #tpu.memory_space<vmem>>
        %dma_start3A_218 = tpu.memref_squeeze %dma_start3A_217 : memref<1x80x128xf32, #tpu.memory_space<vmem>> -> memref<80x128xf32, #tpu.memory_space<vmem>>
        %dma_start3A_219 = arith.constant 0 : i32
        %dma_start3A_220 = tpu.memref_slice %arg9[%mul3A_213, %dma_start3A_219] : memref<10000x128xf32, #tpu.memory_space<vmem_shared>> -> memref<80x128xf32, #tpu.memory_space<vmem_shared>>
        %dma_start3A_221 = arith.constant 0 : i32
        %dma_start3A_222 = tpu.memref_slice %arg9[%mul3A_213, %dma_start3A_221] : memref<10000x128xf32, #tpu.memory_space<vmem_shared>> -> memref<80x128xf32, #tpu.memory_space<vmem_shared>>
        %dma_start3A_223 = arith.constant 0 : i32
        %dma_start3A_224 = arith.constant 0 : i32
        %dma_start3A_225 = tpu.memref_slice %arg8[%run_scoped3A, %dma_start3A_223, %dma_start3A_224] : memref<2x128x128xf32, #tpu.memory_space<vmem>> -> memref<1x80x128xf32, #tpu.memory_space<vmem>>
        %dma_start3A_226 = tpu.memref_squeeze %dma_start3A_225 : memref<1x80x128xf32, #tpu.memory_space<vmem>> -> memref<80x128xf32, #tpu.memory_space<vmem>>
        tpu.enqueue_dma source(%dma_start3A_226 : memref<80x128xf32, #tpu.memory_space<vmem>>) target(%dma_start3A_222 : memref<80x128xf32, #tpu.memory_space<vmem_shared>>) target_semaphore(%run_scoped3A_214 : memref<!tpu.dma_semaphore, #tpu.memory_space<semaphore_mem>>)
        %dma_wait3A_227 = arith.constant 0 : i32
        %dma_wait3A_228 = arith.constant 0 : i32
        %dma_wait3A_229 = tpu.memref_slice %arg8[%run_scoped3A, %dma_wait3A_227, %dma_wait3A_228] : memref<2x128x128xf32, #tpu.memory_space<vmem>> -> memref<1x80x128xf32, #tpu.memory_space<vmem>>
        %dma_wait3A_230 = tpu.memref_squeeze %dma_wait3A_229 : memref<1x80x128xf32, #tpu.memory_space<vmem>> -> memref<80x128xf32, #tpu.memory_space<vmem>>
        %dma_wait3A_231 = arith.constant 0 : i32
        %dma_wait3A_232 = tpu.memref_slice %arg9[%mul3A_213, %dma_wait3A_231] : memref<10000x128xf32, #tpu.memory_space<vmem_shared>> -> memref<80x128xf32, #tpu.memory_space<vmem_shared>>
        %dma_wait3A_233 = arith.constant 0 : i32
        %dma_wait3A_234 = tpu.memref_slice %arg9[%mul3A_213, %dma_wait3A_233] : memref<10000x128xf32, #tpu.memory_space<vmem_shared>> -> memref<80x128xf32, #tpu.memory_space<vmem_shared>>
        %dma_wait3A_235 = arith.constant 0 : i32
        %dma_wait3A_236 = arith.constant 0 : i32
        %dma_wait3A_237 = tpu.memref_slice %arg8[%run_scoped3A, %dma_wait3A_235, %dma_wait3A_236] : memref<2x128x128xf32, #tpu.memory_space<vmem>> -> memref<1x80x128xf32, #tpu.memory_space<vmem>>
        %dma_wait3A_238 = tpu.memref_squeeze %dma_wait3A_237 : memref<1x80x128xf32, #tpu.memory_space<vmem>> -> memref<80x128xf32, #tpu.memory_space<vmem>>
        tpu.wait_dma2 semaphore(%run_scoped3A_214 : memref<!tpu.dma_semaphore, #tpu.memory_space<semaphore_mem>>) src(%dma_wait3A_238 : memref<80x128xf32, #tpu.memory_space<vmem>>) dst(%dma_wait3A_234 : memref<80x128xf32, #tpu.memory_space<vmem_shared>>)
        tpu.yield
      }) : () -> ()
    } else {
    }
    %barrier3A = arith.constant 0 : index
    tpu.barrier barrier_id(%barrier3A)
    %add3A_59 = arith.constant 0 : i32
    %add3A_60 = arith.addi %add3A_59, %add3A : i32
    %dma_start3A = arith.constant 0 : i32
    %dma_start3A_61 = arith.constant 0 : i32
    %dma_start3A_62 = arith.constant 0 : i32
    %dma_start3A_63 = tpu.memref_slice %arg6[%dma_start3A, %dma_start3A_61, %dma_start3A_62] : memref<4x2x128xi32, #tpu.memory_space<vmem>> -> memref<1x2x128xi32, #tpu.memory_space<vmem>>
    %dma_start3A_64 = tpu.memref_squeeze %dma_start3A_63 : memref<1x2x128xi32, #tpu.memory_space<vmem>> -> memref<2x128xi32, #tpu.memory_space<vmem>>
    %dma_start3A_65 = arith.constant 0 : i32
    %dma_start3A_66 = arith.constant 0 : i32
    %dma_start3A_67 = tpu.memref_slice %arg4[%add3A_60, %dma_start3A_65, %dma_start3A_66] : memref<2500x2x128xi32, #tpu.memory_space<hbm>> -> memref<1x2x128xi32, #tpu.memory_space<hbm>>
    %dma_start3A_68 = tpu.memref_squeeze %dma_start3A_67 : memref<1x2x128xi32, #tpu.memory_space<hbm>> -> memref<2x128xi32, #tpu.memory_space<hbm>>
    %dma_start3A_69 = arith.constant 0 : i32
    %dma_start3A_70 = arith.constant 0 : i32
    %dma_start3A_71 = tpu.memref_slice %arg6[%dma_start3A, %dma_start3A_69, %dma_start3A_70] : memref<4x2x128xi32, #tpu.memory_space<vmem>> -> memref<1x2x128xi32, #tpu.memory_space<vmem>>
    %dma_start3A_72 = tpu.memref_squeeze %dma_start3A_71 : memref<1x2x128xi32, #tpu.memory_space<vmem>> -> memref<2x128xi32, #tpu.memory_space<vmem>>
    %dma_start3A_73 = arith.constant 0 : i32
    %dma_start3A_74 = arith.constant 0 : i32
    %dma_start3A_75 = tpu.memref_slice %arg4[%add3A_60, %dma_start3A_73, %dma_start3A_74] : memref<2500x2x128xi32, #tpu.memory_space<hbm>> -> memref<1x2x128xi32, #tpu.memory_space<hbm>>
    %dma_start3A_76 = tpu.memref_squeeze %dma_start3A_75 : memref<1x2x128xi32, #tpu.memory_space<hbm>> -> memref<2x128xi32, #tpu.memory_space<hbm>>
    tpu.enqueue_dma source(%dma_start3A_76 : memref<2x128xi32, #tpu.memory_space<hbm>>) target(%dma_start3A_72 : memref<2x128xi32, #tpu.memory_space<vmem>>) target_semaphore(%arg10 : memref<!tpu.dma_semaphore, #tpu.memory_space<semaphore_mem>>)
    %add3A_77 = arith.constant 32 : i32
    %add3A_78 = arith.addi %add3A_77, %add3A : i32
    %dma_start3A_79 = arith.constant 1 : i32
    %dma_start3A_80 = arith.constant 0 : i32
    %dma_start3A_81 = arith.constant 0 : i32
    %dma_start3A_82 = tpu.memref_slice %arg6[%dma_start3A_79, %dma_start3A_80, %dma_start3A_81] : memref<4x2x128xi32, #tpu.memory_space<vmem>> -> memref<1x2x128xi32, #tpu.memory_space<vmem>>
    %dma_start3A_83 = tpu.memref_squeeze %dma_start3A_82 : memref<1x2x128xi32, #tpu.memory_space<vmem>> -> memref<2x128xi32, #tpu.memory_space<vmem>>
    %dma_start3A_84 = arith.constant 0 : i32
    %dma_start3A_85 = arith.constant 0 : i32
    %dma_start3A_86 = tpu.memref_slice %arg4[%add3A_78, %dma_start3A_84, %dma_start3A_85] : memref<2500x2x128xi32, #tpu.memory_space<hbm>> -> memref<1x2x128xi32, #tpu.memory_space<hbm>>
    %dma_start3A_87 = tpu.memref_squeeze %dma_start3A_86 : memref<1x2x128xi32, #tpu.memory_space<hbm>> -> memref<2x128xi32, #tpu.memory_space<hbm>>
    %dma_start3A_88 = arith.constant 0 : i32
    %dma_start3A_89 = arith.constant 0 : i32
    %dma_start3A_90 = tpu.memref_slice %arg6[%dma_start3A_79, %dma_start3A_88, %dma_start3A_89] : memref<4x2x128xi32, #tpu.memory_space<vmem>> -> memref<1x2x128xi32, #tpu.memory_space<vmem>>
    %dma_start3A_91 = tpu.memref_squeeze %dma_start3A_90 : memref<1x2x128xi32, #tpu.memory_space<vmem>> -> memref<2x128xi32, #tpu.memory_space<vmem>>
    %dma_start3A_92 = arith.constant 0 : i32
    %dma_start3A_93 = arith.constant 0 : i32
    %dma_start3A_94 = tpu.memref_slice %arg4[%add3A_78, %dma_start3A_92, %dma_start3A_93] : memref<2500x2x128xi32, #tpu.memory_space<hbm>> -> memref<1x2x128xi32, #tpu.memory_space<hbm>>
    %dma_start3A_95 = tpu.memref_squeeze %dma_start3A_94 : memref<1x2x128xi32, #tpu.memory_space<hbm>> -> memref<2x128xi32, #tpu.memory_space<hbm>>
    tpu.enqueue_dma source(%dma_start3A_95 : memref<2x128xi32, #tpu.memory_space<hbm>>) target(%dma_start3A_91 : memref<2x128xi32, #tpu.memory_space<vmem>>) target_semaphore(%arg10 : memref<!tpu.dma_semaphore, #tpu.memory_space<semaphore_mem>>)
    %add3A_96 = arith.constant 0 : i32
    %add3A_97 = arith.addi %add3A_96, %add3A : i32
    %mul3A_98 = arith.constant 64 : i32
    %mul3A_99 = arith.muli %add3A_97, %mul3A_98 : i32
    %dma_start3A_100 = arith.constant 0 : i32
    %dma_start3A_101 = arith.constant 0 : i32
    %dma_start3A_102 = arith.constant 0 : i32
    %dma_start3A_103 = tpu.memref_slice %arg7[%dma_start3A_100, %dma_start3A_101, %dma_start3A_102] : memref<2x64x128xi32, #tpu.memory_space<vmem>> -> memref<1x64x128xi32, #tpu.memory_space<vmem>>
    %dma_start3A_104 = tpu.memref_squeeze %dma_start3A_103 : memref<1x64x128xi32, #tpu.memory_space<vmem>> -> memref<64x128xi32, #tpu.memory_space<vmem>>
    %dma_start3A_105 = arith.constant 0 : i32
    %dma_start3A_106 = tpu.memref_slice %arg3[%mul3A_99, %dma_start3A_105] : memref<160000x128xi32, #tpu.memory_space<hbm>> -> memref<64x128xi32, #tpu.memory_space<hbm>>
    %dma_start3A_107 = arith.constant 0 : i32
    %dma_start3A_108 = arith.constant 0 : i32
    %dma_start3A_109 = tpu.memref_slice %arg7[%dma_start3A_100, %dma_start3A_107, %dma_start3A_108] : memref<2x64x128xi32, #tpu.memory_space<vmem>> -> memref<1x64x128xi32, #tpu.memory_space<vmem>>
    %dma_start3A_110 = tpu.memref_squeeze %dma_start3A_109 : memref<1x64x128xi32, #tpu.memory_space<vmem>> -> memref<64x128xi32, #tpu.memory_space<vmem>>
    %dma_start3A_111 = arith.constant 0 : i32
    %dma_start3A_112 = tpu.memref_slice %arg3[%mul3A_99, %dma_start3A_111] : memref<160000x128xi32, #tpu.memory_space<hbm>> -> memref<64x128xi32, #tpu.memory_space<hbm>>
    tpu.enqueue_dma source(%dma_start3A_112 : memref<64x128xi32, #tpu.memory_space<hbm>>) target(%dma_start3A_110 : memref<64x128xi32, #tpu.memory_space<vmem>>) target_semaphore(%arg11 : memref<!tpu.dma_semaphore, #tpu.memory_space<semaphore_mem>>)
    %dma_wait3A = arith.constant 0 : i32
    %dma_wait3A_113 = arith.constant 0 : i32
    %dma_wait3A_114 = arith.constant 0 : i32
    %dma_wait3A_115 = arith.constant 0 : i32
    %dma_wait3A_116 = tpu.memref_slice %arg6[%dma_wait3A_113, %dma_wait3A_114, %dma_wait3A_115] : memref<4x2x128xi32, #tpu.memory_space<vmem>> -> memref<1x2x128xi32, #tpu.memory_space<vmem>>
    %dma_wait3A_117 = tpu.memref_squeeze %dma_wait3A_116 : memref<1x2x128xi32, #tpu.memory_space<vmem>> -> memref<2x128xi32, #tpu.memory_space<vmem>>
    %dma_wait3A_118 = arith.constant 0 : i32
    %dma_wait3A_119 = arith.constant 0 : i32
    %dma_wait3A_120 = tpu.memref_slice %arg4[%dma_wait3A, %dma_wait3A_118, %dma_wait3A_119] : memref<2500x2x128xi32, #tpu.memory_space<hbm>> -> memref<1x2x128xi32, #tpu.memory_space<hbm>>
    %dma_wait3A_121 = tpu.memref_squeeze %dma_wait3A_120 : memref<1x2x128xi32, #tpu.memory_space<hbm>> -> memref<2x128xi32, #tpu.memory_space<hbm>>
    %dma_wait3A_122 = arith.constant 0 : i32
    %dma_wait3A_123 = arith.constant 0 : i32
    %dma_wait3A_124 = tpu.memref_slice %arg6[%dma_wait3A_113, %dma_wait3A_122, %dma_wait3A_123] : memref<4x2x128xi32, #tpu.memory_space<vmem>> -> memref<1x2x128xi32, #tpu.memory_space<vmem>>
    %dma_wait3A_125 = tpu.memref_squeeze %dma_wait3A_124 : memref<1x2x128xi32, #tpu.memory_space<vmem>> -> memref<2x128xi32, #tpu.memory_space<vmem>>
    %dma_wait3A_126 = arith.constant 0 : i32
    %dma_wait3A_127 = arith.constant 0 : i32
    %dma_wait3A_128 = tpu.memref_slice %arg4[%dma_wait3A, %dma_wait3A_126, %dma_wait3A_127] : memref<2500x2x128xi32, #tpu.memory_space<hbm>> -> memref<1x2x128xi32, #tpu.memory_space<hbm>>
    %dma_wait3A_129 = tpu.memref_squeeze %dma_wait3A_128 : memref<1x2x128xi32, #tpu.memory_space<hbm>> -> memref<2x128xi32, #tpu.memory_space<hbm>>
    tpu.wait_dma2 semaphore(%arg10 : memref<!tpu.dma_semaphore, #tpu.memory_space<semaphore_mem>>) src(%dma_wait3A_129 : memref<2x128xi32, #tpu.memory_space<hbm>>) dst(%dma_wait3A_125 : memref<2x128xi32, #tpu.memory_space<vmem>>)
    %dma_start3A_130 = arith.constant 0 : i32
    %dma_start3A_131 = arith.constant 0 : i32
    %dma_start3A_132 = arith.constant 0 : i32
    %dma_start3A_133 = arith.constant 0 : i32
    %dma_start3A_134 = arith.constant 0 : i32
    %dma_start3A_135 = tpu.memref_slice %arg8[%dma_start3A_132, %dma_start3A_133, %dma_start3A_134] : memref<2x128x128xf32, #tpu.memory_space<vmem>> -> memref<1x128x128xf32, #tpu.memory_space<vmem>>
    %dma_start3A_136 = tpu.memref_squeeze %dma_start3A_135 : memref<1x128x128xf32, #tpu.memory_space<vmem>> -> memref<128x128xf32, #tpu.memory_space<vmem>>
    %dma_start3A_137 = arith.constant 0 : i32
    %dma_start3A_138 = tpu.memref_slice %arg6[%dma_start3A_130, %dma_start3A_131, %dma_start3A_137] : memref<4x2x128xi32, #tpu.memory_space<vmem>> -> memref<1x1x128xi32, #tpu.memory_space<vmem>>
    %dma_start3A_139 = tpu.memref_squeeze %dma_start3A_138 : memref<1x1x128xi32, #tpu.memory_space<vmem>> -> memref<128xi32, #tpu.memory_space<vmem>>
    %dma_start3A_140 = arith.constant 0 : i32
    %dma_start3A_141 = arith.constant 0 : i32
    %dma_start3A_142 = tpu.memref_slice %arg2[%dma_start3A_140, %dma_start3A_141] : memref<10000x128xf32, #tpu.memory_space<hbm>> -> memref<10000x128xf32, #tpu.memory_space<hbm>>
    tpu.enqueue_indirect_dma source(%dma_start3A_142 : memref<10000x128xf32, #tpu.memory_space<hbm>>) target(%dma_start3A_136 : memref<128x128xf32, #tpu.memory_space<vmem>>) offsets(%dma_start3A_139 : memref<128xi32, #tpu.memory_space<vmem>>) semaphore(%arg12 : memref<!tpu.dma_semaphore, #tpu.memory_space<semaphore_mem>>)
    %scan3A_143 = arith.constant 0 : i32
    %scan3A_144 = arith.constant 79 : i32
    %scan3A_145 = arith.addi %scan3A_143, %scan3A_144 : i32
    %scan3A_146 = arith.constant 1 : i32
    scf.for %scan3A_212 = %scan3A_143 to %scan3A_145 step %scan3A_146  : i32 {
      %mul3A_213 = arith.constant 1 : i32
      %mul3A_214 = arith.muli %scan3A_212, %mul3A_213 : i32
      %add3A_215 = arith.constant 0 : i32
      %add3A_216 = arith.addi %add3A_215, %mul3A_214 : i32
      %rem3A = arith.constant 2 : i32
      %rem3A_217 = arith.remsi %add3A_216, %rem3A : i32
      %add3A_218 = arith.constant 1 : i32
      %add3A_219 = arith.addi %add3A_216, %add3A_218 : i32
      %rem3A_220 = arith.constant 2 : i32
      %rem3A_221 = arith.remsi %add3A_219, %rem3A_220 : i32
      %rem3A_222 = arith.constant 4 : i32
      %rem3A_223 = arith.remsi %add3A_216, %rem3A_222 : i32
      %add3A_224 = arith.constant 1 : i32
      %add3A_225 = arith.addi %add3A_216, %add3A_224 : i32
      %rem3A_226 = arith.constant 4 : i32
      %rem3A_227 = arith.remsi %add3A_225, %rem3A_226 : i32
      %ge3A = arith.constant 1 : i32
      %ge3A_228 = arith.cmpi sge, %add3A_216, %ge3A : i32
      %sub3A = arith.constant 1 : i32
      %sub3A_229 = arith.subi %add3A_216, %sub3A : i32
      %mul3A_230 = arith.constant 32 : i32
      %mul3A_231 = arith.muli %sub3A_229, %mul3A_230 : i32
      %add3A_232 = arith.addi %mul3A_231, %add3A : i32
      %lt3A_233 = arith.constant 2500 : i32
      %lt3A_234 = arith.cmpi slt, %add3A_232, %lt3A_233 : i32
      %and3A = arith.andi %ge3A_228, %lt3A_234 : i1
      %convert_element_type3A_235 = arith.extui %and3A : i1 to i32
      %cond3A_236 = arith.constant 0 : i32
      %cond3A_237 = arith.cmpi ne, %convert_element_type3A_235, %cond3A_236 : i32
      scf.if %cond3A_237 {
        %add3A_276 = arith.constant 3 : i32
        %add3A_277 = arith.addi %add3A_216, %add3A_276 : i32
        %rem3A_278 = arith.constant 4 : i32
        %rem3A_279 = arith.remsi %add3A_277, %rem3A_278 : i32
        %dma_wait3A_280 = arith.constant 1 : i32
        %dma_wait3A_281 = arith.constant 0 : i32
        %dma_wait3A_282 = arith.constant 0 : i32
        %dma_wait3A_283 = tpu.memref_slice %arg8[%rem3A_221, %dma_wait3A_281, %dma_wait3A_282] : memref<2x128x128xf32, #tpu.memory_space<vmem>> -> memref<1x128x128xf32, #tpu.memory_space<vmem>>
        %dma_wait3A_284 = tpu.memref_squeeze %dma_wait3A_283 : memref<1x128x128xf32, #tpu.memory_space<vmem>> -> memref<128x128xf32, #tpu.memory_space<vmem>>
        %dma_wait3A_285 = arith.constant 0 : i32
        %dma_wait3A_286 = tpu.memref_slice %arg6[%rem3A_279, %dma_wait3A_280, %dma_wait3A_285] : memref<4x2x128xi32, #tpu.memory_space<vmem>> -> memref<1x1x128xi32, #tpu.memory_space<vmem>>
        %dma_wait3A_287 = tpu.memref_squeeze %dma_wait3A_286 : memref<1x1x128xi32, #tpu.memory_space<vmem>> -> memref<128xi32, #tpu.memory_space<vmem>>
        %dma_wait3A_288 = arith.constant 0 : i32
        %dma_wait3A_289 = arith.constant 0 : i32
        %dma_wait3A_290 = tpu.memref_slice %arg9[%dma_wait3A_288, %dma_wait3A_289] : memref<10000x128xf32, #tpu.memory_space<vmem_shared>> -> memref<10000x128xf32, #tpu.memory_space<vmem_shared>>
        tpu.wait_indirect_dma semaphore(%arg13 : memref<!tpu.dma_semaphore, #tpu.memory_space<semaphore_mem>>) src(%dma_wait3A_284 : memref<128x128xf32, #tpu.memory_space<vmem>>) dst(%dma_wait3A_290 : memref<10000x128xf32, #tpu.memory_space<vmem_shared>>)
      } else {
      }
      %add3A_238 = arith.constant 1 : i32
      %add3A_239 = arith.addi %add3A_216, %add3A_238 : i32
      %mul3A_240 = arith.constant 32 : i32
      %mul3A_241 = arith.muli %add3A_239, %mul3A_240 : i32
      %add3A_242 = arith.addi %mul3A_241, %add3A : i32
      %lt3A_243 = arith.constant 2500 : i32
      %lt3A_244 = arith.cmpi slt, %add3A_242, %lt3A_243 : i32
      %convert_element_type3A_245 = arith.extui %lt3A_244 : i1 to i32
      %cond3A_246 = arith.constant 0 : i32
      %cond3A_247 = arith.cmpi ne, %convert_element_type3A_245, %cond3A_246 : i32
      scf.if %cond3A_247 {
        %dma_wait3A_276 = arith.constant 0 : i32
        %dma_wait3A_277 = arith.constant 0 : i32
        %dma_wait3A_278 = arith.constant 0 : i32
        %dma_wait3A_279 = tpu.memref_slice %arg6[%rem3A_227, %dma_wait3A_277, %dma_wait3A_278] : memref<4x2x128xi32, #tpu.memory_space<vmem>> -> memref<1x2x128xi32, #tpu.memory_space<vmem>>
        %dma_wait3A_280 = tpu.memref_squeeze %dma_wait3A_279 : memref<1x2x128xi32, #tpu.memory_space<vmem>> -> memref<2x128xi32, #tpu.memory_space<vmem>>
        %dma_wait3A_281 = arith.constant 0 : i32
        %dma_wait3A_282 = arith.constant 0 : i32
        %dma_wait3A_283 = tpu.memref_slice %arg4[%dma_wait3A_276, %dma_wait3A_281, %dma_wait3A_282] : memref<2500x2x128xi32, #tpu.memory_space<hbm>> -> memref<1x2x128xi32, #tpu.memory_space<hbm>>
        %dma_wait3A_284 = tpu.memref_squeeze %dma_wait3A_283 : memref<1x2x128xi32, #tpu.memory_space<hbm>> -> memref<2x128xi32, #tpu.memory_space<hbm>>
        %dma_wait3A_285 = arith.constant 0 : i32
        %dma_wait3A_286 = arith.constant 0 : i32
        %dma_wait3A_287 = tpu.memref_slice %arg6[%rem3A_227, %dma_wait3A_285, %dma_wait3A_286] : memref<4x2x128xi32, #tpu.memory_space<vmem>> -> memref<1x2x128xi32, #tpu.memory_space<vmem>>
        %dma_wait3A_288 = tpu.memref_squeeze %dma_wait3A_287 : memref<1x2x128xi32, #tpu.memory_space<vmem>> -> memref<2x128xi32, #tpu.memory_space<vmem>>
        %dma_wait3A_289 = arith.constant 0 : i32
        %dma_wait3A_290 = arith.constant 0 : i32
        %dma_wait3A_291 = tpu.memref_slice %arg4[%dma_wait3A_276, %dma_wait3A_289, %dma_wait3A_290] : memref<2500x2x128xi32, #tpu.memory_space<hbm>> -> memref<1x2x128xi32, #tpu.memory_space<hbm>>
        %dma_wait3A_292 = tpu.memref_squeeze %dma_wait3A_291 : memref<1x2x128xi32, #tpu.memory_space<hbm>> -> memref<2x128xi32, #tpu.memory_space<hbm>>
        tpu.wait_dma2 semaphore(%arg10 : memref<!tpu.dma_semaphore, #tpu.memory_space<semaphore_mem>>) src(%dma_wait3A_292 : memref<2x128xi32, #tpu.memory_space<hbm>>) dst(%dma_wait3A_288 : memref<2x128xi32, #tpu.memory_space<vmem>>)
        %dma_start3A_293 = arith.constant 0 : i32
        %dma_start3A_294 = arith.constant 0 : i32
        %dma_start3A_295 = arith.constant 0 : i32
        %dma_start3A_296 = tpu.memref_slice %arg8[%rem3A_221, %dma_start3A_294, %dma_start3A_295] : memref<2x128x128xf32, #tpu.memory_space<vmem>> -> memref<1x128x128xf32, #tpu.memory_space<vmem>>
        %dma_start3A_297 = tpu.memref_squeeze %dma_start3A_296 : memref<1x128x128xf32, #tpu.memory_space<vmem>> -> memref<128x128xf32, #tpu.memory_space<vmem>>
        %dma_start3A_298 = arith.constant 0 : i32
        %dma_start3A_299 = tpu.memref_slice %arg6[%rem3A_227, %dma_start3A_293, %dma_start3A_298] : memref<4x2x128xi32, #tpu.memory_space<vmem>> -> memref<1x1x128xi32, #tpu.memory_space<vmem>>
        %dma_start3A_300 = tpu.memref_squeeze %dma_start3A_299 : memref<1x1x128xi32, #tpu.memory_space<vmem>> -> memref<128xi32, #tpu.memory_space<vmem>>
        %dma_start3A_301 = arith.constant 0 : i32
        %dma_start3A_302 = arith.constant 0 : i32
        %dma_start3A_303 = tpu.memref_slice %arg2[%dma_start3A_301, %dma_start3A_302] : memref<10000x128xf32, #tpu.memory_space<hbm>> -> memref<10000x128xf32, #tpu.memory_space<hbm>>
        tpu.enqueue_indirect_dma source(%dma_start3A_303 : memref<10000x128xf32, #tpu.memory_space<hbm>>) target(%dma_start3A_297 : memref<128x128xf32, #tpu.memory_space<vmem>>) offsets(%dma_start3A_300 : memref<128xi32, #tpu.memory_space<vmem>>) semaphore(%arg12 : memref<!tpu.dma_semaphore, #tpu.memory_space<semaphore_mem>>)
      } else {
      }
      %add3A_248 = arith.constant 2 : i32
      %add3A_249 = arith.addi %add3A_216, %add3A_248 : i32
      %mul3A_250 = arith.constant 32 : i32
      %mul3A_251 = arith.muli %add3A_249, %mul3A_250 : i32
      %add3A_252 = arith.addi %mul3A_251, %add3A : i32
      %lt3A_253 = arith.constant 2500 : i32
      %lt3A_254 = arith.cmpi slt, %add3A_252, %lt3A_253 : i32
      %convert_element_type3A_255 = arith.extui %lt3A_254 : i1 to i32
      %cond3A_256 = arith.constant 0 : i32
      %cond3A_257 = arith.cmpi ne, %convert_element_type3A_255, %cond3A_256 : i32
      scf.if %cond3A_257 {
        %add3A_276 = arith.constant 2 : i32
        %add3A_277 = arith.addi %add3A_216, %add3A_276 : i32
        %add3A_278 = arith.constant 2 : i32
        %add3A_279 = arith.addi %add3A_216, %add3A_278 : i32
        %rem3A_280 = arith.constant 4 : i32
        %rem3A_281 = arith.remsi %add3A_279, %rem3A_280 : i32
        %mul3A_282 = arith.constant 32 : i32
        %mul3A_283 = arith.muli %add3A_277, %mul3A_282 : i32
        %add3A_284 = arith.addi %mul3A_283, %add3A : i32
        %dma_start3A_285 = arith.constant 0 : i32
        %dma_start3A_286 = arith.constant 0 : i32
        %dma_start3A_287 = tpu.memref_slice %arg6[%rem3A_281, %dma_start3A_285, %dma_start3A_286] : memref<4x2x128xi32, #tpu.memory_space<vmem>> -> memref<1x2x128xi32, #tpu.memory_space<vmem>>
        %dma_start3A_288 = tpu.memref_squeeze %dma_start3A_287 : memref<1x2x128xi32, #tpu.memory_space<vmem>> -> memref<2x128xi32, #tpu.memory_space<vmem>>
        %dma_start3A_289 = arith.constant 0 : i32
        %dma_start3A_290 = arith.constant 0 : i32
        %dma_start3A_291 = tpu.memref_slice %arg4[%add3A_284, %dma_start3A_289, %dma_start3A_290] : memref<2500x2x128xi32, #tpu.memory_space<hbm>> -> memref<1x2x128xi32, #tpu.memory_space<hbm>>
        %dma_start3A_292 = tpu.memref_squeeze %dma_start3A_291 : memref<1x2x128xi32, #tpu.memory_space<hbm>> -> memref<2x128xi32, #tpu.memory_space<hbm>>
        %dma_start3A_293 = arith.constant 0 : i32
        %dma_start3A_294 = arith.constant 0 : i32
        %dma_start3A_295 = tpu.memref_slice %arg6[%rem3A_281, %dma_start3A_293, %dma_start3A_294] : memref<4x2x128xi32, #tpu.memory_space<vmem>> -> memref<1x2x128xi32, #tpu.memory_space<vmem>>
        %dma_start3A_296 = tpu.memref_squeeze %dma_start3A_295 : memref<1x2x128xi32, #tpu.memory_space<vmem>> -> memref<2x128xi32, #tpu.memory_space<vmem>>
        %dma_start3A_297 = arith.constant 0 : i32
        %dma_start3A_298 = arith.constant 0 : i32
        %dma_start3A_299 = tpu.memref_slice %arg4[%add3A_284, %dma_start3A_297, %dma_start3A_298] : memref<2500x2x128xi32, #tpu.memory_space<hbm>> -> memref<1x2x128xi32, #tpu.memory_space<hbm>>
        %dma_start3A_300 = tpu.memref_squeeze %dma_start3A_299 : memref<1x2x128xi32, #tpu.memory_space<hbm>> -> memref<2x128xi32, #tpu.memory_space<hbm>>
        tpu.enqueue_dma source(%dma_start3A_300 : memref<2x128xi32, #tpu.memory_space<hbm>>) target(%dma_start3A_296 : memref<2x128xi32, #tpu.memory_space<vmem>>) target_semaphore(%arg10 : memref<!tpu.dma_semaphore, #tpu.memory_space<semaphore_mem>>)
      } else {
      }
      %add3A_258 = arith.constant 1 : i32
      %add3A_259 = arith.addi %add3A_216, %add3A_258 : i32
      %mul3A_260 = arith.constant 32 : i32
      %mul3A_261 = arith.muli %add3A_259, %mul3A_260 : i32
      %add3A_262 = arith.addi %mul3A_261, %add3A : i32
      %lt3A_263 = arith.constant 2500 : i32
      %lt3A_264 = arith.cmpi slt, %add3A_262, %lt3A_263 : i32
      %convert_element_type3A_265 = arith.extui %lt3A_264 : i1 to i32
      %cond3A_266 = arith.constant 0 : i32
      %cond3A_267 = arith.cmpi ne, %convert_element_type3A_265, %cond3A_266 : i32
      scf.if %cond3A_267 {
        %add3A_276 = arith.constant 1 : i32
        %add3A_277 = arith.addi %add3A_216, %add3A_276 : i32
        %mul3A_278 = arith.constant 32 : i32
        %mul3A_279 = arith.muli %add3A_277, %mul3A_278 : i32
        %add3A_280 = arith.addi %mul3A_279, %add3A : i32
        %mul3A_281 = arith.constant 64 : i32
        %mul3A_282 = arith.muli %add3A_280, %mul3A_281 : i32
        %dma_start3A_283 = arith.constant 0 : i32
        %dma_start3A_284 = arith.constant 0 : i32
        %dma_start3A_285 = tpu.memref_slice %arg7[%rem3A_221, %dma_start3A_283, %dma_start3A_284] : memref<2x64x128xi32, #tpu.memory_space<vmem>> -> memref<1x64x128xi32, #tpu.memory_space<vmem>>
        %dma_start3A_286 = tpu.memref_squeeze %dma_start3A_285 : memref<1x64x128xi32, #tpu.memory_space<vmem>> -> memref<64x128xi32, #tpu.memory_space<vmem>>
        %dma_start3A_287 = arith.constant 0 : i32
        %dma_start3A_288 = tpu.memref_slice %arg3[%mul3A_282, %dma_start3A_287] : memref<160000x128xi32, #tpu.memory_space<hbm>> -> memref<64x128xi32, #tpu.memory_space<hbm>>
        %dma_start3A_289 = arith.constant 0 : i32
        %dma_start3A_290 = arith.constant 0 : i32
        %dma_start3A_291 = tpu.memref_slice %arg7[%rem3A_221, %dma_start3A_289, %dma_start3A_290] : memref<2x64x128xi32, #tpu.memory_space<vmem>> -> memref<1x64x128xi32, #tpu.memory_space<vmem>>
        %dma_start3A_292 = tpu.memref_squeeze %dma_start3A_291 : memref<1x64x128xi32, #tpu.memory_space<vmem>> -> memref<64x128xi32, #tpu.memory_space<vmem>>
        %dma_start3A_293 = arith.constant 0 : i32
        %dma_start3A_294 = tpu.memref_slice %arg3[%mul3A_282, %dma_start3A_293] : memref<160000x128xi32, #tpu.memory_space<hbm>> -> memref<64x128xi32, #tpu.memory_space<hbm>>
        tpu.enqueue_dma source(%dma_start3A_294 : memref<64x128xi32, #tpu.memory_space<hbm>>) target(%dma_start3A_292 : memref<64x128xi32, #tpu.memory_space<vmem>>) target_semaphore(%arg11 : memref<!tpu.dma_semaphore, #tpu.memory_space<semaphore_mem>>)
      } else {
      }
      %mul3A_268 = arith.constant 32 : i32
      %mul3A_269 = arith.muli %add3A_216, %mul3A_268 : i32
      %add3A_270 = arith.addi %mul3A_269, %add3A : i32
      %lt3A_271 = arith.constant 2500 : i32
      %lt3A_272 = arith.cmpi slt, %add3A_270, %lt3A_271 : i32
      %convert_element_type3A_273 = arith.extui %lt3A_272 : i1 to i32
      %cond3A_274 = arith.constant 0 : i32
      %cond3A_275 = arith.cmpi ne, %convert_element_type3A_273, %cond3A_274 : i32
      scf.if %cond3A_275 {
        %dma_wait3A_276 = arith.constant 0 : i32
        %dma_wait3A_277 = arith.constant 0 : i32
        %dma_wait3A_278 = arith.constant 0 : i32
        %dma_wait3A_279 = tpu.memref_slice %arg8[%rem3A_217, %dma_wait3A_277, %dma_wait3A_278] : memref<2x128x128xf32, #tpu.memory_space<vmem>> -> memref<1x128x128xf32, #tpu.memory_space<vmem>>
        %dma_wait3A_280 = tpu.memref_squeeze %dma_wait3A_279 : memref<1x128x128xf32, #tpu.memory_space<vmem>> -> memref<128x128xf32, #tpu.memory_space<vmem>>
        %dma_wait3A_281 = arith.constant 0 : i32
        %dma_wait3A_282 = tpu.memref_slice %arg6[%rem3A_223, %dma_wait3A_276, %dma_wait3A_281] : memref<4x2x128xi32, #tpu.memory_space<vmem>> -> memref<1x1x128xi32, #tpu.memory_space<vmem>>
        %dma_wait3A_283 = tpu.memref_squeeze %dma_wait3A_282 : memref<1x1x128xi32, #tpu.memory_space<vmem>> -> memref<128xi32, #tpu.memory_space<vmem>>
        %dma_wait3A_284 = arith.constant 0 : i32
        %dma_wait3A_285 = arith.constant 0 : i32
        %dma_wait3A_286 = tpu.memref_slice %arg2[%dma_wait3A_284, %dma_wait3A_285] : memref<10000x128xf32, #tpu.memory_space<hbm>> -> memref<10000x128xf32, #tpu.memory_space<hbm>>
        tpu.wait_indirect_dma semaphore(%arg12 : memref<!tpu.dma_semaphore, #tpu.memory_space<semaphore_mem>>) src(%dma_wait3A_286 : memref<10000x128xf32, #tpu.memory_space<hbm>>) dst(%dma_wait3A_280 : memref<128x128xf32, #tpu.memory_space<vmem>>)
        %dma_wait3A_287 = arith.constant 0 : i32
        %dma_wait3A_288 = arith.constant 0 : i32
        %dma_wait3A_289 = tpu.memref_slice %arg7[%rem3A_217, %dma_wait3A_287, %dma_wait3A_288] : memref<2x64x128xi32, #tpu.memory_space<vmem>> -> memref<1x64x128xi32, #tpu.memory_space<vmem>>
        %dma_wait3A_290 = tpu.memref_squeeze %dma_wait3A_289 : memref<1x64x128xi32, #tpu.memory_space<vmem>> -> memref<64x128xi32, #tpu.memory_space<vmem>>
        %dma_wait3A_291 = arith.constant 0 : i32
        %dma_wait3A_292 = arith.constant 0 : i32
        %dma_wait3A_293 = tpu.memref_slice %arg3[%dma_wait3A_291, %dma_wait3A_292] : memref<160000x128xi32, #tpu.memory_space<hbm>> -> memref<64x128xi32, #tpu.memory_space<hbm>>
        %dma_wait3A_294 = arith.constant 0 : i32
        %dma_wait3A_295 = arith.constant 0 : i32
        %dma_wait3A_296 = tpu.memref_slice %arg7[%rem3A_217, %dma_wait3A_294, %dma_wait3A_295] : memref<2x64x128xi32, #tpu.memory_space<vmem>> -> memref<1x64x128xi32, #tpu.memory_space<vmem>>
        %dma_wait3A_297 = tpu.memref_squeeze %dma_wait3A_296 : memref<1x64x128xi32, #tpu.memory_space<vmem>> -> memref<64x128xi32, #tpu.memory_space<vmem>>
        %dma_wait3A_298 = arith.constant 0 : i32
        %dma_wait3A_299 = arith.constant 0 : i32
        %dma_wait3A_300 = tpu.memref_slice %arg3[%dma_wait3A_298, %dma_wait3A_299] : memref<160000x128xi32, #tpu.memory_space<hbm>> -> memref<64x128xi32, #tpu.memory_space<hbm>>
        tpu.wait_dma2 semaphore(%arg11 : memref<!tpu.dma_semaphore, #tpu.memory_space<semaphore_mem>>) src(%dma_wait3A_300 : memref<64x128xi32, #tpu.memory_space<hbm>>) dst(%dma_wait3A_297 : memref<64x128xi32, #tpu.memory_space<vmem>>)
        %scan3A_301 = arith.constant 0 : i32
        %scan3A_302 = arith.constant 64 : i32
        %scan3A_303 = arith.addi %scan3A_301, %scan3A_302 : i32
        %scan3A_304 = arith.constant 1 : i32
        scf.for %scan3A_317 = %scan3A_301 to %scan3A_303 step %scan3A_304  : i32 {
          %mul3A_318 = arith.constant 1 : i32
          %mul3A_319 = arith.muli %scan3A_317, %mul3A_318 : i32
          %add3A_320 = arith.constant 0 : i32
          %add3A_321 = arith.addi %add3A_320, %mul3A_319 : i32
          %mul3A_322 = arith.constant 2 : i32
          %mul3A_323 = arith.muli %mul3A_322, %add3A_321 : i32
          %add3A_324 = arith.constant 0 : i32
          %add3A_325 = arith.addi %mul3A_323, %add3A_324 : i32
          %get3A = arith.index_cast %rem3A_217 : i32 to index
          %get3A_326 = arith.index_cast %add3A_321 : i32 to index
          %get3A_327 = arith.constant 0 : index
          %get3A_328 = tpu.vector_load %arg7[%get3A, %get3A_326, %get3A_327] {strides = array<i32>} : memref<2x64x128xi32, #tpu.memory_space<vmem>>, vector<1x1x16xi32>,
          %get3A_329 = vector.shape_cast %get3A_328 : vector<1x1x16xi32> to vector<16xi32>
          %shift_left3A = arith.constant 16 : i32
          %shift_left3A_330 = vector.broadcast %shift_left3A : i32 to vector<16xi32>
          %shift_left3A_331 = arith.shli %get3A_329, %shift_left3A_330 : vector<16xi32>
          %bitcast_convert_type3A = tpu.bitcast %shift_left3A_331 : vector<16xi32> -> vector<16xf32>
          %and3A_332 = arith.constant -65536 : i32
          %and3A_333 = vector.broadcast %and3A_332 : i32 to vector<16xi32>
          %and3A_334 = arith.andi %get3A_329, %and3A_333 : vector<16xi32>
          %bitcast_convert_type3A_335 = tpu.bitcast %and3A_334 : vector<16xi32> -> vector<16xf32>
          %get3A_336 = arith.index_cast %rem3A_217 : i32 to index
          %get3A_337 = arith.index_cast %add3A_325 : i32 to index
          %get3A_338 = arith.constant 0 : index
          %get3A_339 = tpu.vector_load %arg8[%get3A_336, %get3A_337, %get3A_338] {strides = array<i32>} : memref<2x128x128xf32, #tpu.memory_space<vmem>>, vector<1x1x16xf32>,
          %get3A_340 = vector.shape_cast %get3A_339 : vector<1x1x16xf32> to vector<16xf32>
          %add3A_341 = arith.addf %get3A_340, %bitcast_convert_type3A : vector<16xf32>
          %max3A = arith.constant 0.000000e+00 : f32
          %max3A_342 = vector.broadcast %max3A : f32 to vector<16xf32>
          %max3A_343 = arith.maximumf %add3A_341, %max3A_342 : vector<16xf32>
          %swap3A = arith.index_cast %rem3A_217 : i32 to index
          %swap3A_344 = arith.index_cast %add3A_325 : i32 to index
          %swap3A_345 = arith.constant 0 : index
          %swap3A_346 = tpu.vector_load %arg8[%swap3A, %swap3A_344, %swap3A_345] {strides = array<i32>} : memref<2x128x128xf32, #tpu.memory_space<vmem>>, vector<1x1x16xf32>,
          %swap3A_347 = vector.shape_cast %swap3A_346 : vector<1x1x16xf32> to vector<16xf32>
          %swap3A_348 = vector.shape_cast %max3A_343 : vector<16xf32> to vector<1x1x16xf32>
          tpu.vector_store %arg8[%swap3A, %swap3A_344, %swap3A_345], %swap3A_348 {strides = array<i32>} : memref<2x128x128xf32, #tpu.memory_space<vmem>>, vector<1x1x16xf32>,
          %get3A_349 = arith.index_cast %rem3A_217 : i32 to index
          %get3A_350 = arith.index_cast %add3A_325 : i32 to index
          %get3A_351 = arith.constant 16 : index
          %get3A_352 = tpu.vector_load %arg8[%get3A_349, %get3A_350, %get3A_351] {strides = array<i32>} : memref<2x128x128xf32, #tpu.memory_space<vmem>>, vector<1x1x16xf32>,
          %get3A_353 = vector.shape_cast %get3A_352 : vector<1x1x16xf32> to vector<16xf32>
          %add3A_354 = arith.addf %get3A_353, %bitcast_convert_type3A_335 : vector<16xf32>
          %max3A_355 = arith.constant 0.000000e+00 : f32
          %max3A_356 = vector.broadcast %max3A_355 : f32 to vector<16xf32>
          %max3A_357 = arith.maximumf %add3A_354, %max3A_356 : vector<16xf32>
          %swap3A_358 = arith.index_cast %rem3A_217 : i32 to index
          %swap3A_359 = arith.index_cast %add3A_325 : i32 to index
          %swap3A_360 = arith.constant 16 : index
          %swap3A_361 = tpu.vector_load %arg8[%swap3A_358, %swap3A_359, %swap3A_360] {strides = array<i32>} : memref<2x128x128xf32, #tpu.memory_space<vmem>>, vector<1x1x16xf32>,
          %swap3A_362 = vector.shape_cast %swap3A_361 : vector<1x1x16xf32> to vector<16xf32>
          %swap3A_363 = vector.shape_cast %max3A_357 : vector<16xf32> to vector<1x1x16xf32>
          tpu.vector_store %arg8[%swap3A_358, %swap3A_359, %swap3A_360], %swap3A_363 {strides = array<i32>} : memref<2x128x128xf32, #tpu.memory_space<vmem>>, vector<1x1x16xf32>,
          %get3A_364 = arith.index_cast %rem3A_217 : i32 to index
          %get3A_365 = arith.index_cast %add3A_321 : i32 to index
          %get3A_366 = arith.constant 16 : index
          %get3A_367 = tpu.vector_load %arg7[%get3A_364, %get3A_365, %get3A_366] {strides = array<i32>} : memref<2x64x128xi32, #tpu.memory_space<vmem>>, vector<1x1x16xi32>,
          %get3A_368 = vector.shape_cast %get3A_367 : vector<1x1x16xi32> to vector<16xi32>
          %shift_left3A_369 = arith.constant 16 : i32
          %shift_left3A_370 = vector.broadcast %shift_left3A_369 : i32 to vector<16xi32>
          %shift_left3A_371 = arith.shli %get3A_368, %shift_left3A_370 : vector<16xi32>
          %bitcast_convert_type3A_372 = tpu.bitcast %shift_left3A_371 : vector<16xi32> -> vector<16xf32>
          %and3A_373 = arith.constant -65536 : i32
          %and3A_374 = vector.broadcast %and3A_373 : i32 to vector<16xi32>
          %and3A_375 = arith.andi %get3A_368, %and3A_374 : vector<16xi32>
          %bitcast_convert_type3A_376 = tpu.bitcast %and3A_375 : vector<16xi32> -> vector<16xf32>
          %get3A_377 = arith.index_cast %rem3A_217 : i32 to index
          %get3A_378 = arith.index_cast %add3A_325 : i32 to index
          %get3A_379 = arith.constant 32 : index
          %get3A_380 = tpu.vector_load %arg8[%get3A_377, %get3A_378, %get3A_379] {strides = array<i32>} : memref<2x128x128xf32, #tpu.memory_space<vmem>>, vector<1x1x16xf32>,
          %get3A_381 = vector.shape_cast %get3A_380 : vector<1x1x16xf32> to vector<16xf32>
          %add3A_382 = arith.addf %get3A_381, %bitcast_convert_type3A_372 : vector<16xf32>
          %max3A_383 = arith.constant 0.000000e+00 : f32
          %max3A_384 = vector.broadcast %max3A_383 : f32 to vector<16xf32>
          %max3A_385 = arith.maximumf %add3A_382, %max3A_384 : vector<16xf32>
          %swap3A_386 = arith.index_cast %rem3A_217 : i32 to index
          %swap3A_387 = arith.index_cast %add3A_325 : i32 to index
          %swap3A_388 = arith.constant 32 : index
          %swap3A_389 = tpu.vector_load %arg8[%swap3A_386, %swap3A_387, %swap3A_388] {strides = array<i32>} : memref<2x128x128xf32, #tpu.memory_space<vmem>>, vector<1x1x16xf32>,
          %swap3A_390 = vector.shape_cast %swap3A_389 : vector<1x1x16xf32> to vector<16xf32>
          %swap3A_391 = vector.shape_cast %max3A_385 : vector<16xf32> to vector<1x1x16xf32>
          tpu.vector_store %arg8[%swap3A_386, %swap3A_387, %swap3A_388], %swap3A_391 {strides = array<i32>} : memref<2x128x128xf32, #tpu.memory_space<vmem>>, vector<1x1x16xf32>,
          %get3A_392 = arith.index_cast %rem3A_217 : i32 to index
          %get3A_393 = arith.index_cast %add3A_325 : i32 to index
          %get3A_394 = arith.constant 48 : index
          %get3A_395 = tpu.vector_load %arg8[%get3A_392, %get3A_393, %get3A_394] {strides = array<i32>} : memref<2x128x128xf32, #tpu.memory_space<vmem>>, vector<1x1x16xf32>,
          %get3A_396 = vector.shape_cast %get3A_395 : vector<1x1x16xf32> to vector<16xf32>
          %add3A_397 = arith.addf %get3A_396, %bitcast_convert_type3A_376 : vector<16xf32>
          %max3A_398 = arith.constant 0.000000e+00 : f32
          %max3A_399 = vector.broadcast %max3A_398 : f32 to vector<16xf32>
          %max3A_400 = arith.maximumf %add3A_397, %max3A_399 : vector<16xf32>
          %swap3A_401 = arith.index_cast %rem3A_217 : i32 to index
          %swap3A_402 = arith.index_cast %add3A_325 : i32 to index
          %swap3A_403 = arith.constant 48 : index
          %swap3A_404 = tpu.vector_load %arg8[%swap3A_401, %swap3A_402, %swap3A_403] {strides = array<i32>} : memref<2x128x128xf32, #tpu.memory_space<vmem>>, vector<1x1x16xf32>,
          %swap3A_405 = vector.shape_cast %swap3A_404 : vector<1x1x16xf32> to vector<16xf32>
          %swap3A_406 = vector.shape_cast %max3A_400 : vector<16xf32> to vector<1x1x16xf32>
          tpu.vector_store %arg8[%swap3A_401, %swap3A_402, %swap3A_403], %swap3A_406 {strides = array<i32>} : memref<2x128x128xf32, #tpu.memory_space<vmem>>, vector<1x1x16xf32>,
          %get3A_407 = arith.index_cast %rem3A_217 : i32 to index
          %get3A_408 = arith.index_cast %add3A_321 : i32 to index
          %get3A_409 = arith.constant 32 : index
          %get3A_410 = tpu.vector_load %arg7[%get3A_407, %get3A_408, %get3A_409] {strides = array<i32>} : memref<2x64x128xi32, #tpu.memory_space<vmem>>, vector<1x1x16xi32>,
          %get3A_411 = vector.shape_cast %get3A_410 : vector<1x1x16xi32> to vector<16xi32>
          %shift_left3A_412 = arith.constant 16 : i32
          %shift_left3A_413 = vector.broadcast %shift_left3A_412 : i32 to vector<16xi32>
          %shift_left3A_414 = arith.shli %get3A_411, %shift_left3A_413 : vector<16xi32>
          %bitcast_convert_type3A_415 = tpu.bitcast %shift_left3A_414 : vector<16xi32> -> vector<16xf32>
          %and3A_416 = arith.constant -65536 : i32
          %and3A_417 = vector.broadcast %and3A_416 : i32 to vector<16xi32>
          %and3A_418 = arith.andi %get3A_411, %and3A_417 : vector<16xi32>
          %bitcast_convert_type3A_419 = tpu.bitcast %and3A_418 : vector<16xi32> -> vector<16xf32>
          %get3A_420 = arith.index_cast %rem3A_217 : i32 to index
          %get3A_421 = arith.index_cast %add3A_325 : i32 to index
          %get3A_422 = arith.constant 64 : index
          %get3A_423 = tpu.vector_load %arg8[%get3A_420, %get3A_421, %get3A_422] {strides = array<i32>} : memref<2x128x128xf32, #tpu.memory_space<vmem>>, vector<1x1x16xf32>,
          %get3A_424 = vector.shape_cast %get3A_423 : vector<1x1x16xf32> to vector<16xf32>
          %add3A_425 = arith.addf %get3A_424, %bitcast_convert_type3A_415 : vector<16xf32>
          %max3A_426 = arith.constant 0.000000e+00 : f32
          %max3A_427 = vector.broadcast %max3A_426 : f32 to vector<16xf32>
          %max3A_428 = arith.maximumf %add3A_425, %max3A_427 : vector<16xf32>
          %swap3A_429 = arith.index_cast %rem3A_217 : i32 to index
          %swap3A_430 = arith.index_cast %add3A_325 : i32 to index
          %swap3A_431 = arith.constant 64 : index
          %swap3A_432 = tpu.vector_load %arg8[%swap3A_429, %swap3A_430, %swap3A_431] {strides = array<i32>} : memref<2x128x128xf32, #tpu.memory_space<vmem>>, vector<1x1x16xf32>,
          %swap3A_433 = vector.shape_cast %swap3A_432 : vector<1x1x16xf32> to vector<16xf32>
          %swap3A_434 = vector.shape_cast %max3A_428 : vector<16xf32> to vector<1x1x16xf32>
          tpu.vector_store %arg8[%swap3A_429, %swap3A_430, %swap3A_431], %swap3A_434 {strides = array<i32>} : memref<2x128x128xf32, #tpu.memory_space<vmem>>, vector<1x1x16xf32>,
          %get3A_435 = arith.index_cast %rem3A_217 : i32 to index
          %get3A_436 = arith.index_cast %add3A_325 : i32 to index
          %get3A_437 = arith.constant 80 : index
          %get3A_438 = tpu.vector_load %arg8[%get3A_435, %get3A_436, %get3A_437] {strides = array<i32>} : memref<2x128x128xf32, #tpu.memory_space<vmem>>, vector<1x1x16xf32>,
          %get3A_439 = vector.shape_cast %get3A_438 : vector<1x1x16xf32> to vector<16xf32>
          %add3A_440 = arith.addf %get3A_439, %bitcast_convert_type3A_419 : vector<16xf32>
          %max3A_441 = arith.constant 0.000000e+00 : f32
          %max3A_442 = vector.broadcast %max3A_441 : f32 to vector<16xf32>
          %max3A_443 = arith.maximumf %add3A_440, %max3A_442 : vector<16xf32>
          %swap3A_444 = arith.index_cast %rem3A_217 : i32 to index
          %swap3A_445 = arith.index_cast %add3A_325 : i32 to index
          %swap3A_446 = arith.constant 80 : index
          %swap3A_447 = tpu.vector_load %arg8[%swap3A_444, %swap3A_445, %swap3A_446] {strides = array<i32>} : memref<2x128x128xf32, #tpu.memory_space<vmem>>, vector<1x1x16xf32>,
          %swap3A_448 = vector.shape_cast %swap3A_447 : vector<1x1x16xf32> to vector<16xf32>
          %swap3A_449 = vector.shape_cast %max3A_443 : vector<16xf32> to vector<1x1x16xf32>
          tpu.vector_store %arg8[%swap3A_444, %swap3A_445, %swap3A_446], %swap3A_449 {strides = array<i32>} : memref<2x128x128xf32, #tpu.memory_space<vmem>>, vector<1x1x16xf32>,
          %get3A_450 = arith.index_cast %rem3A_217 : i32 to index
          %get3A_451 = arith.index_cast %add3A_321 : i32 to index
          %get3A_452 = arith.constant 48 : index
          %get3A_453 = tpu.vector_load %arg7[%get3A_450, %get3A_451, %get3A_452] {strides = array<i32>} : memref<2x64x128xi32, #tpu.memory_space<vmem>>, vector<1x1x16xi32>,
          %get3A_454 = vector.shape_cast %get3A_453 : vector<1x1x16xi32> to vector<16xi32>
          %shift_left3A_455 = arith.constant 16 : i32
          %shift_left3A_456 = vector.broadcast %shift_left3A_455 : i32 to vector<16xi32>
          %shift_left3A_457 = arith.shli %get3A_454, %shift_left3A_456 : vector<16xi32>
          %bitcast_convert_type3A_458 = tpu.bitcast %shift_left3A_457 : vector<16xi32> -> vector<16xf32>
          %and3A_459 = arith.constant -65536 : i32
          %and3A_460 = vector.broadcast %and3A_459 : i32 to vector<16xi32>
          %and3A_461 = arith.andi %get3A_454, %and3A_460 : vector<16xi32>
          %bitcast_convert_type3A_462 = tpu.bitcast %and3A_461 : vector<16xi32> -> vector<16xf32>
          %get3A_463 = arith.index_cast %rem3A_217 : i32 to index
          %get3A_464 = arith.index_cast %add3A_325 : i32 to index
          %get3A_465 = arith.constant 96 : index
          %get3A_466 = tpu.vector_load %arg8[%get3A_463, %get3A_464, %get3A_465] {strides = array<i32>} : memref<2x128x128xf32, #tpu.memory_space<vmem>>, vector<1x1x16xf32>,
          %get3A_467 = vector.shape_cast %get3A_466 : vector<1x1x16xf32> to vector<16xf32>
          %add3A_468 = arith.addf %get3A_467, %bitcast_convert_type3A_458 : vector<16xf32>
          %max3A_469 = arith.constant 0.000000e+00 : f32
          %max3A_470 = vector.broadcast %max3A_469 : f32 to vector<16xf32>
          %max3A_471 = arith.maximumf %add3A_468, %max3A_470 : vector<16xf32>
          %swap3A_472 = arith.index_cast %rem3A_217 : i32 to index
          %swap3A_473 = arith.index_cast %add3A_325 : i32 to index
          %swap3A_474 = arith.constant 96 : index
          %swap3A_475 = tpu.vector_load %arg8[%swap3A_472, %swap3A_473, %swap3A_474] {strides = array<i32>} : memref<2x128x128xf32, #tpu.memory_space<vmem>>, vector<1x1x16xf32>,
          %swap3A_476 = vector.shape_cast %swap3A_475 : vector<1x1x16xf32> to vector<16xf32>
          %swap3A_477 = vector.shape_cast %max3A_471 : vector<16xf32> to vector<1x1x16xf32>
          tpu.vector_store %arg8[%swap3A_472, %swap3A_473, %swap3A_474], %swap3A_477 {strides = array<i32>} : memref<2x128x128xf32, #tpu.memory_space<vmem>>, vector<1x1x16xf32>,
          %get3A_478 = arith.index_cast %rem3A_217 : i32 to index
          %get3A_479 = arith.index_cast %add3A_325 : i32 to index
          %get3A_480 = arith.constant 112 : index
          %get3A_481 = tpu.vector_load %arg8[%get3A_478, %get3A_479, %get3A_480] {strides = array<i32>} : memref<2x128x128xf32, #tpu.memory_space<vmem>>, vector<1x1x16xf32>,
          %get3A_482 = vector.shape_cast %get3A_481 : vector<1x1x16xf32> to vector<16xf32>
          %add3A_483 = arith.addf %get3A_482, %bitcast_convert_type3A_462 : vector<16xf32>
          %max3A_484 = arith.constant 0.000000e+00 : f32
          %max3A_485 = vector.broadcast %max3A_484 : f32 to vector<16xf32>
          %max3A_486 = arith.maximumf %add3A_483, %max3A_485 : vector<16xf32>
          %swap3A_487 = arith.index_cast %rem3A_217 : i32 to index
          %swap3A_488 = arith.index_cast %add3A_325 : i32 to index
          %swap3A_489 = arith.constant 112 : index
          %swap3A_490 = tpu.vector_load %arg8[%swap3A_487, %swap3A_488, %swap3A_489] {strides = array<i32>} : memref<2x128x128xf32, #tpu.memory_space<vmem>>, vector<1x1x16xf32>,
          %swap3A_491 = vector.shape_cast %swap3A_490 : vector<1x1x16xf32> to vector<16xf32>
          %swap3A_492 = vector.shape_cast %max3A_486 : vector<16xf32> to vector<1x1x16xf32>
          tpu.vector_store %arg8[%swap3A_487, %swap3A_488, %swap3A_489], %swap3A_492 {strides = array<i32>} : memref<2x128x128xf32, #tpu.memory_space<vmem>>, vector<1x1x16xf32>,
          %mul3A_493 = arith.constant 2 : i32
          %mul3A_494 = arith.muli %mul3A_493, %add3A_321 : i32
          %add3A_495 = arith.constant 1 : i32
          %add3A_496 = arith.addi %mul3A_494, %add3A_495 : i32
          %get3A_497 = arith.index_cast %rem3A_217 : i32 to index
          %get3A_498 = arith.index_cast %add3A_321 : i32 to index
          %get3A_499 = arith.constant 64 : index
          %get3A_500 = tpu.vector_load %arg7[%get3A_497, %get3A_498, %get3A_499] {strides = array<i32>} : memref<2x64x128xi32, #tpu.memory_space<vmem>>, vector<1x1x16xi32>,
          %get3A_501 = vector.shape_cast %get3A_500 : vector<1x1x16xi32> to vector<16xi32>
          %shift_left3A_502 = arith.constant 16 : i32
          %shift_left3A_503 = vector.broadcast %shift_left3A_502 : i32 to vector<16xi32>
          %shift_left3A_504 = arith.shli %get3A_501, %shift_left3A_503 : vector<16xi32>
          %bitcast_convert_type3A_505 = tpu.bitcast %shift_left3A_504 : vector<16xi32> -> vector<16xf32>
          %and3A_506 = arith.constant -65536 : i32
          %and3A_507 = vector.broadcast %and3A_506 : i32 to vector<16xi32>
          %and3A_508 = arith.andi %get3A_501, %and3A_507 : vector<16xi32>
          %bitcast_convert_type3A_509 = tpu.bitcast %and3A_508 : vector<16xi32> -> vector<16xf32>
          %get3A_510 = arith.index_cast %rem3A_217 : i32 to index
          %get3A_511 = arith.index_cast %add3A_496 : i32 to index
          %get3A_512 = arith.constant 0 : index
          %get3A_513 = tpu.vector_load %arg8[%get3A_510, %get3A_511, %get3A_512] {strides = array<i32>} : memref<2x128x128xf32, #tpu.memory_space<vmem>>, vector<1x1x16xf32>,
          %get3A_514 = vector.shape_cast %get3A_513 : vector<1x1x16xf32> to vector<16xf32>
          %add3A_515 = arith.addf %get3A_514, %bitcast_convert_type3A_505 : vector<16xf32>
          %max3A_516 = arith.constant 0.000000e+00 : f32
          %max3A_517 = vector.broadcast %max3A_516 : f32 to vector<16xf32>
          %max3A_518 = arith.maximumf %add3A_515, %max3A_517 : vector<16xf32>
          %swap3A_519 = arith.index_cast %rem3A_217 : i32 to index
          %swap3A_520 = arith.index_cast %add3A_496 : i32 to index
          %swap3A_521 = arith.constant 0 : index
          %swap3A_522 = tpu.vector_load %arg8[%swap3A_519, %swap3A_520, %swap3A_521] {strides = array<i32>} : memref<2x128x128xf32, #tpu.memory_space<vmem>>, vector<1x1x16xf32>,
          %swap3A_523 = vector.shape_cast %swap3A_522 : vector<1x1x16xf32> to vector<16xf32>
          %swap3A_524 = vector.shape_cast %max3A_518 : vector<16xf32> to vector<1x1x16xf32>
          tpu.vector_store %arg8[%swap3A_519, %swap3A_520, %swap3A_521], %swap3A_524 {strides = array<i32>} : memref<2x128x128xf32, #tpu.memory_space<vmem>>, vector<1x1x16xf32>,
          %get3A_525 = arith.index_cast %rem3A_217 : i32 to index
          %get3A_526 = arith.index_cast %add3A_496 : i32 to index
          %get3A_527 = arith.constant 16 : index
          %get3A_528 = tpu.vector_load %arg8[%get3A_525, %get3A_526, %get3A_527] {strides = array<i32>} : memref<2x128x128xf32, #tpu.memory_space<vmem>>, vector<1x1x16xf32>,
          %get3A_529 = vector.shape_cast %get3A_528 : vector<1x1x16xf32> to vector<16xf32>
          %add3A_530 = arith.addf %get3A_529, %bitcast_convert_type3A_509 : vector<16xf32>
          %max3A_531 = arith.constant 0.000000e+00 : f32
          %max3A_532 = vector.broadcast %max3A_531 : f32 to vector<16xf32>
          %max3A_533 = arith.maximumf %add3A_530, %max3A_532 : vector<16xf32>
          %swap3A_534 = arith.index_cast %rem3A_217 : i32 to index
          %swap3A_535 = arith.index_cast %add3A_496 : i32 to index
          %swap3A_536 = arith.constant 16 : index
          %swap3A_537 = tpu.vector_load %arg8[%swap3A_534, %swap3A_535, %swap3A_536] {strides = array<i32>} : memref<2x128x128xf32, #tpu.memory_space<vmem>>, vector<1x1x16xf32>,
          %swap3A_538 = vector.shape_cast %swap3A_537 : vector<1x1x16xf32> to vector<16xf32>
          %swap3A_539 = vector.shape_cast %max3A_533 : vector<16xf32> to vector<1x1x16xf32>
          tpu.vector_store %arg8[%swap3A_534, %swap3A_535, %swap3A_536], %swap3A_539 {strides = array<i32>} : memref<2x128x128xf32, #tpu.memory_space<vmem>>, vector<1x1x16xf32>,
          %get3A_540 = arith.index_cast %rem3A_217 : i32 to index
          %get3A_541 = arith.index_cast %add3A_321 : i32 to index
          %get3A_542 = arith.constant 80 : index
          %get3A_543 = tpu.vector_load %arg7[%get3A_540, %get3A_541, %get3A_542] {strides = array<i32>} : memref<2x64x128xi32, #tpu.memory_space<vmem>>, vector<1x1x16xi32>,
          %get3A_544 = vector.shape_cast %get3A_543 : vector<1x1x16xi32> to vector<16xi32>
          %shift_left3A_545 = arith.constant 16 : i32
          %shift_left3A_546 = vector.broadcast %shift_left3A_545 : i32 to vector<16xi32>
          %shift_left3A_547 = arith.shli %get3A_544, %shift_left3A_546 : vector<16xi32>
          %bitcast_convert_type3A_548 = tpu.bitcast %shift_left3A_547 : vector<16xi32> -> vector<16xf32>
          %and3A_549 = arith.constant -65536 : i32
          %and3A_550 = vector.broadcast %and3A_549 : i32 to vector<16xi32>
          %and3A_551 = arith.andi %get3A_544, %and3A_550 : vector<16xi32>
          %bitcast_convert_type3A_552 = tpu.bitcast %and3A_551 : vector<16xi32> -> vector<16xf32>
          %get3A_553 = arith.index_cast %rem3A_217 : i32 to index
          %get3A_554 = arith.index_cast %add3A_496 : i32 to index
          %get3A_555 = arith.constant 32 : index
          %get3A_556 = tpu.vector_load %arg8[%get3A_553, %get3A_554, %get3A_555] {strides = array<i32>} : memref<2x128x128xf32, #tpu.memory_space<vmem>>, vector<1x1x16xf32>,
          %get3A_557 = vector.shape_cast %get3A_556 : vector<1x1x16xf32> to vector<16xf32>
          %add3A_558 = arith.addf %get3A_557, %bitcast_convert_type3A_548 : vector<16xf32>
          %max3A_559 = arith.constant 0.000000e+00 : f32
          %max3A_560 = vector.broadcast %max3A_559 : f32 to vector<16xf32>
          %max3A_561 = arith.maximumf %add3A_558, %max3A_560 : vector<16xf32>
          %swap3A_562 = arith.index_cast %rem3A_217 : i32 to index
          %swap3A_563 = arith.index_cast %add3A_496 : i32 to index
          %swap3A_564 = arith.constant 32 : index
          %swap3A_565 = tpu.vector_load %arg8[%swap3A_562, %swap3A_563, %swap3A_564] {strides = array<i32>} : memref<2x128x128xf32, #tpu.memory_space<vmem>>, vector<1x1x16xf32>,
          %swap3A_566 = vector.shape_cast %swap3A_565 : vector<1x1x16xf32> to vector<16xf32>
          %swap3A_567 = vector.shape_cast %max3A_561 : vector<16xf32> to vector<1x1x16xf32>
          tpu.vector_store %arg8[%swap3A_562, %swap3A_563, %swap3A_564], %swap3A_567 {strides = array<i32>} : memref<2x128x128xf32, #tpu.memory_space<vmem>>, vector<1x1x16xf32>,
          %get3A_568 = arith.index_cast %rem3A_217 : i32 to index
          %get3A_569 = arith.index_cast %add3A_496 : i32 to index
          %get3A_570 = arith.constant 48 : index
          %get3A_571 = tpu.vector_load %arg8[%get3A_568, %get3A_569, %get3A_570] {strides = array<i32>} : memref<2x128x128xf32, #tpu.memory_space<vmem>>, vector<1x1x16xf32>,
          %get3A_572 = vector.shape_cast %get3A_571 : vector<1x1x16xf32> to vector<16xf32>
          %add3A_573 = arith.addf %get3A_572, %bitcast_convert_type3A_552 : vector<16xf32>
          %max3A_574 = arith.constant 0.000000e+00 : f32
          %max3A_575 = vector.broadcast %max3A_574 : f32 to vector<16xf32>
          %max3A_576 = arith.maximumf %add3A_573, %max3A_575 : vector<16xf32>
          %swap3A_577 = arith.index_cast %rem3A_217 : i32 to index
          %swap3A_578 = arith.index_cast %add3A_496 : i32 to index
          %swap3A_579 = arith.constant 48 : index
          %swap3A_580 = tpu.vector_load %arg8[%swap3A_577, %swap3A_578, %swap3A_579] {strides = array<i32>} : memref<2x128x128xf32, #tpu.memory_space<vmem>>, vector<1x1x16xf32>,
          %swap3A_581 = vector.shape_cast %swap3A_580 : vector<1x1x16xf32> to vector<16xf32>
          %swap3A_582 = vector.shape_cast %max3A_576 : vector<16xf32> to vector<1x1x16xf32>
          tpu.vector_store %arg8[%swap3A_577, %swap3A_578, %swap3A_579], %swap3A_582 {strides = array<i32>} : memref<2x128x128xf32, #tpu.memory_space<vmem>>, vector<1x1x16xf32>,
          %get3A_583 = arith.index_cast %rem3A_217 : i32 to index
          %get3A_584 = arith.index_cast %add3A_321 : i32 to index
          %get3A_585 = arith.constant 96 : index
          %get3A_586 = tpu.vector_load %arg7[%get3A_583, %get3A_584, %get3A_585] {strides = array<i32>} : memref<2x64x128xi32, #tpu.memory_space<vmem>>, vector<1x1x16xi32>,
          %get3A_587 = vector.shape_cast %get3A_586 : vector<1x1x16xi32> to vector<16xi32>
          %shift_left3A_588 = arith.constant 16 : i32
          %shift_left3A_589 = vector.broadcast %shift_left3A_588 : i32 to vector<16xi32>
          %shift_left3A_590 = arith.shli %get3A_587, %shift_left3A_589 : vector<16xi32>
          %bitcast_convert_type3A_591 = tpu.bitcast %shift_left3A_590 : vector<16xi32> -> vector<16xf32>
          %and3A_592 = arith.constant -65536 : i32
          %and3A_593 = vector.broadcast %and3A_592 : i32 to vector<16xi32>
          %and3A_594 = arith.andi %get3A_587, %and3A_593 : vector<16xi32>
          %bitcast_convert_type3A_595 = tpu.bitcast %and3A_594 : vector<16xi32> -> vector<16xf32>
          %get3A_596 = arith.index_cast %rem3A_217 : i32 to index
          %get3A_597 = arith.index_cast %add3A_496 : i32 to index
          %get3A_598 = arith.constant 64 : index
          %get3A_599 = tpu.vector_load %arg8[%get3A_596, %get3A_597, %get3A_598] {strides = array<i32>} : memref<2x128x128xf32, #tpu.memory_space<vmem>>, vector<1x1x16xf32>,
          %get3A_600 = vector.shape_cast %get3A_599 : vector<1x1x16xf32> to vector<16xf32>
          %add3A_601 = arith.addf %get3A_600, %bitcast_convert_type3A_591 : vector<16xf32>
          %max3A_602 = arith.constant 0.000000e+00 : f32
          %max3A_603 = vector.broadcast %max3A_602 : f32 to vector<16xf32>
          %max3A_604 = arith.maximumf %add3A_601, %max3A_603 : vector<16xf32>
          %swap3A_605 = arith.index_cast %rem3A_217 : i32 to index
          %swap3A_606 = arith.index_cast %add3A_496 : i32 to index
          %swap3A_607 = arith.constant 64 : index
          %swap3A_608 = tpu.vector_load %arg8[%swap3A_605, %swap3A_606, %swap3A_607] {strides = array<i32>} : memref<2x128x128xf32, #tpu.memory_space<vmem>>, vector<1x1x16xf32>,
          %swap3A_609 = vector.shape_cast %swap3A_608 : vector<1x1x16xf32> to vector<16xf32>
          %swap3A_610 = vector.shape_cast %max3A_604 : vector<16xf32> to vector<1x1x16xf32>
          tpu.vector_store %arg8[%swap3A_605, %swap3A_606, %swap3A_607], %swap3A_610 {strides = array<i32>} : memref<2x128x128xf32, #tpu.memory_space<vmem>>, vector<1x1x16xf32>,
          %get3A_611 = arith.index_cast %rem3A_217 : i32 to index
          %get3A_612 = arith.index_cast %add3A_496 : i32 to index
          %get3A_613 = arith.constant 80 : index
          %get3A_614 = tpu.vector_load %arg8[%get3A_611, %get3A_612, %get3A_613] {strides = array<i32>} : memref<2x128x128xf32, #tpu.memory_space<vmem>>, vector<1x1x16xf32>,
          %get3A_615 = vector.shape_cast %get3A_614 : vector<1x1x16xf32> to vector<16xf32>
          %add3A_616 = arith.addf %get3A_615, %bitcast_convert_type3A_595 : vector<16xf32>
          %max3A_617 = arith.constant 0.000000e+00 : f32
          %max3A_618 = vector.broadcast %max3A_617 : f32 to vector<16xf32>
          %max3A_619 = arith.maximumf %add3A_616, %max3A_618 : vector<16xf32>
          %swap3A_620 = arith.index_cast %rem3A_217 : i32 to index
          %swap3A_621 = arith.index_cast %add3A_496 : i32 to index
          %swap3A_622 = arith.constant 80 : index
          %swap3A_623 = tpu.vector_load %arg8[%swap3A_620, %swap3A_621, %swap3A_622] {strides = array<i32>} : memref<2x128x128xf32, #tpu.memory_space<vmem>>, vector<1x1x16xf32>,
          %swap3A_624 = vector.shape_cast %swap3A_623 : vector<1x1x16xf32> to vector<16xf32>
          %swap3A_625 = vector.shape_cast %max3A_619 : vector<16xf32> to vector<1x1x16xf32>
          tpu.vector_store %arg8[%swap3A_620, %swap3A_621, %swap3A_622], %swap3A_625 {strides = array<i32>} : memref<2x128x128xf32, #tpu.memory_space<vmem>>, vector<1x1x16xf32>,
          %get3A_626 = arith.index_cast %rem3A_217 : i32 to index
          %get3A_627 = arith.index_cast %add3A_321 : i32 to index
          %get3A_628 = arith.constant 112 : index
          %get3A_629 = tpu.vector_load %arg7[%get3A_626, %get3A_627, %get3A_628] {strides = array<i32>} : memref<2x64x128xi32, #tpu.memory_space<vmem>>, vector<1x1x16xi32>,
          %get3A_630 = vector.shape_cast %get3A_629 : vector<1x1x16xi32> to vector<16xi32>
          %shift_left3A_631 = arith.constant 16 : i32
          %shift_left3A_632 = vector.broadcast %shift_left3A_631 : i32 to vector<16xi32>
          %shift_left3A_633 = arith.shli %get3A_630, %shift_left3A_632 : vector<16xi32>
          %bitcast_convert_type3A_634 = tpu.bitcast %shift_left3A_633 : vector<16xi32> -> vector<16xf32>
          %and3A_635 = arith.constant -65536 : i32
          %and3A_636 = vector.broadcast %and3A_635 : i32 to vector<16xi32>
          %and3A_637 = arith.andi %get3A_630, %and3A_636 : vector<16xi32>
          %bitcast_convert_type3A_638 = tpu.bitcast %and3A_637 : vector<16xi32> -> vector<16xf32>
          %get3A_639 = arith.index_cast %rem3A_217 : i32 to index
          %get3A_640 = arith.index_cast %add3A_496 : i32 to index
          %get3A_641 = arith.constant 96 : index
          %get3A_642 = tpu.vector_load %arg8[%get3A_639, %get3A_640, %get3A_641] {strides = array<i32>} : memref<2x128x128xf32, #tpu.memory_space<vmem>>, vector<1x1x16xf32>,
          %get3A_643 = vector.shape_cast %get3A_642 : vector<1x1x16xf32> to vector<16xf32>
          %add3A_644 = arith.addf %get3A_643, %bitcast_convert_type3A_634 : vector<16xf32>
          %max3A_645 = arith.constant 0.000000e+00 : f32
          %max3A_646 = vector.broadcast %max3A_645 : f32 to vector<16xf32>
          %max3A_647 = arith.maximumf %add3A_644, %max3A_646 : vector<16xf32>
          %swap3A_648 = arith.index_cast %rem3A_217 : i32 to index
          %swap3A_649 = arith.index_cast %add3A_496 : i32 to index
          %swap3A_650 = arith.constant 96 : index
          %swap3A_651 = tpu.vector_load %arg8[%swap3A_648, %swap3A_649, %swap3A_650] {strides = array<i32>} : memref<2x128x128xf32, #tpu.memory_space<vmem>>, vector<1x1x16xf32>,
          %swap3A_652 = vector.shape_cast %swap3A_651 : vector<1x1x16xf32> to vector<16xf32>
          %swap3A_653 = vector.shape_cast %max3A_647 : vector<16xf32> to vector<1x1x16xf32>
          tpu.vector_store %arg8[%swap3A_648, %swap3A_649, %swap3A_650], %swap3A_653 {strides = array<i32>} : memref<2x128x128xf32, #tpu.memory_space<vmem>>, vector<1x1x16xf32>,
          %get3A_654 = arith.index_cast %rem3A_217 : i32 to index
          %get3A_655 = arith.index_cast %add3A_496 : i32 to index
          %get3A_656 = arith.constant 112 : index
          %get3A_657 = tpu.vector_load %arg8[%get3A_654, %get3A_655, %get3A_656] {strides = array<i32>} : memref<2x128x128xf32, #tpu.memory_space<vmem>>, vector<1x1x16xf32>,
          %get3A_658 = vector.shape_cast %get3A_657 : vector<1x1x16xf32> to vector<16xf32>
          %add3A_659 = arith.addf %get3A_658, %bitcast_convert_type3A_638 : vector<16xf32>
          %max3A_660 = arith.constant 0.000000e+00 : f32
          %max3A_661 = vector.broadcast %max3A_660 : f32 to vector<16xf32>
          %max3A_662 = arith.maximumf %add3A_659, %max3A_661 : vector<16xf32>
          %swap3A_663 = arith.index_cast %rem3A_217 : i32 to index
          %swap3A_664 = arith.index_cast %add3A_496 : i32 to index
          %swap3A_665 = arith.constant 112 : index
          %swap3A_666 = tpu.vector_load %arg8[%swap3A_663, %swap3A_664, %swap3A_665] {strides = array<i32>} : memref<2x128x128xf32, #tpu.memory_space<vmem>>, vector<1x1x16xf32>,
          %swap3A_667 = vector.shape_cast %swap3A_666 : vector<1x1x16xf32> to vector<16xf32>
          %swap3A_668 = vector.shape_cast %max3A_662 : vector<16xf32> to vector<1x1x16xf32>
          tpu.vector_store %arg8[%swap3A_663, %swap3A_664, %swap3A_665], %swap3A_668 {strides = array<i32>} : memref<2x128x128xf32, #tpu.memory_space<vmem>>, vector<1x1x16xf32>,
        }
        %scan3A_305 = arith.constant 64 : i32
        %dma_start3A_306 = arith.constant 1 : i32
        %dma_start3A_307 = arith.constant 0 : i32
        %dma_start3A_308 = arith.constant 0 : i32
        %dma_start3A_309 = tpu.memref_slice %arg8[%rem3A_217, %dma_start3A_307, %dma_start3A_308] : memref<2x128x128xf32, #tpu.memory_space<vmem>> -> memref<1x128x128xf32, #tpu.memory_space<vmem>>
        %dma_start3A_310 = tpu.memref_squeeze %dma_start3A_309 : memref<1x128x128xf32, #tpu.memory_space<vmem>> -> memref<128x128xf32, #tpu.memory_space<vmem>>
        %dma_start3A_311 = arith.constant 0 : i32
        %dma_start3A_312 = tpu.memref_slice %arg6[%rem3A_223, %dma_start3A_306, %dma_start3A_311] : memref<4x2x128xi32, #tpu.memory_space<vmem>> -> memref<1x1x128xi32, #tpu.memory_space<vmem>>
        %dma_start3A_313 = tpu.memref_squeeze %dma_start3A_312 : memref<1x1x128xi32, #tpu.memory_space<vmem>> -> memref<128xi32, #tpu.memory_space<vmem>>
        %dma_start3A_314 = arith.constant 0 : i32
        %dma_start3A_315 = arith.constant 0 : i32
        %dma_start3A_316 = tpu.memref_slice %arg9[%dma_start3A_314, %dma_start3A_315] : memref<10000x128xf32, #tpu.memory_space<vmem_shared>> -> memref<10000x128xf32, #tpu.memory_space<vmem_shared>>
        tpu.enqueue_indirect_dma source(%dma_start3A_310 : memref<128x128xf32, #tpu.memory_space<vmem>>) target(%dma_start3A_316 : memref<10000x128xf32, #tpu.memory_space<vmem_shared>>) offsets(%dma_start3A_313 : memref<128xi32, #tpu.memory_space<vmem>>) semaphore(%arg13 : memref<!tpu.dma_semaphore, #tpu.memory_space<semaphore_mem>>) {add = true}
      } else {
      }
    }
    %scan3A_147 = arith.constant 79 : i32
    %add3A_148 = arith.constant 2496 : i32
    %add3A_149 = arith.addi %add3A_148, %add3A : i32
    %lt3A_150 = arith.constant 2500 : i32
    %lt3A_151 = arith.cmpi slt, %add3A_149, %lt3A_150 : i32
    %convert_element_type3A_152 = arith.extui %lt3A_151 : i1 to i32
    %cond3A_153 = arith.constant 0 : i32
    %cond3A_154 = arith.cmpi ne, %convert_element_type3A_152, %cond3A_153 : i32
    scf.if %cond3A_154 {
      %dma_wait3A_212 = arith.constant 0 : i32
      %dma_wait3A_213 = arith.constant 0 : i32
      %dma_wait3A_214 = arith.constant 1 : i32
      %dma_wait3A_215 = arith.constant 0 : i32
      %dma_wait3A_216 = arith.constant 0 : i32
      %dma_wait3A_217 = tpu.memref_slice %arg8[%dma_wait3A_212, %dma_wait3A_215, %dma_wait3A_216] : memref<2x128x128xf32, #tpu.memory_space<vmem>> -> memref<1x128x128xf32, #tpu.memory_space<vmem>>
      %dma_wait3A_218 = tpu.memref_squeeze %dma_wait3A_217 : memref<1x128x128xf32, #tpu.memory_space<vmem>> -> memref<128x128xf32, #tpu.memory_space<vmem>>
      %dma_wait3A_219 = arith.constant 0 : i32
      %dma_wait3A_220 = tpu.memref_slice %arg6[%dma_wait3A_213, %dma_wait3A_214, %dma_wait3A_219] : memref<4x2x128xi32, #tpu.memory_space<vmem>> -> memref<1x1x128xi32, #tpu.memory_space<vmem>>
      %dma_wait3A_221 = tpu.memref_squeeze %dma_wait3A_220 : memref<1x1x128xi32, #tpu.memory_space<vmem>> -> memref<128xi32, #tpu.memory_space<vmem>>
      %dma_wait3A_222 = arith.constant 0 : i32
      %dma_wait3A_223 = arith.constant 0 : i32
      %dma_wait3A_224 = tpu.memref_slice %arg9[%dma_wait3A_222, %dma_wait3A_223] : memref<10000x128xf32, #tpu.memory_space<vmem_shared>> -> memref<10000x128xf32, #tpu.memory_space<vmem_shared>>
      tpu.wait_indirect_dma semaphore(%arg13 : memref<!tpu.dma_semaphore, #tpu.memory_space<semaphore_mem>>) src(%dma_wait3A_218 : memref<128x128xf32, #tpu.memory_space<vmem>>) dst(%dma_wait3A_224 : memref<10000x128xf32, #tpu.memory_space<vmem_shared>>)
    } else {
    }
    %barrier3A_155 = arith.constant 0 : index
    tpu.barrier barrier_id(%barrier3A_155)
    %add3A_156 = arith.constant 0 : i32
    %add3A_157 = arith.addi %add3A_156, %arg1 : i32
    %lt3A_158 = arith.constant 125 : i32
    %lt3A_159 = arith.cmpi slt, %add3A_157, %lt3A_158 : i32
    %convert_element_type3A_160 = arith.extui %lt3A_159 : i1 to i32
    %cond3A_161 = arith.constant 0 : i32
    %cond3A_162 = arith.cmpi ne, %convert_element_type3A_160, %cond3A_161 : i32
    scf.if %cond3A_162 {
      %mul3A_212 = arith.constant 80 : i32
      %mul3A_213 = arith.muli %add3A_157, %mul3A_212 : i32
      %mul3A_214 = arith.constant 80 : i32
      %mul3A_215 = arith.muli %add3A_157, %mul3A_214 : i32
      "tpu.region"() ({
        %run_scoped3A = tpu.sem_alloc : memref<!tpu.dma_semaphore, #tpu.memory_space<semaphore_mem>>
        %dma_start3A_216 = arith.constant 0 : i32
        %dma_start3A_217 = tpu.memref_slice %arg5[%arg0, %mul3A_215, %dma_start3A_216] : memref<2x10000x128xf32, #tpu.memory_space<hbm>> -> memref<1x80x128xf32, #tpu.memory_space<hbm>>
        %dma_start3A_218 = tpu.memref_squeeze %dma_start3A_217 : memref<1x80x128xf32, #tpu.memory_space<hbm>> -> memref<80x128xf32, #tpu.memory_space<hbm>>
        %dma_start3A_219 = arith.constant 0 : i32
        %dma_start3A_220 = tpu.memref_slice %arg9[%mul3A_213, %dma_start3A_219] : memref<10000x128xf32, #tpu.memory_space<vmem_shared>> -> memref<80x128xf32, #tpu.memory_space<vmem_shared>>
        tpu.enqueue_dma source(%dma_start3A_220 : memref<80x128xf32, #tpu.memory_space<vmem_shared>>) target(%dma_start3A_218 : memref<80x128xf32, #tpu.memory_space<hbm>>) target_semaphore(%run_scoped3A : memref<!tpu.dma_semaphore, #tpu.memory_space<semaphore_mem>>)
        %dma_wait3A_221 = arith.constant 0 : i32
        %dma_wait3A_222 = tpu.memref_slice %arg5[%arg0, %mul3A_215, %dma_wait3A_221] : memref<2x10000x128xf32, #tpu.memory_space<hbm>> -> memref<1x80x128xf32, #tpu.memory_space<hbm>>
        %dma_wait3A_223 = tpu.memref_squeeze %dma_wait3A_222 : memref<1x80x128xf32, #tpu.memory_space<hbm>> -> memref<80x128xf32, #tpu.memory_space<hbm>>
        %dma_wait3A_224 = arith.constant 0 : i32
        %dma_wait3A_225 = tpu.memref_slice %arg9[%mul3A_213, %dma_wait3A_224] : memref<10000x128xf32, #tpu.memory_space<vmem_shared>> -> memref<80x128xf32, #tpu.memory_space<vmem_shared>>
        tpu.wait_dma2 semaphore(%run_scoped3A : memref<!tpu.dma_semaphore, #tpu.memory_space<semaphore_mem>>) src(%dma_wait3A_225 : memref<80x128xf32, #tpu.memory_space<vmem_shared>>) dst(%dma_wait3A_223 : memref<80x128xf32, #tpu.memory_space<hbm>>)
        tpu.yield
      }) : () -> ()
    } else {
    }
    %add3A_163 = arith.constant 16 : i32
    %add3A_164 = arith.addi %add3A_163, %arg1 : i32
    %lt3A_165 = arith.constant 125 : i32
    %lt3A_166 = arith.cmpi slt, %add3A_164, %lt3A_165 : i32
    %convert_element_type3A_167 = arith.extui %lt3A_166 : i1 to i32
    %cond3A_168 = arith.constant 0 : i32
    %cond3A_169 = arith.cmpi ne, %convert_element_type3A_167, %cond3A_168 : i32
    scf.if %cond3A_169 {
      %mul3A_212 = arith.constant 80 : i32
      %mul3A_213 = arith.muli %add3A_164, %mul3A_212 : i32
      %mul3A_214 = arith.constant 80 : i32
      %mul3A_215 = arith.muli %add3A_164, %mul3A_214 : i32
      "tpu.region"() ({
        %run_scoped3A = tpu.sem_alloc : memref<!tpu.dma_semaphore, #tpu.memory_space<semaphore_mem>>
        %dma_start3A_216 = arith.constant 0 : i32
        %dma_start3A_217 = tpu.memref_slice %arg5[%arg0, %mul3A_215, %dma_start3A_216] : memref<2x10000x128xf32, #tpu.memory_space<hbm>> -> memref<1x80x128xf32, #tpu.memory_space<hbm>>
        %dma_start3A_218 = tpu.memref_squeeze %dma_start3A_217 : memref<1x80x128xf32, #tpu.memory_space<hbm>> -> memref<80x128xf32, #tpu.memory_space<hbm>>
        %dma_start3A_219 = arith.constant 0 : i32
        %dma_start3A_220 = tpu.memref_slice %arg9[%mul3A_213, %dma_start3A_219] : memref<10000x128xf32, #tpu.memory_space<vmem_shared>> -> memref<80x128xf32, #tpu.memory_space<vmem_shared>>
        tpu.enqueue_dma source(%dma_start3A_220 : memref<80x128xf32, #tpu.memory_space<vmem_shared>>) target(%dma_start3A_218 : memref<80x128xf32, #tpu.memory_space<hbm>>) target_semaphore(%run_scoped3A : memref<!tpu.dma_semaphore, #tpu.memory_space<semaphore_mem>>)
        %dma_wait3A_221 = arith.constant 0 : i32
        %dma_wait3A_222 = tpu.memref_slice %arg5[%arg0, %mul3A_215, %dma_wait3A_221] : memref<2x10000x128xf32, #tpu.memory_space<hbm>> -> memref<1x80x128xf32, #tpu.memory_space<hbm>>
        %dma_wait3A_223 = tpu.memref_squeeze %dma_wait3A_222 : memref<1x80x128xf32, #tpu.memory_space<hbm>> -> memref<80x128xf32, #tpu.memory_space<hbm>>
        %dma_wait3A_224 = arith.constant 0 : i32
        %dma_wait3A_225 = tpu.memref_slice %arg9[%mul3A_213, %dma_wait3A_224] : memref<10000x128xf32, #tpu.memory_space<vmem_shared>> -> memref<80x128xf32, #tpu.memory_space<vmem_shared>>
        tpu.wait_dma2 semaphore(%run_scoped3A : memref<!tpu.dma_semaphore, #tpu.memory_space<semaphore_mem>>) src(%dma_wait3A_225 : memref<80x128xf32, #tpu.memory_space<vmem_shared>>) dst(%dma_wait3A_223 : memref<80x128xf32, #tpu.memory_space<hbm>>)
        tpu.yield
      }) : () -> ()
    } else {
    }
    %add3A_170 = arith.constant 32 : i32
    %add3A_171 = arith.addi %add3A_170, %arg1 : i32
    %lt3A_172 = arith.constant 125 : i32
    %lt3A_173 = arith.cmpi slt, %add3A_171, %lt3A_172 : i32
    %convert_element_type3A_174 = arith.extui %lt3A_173 : i1 to i32
    %cond3A_175 = arith.constant 0 : i32
    %cond3A_176 = arith.cmpi ne, %convert_element_type3A_174, %cond3A_175 : i32
    scf.if %cond3A_176 {
      %mul3A_212 = arith.constant 80 : i32
      %mul3A_213 = arith.muli %add3A_171, %mul3A_212 : i32
      %mul3A_214 = arith.constant 80 : i32
      %mul3A_215 = arith.muli %add3A_171, %mul3A_214 : i32
      "tpu.region"() ({
        %run_scoped3A = tpu.sem_alloc : memref<!tpu.dma_semaphore, #tpu.memory_space<semaphore_mem>>
        %dma_start3A_216 = arith.constant 0 : i32
        %dma_start3A_217 = tpu.memref_slice %arg5[%arg0, %mul3A_215, %dma_start3A_216] : memref<2x10000x128xf32, #tpu.memory_space<hbm>> -> memref<1x80x128xf32, #tpu.memory_space<hbm>>
        %dma_start3A_218 = tpu.memref_squeeze %dma_start3A_217 : memref<1x80x128xf32, #tpu.memory_space<hbm>> -> memref<80x128xf32, #tpu.memory_space<hbm>>
        %dma_start3A_219 = arith.constant 0 : i32
        %dma_start3A_220 = tpu.memref_slice %arg9[%mul3A_213, %dma_start3A_219] : memref<10000x128xf32, #tpu.memory_space<vmem_shared>> -> memref<80x128xf32, #tpu.memory_space<vmem_shared>>
        tpu.enqueue_dma source(%dma_start3A_220 : memref<80x128xf32, #tpu.memory_space<vmem_shared>>) target(%dma_start3A_218 : memref<80x128xf32, #tpu.memory_space<hbm>>) target_semaphore(%run_scoped3A : memref<!tpu.dma_semaphore, #tpu.memory_space<semaphore_mem>>)
        %dma_wait3A_221 = arith.constant 0 : i32
        %dma_wait3A_222 = tpu.memref_slice %arg5[%arg0, %mul3A_215, %dma_wait3A_221] : memref<2x10000x128xf32, #tpu.memory_space<hbm>> -> memref<1x80x128xf32, #tpu.memory_space<hbm>>
        %dma_wait3A_223 = tpu.memref_squeeze %dma_wait3A_222 : memref<1x80x128xf32, #tpu.memory_space<hbm>> -> memref<80x128xf32, #tpu.memory_space<hbm>>
        %dma_wait3A_224 = arith.constant 0 : i32
        %dma_wait3A_225 = tpu.memref_slice %arg9[%mul3A_213, %dma_wait3A_224] : memref<10000x128xf32, #tpu.memory_space<vmem_shared>> -> memref<80x128xf32, #tpu.memory_space<vmem_shared>>
        tpu.wait_dma2 semaphore(%run_scoped3A : memref<!tpu.dma_semaphore, #tpu.memory_space<semaphore_mem>>) src(%dma_wait3A_225 : memref<80x128xf32, #tpu.memory_space<vmem_shared>>) dst(%dma_wait3A_223 : memref<80x128xf32, #tpu.memory_space<hbm>>)
        tpu.yield
      }) : () -> ()
    } else {
    }
    %add3A_177 = arith.constant 48 : i32
    %add3A_178 = arith.addi %add3A_177, %arg1 : i32
    %lt3A_179 = arith.constant 125 : i32
    %lt3A_180 = arith.cmpi slt, %add3A_178, %lt3A_179 : i32
    %convert_element_type3A_181 = arith.extui %lt3A_180 : i1 to i32
    %cond3A_182 = arith.constant 0 : i32
    %cond3A_183 = arith.cmpi ne, %convert_element_type3A_181, %cond3A_182 : i32
    scf.if %cond3A_183 {
      %mul3A_212 = arith.constant 80 : i32
      %mul3A_213 = arith.muli %add3A_178, %mul3A_212 : i32
      %mul3A_214 = arith.constant 80 : i32
      %mul3A_215 = arith.muli %add3A_178, %mul3A_214 : i32
      "tpu.region"() ({
        %run_scoped3A = tpu.sem_alloc : memref<!tpu.dma_semaphore, #tpu.memory_space<semaphore_mem>>
        %dma_start3A_216 = arith.constant 0 : i32
        %dma_start3A_217 = tpu.memref_slice %arg5[%arg0, %mul3A_215, %dma_start3A_216] : memref<2x10000x128xf32, #tpu.memory_space<hbm>> -> memref<1x80x128xf32, #tpu.memory_space<hbm>>
        %dma_start3A_218 = tpu.memref_squeeze %dma_start3A_217 : memref<1x80x128xf32, #tpu.memory_space<hbm>> -> memref<80x128xf32, #tpu.memory_space<hbm>>
        %dma_start3A_219 = arith.constant 0 : i32
        %dma_start3A_220 = tpu.memref_slice %arg9[%mul3A_213, %dma_start3A_219] : memref<10000x128xf32, #tpu.memory_space<vmem_shared>> -> memref<80x128xf32, #tpu.memory_space<vmem_shared>>
        tpu.enqueue_dma source(%dma_start3A_220 : memref<80x128xf32, #tpu.memory_space<vmem_shared>>) target(%dma_start3A_218 : memref<80x128xf32, #tpu.memory_space<hbm>>) target_semaphore(%run_scoped3A : memref<!tpu.dma_semaphore, #tpu.memory_space<semaphore_mem>>)
        %dma_wait3A_221 = arith.constant 0 : i32
        %dma_wait3A_222 = tpu.memref_slice %arg5[%arg0, %mul3A_215, %dma_wait3A_221] : memref<2x10000x128xf32, #tpu.memory_space<hbm>> -> memref<1x80x128xf32, #tpu.memory_space<hbm>>
        %dma_wait3A_223 = tpu.memref_squeeze %dma_wait3A_222 : memref<1x80x128xf32, #tpu.memory_space<hbm>> -> memref<80x128xf32, #tpu.memory_space<hbm>>
        %dma_wait3A_224 = arith.constant 0 : i32
        %dma_wait3A_225 = tpu.memref_slice %arg9[%mul3A_213, %dma_wait3A_224] : memref<10000x128xf32, #tpu.memory_space<vmem_shared>> -> memref<80x128xf32, #tpu.memory_space<vmem_shared>>
        tpu.wait_dma2 semaphore(%run_scoped3A : memref<!tpu.dma_semaphore, #tpu.memory_space<semaphore_mem>>) src(%dma_wait3A_225 : memref<80x128xf32, #tpu.memory_space<vmem_shared>>) dst(%dma_wait3A_223 : memref<80x128xf32, #tpu.memory_space<hbm>>)
        tpu.yield
      }) : () -> ()
    } else {
    }
    %add3A_184 = arith.constant 64 : i32
    %add3A_185 = arith.addi %add3A_184, %arg1 : i32
    %lt3A_186 = arith.constant 125 : i32
    %lt3A_187 = arith.cmpi slt, %add3A_185, %lt3A_186 : i32
    %convert_element_type3A_188 = arith.extui %lt3A_187 : i1 to i32
    %cond3A_189 = arith.constant 0 : i32
    %cond3A_190 = arith.cmpi ne, %convert_element_type3A_188, %cond3A_189 : i32
    scf.if %cond3A_190 {
      %mul3A_212 = arith.constant 80 : i32
      %mul3A_213 = arith.muli %add3A_185, %mul3A_212 : i32
      %mul3A_214 = arith.constant 80 : i32
      %mul3A_215 = arith.muli %add3A_185, %mul3A_214 : i32
      "tpu.region"() ({
        %run_scoped3A = tpu.sem_alloc : memref<!tpu.dma_semaphore, #tpu.memory_space<semaphore_mem>>
        %dma_start3A_216 = arith.constant 0 : i32
        %dma_start3A_217 = tpu.memref_slice %arg5[%arg0, %mul3A_215, %dma_start3A_216] : memref<2x10000x128xf32, #tpu.memory_space<hbm>> -> memref<1x80x128xf32, #tpu.memory_space<hbm>>
        %dma_start3A_218 = tpu.memref_squeeze %dma_start3A_217 : memref<1x80x128xf32, #tpu.memory_space<hbm>> -> memref<80x128xf32, #tpu.memory_space<hbm>>
        %dma_start3A_219 = arith.constant 0 : i32
        %dma_start3A_220 = tpu.memref_slice %arg9[%mul3A_213, %dma_start3A_219] : memref<10000x128xf32, #tpu.memory_space<vmem_shared>> -> memref<80x128xf32, #tpu.memory_space<vmem_shared>>
        tpu.enqueue_dma source(%dma_start3A_220 : memref<80x128xf32, #tpu.memory_space<vmem_shared>>) target(%dma_start3A_218 : memref<80x128xf32, #tpu.memory_space<hbm>>) target_semaphore(%run_scoped3A : memref<!tpu.dma_semaphore, #tpu.memory_space<semaphore_mem>>)
        %dma_wait3A_221 = arith.constant 0 : i32
        %dma_wait3A_222 = tpu.memref_slice %arg5[%arg0, %mul3A_215, %dma_wait3A_221] : memref<2x10000x128xf32, #tpu.memory_space<hbm>> -> memref<1x80x128xf32, #tpu.memory_space<hbm>>
        %dma_wait3A_223 = tpu.memref_squeeze %dma_wait3A_222 : memref<1x80x128xf32, #tpu.memory_space<hbm>> -> memref<80x128xf32, #tpu.memory_space<hbm>>
        %dma_wait3A_224 = arith.constant 0 : i32
        %dma_wait3A_225 = tpu.memref_slice %arg9[%mul3A_213, %dma_wait3A_224] : memref<10000x128xf32, #tpu.memory_space<vmem_shared>> -> memref<80x128xf32, #tpu.memory_space<vmem_shared>>
        tpu.wait_dma2 semaphore(%run_scoped3A : memref<!tpu.dma_semaphore, #tpu.memory_space<semaphore_mem>>) src(%dma_wait3A_225 : memref<80x128xf32, #tpu.memory_space<vmem_shared>>) dst(%dma_wait3A_223 : memref<80x128xf32, #tpu.memory_space<hbm>>)
        tpu.yield
      }) : () -> ()
    } else {
    }
    %add3A_191 = arith.constant 80 : i32
    %add3A_192 = arith.addi %add3A_191, %arg1 : i32
    %lt3A_193 = arith.constant 125 : i32
    %lt3A_194 = arith.cmpi slt, %add3A_192, %lt3A_193 : i32
    %convert_element_type3A_195 = arith.extui %lt3A_194 : i1 to i32
    %cond3A_196 = arith.constant 0 : i32
    %cond3A_197 = arith.cmpi ne, %convert_element_type3A_195, %cond3A_196 : i32
    scf.if %cond3A_197 {
      %mul3A_212 = arith.constant 80 : i32
      %mul3A_213 = arith.muli %add3A_192, %mul3A_212 : i32
      %mul3A_214 = arith.constant 80 : i32
      %mul3A_215 = arith.muli %add3A_192, %mul3A_214 : i32
      "tpu.region"() ({
        %run_scoped3A = tpu.sem_alloc : memref<!tpu.dma_semaphore, #tpu.memory_space<semaphore_mem>>
        %dma_start3A_216 = arith.constant 0 : i32
        %dma_start3A_217 = tpu.memref_slice %arg5[%arg0, %mul3A_215, %dma_start3A_216] : memref<2x10000x128xf32, #tpu.memory_space<hbm>> -> memref<1x80x128xf32, #tpu.memory_space<hbm>>
        %dma_start3A_218 = tpu.memref_squeeze %dma_start3A_217 : memref<1x80x128xf32, #tpu.memory_space<hbm>> -> memref<80x128xf32, #tpu.memory_space<hbm>>
        %dma_start3A_219 = arith.constant 0 : i32
        %dma_start3A_220 = tpu.memref_slice %arg9[%mul3A_213, %dma_start3A_219] : memref<10000x128xf32, #tpu.memory_space<vmem_shared>> -> memref<80x128xf32, #tpu.memory_space<vmem_shared>>
        tpu.enqueue_dma source(%dma_start3A_220 : memref<80x128xf32, #tpu.memory_space<vmem_shared>>) target(%dma_start3A_218 : memref<80x128xf32, #tpu.memory_space<hbm>>) target_semaphore(%run_scoped3A : memref<!tpu.dma_semaphore, #tpu.memory_space<semaphore_mem>>)
        %dma_wait3A_221 = arith.constant 0 : i32
        %dma_wait3A_222 = tpu.memref_slice %arg5[%arg0, %mul3A_215, %dma_wait3A_221] : memref<2x10000x128xf32, #tpu.memory_space<hbm>> -> memref<1x80x128xf32, #tpu.memory_space<hbm>>
        %dma_wait3A_223 = tpu.memref_squeeze %dma_wait3A_222 : memref<1x80x128xf32, #tpu.memory_space<hbm>> -> memref<80x128xf32, #tpu.memory_space<hbm>>
        %dma_wait3A_224 = arith.constant 0 : i32
        %dma_wait3A_225 = tpu.memref_slice %arg9[%mul3A_213, %dma_wait3A_224] : memref<10000x128xf32, #tpu.memory_space<vmem_shared>> -> memref<80x128xf32, #tpu.memory_space<vmem_shared>>
        tpu.wait_dma2 semaphore(%run_scoped3A : memref<!tpu.dma_semaphore, #tpu.memory_space<semaphore_mem>>) src(%dma_wait3A_225 : memref<80x128xf32, #tpu.memory_space<vmem_shared>>) dst(%dma_wait3A_223 : memref<80x128xf32, #tpu.memory_space<hbm>>)
        tpu.yield
      }) : () -> ()
    } else {
    }
    %add3A_198 = arith.constant 96 : i32
    %add3A_199 = arith.addi %add3A_198, %arg1 : i32
    %lt3A_200 = arith.constant 125 : i32
    %lt3A_201 = arith.cmpi slt, %add3A_199, %lt3A_200 : i32
    %convert_element_type3A_202 = arith.extui %lt3A_201 : i1 to i32
    %cond3A_203 = arith.constant 0 : i32
    %cond3A_204 = arith.cmpi ne, %convert_element_type3A_202, %cond3A_203 : i32
    scf.if %cond3A_204 {
      %mul3A_212 = arith.constant 80 : i32
      %mul3A_213 = arith.muli %add3A_199, %mul3A_212 : i32
      %mul3A_214 = arith.constant 80 : i32
      %mul3A_215 = arith.muli %add3A_199, %mul3A_214 : i32
      "tpu.region"() ({
        %run_scoped3A = tpu.sem_alloc : memref<!tpu.dma_semaphore, #tpu.memory_space<semaphore_mem>>
        %dma_start3A_216 = arith.constant 0 : i32
        %dma_start3A_217 = tpu.memref_slice %arg5[%arg0, %mul3A_215, %dma_start3A_216] : memref<2x10000x128xf32, #tpu.memory_space<hbm>> -> memref<1x80x128xf32, #tpu.memory_space<hbm>>
        %dma_start3A_218 = tpu.memref_squeeze %dma_start3A_217 : memref<1x80x128xf32, #tpu.memory_space<hbm>> -> memref<80x128xf32, #tpu.memory_space<hbm>>
        %dma_start3A_219 = arith.constant 0 : i32
        %dma_start3A_220 = tpu.memref_slice %arg9[%mul3A_213, %dma_start3A_219] : memref<10000x128xf32, #tpu.memory_space<vmem_shared>> -> memref<80x128xf32, #tpu.memory_space<vmem_shared>>
        tpu.enqueue_dma source(%dma_start3A_220 : memref<80x128xf32, #tpu.memory_space<vmem_shared>>) target(%dma_start3A_218 : memref<80x128xf32, #tpu.memory_space<hbm>>) target_semaphore(%run_scoped3A : memref<!tpu.dma_semaphore, #tpu.memory_space<semaphore_mem>>)
        %dma_wait3A_221 = arith.constant 0 : i32
        %dma_wait3A_222 = tpu.memref_slice %arg5[%arg0, %mul3A_215, %dma_wait3A_221] : memref<2x10000x128xf32, #tpu.memory_space<hbm>> -> memref<1x80x128xf32, #tpu.memory_space<hbm>>
        %dma_wait3A_223 = tpu.memref_squeeze %dma_wait3A_222 : memref<1x80x128xf32, #tpu.memory_space<hbm>> -> memref<80x128xf32, #tpu.memory_space<hbm>>
        %dma_wait3A_224 = arith.constant 0 : i32
        %dma_wait3A_225 = tpu.memref_slice %arg9[%mul3A_213, %dma_wait3A_224] : memref<10000x128xf32, #tpu.memory_space<vmem_shared>> -> memref<80x128xf32, #tpu.memory_space<vmem_shared>>
        tpu.wait_dma2 semaphore(%run_scoped3A : memref<!tpu.dma_semaphore, #tpu.memory_space<semaphore_mem>>) src(%dma_wait3A_225 : memref<80x128xf32, #tpu.memory_space<vmem_shared>>) dst(%dma_wait3A_223 : memref<80x128xf32, #tpu.memory_space<hbm>>)
        tpu.yield
      }) : () -> ()
    } else {
    }
    %add3A_205 = arith.constant 112 : i32
    %add3A_206 = arith.addi %add3A_205, %arg1 : i32
    %lt3A_207 = arith.constant 125 : i32
    %lt3A_208 = arith.cmpi slt, %add3A_206, %lt3A_207 : i32
    %convert_element_type3A_209 = arith.extui %lt3A_208 : i1 to i32
    %cond3A_210 = arith.constant 0 : i32
    %cond3A_211 = arith.cmpi ne, %convert_element_type3A_209, %cond3A_210 : i32
    scf.if %cond3A_211 {
      %mul3A_212 = arith.constant 80 : i32
      %mul3A_213 = arith.muli %add3A_206, %mul3A_212 : i32
      %mul3A_214 = arith.constant 80 : i32
      %mul3A_215 = arith.muli %add3A_206, %mul3A_214 : i32
      "tpu.region"() ({
        %run_scoped3A = tpu.sem_alloc : memref<!tpu.dma_semaphore, #tpu.memory_space<semaphore_mem>>
        %dma_start3A_216 = arith.constant 0 : i32
        %dma_start3A_217 = tpu.memref_slice %arg5[%arg0, %mul3A_215, %dma_start3A_216] : memref<2x10000x128xf32, #tpu.memory_space<hbm>> -> memref<1x80x128xf32, #tpu.memory_space<hbm>>
        %dma_start3A_218 = tpu.memref_squeeze %dma_start3A_217 : memref<1x80x128xf32, #tpu.memory_space<hbm>> -> memref<80x128xf32, #tpu.memory_space<hbm>>
        %dma_start3A_219 = arith.constant 0 : i32
        %dma_start3A_220 = tpu.memref_slice %arg9[%mul3A_213, %dma_start3A_219] : memref<10000x128xf32, #tpu.memory_space<vmem_shared>> -> memref<80x128xf32, #tpu.memory_space<vmem_shared>>
        tpu.enqueue_dma source(%dma_start3A_220 : memref<80x128xf32, #tpu.memory_space<vmem_shared>>) target(%dma_start3A_218 : memref<80x128xf32, #tpu.memory_space<hbm>>) target_semaphore(%run_scoped3A : memref<!tpu.dma_semaphore, #tpu.memory_space<semaphore_mem>>)
        %dma_wait3A_221 = arith.constant 0 : i32
        %dma_wait3A_222 = tpu.memref_slice %arg5[%arg0, %mul3A_215, %dma_wait3A_221] : memref<2x10000x128xf32, #tpu.memory_space<hbm>> -> memref<1x80x128xf32, #tpu.memory_space<hbm>>
        %dma_wait3A_223 = tpu.memref_squeeze %dma_wait3A_222 : memref<1x80x128xf32, #tpu.memory_space<hbm>> -> memref<80x128xf32, #tpu.memory_space<hbm>>
        %dma_wait3A_224 = arith.constant 0 : i32
        %dma_wait3A_225 = tpu.memref_slice %arg9[%mul3A_213, %dma_wait3A_224] : memref<10000x128xf32, #tpu.memory_space<vmem_shared>> -> memref<80x128xf32, #tpu.memory_space<vmem_shared>>
        tpu.wait_dma2 semaphore(%run_scoped3A : memref<!tpu.dma_semaphore, #tpu.memory_space<semaphore_mem>>) src(%dma_wait3A_225 : memref<80x128xf32, #tpu.memory_space<vmem_shared>>) dst(%dma_wait3A_223 : memref<80x128xf32, #tpu.memory_space<hbm>>)
        tpu.yield
      }) : () -> ()
    } else {
    }
    return
  }
}

#map = affine_map<(d0, d1) -> (0, 0)>
#map1 = affine_map<(d0, d1) -> (0, 0, 0)>
module attributes {stable_mosaic.version = 14 : i64} {
  func.func @_sc_edge_body(%arg0: i32, %arg1: i32, %arg2: memref<10000x128xf32, #tpu.memory_space<hbm>>, %arg3: memref<160000x128xi32, #tpu.memory_space<hbm>>, %arg4: memref<2500x2x128xi32, #tpu.memory_space<hbm>>, %arg5: memref<2x10000x128xf32, #tpu.memory_space<hbm>>, %arg6: memref<4x2x128xi32, #tpu.memory_space<vmem>>, %arg7: memref<2x64x128xi32, #tpu.memory_space<vmem>>, %arg8: memref<2x128x128xf32, #tpu.memory_space<vmem>>, %arg9: memref<10000x128xf32, #tpu.memory_space<vmem_shared>>, %arg10: memref<!tpu.dma_semaphore, #tpu.memory_space<semaphore_mem>>, %arg11: memref<!tpu.dma_semaphore, #tpu.memory_space<semaphore_mem>>, %arg12: memref<!tpu.dma_semaphore, #tpu.memory_space<semaphore_mem>>, %arg13: memref<!tpu.dma_semaphore, #tpu.memory_space<semaphore_mem>>) attributes {dimension_semantics = [#tpu.dimension_semantics<core_parallel>, #tpu.dimension_semantics<subcore_parallel>], iteration_bounds = array<i64: 2, 16>, scalar_prefetch = 0 : i64, scratch_operands = 8 : i64, tpu.core_type = #tpu.core_type<sc_vector_subcore>, window_params = [{transform_indices = #map}, {transform_indices = #map}, {transform_indices = #map1}, {transform_indices = #map1}]} {
    %mul3A = arith.constant 2 : i32
    %mul3A_0 = arith.muli %arg1, %mul3A : i32
    %add3A = arith.addi %mul3A_0, %arg0 : i32
    %broadcast_in_dim3A = arith.constant 0.000000e+00 : f32
    %broadcast_in_dim3A_1 = vector.broadcast %broadcast_in_dim3A : f32 to vector<16xf32>
    %scan3A = arith.constant 0 : i32
    %scan3A_2 = arith.constant 80 : i32
    %scan3A_3 = arith.addi %scan3A, %scan3A_2 : i32
    %scan3A_4 = arith.constant 1 : i32
    scf.for %scan3A_212 = %scan3A to %scan3A_3 step %scan3A_4  : i32 {
      %mul3A_213 = arith.constant 1 : i32
      %mul3A_214 = arith.muli %scan3A_212, %mul3A_213 : i32
      %add3A_215 = arith.constant 0 : i32
      %add3A_216 = arith.addi %add3A_215, %mul3A_214 : i32
      %swap3A = arith.constant 0 : i32
      %swap3A_217 = arith.index_cast %swap3A : i32 to index
      %swap3A_218 = arith.index_cast %add3A_216 : i32 to index
      %swap3A_219 = arith.constant 0 : index
      %swap3A_220 = tpu.vector_load %arg8[%swap3A_217, %swap3A_218, %swap3A_219] {strides = array<i32>} : memref<2x128x128xf32, #tpu.memory_space<vmem>>, vector<1x1x16xf32>,
      %swap3A_221 = vector.shape_cast %swap3A_220 : vector<1x1x16xf32> to vector<16xf32>
      %swap3A_222 = vector.shape_cast %broadcast_in_dim3A_1 : vector<16xf32> to vector<1x1x16xf32>
      tpu.vector_store %arg8[%swap3A_217, %swap3A_218, %swap3A_219], %swap3A_222 {strides = array<i32>} : memref<2x128x128xf32, #tpu.memory_space<vmem>>, vector<1x1x16xf32>,
      %swap3A_223 = arith.constant 0 : i32
      %swap3A_224 = arith.index_cast %swap3A_223 : i32 to index
      %swap3A_225 = arith.index_cast %add3A_216 : i32 to index
      %swap3A_226 = arith.constant 16 : index
      %swap3A_227 = tpu.vector_load %arg8[%swap3A_224, %swap3A_225, %swap3A_226] {strides = array<i32>} : memref<2x128x128xf32, #tpu.memory_space<vmem>>, vector<1x1x16xf32>,
      %swap3A_228 = vector.shape_cast %swap3A_227 : vector<1x1x16xf32> to vector<16xf32>
      %swap3A_229 = vector.shape_cast %broadcast_in_dim3A_1 : vector<16xf32> to vector<1x1x16xf32>
      tpu.vector_store %arg8[%swap3A_224, %swap3A_225, %swap3A_226], %swap3A_229 {strides = array<i32>} : memref<2x128x128xf32, #tpu.memory_space<vmem>>, vector<1x1x16xf32>,
      %swap3A_230 = arith.constant 0 : i32
      %swap3A_231 = arith.index_cast %swap3A_230 : i32 to index
      %swap3A_232 = arith.index_cast %add3A_216 : i32 to index
      %swap3A_233 = arith.constant 32 : index
      %swap3A_234 = tpu.vector_load %arg8[%swap3A_231, %swap3A_232, %swap3A_233] {strides = array<i32>} : memref<2x128x128xf32, #tpu.memory_space<vmem>>, vector<1x1x16xf32>,
      %swap3A_235 = vector.shape_cast %swap3A_234 : vector<1x1x16xf32> to vector<16xf32>
      %swap3A_236 = vector.shape_cast %broadcast_in_dim3A_1 : vector<16xf32> to vector<1x1x16xf32>
      tpu.vector_store %arg8[%swap3A_231, %swap3A_232, %swap3A_233], %swap3A_236 {strides = array<i32>} : memref<2x128x128xf32, #tpu.memory_space<vmem>>, vector<1x1x16xf32>,
      %swap3A_237 = arith.constant 0 : i32
      %swap3A_238 = arith.index_cast %swap3A_237 : i32 to index
      %swap3A_239 = arith.index_cast %add3A_216 : i32 to index
      %swap3A_240 = arith.constant 48 : index
      %swap3A_241 = tpu.vector_load %arg8[%swap3A_238, %swap3A_239, %swap3A_240] {strides = array<i32>} : memref<2x128x128xf32, #tpu.memory_space<vmem>>, vector<1x1x16xf32>,
      %swap3A_242 = vector.shape_cast %swap3A_241 : vector<1x1x16xf32> to vector<16xf32>
      %swap3A_243 = vector.shape_cast %broadcast_in_dim3A_1 : vector<16xf32> to vector<1x1x16xf32>
      tpu.vector_store %arg8[%swap3A_238, %swap3A_239, %swap3A_240], %swap3A_243 {strides = array<i32>} : memref<2x128x128xf32, #tpu.memory_space<vmem>>, vector<1x1x16xf32>,
      %swap3A_244 = arith.constant 0 : i32
      %swap3A_245 = arith.index_cast %swap3A_244 : i32 to index
      %swap3A_246 = arith.index_cast %add3A_216 : i32 to index
      %swap3A_247 = arith.constant 64 : index
      %swap3A_248 = tpu.vector_load %arg8[%swap3A_245, %swap3A_246, %swap3A_247] {strides = array<i32>} : memref<2x128x128xf32, #tpu.memory_space<vmem>>, vector<1x1x16xf32>,
      %swap3A_249 = vector.shape_cast %swap3A_248 : vector<1x1x16xf32> to vector<16xf32>
      %swap3A_250 = vector.shape_cast %broadcast_in_dim3A_1 : vector<16xf32> to vector<1x1x16xf32>
      tpu.vector_store %arg8[%swap3A_245, %swap3A_246, %swap3A_247], %swap3A_250 {strides = array<i32>} : memref<2x128x128xf32, #tpu.memory_space<vmem>>, vector<1x1x16xf32>,
      %swap3A_251 = arith.constant 0 : i32
      %swap3A_252 = arith.index_cast %swap3A_251 : i32 to index
      %swap3A_253 = arith.index_cast %add3A_216 : i32 to index
      %swap3A_254 = arith.constant 80 : index
      %swap3A_255 = tpu.vector_load %arg8[%swap3A_252, %swap3A_253, %swap3A_254] {strides = array<i32>} : memref<2x128x128xf32, #tpu.memory_space<vmem>>, vector<1x1x16xf32>,
      %swap3A_256 = vector.shape_cast %swap3A_255 : vector<1x1x16xf32> to vector<16xf32>
      %swap3A_257 = vector.shape_cast %broadcast_in_dim3A_1 : vector<16xf32> to vector<1x1x16xf32>
      tpu.vector_store %arg8[%swap3A_252, %swap3A_253, %swap3A_254], %swap3A_257 {strides = array<i32>} : memref<2x128x128xf32, #tpu.memory_space<vmem>>, vector<1x1x16xf32>,
      %swap3A_258 = arith.constant 0 : i32
      %swap3A_259 = arith.index_cast %swap3A_258 : i32 to index
      %swap3A_260 = arith.index_cast %add3A_216 : i32 to index
      %swap3A_261 = arith.constant 96 : index
      %swap3A_262 = tpu.vector_load %arg8[%swap3A_259, %swap3A_260, %swap3A_261] {strides = array<i32>} : memref<2x128x128xf32, #tpu.memory_space<vmem>>, vector<1x1x16xf32>,
      %swap3A_263 = vector.shape_cast %swap3A_262 : vector<1x1x16xf32> to vector<16xf32>
      %swap3A_264 = vector.shape_cast %broadcast_in_dim3A_1 : vector<16xf32> to vector<1x1x16xf32>
      tpu.vector_store %arg8[%swap3A_259, %swap3A_260, %swap3A_261], %swap3A_264 {strides = array<i32>} : memref<2x128x128xf32, #tpu.memory_space<vmem>>, vector<1x1x16xf32>,
      %swap3A_265 = arith.constant 0 : i32
      %swap3A_266 = arith.index_cast %swap3A_265 : i32 to index
      %swap3A_267 = arith.index_cast %add3A_216 : i32 to index
      %swap3A_268 = arith.constant 112 : index
      %swap3A_269 = tpu.vector_load %arg8[%swap3A_266, %swap3A_267, %swap3A_268] {strides = array<i32>} : memref<2x128x128xf32, #tpu.memory_space<vmem>>, vector<1x1x16xf32>,
      %swap3A_270 = vector.shape_cast %swap3A_269 : vector<1x1x16xf32> to vector<16xf32>
      %swap3A_271 = vector.shape_cast %broadcast_in_dim3A_1 : vector<16xf32> to vector<1x1x16xf32>
      tpu.vector_store %arg8[%swap3A_266, %swap3A_267, %swap3A_268], %swap3A_271 {strides = array<i32>} : memref<2x128x128xf32, #tpu.memory_space<vmem>>, vector<1x1x16xf32>,
    }
    %scan3A_5 = arith.constant 80 : i32
    %add3A_6 = arith.constant 0 : i32
    %add3A_7 = arith.addi %add3A_6, %arg1 : i32
    %lt3A = arith.constant 125 : i32
    %lt3A_8 = arith.cmpi slt, %add3A_7, %lt3A : i32
    %convert_element_type3A = arith.extui %lt3A_8 : i1 to i32
    %cond3A = arith.constant 0 : i32
    %cond3A_9 = arith.cmpi ne, %convert_element_type3A, %cond3A : i32
    scf.if %cond3A_9 {
      %mul3A_212 = arith.constant 80 : i32
      %mul3A_213 = arith.muli %add3A_7, %mul3A_212 : i32
      %run_scoped3A = arith.constant 0 : i32
      "tpu.region"() ({
        %run_scoped3A_214 = tpu.sem_alloc : memref<!tpu.dma_semaphore, #tpu.memory_space<semaphore_mem>>
        %dma_start3A_215 = arith.constant 0 : i32
        %dma_start3A_216 = arith.constant 0 : i32
        %dma_start3A_217 = tpu.memref_slice %arg8[%run_scoped3A, %dma_start3A_215, %dma_start3A_216] : memref<2x128x128xf32, #tpu.memory_space<vmem>> -> memref<1x80x128xf32, #tpu.memory_space<vmem>>
        %dma_start3A_218 = tpu.memref_squeeze %dma_start3A_217 : memref<1x80x128xf32, #tpu.memory_space<vmem>> -> memref<80x128xf32, #tpu.memory_space<vmem>>
        %dma_start3A_219 = arith.constant 0 : i32
        %dma_start3A_220 = tpu.memref_slice %arg9[%mul3A_213, %dma_start3A_219] : memref<10000x128xf32, #tpu.memory_space<vmem_shared>> -> memref<80x128xf32, #tpu.memory_space<vmem_shared>>
        %dma_start3A_221 = arith.constant 0 : i32
        %dma_start3A_222 = tpu.memref_slice %arg9[%mul3A_213, %dma_start3A_221] : memref<10000x128xf32, #tpu.memory_space<vmem_shared>> -> memref<80x128xf32, #tpu.memory_space<vmem_shared>>
        %dma_start3A_223 = arith.constant 0 : i32
        %dma_start3A_224 = arith.constant 0 : i32
        %dma_start3A_225 = tpu.memref_slice %arg8[%run_scoped3A, %dma_start3A_223, %dma_start3A_224] : memref<2x128x128xf32, #tpu.memory_space<vmem>> -> memref<1x80x128xf32, #tpu.memory_space<vmem>>
        %dma_start3A_226 = tpu.memref_squeeze %dma_start3A_225 : memref<1x80x128xf32, #tpu.memory_space<vmem>> -> memref<80x128xf32, #tpu.memory_space<vmem>>
        tpu.enqueue_dma source(%dma_start3A_226 : memref<80x128xf32, #tpu.memory_space<vmem>>) target(%dma_start3A_222 : memref<80x128xf32, #tpu.memory_space<vmem_shared>>) target_semaphore(%run_scoped3A_214 : memref<!tpu.dma_semaphore, #tpu.memory_space<semaphore_mem>>)
        %dma_wait3A_227 = arith.constant 0 : i32
        %dma_wait3A_228 = arith.constant 0 : i32
        %dma_wait3A_229 = tpu.memref_slice %arg8[%run_scoped3A, %dma_wait3A_227, %dma_wait3A_228] : memref<2x128x128xf32, #tpu.memory_space<vmem>> -> memref<1x80x128xf32, #tpu.memory_space<vmem>>
        %dma_wait3A_230 = tpu.memref_squeeze %dma_wait3A_229 : memref<1x80x128xf32, #tpu.memory_space<vmem>> -> memref<80x128xf32, #tpu.memory_space<vmem>>
        %dma_wait3A_231 = arith.constant 0 : i32
        %dma_wait3A_232 = tpu.memref_slice %arg9[%mul3A_213, %dma_wait3A_231] : memref<10000x128xf32, #tpu.memory_space<vmem_shared>> -> memref<80x128xf32, #tpu.memory_space<vmem_shared>>
        %dma_wait3A_233 = arith.constant 0 : i32
        %dma_wait3A_234 = tpu.memref_slice %arg9[%mul3A_213, %dma_wait3A_233] : memref<10000x128xf32, #tpu.memory_space<vmem_shared>> -> memref<80x128xf32, #tpu.memory_space<vmem_shared>>
        %dma_wait3A_235 = arith.constant 0 : i32
        %dma_wait3A_236 = arith.constant 0 : i32
        %dma_wait3A_237 = tpu.memref_slice %arg8[%run_scoped3A, %dma_wait3A_235, %dma_wait3A_236] : memref<2x128x128xf32, #tpu.memory_space<vmem>> -> memref<1x80x128xf32, #tpu.memory_space<vmem>>
        %dma_wait3A_238 = tpu.memref_squeeze %dma_wait3A_237 : memref<1x80x128xf32, #tpu.memory_space<vmem>> -> memref<80x128xf32, #tpu.memory_space<vmem>>
        tpu.wait_dma2 semaphore(%run_scoped3A_214 : memref<!tpu.dma_semaphore, #tpu.memory_space<semaphore_mem>>) src(%dma_wait3A_238 : memref<80x128xf32, #tpu.memory_space<vmem>>) dst(%dma_wait3A_234 : memref<80x128xf32, #tpu.memory_space<vmem_shared>>)
        tpu.yield
      }) : () -> ()
    } else {
    }
    %add3A_10 = arith.constant 16 : i32
    %add3A_11 = arith.addi %add3A_10, %arg1 : i32
    %lt3A_12 = arith.constant 125 : i32
    %lt3A_13 = arith.cmpi slt, %add3A_11, %lt3A_12 : i32
    %convert_element_type3A_14 = arith.extui %lt3A_13 : i1 to i32
    %cond3A_15 = arith.constant 0 : i32
    %cond3A_16 = arith.cmpi ne, %convert_element_type3A_14, %cond3A_15 : i32
    scf.if %cond3A_16 {
      %mul3A_212 = arith.constant 80 : i32
      %mul3A_213 = arith.muli %add3A_11, %mul3A_212 : i32
      %run_scoped3A = arith.constant 0 : i32
      "tpu.region"() ({
        %run_scoped3A_214 = tpu.sem_alloc : memref<!tpu.dma_semaphore, #tpu.memory_space<semaphore_mem>>
        %dma_start3A_215 = arith.constant 0 : i32
        %dma_start3A_216 = arith.constant 0 : i32
        %dma_start3A_217 = tpu.memref_slice %arg8[%run_scoped3A, %dma_start3A_215, %dma_start3A_216] : memref<2x128x128xf32, #tpu.memory_space<vmem>> -> memref<1x80x128xf32, #tpu.memory_space<vmem>>
        %dma_start3A_218 = tpu.memref_squeeze %dma_start3A_217 : memref<1x80x128xf32, #tpu.memory_space<vmem>> -> memref<80x128xf32, #tpu.memory_space<vmem>>
        %dma_start3A_219 = arith.constant 0 : i32
        %dma_start3A_220 = tpu.memref_slice %arg9[%mul3A_213, %dma_start3A_219] : memref<10000x128xf32, #tpu.memory_space<vmem_shared>> -> memref<80x128xf32, #tpu.memory_space<vmem_shared>>
        %dma_start3A_221 = arith.constant 0 : i32
        %dma_start3A_222 = tpu.memref_slice %arg9[%mul3A_213, %dma_start3A_221] : memref<10000x128xf32, #tpu.memory_space<vmem_shared>> -> memref<80x128xf32, #tpu.memory_space<vmem_shared>>
        %dma_start3A_223 = arith.constant 0 : i32
        %dma_start3A_224 = arith.constant 0 : i32
        %dma_start3A_225 = tpu.memref_slice %arg8[%run_scoped3A, %dma_start3A_223, %dma_start3A_224] : memref<2x128x128xf32, #tpu.memory_space<vmem>> -> memref<1x80x128xf32, #tpu.memory_space<vmem>>
        %dma_start3A_226 = tpu.memref_squeeze %dma_start3A_225 : memref<1x80x128xf32, #tpu.memory_space<vmem>> -> memref<80x128xf32, #tpu.memory_space<vmem>>
        tpu.enqueue_dma source(%dma_start3A_226 : memref<80x128xf32, #tpu.memory_space<vmem>>) target(%dma_start3A_222 : memref<80x128xf32, #tpu.memory_space<vmem_shared>>) target_semaphore(%run_scoped3A_214 : memref<!tpu.dma_semaphore, #tpu.memory_space<semaphore_mem>>)
        %dma_wait3A_227 = arith.constant 0 : i32
        %dma_wait3A_228 = arith.constant 0 : i32
        %dma_wait3A_229 = tpu.memref_slice %arg8[%run_scoped3A, %dma_wait3A_227, %dma_wait3A_228] : memref<2x128x128xf32, #tpu.memory_space<vmem>> -> memref<1x80x128xf32, #tpu.memory_space<vmem>>
        %dma_wait3A_230 = tpu.memref_squeeze %dma_wait3A_229 : memref<1x80x128xf32, #tpu.memory_space<vmem>> -> memref<80x128xf32, #tpu.memory_space<vmem>>
        %dma_wait3A_231 = arith.constant 0 : i32
        %dma_wait3A_232 = tpu.memref_slice %arg9[%mul3A_213, %dma_wait3A_231] : memref<10000x128xf32, #tpu.memory_space<vmem_shared>> -> memref<80x128xf32, #tpu.memory_space<vmem_shared>>
        %dma_wait3A_233 = arith.constant 0 : i32
        %dma_wait3A_234 = tpu.memref_slice %arg9[%mul3A_213, %dma_wait3A_233] : memref<10000x128xf32, #tpu.memory_space<vmem_shared>> -> memref<80x128xf32, #tpu.memory_space<vmem_shared>>
        %dma_wait3A_235 = arith.constant 0 : i32
        %dma_wait3A_236 = arith.constant 0 : i32
        %dma_wait3A_237 = tpu.memref_slice %arg8[%run_scoped3A, %dma_wait3A_235, %dma_wait3A_236] : memref<2x128x128xf32, #tpu.memory_space<vmem>> -> memref<1x80x128xf32, #tpu.memory_space<vmem>>
        %dma_wait3A_238 = tpu.memref_squeeze %dma_wait3A_237 : memref<1x80x128xf32, #tpu.memory_space<vmem>> -> memref<80x128xf32, #tpu.memory_space<vmem>>
        tpu.wait_dma2 semaphore(%run_scoped3A_214 : memref<!tpu.dma_semaphore, #tpu.memory_space<semaphore_mem>>) src(%dma_wait3A_238 : memref<80x128xf32, #tpu.memory_space<vmem>>) dst(%dma_wait3A_234 : memref<80x128xf32, #tpu.memory_space<vmem_shared>>)
        tpu.yield
      }) : () -> ()
    } else {
    }
    %add3A_17 = arith.constant 32 : i32
    %add3A_18 = arith.addi %add3A_17, %arg1 : i32
    %lt3A_19 = arith.constant 125 : i32
    %lt3A_20 = arith.cmpi slt, %add3A_18, %lt3A_19 : i32
    %convert_element_type3A_21 = arith.extui %lt3A_20 : i1 to i32
    %cond3A_22 = arith.constant 0 : i32
    %cond3A_23 = arith.cmpi ne, %convert_element_type3A_21, %cond3A_22 : i32
    scf.if %cond3A_23 {
      %mul3A_212 = arith.constant 80 : i32
      %mul3A_213 = arith.muli %add3A_18, %mul3A_212 : i32
      %run_scoped3A = arith.constant 0 : i32
      "tpu.region"() ({
        %run_scoped3A_214 = tpu.sem_alloc : memref<!tpu.dma_semaphore, #tpu.memory_space<semaphore_mem>>
        %dma_start3A_215 = arith.constant 0 : i32
        %dma_start3A_216 = arith.constant 0 : i32
        %dma_start3A_217 = tpu.memref_slice %arg8[%run_scoped3A, %dma_start3A_215, %dma_start3A_216] : memref<2x128x128xf32, #tpu.memory_space<vmem>> -> memref<1x80x128xf32, #tpu.memory_space<vmem>>
        %dma_start3A_218 = tpu.memref_squeeze %dma_start3A_217 : memref<1x80x128xf32, #tpu.memory_space<vmem>> -> memref<80x128xf32, #tpu.memory_space<vmem>>
        %dma_start3A_219 = arith.constant 0 : i32
        %dma_start3A_220 = tpu.memref_slice %arg9[%mul3A_213, %dma_start3A_219] : memref<10000x128xf32, #tpu.memory_space<vmem_shared>> -> memref<80x128xf32, #tpu.memory_space<vmem_shared>>
        %dma_start3A_221 = arith.constant 0 : i32
        %dma_start3A_222 = tpu.memref_slice %arg9[%mul3A_213, %dma_start3A_221] : memref<10000x128xf32, #tpu.memory_space<vmem_shared>> -> memref<80x128xf32, #tpu.memory_space<vmem_shared>>
        %dma_start3A_223 = arith.constant 0 : i32
        %dma_start3A_224 = arith.constant 0 : i32
        %dma_start3A_225 = tpu.memref_slice %arg8[%run_scoped3A, %dma_start3A_223, %dma_start3A_224] : memref<2x128x128xf32, #tpu.memory_space<vmem>> -> memref<1x80x128xf32, #tpu.memory_space<vmem>>
        %dma_start3A_226 = tpu.memref_squeeze %dma_start3A_225 : memref<1x80x128xf32, #tpu.memory_space<vmem>> -> memref<80x128xf32, #tpu.memory_space<vmem>>
        tpu.enqueue_dma source(%dma_start3A_226 : memref<80x128xf32, #tpu.memory_space<vmem>>) target(%dma_start3A_222 : memref<80x128xf32, #tpu.memory_space<vmem_shared>>) target_semaphore(%run_scoped3A_214 : memref<!tpu.dma_semaphore, #tpu.memory_space<semaphore_mem>>)
        %dma_wait3A_227 = arith.constant 0 : i32
        %dma_wait3A_228 = arith.constant 0 : i32
        %dma_wait3A_229 = tpu.memref_slice %arg8[%run_scoped3A, %dma_wait3A_227, %dma_wait3A_228] : memref<2x128x128xf32, #tpu.memory_space<vmem>> -> memref<1x80x128xf32, #tpu.memory_space<vmem>>
        %dma_wait3A_230 = tpu.memref_squeeze %dma_wait3A_229 : memref<1x80x128xf32, #tpu.memory_space<vmem>> -> memref<80x128xf32, #tpu.memory_space<vmem>>
        %dma_wait3A_231 = arith.constant 0 : i32
        %dma_wait3A_232 = tpu.memref_slice %arg9[%mul3A_213, %dma_wait3A_231] : memref<10000x128xf32, #tpu.memory_space<vmem_shared>> -> memref<80x128xf32, #tpu.memory_space<vmem_shared>>
        %dma_wait3A_233 = arith.constant 0 : i32
        %dma_wait3A_234 = tpu.memref_slice %arg9[%mul3A_213, %dma_wait3A_233] : memref<10000x128xf32, #tpu.memory_space<vmem_shared>> -> memref<80x128xf32, #tpu.memory_space<vmem_shared>>
        %dma_wait3A_235 = arith.constant 0 : i32
        %dma_wait3A_236 = arith.constant 0 : i32
        %dma_wait3A_237 = tpu.memref_slice %arg8[%run_scoped3A, %dma_wait3A_235, %dma_wait3A_236] : memref<2x128x128xf32, #tpu.memory_space<vmem>> -> memref<1x80x128xf32, #tpu.memory_space<vmem>>
        %dma_wait3A_238 = tpu.memref_squeeze %dma_wait3A_237 : memref<1x80x128xf32, #tpu.memory_space<vmem>> -> memref<80x128xf32, #tpu.memory_space<vmem>>
        tpu.wait_dma2 semaphore(%run_scoped3A_214 : memref<!tpu.dma_semaphore, #tpu.memory_space<semaphore_mem>>) src(%dma_wait3A_238 : memref<80x128xf32, #tpu.memory_space<vmem>>) dst(%dma_wait3A_234 : memref<80x128xf32, #tpu.memory_space<vmem_shared>>)
        tpu.yield
      }) : () -> ()
    } else {
    }
    %add3A_24 = arith.constant 48 : i32
    %add3A_25 = arith.addi %add3A_24, %arg1 : i32
    %lt3A_26 = arith.constant 125 : i32
    %lt3A_27 = arith.cmpi slt, %add3A_25, %lt3A_26 : i32
    %convert_element_type3A_28 = arith.extui %lt3A_27 : i1 to i32
    %cond3A_29 = arith.constant 0 : i32
    %cond3A_30 = arith.cmpi ne, %convert_element_type3A_28, %cond3A_29 : i32
    scf.if %cond3A_30 {
      %mul3A_212 = arith.constant 80 : i32
      %mul3A_213 = arith.muli %add3A_25, %mul3A_212 : i32
      %run_scoped3A = arith.constant 0 : i32
      "tpu.region"() ({
        %run_scoped3A_214 = tpu.sem_alloc : memref<!tpu.dma_semaphore, #tpu.memory_space<semaphore_mem>>
        %dma_start3A_215 = arith.constant 0 : i32
        %dma_start3A_216 = arith.constant 0 : i32
        %dma_start3A_217 = tpu.memref_slice %arg8[%run_scoped3A, %dma_start3A_215, %dma_start3A_216] : memref<2x128x128xf32, #tpu.memory_space<vmem>> -> memref<1x80x128xf32, #tpu.memory_space<vmem>>
        %dma_start3A_218 = tpu.memref_squeeze %dma_start3A_217 : memref<1x80x128xf32, #tpu.memory_space<vmem>> -> memref<80x128xf32, #tpu.memory_space<vmem>>
        %dma_start3A_219 = arith.constant 0 : i32
        %dma_start3A_220 = tpu.memref_slice %arg9[%mul3A_213, %dma_start3A_219] : memref<10000x128xf32, #tpu.memory_space<vmem_shared>> -> memref<80x128xf32, #tpu.memory_space<vmem_shared>>
        %dma_start3A_221 = arith.constant 0 : i32
        %dma_start3A_222 = tpu.memref_slice %arg9[%mul3A_213, %dma_start3A_221] : memref<10000x128xf32, #tpu.memory_space<vmem_shared>> -> memref<80x128xf32, #tpu.memory_space<vmem_shared>>
        %dma_start3A_223 = arith.constant 0 : i32
        %dma_start3A_224 = arith.constant 0 : i32
        %dma_start3A_225 = tpu.memref_slice %arg8[%run_scoped3A, %dma_start3A_223, %dma_start3A_224] : memref<2x128x128xf32, #tpu.memory_space<vmem>> -> memref<1x80x128xf32, #tpu.memory_space<vmem>>
        %dma_start3A_226 = tpu.memref_squeeze %dma_start3A_225 : memref<1x80x128xf32, #tpu.memory_space<vmem>> -> memref<80x128xf32, #tpu.memory_space<vmem>>
        tpu.enqueue_dma source(%dma_start3A_226 : memref<80x128xf32, #tpu.memory_space<vmem>>) target(%dma_start3A_222 : memref<80x128xf32, #tpu.memory_space<vmem_shared>>) target_semaphore(%run_scoped3A_214 : memref<!tpu.dma_semaphore, #tpu.memory_space<semaphore_mem>>)
        %dma_wait3A_227 = arith.constant 0 : i32
        %dma_wait3A_228 = arith.constant 0 : i32
        %dma_wait3A_229 = tpu.memref_slice %arg8[%run_scoped3A, %dma_wait3A_227, %dma_wait3A_228] : memref<2x128x128xf32, #tpu.memory_space<vmem>> -> memref<1x80x128xf32, #tpu.memory_space<vmem>>
        %dma_wait3A_230 = tpu.memref_squeeze %dma_wait3A_229 : memref<1x80x128xf32, #tpu.memory_space<vmem>> -> memref<80x128xf32, #tpu.memory_space<vmem>>
        %dma_wait3A_231 = arith.constant 0 : i32
        %dma_wait3A_232 = tpu.memref_slice %arg9[%mul3A_213, %dma_wait3A_231] : memref<10000x128xf32, #tpu.memory_space<vmem_shared>> -> memref<80x128xf32, #tpu.memory_space<vmem_shared>>
        %dma_wait3A_233 = arith.constant 0 : i32
        %dma_wait3A_234 = tpu.memref_slice %arg9[%mul3A_213, %dma_wait3A_233] : memref<10000x128xf32, #tpu.memory_space<vmem_shared>> -> memref<80x128xf32, #tpu.memory_space<vmem_shared>>
        %dma_wait3A_235 = arith.constant 0 : i32
        %dma_wait3A_236 = arith.constant 0 : i32
        %dma_wait3A_237 = tpu.memref_slice %arg8[%run_scoped3A, %dma_wait3A_235, %dma_wait3A_236] : memref<2x128x128xf32, #tpu.memory_space<vmem>> -> memref<1x80x128xf32, #tpu.memory_space<vmem>>
        %dma_wait3A_238 = tpu.memref_squeeze %dma_wait3A_237 : memref<1x80x128xf32, #tpu.memory_space<vmem>> -> memref<80x128xf32, #tpu.memory_space<vmem>>
        tpu.wait_dma2 semaphore(%run_scoped3A_214 : memref<!tpu.dma_semaphore, #tpu.memory_space<semaphore_mem>>) src(%dma_wait3A_238 : memref<80x128xf32, #tpu.memory_space<vmem>>) dst(%dma_wait3A_234 : memref<80x128xf32, #tpu.memory_space<vmem_shared>>)
        tpu.yield
      }) : () -> ()
    } else {
    }
    %add3A_31 = arith.constant 64 : i32
    %add3A_32 = arith.addi %add3A_31, %arg1 : i32
    %lt3A_33 = arith.constant 125 : i32
    %lt3A_34 = arith.cmpi slt, %add3A_32, %lt3A_33 : i32
    %convert_element_type3A_35 = arith.extui %lt3A_34 : i1 to i32
    %cond3A_36 = arith.constant 0 : i32
    %cond3A_37 = arith.cmpi ne, %convert_element_type3A_35, %cond3A_36 : i32
    scf.if %cond3A_37 {
      %mul3A_212 = arith.constant 80 : i32
      %mul3A_213 = arith.muli %add3A_32, %mul3A_212 : i32
      %run_scoped3A = arith.constant 0 : i32
      "tpu.region"() ({
        %run_scoped3A_214 = tpu.sem_alloc : memref<!tpu.dma_semaphore, #tpu.memory_space<semaphore_mem>>
        %dma_start3A_215 = arith.constant 0 : i32
        %dma_start3A_216 = arith.constant 0 : i32
        %dma_start3A_217 = tpu.memref_slice %arg8[%run_scoped3A, %dma_start3A_215, %dma_start3A_216] : memref<2x128x128xf32, #tpu.memory_space<vmem>> -> memref<1x80x128xf32, #tpu.memory_space<vmem>>
        %dma_start3A_218 = tpu.memref_squeeze %dma_start3A_217 : memref<1x80x128xf32, #tpu.memory_space<vmem>> -> memref<80x128xf32, #tpu.memory_space<vmem>>
        %dma_start3A_219 = arith.constant 0 : i32
        %dma_start3A_220 = tpu.memref_slice %arg9[%mul3A_213, %dma_start3A_219] : memref<10000x128xf32, #tpu.memory_space<vmem_shared>> -> memref<80x128xf32, #tpu.memory_space<vmem_shared>>
        %dma_start3A_221 = arith.constant 0 : i32
        %dma_start3A_222 = tpu.memref_slice %arg9[%mul3A_213, %dma_start3A_221] : memref<10000x128xf32, #tpu.memory_space<vmem_shared>> -> memref<80x128xf32, #tpu.memory_space<vmem_shared>>
        %dma_start3A_223 = arith.constant 0 : i32
        %dma_start3A_224 = arith.constant 0 : i32
        %dma_start3A_225 = tpu.memref_slice %arg8[%run_scoped3A, %dma_start3A_223, %dma_start3A_224] : memref<2x128x128xf32, #tpu.memory_space<vmem>> -> memref<1x80x128xf32, #tpu.memory_space<vmem>>
        %dma_start3A_226 = tpu.memref_squeeze %dma_start3A_225 : memref<1x80x128xf32, #tpu.memory_space<vmem>> -> memref<80x128xf32, #tpu.memory_space<vmem>>
        tpu.enqueue_dma source(%dma_start3A_226 : memref<80x128xf32, #tpu.memory_space<vmem>>) target(%dma_start3A_222 : memref<80x128xf32, #tpu.memory_space<vmem_shared>>) target_semaphore(%run_scoped3A_214 : memref<!tpu.dma_semaphore, #tpu.memory_space<semaphore_mem>>)
        %dma_wait3A_227 = arith.constant 0 : i32
        %dma_wait3A_228 = arith.constant 0 : i32
        %dma_wait3A_229 = tpu.memref_slice %arg8[%run_scoped3A, %dma_wait3A_227, %dma_wait3A_228] : memref<2x128x128xf32, #tpu.memory_space<vmem>> -> memref<1x80x128xf32, #tpu.memory_space<vmem>>
        %dma_wait3A_230 = tpu.memref_squeeze %dma_wait3A_229 : memref<1x80x128xf32, #tpu.memory_space<vmem>> -> memref<80x128xf32, #tpu.memory_space<vmem>>
        %dma_wait3A_231 = arith.constant 0 : i32
        %dma_wait3A_232 = tpu.memref_slice %arg9[%mul3A_213, %dma_wait3A_231] : memref<10000x128xf32, #tpu.memory_space<vmem_shared>> -> memref<80x128xf32, #tpu.memory_space<vmem_shared>>
        %dma_wait3A_233 = arith.constant 0 : i32
        %dma_wait3A_234 = tpu.memref_slice %arg9[%mul3A_213, %dma_wait3A_233] : memref<10000x128xf32, #tpu.memory_space<vmem_shared>> -> memref<80x128xf32, #tpu.memory_space<vmem_shared>>
        %dma_wait3A_235 = arith.constant 0 : i32
        %dma_wait3A_236 = arith.constant 0 : i32
        %dma_wait3A_237 = tpu.memref_slice %arg8[%run_scoped3A, %dma_wait3A_235, %dma_wait3A_236] : memref<2x128x128xf32, #tpu.memory_space<vmem>> -> memref<1x80x128xf32, #tpu.memory_space<vmem>>
        %dma_wait3A_238 = tpu.memref_squeeze %dma_wait3A_237 : memref<1x80x128xf32, #tpu.memory_space<vmem>> -> memref<80x128xf32, #tpu.memory_space<vmem>>
        tpu.wait_dma2 semaphore(%run_scoped3A_214 : memref<!tpu.dma_semaphore, #tpu.memory_space<semaphore_mem>>) src(%dma_wait3A_238 : memref<80x128xf32, #tpu.memory_space<vmem>>) dst(%dma_wait3A_234 : memref<80x128xf32, #tpu.memory_space<vmem_shared>>)
        tpu.yield
      }) : () -> ()
    } else {
    }
    %add3A_38 = arith.constant 80 : i32
    %add3A_39 = arith.addi %add3A_38, %arg1 : i32
    %lt3A_40 = arith.constant 125 : i32
    %lt3A_41 = arith.cmpi slt, %add3A_39, %lt3A_40 : i32
    %convert_element_type3A_42 = arith.extui %lt3A_41 : i1 to i32
    %cond3A_43 = arith.constant 0 : i32
    %cond3A_44 = arith.cmpi ne, %convert_element_type3A_42, %cond3A_43 : i32
    scf.if %cond3A_44 {
      %mul3A_212 = arith.constant 80 : i32
      %mul3A_213 = arith.muli %add3A_39, %mul3A_212 : i32
      %run_scoped3A = arith.constant 0 : i32
      "tpu.region"() ({
        %run_scoped3A_214 = tpu.sem_alloc : memref<!tpu.dma_semaphore, #tpu.memory_space<semaphore_mem>>
        %dma_start3A_215 = arith.constant 0 : i32
        %dma_start3A_216 = arith.constant 0 : i32
        %dma_start3A_217 = tpu.memref_slice %arg8[%run_scoped3A, %dma_start3A_215, %dma_start3A_216] : memref<2x128x128xf32, #tpu.memory_space<vmem>> -> memref<1x80x128xf32, #tpu.memory_space<vmem>>
        %dma_start3A_218 = tpu.memref_squeeze %dma_start3A_217 : memref<1x80x128xf32, #tpu.memory_space<vmem>> -> memref<80x128xf32, #tpu.memory_space<vmem>>
        %dma_start3A_219 = arith.constant 0 : i32
        %dma_start3A_220 = tpu.memref_slice %arg9[%mul3A_213, %dma_start3A_219] : memref<10000x128xf32, #tpu.memory_space<vmem_shared>> -> memref<80x128xf32, #tpu.memory_space<vmem_shared>>
        %dma_start3A_221 = arith.constant 0 : i32
        %dma_start3A_222 = tpu.memref_slice %arg9[%mul3A_213, %dma_start3A_221] : memref<10000x128xf32, #tpu.memory_space<vmem_shared>> -> memref<80x128xf32, #tpu.memory_space<vmem_shared>>
        %dma_start3A_223 = arith.constant 0 : i32
        %dma_start3A_224 = arith.constant 0 : i32
        %dma_start3A_225 = tpu.memref_slice %arg8[%run_scoped3A, %dma_start3A_223, %dma_start3A_224] : memref<2x128x128xf32, #tpu.memory_space<vmem>> -> memref<1x80x128xf32, #tpu.memory_space<vmem>>
        %dma_start3A_226 = tpu.memref_squeeze %dma_start3A_225 : memref<1x80x128xf32, #tpu.memory_space<vmem>> -> memref<80x128xf32, #tpu.memory_space<vmem>>
        tpu.enqueue_dma source(%dma_start3A_226 : memref<80x128xf32, #tpu.memory_space<vmem>>) target(%dma_start3A_222 : memref<80x128xf32, #tpu.memory_space<vmem_shared>>) target_semaphore(%run_scoped3A_214 : memref<!tpu.dma_semaphore, #tpu.memory_space<semaphore_mem>>)
        %dma_wait3A_227 = arith.constant 0 : i32
        %dma_wait3A_228 = arith.constant 0 : i32
        %dma_wait3A_229 = tpu.memref_slice %arg8[%run_scoped3A, %dma_wait3A_227, %dma_wait3A_228] : memref<2x128x128xf32, #tpu.memory_space<vmem>> -> memref<1x80x128xf32, #tpu.memory_space<vmem>>
        %dma_wait3A_230 = tpu.memref_squeeze %dma_wait3A_229 : memref<1x80x128xf32, #tpu.memory_space<vmem>> -> memref<80x128xf32, #tpu.memory_space<vmem>>
        %dma_wait3A_231 = arith.constant 0 : i32
        %dma_wait3A_232 = tpu.memref_slice %arg9[%mul3A_213, %dma_wait3A_231] : memref<10000x128xf32, #tpu.memory_space<vmem_shared>> -> memref<80x128xf32, #tpu.memory_space<vmem_shared>>
        %dma_wait3A_233 = arith.constant 0 : i32
        %dma_wait3A_234 = tpu.memref_slice %arg9[%mul3A_213, %dma_wait3A_233] : memref<10000x128xf32, #tpu.memory_space<vmem_shared>> -> memref<80x128xf32, #tpu.memory_space<vmem_shared>>
        %dma_wait3A_235 = arith.constant 0 : i32
        %dma_wait3A_236 = arith.constant 0 : i32
        %dma_wait3A_237 = tpu.memref_slice %arg8[%run_scoped3A, %dma_wait3A_235, %dma_wait3A_236] : memref<2x128x128xf32, #tpu.memory_space<vmem>> -> memref<1x80x128xf32, #tpu.memory_space<vmem>>
        %dma_wait3A_238 = tpu.memref_squeeze %dma_wait3A_237 : memref<1x80x128xf32, #tpu.memory_space<vmem>> -> memref<80x128xf32, #tpu.memory_space<vmem>>
        tpu.wait_dma2 semaphore(%run_scoped3A_214 : memref<!tpu.dma_semaphore, #tpu.memory_space<semaphore_mem>>) src(%dma_wait3A_238 : memref<80x128xf32, #tpu.memory_space<vmem>>) dst(%dma_wait3A_234 : memref<80x128xf32, #tpu.memory_space<vmem_shared>>)
        tpu.yield
      }) : () -> ()
    } else {
    }
    %add3A_45 = arith.constant 96 : i32
    %add3A_46 = arith.addi %add3A_45, %arg1 : i32
    %lt3A_47 = arith.constant 125 : i32
    %lt3A_48 = arith.cmpi slt, %add3A_46, %lt3A_47 : i32
    %convert_element_type3A_49 = arith.extui %lt3A_48 : i1 to i32
    %cond3A_50 = arith.constant 0 : i32
    %cond3A_51 = arith.cmpi ne, %convert_element_type3A_49, %cond3A_50 : i32
    scf.if %cond3A_51 {
      %mul3A_212 = arith.constant 80 : i32
      %mul3A_213 = arith.muli %add3A_46, %mul3A_212 : i32
      %run_scoped3A = arith.constant 0 : i32
      "tpu.region"() ({
        %run_scoped3A_214 = tpu.sem_alloc : memref<!tpu.dma_semaphore, #tpu.memory_space<semaphore_mem>>
        %dma_start3A_215 = arith.constant 0 : i32
        %dma_start3A_216 = arith.constant 0 : i32
        %dma_start3A_217 = tpu.memref_slice %arg8[%run_scoped3A, %dma_start3A_215, %dma_start3A_216] : memref<2x128x128xf32, #tpu.memory_space<vmem>> -> memref<1x80x128xf32, #tpu.memory_space<vmem>>
        %dma_start3A_218 = tpu.memref_squeeze %dma_start3A_217 : memref<1x80x128xf32, #tpu.memory_space<vmem>> -> memref<80x128xf32, #tpu.memory_space<vmem>>
        %dma_start3A_219 = arith.constant 0 : i32
        %dma_start3A_220 = tpu.memref_slice %arg9[%mul3A_213, %dma_start3A_219] : memref<10000x128xf32, #tpu.memory_space<vmem_shared>> -> memref<80x128xf32, #tpu.memory_space<vmem_shared>>
        %dma_start3A_221 = arith.constant 0 : i32
        %dma_start3A_222 = tpu.memref_slice %arg9[%mul3A_213, %dma_start3A_221] : memref<10000x128xf32, #tpu.memory_space<vmem_shared>> -> memref<80x128xf32, #tpu.memory_space<vmem_shared>>
        %dma_start3A_223 = arith.constant 0 : i32
        %dma_start3A_224 = arith.constant 0 : i32
        %dma_start3A_225 = tpu.memref_slice %arg8[%run_scoped3A, %dma_start3A_223, %dma_start3A_224] : memref<2x128x128xf32, #tpu.memory_space<vmem>> -> memref<1x80x128xf32, #tpu.memory_space<vmem>>
        %dma_start3A_226 = tpu.memref_squeeze %dma_start3A_225 : memref<1x80x128xf32, #tpu.memory_space<vmem>> -> memref<80x128xf32, #tpu.memory_space<vmem>>
        tpu.enqueue_dma source(%dma_start3A_226 : memref<80x128xf32, #tpu.memory_space<vmem>>) target(%dma_start3A_222 : memref<80x128xf32, #tpu.memory_space<vmem_shared>>) target_semaphore(%run_scoped3A_214 : memref<!tpu.dma_semaphore, #tpu.memory_space<semaphore_mem>>)
        %dma_wait3A_227 = arith.constant 0 : i32
        %dma_wait3A_228 = arith.constant 0 : i32
        %dma_wait3A_229 = tpu.memref_slice %arg8[%run_scoped3A, %dma_wait3A_227, %dma_wait3A_228] : memref<2x128x128xf32, #tpu.memory_space<vmem>> -> memref<1x80x128xf32, #tpu.memory_space<vmem>>
        %dma_wait3A_230 = tpu.memref_squeeze %dma_wait3A_229 : memref<1x80x128xf32, #tpu.memory_space<vmem>> -> memref<80x128xf32, #tpu.memory_space<vmem>>
        %dma_wait3A_231 = arith.constant 0 : i32
        %dma_wait3A_232 = tpu.memref_slice %arg9[%mul3A_213, %dma_wait3A_231] : memref<10000x128xf32, #tpu.memory_space<vmem_shared>> -> memref<80x128xf32, #tpu.memory_space<vmem_shared>>
        %dma_wait3A_233 = arith.constant 0 : i32
        %dma_wait3A_234 = tpu.memref_slice %arg9[%mul3A_213, %dma_wait3A_233] : memref<10000x128xf32, #tpu.memory_space<vmem_shared>> -> memref<80x128xf32, #tpu.memory_space<vmem_shared>>
        %dma_wait3A_235 = arith.constant 0 : i32
        %dma_wait3A_236 = arith.constant 0 : i32
        %dma_wait3A_237 = tpu.memref_slice %arg8[%run_scoped3A, %dma_wait3A_235, %dma_wait3A_236] : memref<2x128x128xf32, #tpu.memory_space<vmem>> -> memref<1x80x128xf32, #tpu.memory_space<vmem>>
        %dma_wait3A_238 = tpu.memref_squeeze %dma_wait3A_237 : memref<1x80x128xf32, #tpu.memory_space<vmem>> -> memref<80x128xf32, #tpu.memory_space<vmem>>
        tpu.wait_dma2 semaphore(%run_scoped3A_214 : memref<!tpu.dma_semaphore, #tpu.memory_space<semaphore_mem>>) src(%dma_wait3A_238 : memref<80x128xf32, #tpu.memory_space<vmem>>) dst(%dma_wait3A_234 : memref<80x128xf32, #tpu.memory_space<vmem_shared>>)
        tpu.yield
      }) : () -> ()
    } else {
    }
    %add3A_52 = arith.constant 112 : i32
    %add3A_53 = arith.addi %add3A_52, %arg1 : i32
    %lt3A_54 = arith.constant 125 : i32
    %lt3A_55 = arith.cmpi slt, %add3A_53, %lt3A_54 : i32
    %convert_element_type3A_56 = arith.extui %lt3A_55 : i1 to i32
    %cond3A_57 = arith.constant 0 : i32
    %cond3A_58 = arith.cmpi ne, %convert_element_type3A_56, %cond3A_57 : i32
    scf.if %cond3A_58 {
      %mul3A_212 = arith.constant 80 : i32
      %mul3A_213 = arith.muli %add3A_53, %mul3A_212 : i32
      %run_scoped3A = arith.constant 0 : i32
      "tpu.region"() ({
        %run_scoped3A_214 = tpu.sem_alloc : memref<!tpu.dma_semaphore, #tpu.memory_space<semaphore_mem>>
        %dma_start3A_215 = arith.constant 0 : i32
        %dma_start3A_216 = arith.constant 0 : i32
        %dma_start3A_217 = tpu.memref_slice %arg8[%run_scoped3A, %dma_start3A_215, %dma_start3A_216] : memref<2x128x128xf32, #tpu.memory_space<vmem>> -> memref<1x80x128xf32, #tpu.memory_space<vmem>>
        %dma_start3A_218 = tpu.memref_squeeze %dma_start3A_217 : memref<1x80x128xf32, #tpu.memory_space<vmem>> -> memref<80x128xf32, #tpu.memory_space<vmem>>
        %dma_start3A_219 = arith.constant 0 : i32
        %dma_start3A_220 = tpu.memref_slice %arg9[%mul3A_213, %dma_start3A_219] : memref<10000x128xf32, #tpu.memory_space<vmem_shared>> -> memref<80x128xf32, #tpu.memory_space<vmem_shared>>
        %dma_start3A_221 = arith.constant 0 : i32
        %dma_start3A_222 = tpu.memref_slice %arg9[%mul3A_213, %dma_start3A_221] : memref<10000x128xf32, #tpu.memory_space<vmem_shared>> -> memref<80x128xf32, #tpu.memory_space<vmem_shared>>
        %dma_start3A_223 = arith.constant 0 : i32
        %dma_start3A_224 = arith.constant 0 : i32
        %dma_start3A_225 = tpu.memref_slice %arg8[%run_scoped3A, %dma_start3A_223, %dma_start3A_224] : memref<2x128x128xf32, #tpu.memory_space<vmem>> -> memref<1x80x128xf32, #tpu.memory_space<vmem>>
        %dma_start3A_226 = tpu.memref_squeeze %dma_start3A_225 : memref<1x80x128xf32, #tpu.memory_space<vmem>> -> memref<80x128xf32, #tpu.memory_space<vmem>>
        tpu.enqueue_dma source(%dma_start3A_226 : memref<80x128xf32, #tpu.memory_space<vmem>>) target(%dma_start3A_222 : memref<80x128xf32, #tpu.memory_space<vmem_shared>>) target_semaphore(%run_scoped3A_214 : memref<!tpu.dma_semaphore, #tpu.memory_space<semaphore_mem>>)
        %dma_wait3A_227 = arith.constant 0 : i32
        %dma_wait3A_228 = arith.constant 0 : i32
        %dma_wait3A_229 = tpu.memref_slice %arg8[%run_scoped3A, %dma_wait3A_227, %dma_wait3A_228] : memref<2x128x128xf32, #tpu.memory_space<vmem>> -> memref<1x80x128xf32, #tpu.memory_space<vmem>>
        %dma_wait3A_230 = tpu.memref_squeeze %dma_wait3A_229 : memref<1x80x128xf32, #tpu.memory_space<vmem>> -> memref<80x128xf32, #tpu.memory_space<vmem>>
        %dma_wait3A_231 = arith.constant 0 : i32
        %dma_wait3A_232 = tpu.memref_slice %arg9[%mul3A_213, %dma_wait3A_231] : memref<10000x128xf32, #tpu.memory_space<vmem_shared>> -> memref<80x128xf32, #tpu.memory_space<vmem_shared>>
        %dma_wait3A_233 = arith.constant 0 : i32
        %dma_wait3A_234 = tpu.memref_slice %arg9[%mul3A_213, %dma_wait3A_233] : memref<10000x128xf32, #tpu.memory_space<vmem_shared>> -> memref<80x128xf32, #tpu.memory_space<vmem_shared>>
        %dma_wait3A_235 = arith.constant 0 : i32
        %dma_wait3A_236 = arith.constant 0 : i32
        %dma_wait3A_237 = tpu.memref_slice %arg8[%run_scoped3A, %dma_wait3A_235, %dma_wait3A_236] : memref<2x128x128xf32, #tpu.memory_space<vmem>> -> memref<1x80x128xf32, #tpu.memory_space<vmem>>
        %dma_wait3A_238 = tpu.memref_squeeze %dma_wait3A_237 : memref<1x80x128xf32, #tpu.memory_space<vmem>> -> memref<80x128xf32, #tpu.memory_space<vmem>>
        tpu.wait_dma2 semaphore(%run_scoped3A_214 : memref<!tpu.dma_semaphore, #tpu.memory_space<semaphore_mem>>) src(%dma_wait3A_238 : memref<80x128xf32, #tpu.memory_space<vmem>>) dst(%dma_wait3A_234 : memref<80x128xf32, #tpu.memory_space<vmem_shared>>)
        tpu.yield
      }) : () -> ()
    } else {
    }
    %barrier3A = arith.constant 0 : index
    tpu.barrier barrier_id(%barrier3A)
    %add3A_59 = arith.constant 0 : i32
    %add3A_60 = arith.addi %add3A_59, %add3A : i32
    %dma_start3A = arith.constant 0 : i32
    %dma_start3A_61 = arith.constant 0 : i32
    %dma_start3A_62 = arith.constant 0 : i32
    %dma_start3A_63 = tpu.memref_slice %arg6[%dma_start3A, %dma_start3A_61, %dma_start3A_62] : memref<4x2x128xi32, #tpu.memory_space<vmem>> -> memref<1x2x128xi32, #tpu.memory_space<vmem>>
    %dma_start3A_64 = tpu.memref_squeeze %dma_start3A_63 : memref<1x2x128xi32, #tpu.memory_space<vmem>> -> memref<2x128xi32, #tpu.memory_space<vmem>>
    %dma_start3A_65 = arith.constant 0 : i32
    %dma_start3A_66 = arith.constant 0 : i32
    %dma_start3A_67 = tpu.memref_slice %arg4[%add3A_60, %dma_start3A_65, %dma_start3A_66] : memref<2500x2x128xi32, #tpu.memory_space<hbm>> -> memref<1x2x128xi32, #tpu.memory_space<hbm>>
    %dma_start3A_68 = tpu.memref_squeeze %dma_start3A_67 : memref<1x2x128xi32, #tpu.memory_space<hbm>> -> memref<2x128xi32, #tpu.memory_space<hbm>>
    %dma_start3A_69 = arith.constant 0 : i32
    %dma_start3A_70 = arith.constant 0 : i32
    %dma_start3A_71 = tpu.memref_slice %arg6[%dma_start3A, %dma_start3A_69, %dma_start3A_70] : memref<4x2x128xi32, #tpu.memory_space<vmem>> -> memref<1x2x128xi32, #tpu.memory_space<vmem>>
    %dma_start3A_72 = tpu.memref_squeeze %dma_start3A_71 : memref<1x2x128xi32, #tpu.memory_space<vmem>> -> memref<2x128xi32, #tpu.memory_space<vmem>>
    %dma_start3A_73 = arith.constant 0 : i32
    %dma_start3A_74 = arith.constant 0 : i32
    %dma_start3A_75 = tpu.memref_slice %arg4[%add3A_60, %dma_start3A_73, %dma_start3A_74] : memref<2500x2x128xi32, #tpu.memory_space<hbm>> -> memref<1x2x128xi32, #tpu.memory_space<hbm>>
    %dma_start3A_76 = tpu.memref_squeeze %dma_start3A_75 : memref<1x2x128xi32, #tpu.memory_space<hbm>> -> memref<2x128xi32, #tpu.memory_space<hbm>>
    tpu.enqueue_dma source(%dma_start3A_76 : memref<2x128xi32, #tpu.memory_space<hbm>>) target(%dma_start3A_72 : memref<2x128xi32, #tpu.memory_space<vmem>>) target_semaphore(%arg10 : memref<!tpu.dma_semaphore, #tpu.memory_space<semaphore_mem>>)
    %add3A_77 = arith.constant 32 : i32
    %add3A_78 = arith.addi %add3A_77, %add3A : i32
    %dma_start3A_79 = arith.constant 1 : i32
    %dma_start3A_80 = arith.constant 0 : i32
    %dma_start3A_81 = arith.constant 0 : i32
    %dma_start3A_82 = tpu.memref_slice %arg6[%dma_start3A_79, %dma_start3A_80, %dma_start3A_81] : memref<4x2x128xi32, #tpu.memory_space<vmem>> -> memref<1x2x128xi32, #tpu.memory_space<vmem>>
    %dma_start3A_83 = tpu.memref_squeeze %dma_start3A_82 : memref<1x2x128xi32, #tpu.memory_space<vmem>> -> memref<2x128xi32, #tpu.memory_space<vmem>>
    %dma_start3A_84 = arith.constant 0 : i32
    %dma_start3A_85 = arith.constant 0 : i32
    %dma_start3A_86 = tpu.memref_slice %arg4[%add3A_78, %dma_start3A_84, %dma_start3A_85] : memref<2500x2x128xi32, #tpu.memory_space<hbm>> -> memref<1x2x128xi32, #tpu.memory_space<hbm>>
    %dma_start3A_87 = tpu.memref_squeeze %dma_start3A_86 : memref<1x2x128xi32, #tpu.memory_space<hbm>> -> memref<2x128xi32, #tpu.memory_space<hbm>>
    %dma_start3A_88 = arith.constant 0 : i32
    %dma_start3A_89 = arith.constant 0 : i32
    %dma_start3A_90 = tpu.memref_slice %arg6[%dma_start3A_79, %dma_start3A_88, %dma_start3A_89] : memref<4x2x128xi32, #tpu.memory_space<vmem>> -> memref<1x2x128xi32, #tpu.memory_space<vmem>>
    %dma_start3A_91 = tpu.memref_squeeze %dma_start3A_90 : memref<1x2x128xi32, #tpu.memory_space<vmem>> -> memref<2x128xi32, #tpu.memory_space<vmem>>
    %dma_start3A_92 = arith.constant 0 : i32
    %dma_start3A_93 = arith.constant 0 : i32
    %dma_start3A_94 = tpu.memref_slice %arg4[%add3A_78, %dma_start3A_92, %dma_start3A_93] : memref<2500x2x128xi32, #tpu.memory_space<hbm>> -> memref<1x2x128xi32, #tpu.memory_space<hbm>>
    %dma_start3A_95 = tpu.memref_squeeze %dma_start3A_94 : memref<1x2x128xi32, #tpu.memory_space<hbm>> -> memref<2x128xi32, #tpu.memory_space<hbm>>
    tpu.enqueue_dma source(%dma_start3A_95 : memref<2x128xi32, #tpu.memory_space<hbm>>) target(%dma_start3A_91 : memref<2x128xi32, #tpu.memory_space<vmem>>) target_semaphore(%arg10 : memref<!tpu.dma_semaphore, #tpu.memory_space<semaphore_mem>>)
    %add3A_96 = arith.constant 0 : i32
    %add3A_97 = arith.addi %add3A_96, %add3A : i32
    %mul3A_98 = arith.constant 64 : i32
    %mul3A_99 = arith.muli %add3A_97, %mul3A_98 : i32
    %dma_start3A_100 = arith.constant 0 : i32
    %dma_start3A_101 = arith.constant 0 : i32
    %dma_start3A_102 = arith.constant 0 : i32
    %dma_start3A_103 = tpu.memref_slice %arg7[%dma_start3A_100, %dma_start3A_101, %dma_start3A_102] : memref<2x64x128xi32, #tpu.memory_space<vmem>> -> memref<1x64x128xi32, #tpu.memory_space<vmem>>
    %dma_start3A_104 = tpu.memref_squeeze %dma_start3A_103 : memref<1x64x128xi32, #tpu.memory_space<vmem>> -> memref<64x128xi32, #tpu.memory_space<vmem>>
    %dma_start3A_105 = arith.constant 0 : i32
    %dma_start3A_106 = tpu.memref_slice %arg3[%mul3A_99, %dma_start3A_105] : memref<160000x128xi32, #tpu.memory_space<hbm>> -> memref<64x128xi32, #tpu.memory_space<hbm>>
    %dma_start3A_107 = arith.constant 0 : i32
    %dma_start3A_108 = arith.constant 0 : i32
    %dma_start3A_109 = tpu.memref_slice %arg7[%dma_start3A_100, %dma_start3A_107, %dma_start3A_108] : memref<2x64x128xi32, #tpu.memory_space<vmem>> -> memref<1x64x128xi32, #tpu.memory_space<vmem>>
    %dma_start3A_110 = tpu.memref_squeeze %dma_start3A_109 : memref<1x64x128xi32, #tpu.memory_space<vmem>> -> memref<64x128xi32, #tpu.memory_space<vmem>>
    %dma_start3A_111 = arith.constant 0 : i32
    %dma_start3A_112 = tpu.memref_slice %arg3[%mul3A_99, %dma_start3A_111] : memref<160000x128xi32, #tpu.memory_space<hbm>> -> memref<64x128xi32, #tpu.memory_space<hbm>>
    tpu.enqueue_dma source(%dma_start3A_112 : memref<64x128xi32, #tpu.memory_space<hbm>>) target(%dma_start3A_110 : memref<64x128xi32, #tpu.memory_space<vmem>>) target_semaphore(%arg11 : memref<!tpu.dma_semaphore, #tpu.memory_space<semaphore_mem>>)
    %dma_wait3A = arith.constant 0 : i32
    %dma_wait3A_113 = arith.constant 0 : i32
    %dma_wait3A_114 = arith.constant 0 : i32
    %dma_wait3A_115 = arith.constant 0 : i32
    %dma_wait3A_116 = tpu.memref_slice %arg6[%dma_wait3A_113, %dma_wait3A_114, %dma_wait3A_115] : memref<4x2x128xi32, #tpu.memory_space<vmem>> -> memref<1x2x128xi32, #tpu.memory_space<vmem>>
    %dma_wait3A_117 = tpu.memref_squeeze %dma_wait3A_116 : memref<1x2x128xi32, #tpu.memory_space<vmem>> -> memref<2x128xi32, #tpu.memory_space<vmem>>
    %dma_wait3A_118 = arith.constant 0 : i32
    %dma_wait3A_119 = arith.constant 0 : i32
    %dma_wait3A_120 = tpu.memref_slice %arg4[%dma_wait3A, %dma_wait3A_118, %dma_wait3A_119] : memref<2500x2x128xi32, #tpu.memory_space<hbm>> -> memref<1x2x128xi32, #tpu.memory_space<hbm>>
    %dma_wait3A_121 = tpu.memref_squeeze %dma_wait3A_120 : memref<1x2x128xi32, #tpu.memory_space<hbm>> -> memref<2x128xi32, #tpu.memory_space<hbm>>
    %dma_wait3A_122 = arith.constant 0 : i32
    %dma_wait3A_123 = arith.constant 0 : i32
    %dma_wait3A_124 = tpu.memref_slice %arg6[%dma_wait3A_113, %dma_wait3A_122, %dma_wait3A_123] : memref<4x2x128xi32, #tpu.memory_space<vmem>> -> memref<1x2x128xi32, #tpu.memory_space<vmem>>
    %dma_wait3A_125 = tpu.memref_squeeze %dma_wait3A_124 : memref<1x2x128xi32, #tpu.memory_space<vmem>> -> memref<2x128xi32, #tpu.memory_space<vmem>>
    %dma_wait3A_126 = arith.constant 0 : i32
    %dma_wait3A_127 = arith.constant 0 : i32
    %dma_wait3A_128 = tpu.memref_slice %arg4[%dma_wait3A, %dma_wait3A_126, %dma_wait3A_127] : memref<2500x2x128xi32, #tpu.memory_space<hbm>> -> memref<1x2x128xi32, #tpu.memory_space<hbm>>
    %dma_wait3A_129 = tpu.memref_squeeze %dma_wait3A_128 : memref<1x2x128xi32, #tpu.memory_space<hbm>> -> memref<2x128xi32, #tpu.memory_space<hbm>>
    tpu.wait_dma2 semaphore(%arg10 : memref<!tpu.dma_semaphore, #tpu.memory_space<semaphore_mem>>) src(%dma_wait3A_129 : memref<2x128xi32, #tpu.memory_space<hbm>>) dst(%dma_wait3A_125 : memref<2x128xi32, #tpu.memory_space<vmem>>)
    %dma_start3A_130 = arith.constant 0 : i32
    %dma_start3A_131 = arith.constant 0 : i32
    %dma_start3A_132 = arith.constant 0 : i32
    %dma_start3A_133 = arith.constant 0 : i32
    %dma_start3A_134 = arith.constant 0 : i32
    %dma_start3A_135 = tpu.memref_slice %arg8[%dma_start3A_132, %dma_start3A_133, %dma_start3A_134] : memref<2x128x128xf32, #tpu.memory_space<vmem>> -> memref<1x128x128xf32, #tpu.memory_space<vmem>>
    %dma_start3A_136 = tpu.memref_squeeze %dma_start3A_135 : memref<1x128x128xf32, #tpu.memory_space<vmem>> -> memref<128x128xf32, #tpu.memory_space<vmem>>
    %dma_start3A_137 = arith.constant 0 : i32
    %dma_start3A_138 = tpu.memref_slice %arg6[%dma_start3A_130, %dma_start3A_131, %dma_start3A_137] : memref<4x2x128xi32, #tpu.memory_space<vmem>> -> memref<1x1x128xi32, #tpu.memory_space<vmem>>
    %dma_start3A_139 = tpu.memref_squeeze %dma_start3A_138 : memref<1x1x128xi32, #tpu.memory_space<vmem>> -> memref<128xi32, #tpu.memory_space<vmem>>
    %dma_start3A_140 = arith.constant 0 : i32
    %dma_start3A_141 = arith.constant 0 : i32
    %dma_start3A_142 = tpu.memref_slice %arg2[%dma_start3A_140, %dma_start3A_141] : memref<10000x128xf32, #tpu.memory_space<hbm>> -> memref<10000x128xf32, #tpu.memory_space<hbm>>
    tpu.enqueue_indirect_dma source(%dma_start3A_142 : memref<10000x128xf32, #tpu.memory_space<hbm>>) target(%dma_start3A_136 : memref<128x128xf32, #tpu.memory_space<vmem>>) offsets(%dma_start3A_139 : memref<128xi32, #tpu.memory_space<vmem>>) semaphore(%arg12 : memref<!tpu.dma_semaphore, #tpu.memory_space<semaphore_mem>>)
    %scan3A_143 = arith.constant 0 : i32
    %scan3A_144 = arith.constant 79 : i32
    %scan3A_145 = arith.addi %scan3A_143, %scan3A_144 : i32
    %scan3A_146 = arith.constant 1 : i32
    scf.for %scan3A_212 = %scan3A_143 to %scan3A_145 step %scan3A_146  : i32 {
      %mul3A_213 = arith.constant 1 : i32
      %mul3A_214 = arith.muli %scan3A_212, %mul3A_213 : i32
      %add3A_215 = arith.constant 0 : i32
      %add3A_216 = arith.addi %add3A_215, %mul3A_214 : i32
      %rem3A = arith.constant 2 : i32
      %rem3A_217 = arith.remsi %add3A_216, %rem3A : i32
      %add3A_218 = arith.constant 1 : i32
      %add3A_219 = arith.addi %add3A_216, %add3A_218 : i32
      %rem3A_220 = arith.constant 2 : i32
      %rem3A_221 = arith.remsi %add3A_219, %rem3A_220 : i32
      %rem3A_222 = arith.constant 4 : i32
      %rem3A_223 = arith.remsi %add3A_216, %rem3A_222 : i32
      %add3A_224 = arith.constant 1 : i32
      %add3A_225 = arith.addi %add3A_216, %add3A_224 : i32
      %rem3A_226 = arith.constant 4 : i32
      %rem3A_227 = arith.remsi %add3A_225, %rem3A_226 : i32
      %ge3A = arith.constant 1 : i32
      %ge3A_228 = arith.cmpi sge, %add3A_216, %ge3A : i32
      %sub3A = arith.constant 1 : i32
      %sub3A_229 = arith.subi %add3A_216, %sub3A : i32
      %mul3A_230 = arith.constant 32 : i32
      %mul3A_231 = arith.muli %sub3A_229, %mul3A_230 : i32
      %add3A_232 = arith.addi %mul3A_231, %add3A : i32
      %lt3A_233 = arith.constant 2500 : i32
      %lt3A_234 = arith.cmpi slt, %add3A_232, %lt3A_233 : i32
      %and3A = arith.andi %ge3A_228, %lt3A_234 : i1
      %convert_element_type3A_235 = arith.extui %and3A : i1 to i32
      %cond3A_236 = arith.constant 0 : i32
      %cond3A_237 = arith.cmpi ne, %convert_element_type3A_235, %cond3A_236 : i32
      scf.if %cond3A_237 {
        %add3A_276 = arith.constant 3 : i32
        %add3A_277 = arith.addi %add3A_216, %add3A_276 : i32
        %rem3A_278 = arith.constant 4 : i32
        %rem3A_279 = arith.remsi %add3A_277, %rem3A_278 : i32
        %dma_wait3A_280 = arith.constant 1 : i32
        %dma_wait3A_281 = arith.constant 0 : i32
        %dma_wait3A_282 = arith.constant 0 : i32
        %dma_wait3A_283 = tpu.memref_slice %arg8[%rem3A_221, %dma_wait3A_281, %dma_wait3A_282] : memref<2x128x128xf32, #tpu.memory_space<vmem>> -> memref<1x128x128xf32, #tpu.memory_space<vmem>>
        %dma_wait3A_284 = tpu.memref_squeeze %dma_wait3A_283 : memref<1x128x128xf32, #tpu.memory_space<vmem>> -> memref<128x128xf32, #tpu.memory_space<vmem>>
        %dma_wait3A_285 = arith.constant 0 : i32
        %dma_wait3A_286 = tpu.memref_slice %arg6[%rem3A_279, %dma_wait3A_280, %dma_wait3A_285] : memref<4x2x128xi32, #tpu.memory_space<vmem>> -> memref<1x1x128xi32, #tpu.memory_space<vmem>>
        %dma_wait3A_287 = tpu.memref_squeeze %dma_wait3A_286 : memref<1x1x128xi32, #tpu.memory_space<vmem>> -> memref<128xi32, #tpu.memory_space<vmem>>
        %dma_wait3A_288 = arith.constant 0 : i32
        %dma_wait3A_289 = arith.constant 0 : i32
        %dma_wait3A_290 = tpu.memref_slice %arg9[%dma_wait3A_288, %dma_wait3A_289] : memref<10000x128xf32, #tpu.memory_space<vmem_shared>> -> memref<10000x128xf32, #tpu.memory_space<vmem_shared>>
        tpu.wait_indirect_dma semaphore(%arg13 : memref<!tpu.dma_semaphore, #tpu.memory_space<semaphore_mem>>) src(%dma_wait3A_284 : memref<128x128xf32, #tpu.memory_space<vmem>>) dst(%dma_wait3A_290 : memref<10000x128xf32, #tpu.memory_space<vmem_shared>>)
      } else {
      }
      %add3A_238 = arith.constant 1 : i32
      %add3A_239 = arith.addi %add3A_216, %add3A_238 : i32
      %mul3A_240 = arith.constant 32 : i32
      %mul3A_241 = arith.muli %add3A_239, %mul3A_240 : i32
      %add3A_242 = arith.addi %mul3A_241, %add3A : i32
      %lt3A_243 = arith.constant 2500 : i32
      %lt3A_244 = arith.cmpi slt, %add3A_242, %lt3A_243 : i32
      %convert_element_type3A_245 = arith.extui %lt3A_244 : i1 to i32
      %cond3A_246 = arith.constant 0 : i32
      %cond3A_247 = arith.cmpi ne, %convert_element_type3A_245, %cond3A_246 : i32
      scf.if %cond3A_247 {
        %dma_wait3A_276 = arith.constant 0 : i32
        %dma_wait3A_277 = arith.constant 0 : i32
        %dma_wait3A_278 = arith.constant 0 : i32
        %dma_wait3A_279 = tpu.memref_slice %arg6[%rem3A_227, %dma_wait3A_277, %dma_wait3A_278] : memref<4x2x128xi32, #tpu.memory_space<vmem>> -> memref<1x2x128xi32, #tpu.memory_space<vmem>>
        %dma_wait3A_280 = tpu.memref_squeeze %dma_wait3A_279 : memref<1x2x128xi32, #tpu.memory_space<vmem>> -> memref<2x128xi32, #tpu.memory_space<vmem>>
        %dma_wait3A_281 = arith.constant 0 : i32
        %dma_wait3A_282 = arith.constant 0 : i32
        %dma_wait3A_283 = tpu.memref_slice %arg4[%dma_wait3A_276, %dma_wait3A_281, %dma_wait3A_282] : memref<2500x2x128xi32, #tpu.memory_space<hbm>> -> memref<1x2x128xi32, #tpu.memory_space<hbm>>
        %dma_wait3A_284 = tpu.memref_squeeze %dma_wait3A_283 : memref<1x2x128xi32, #tpu.memory_space<hbm>> -> memref<2x128xi32, #tpu.memory_space<hbm>>
        %dma_wait3A_285 = arith.constant 0 : i32
        %dma_wait3A_286 = arith.constant 0 : i32
        %dma_wait3A_287 = tpu.memref_slice %arg6[%rem3A_227, %dma_wait3A_285, %dma_wait3A_286] : memref<4x2x128xi32, #tpu.memory_space<vmem>> -> memref<1x2x128xi32, #tpu.memory_space<vmem>>
        %dma_wait3A_288 = tpu.memref_squeeze %dma_wait3A_287 : memref<1x2x128xi32, #tpu.memory_space<vmem>> -> memref<2x128xi32, #tpu.memory_space<vmem>>
        %dma_wait3A_289 = arith.constant 0 : i32
        %dma_wait3A_290 = arith.constant 0 : i32
        %dma_wait3A_291 = tpu.memref_slice %arg4[%dma_wait3A_276, %dma_wait3A_289, %dma_wait3A_290] : memref<2500x2x128xi32, #tpu.memory_space<hbm>> -> memref<1x2x128xi32, #tpu.memory_space<hbm>>
        %dma_wait3A_292 = tpu.memref_squeeze %dma_wait3A_291 : memref<1x2x128xi32, #tpu.memory_space<hbm>> -> memref<2x128xi32, #tpu.memory_space<hbm>>
        tpu.wait_dma2 semaphore(%arg10 : memref<!tpu.dma_semaphore, #tpu.memory_space<semaphore_mem>>) src(%dma_wait3A_292 : memref<2x128xi32, #tpu.memory_space<hbm>>) dst(%dma_wait3A_288 : memref<2x128xi32, #tpu.memory_space<vmem>>)
        %dma_start3A_293 = arith.constant 0 : i32
        %dma_start3A_294 = arith.constant 0 : i32
        %dma_start3A_295 = arith.constant 0 : i32
        %dma_start3A_296 = tpu.memref_slice %arg8[%rem3A_221, %dma_start3A_294, %dma_start3A_295] : memref<2x128x128xf32, #tpu.memory_space<vmem>> -> memref<1x128x128xf32, #tpu.memory_space<vmem>>
        %dma_start3A_297 = tpu.memref_squeeze %dma_start3A_296 : memref<1x128x128xf32, #tpu.memory_space<vmem>> -> memref<128x128xf32, #tpu.memory_space<vmem>>
        %dma_start3A_298 = arith.constant 0 : i32
        %dma_start3A_299 = tpu.memref_slice %arg6[%rem3A_227, %dma_start3A_293, %dma_start3A_298] : memref<4x2x128xi32, #tpu.memory_space<vmem>> -> memref<1x1x128xi32, #tpu.memory_space<vmem>>
        %dma_start3A_300 = tpu.memref_squeeze %dma_start3A_299 : memref<1x1x128xi32, #tpu.memory_space<vmem>> -> memref<128xi32, #tpu.memory_space<vmem>>
        %dma_start3A_301 = arith.constant 0 : i32
        %dma_start3A_302 = arith.constant 0 : i32
        %dma_start3A_303 = tpu.memref_slice %arg2[%dma_start3A_301, %dma_start3A_302] : memref<10000x128xf32, #tpu.memory_space<hbm>> -> memref<10000x128xf32, #tpu.memory_space<hbm>>
        tpu.enqueue_indirect_dma source(%dma_start3A_303 : memref<10000x128xf32, #tpu.memory_space<hbm>>) target(%dma_start3A_297 : memref<128x128xf32, #tpu.memory_space<vmem>>) offsets(%dma_start3A_300 : memref<128xi32, #tpu.memory_space<vmem>>) semaphore(%arg12 : memref<!tpu.dma_semaphore, #tpu.memory_space<semaphore_mem>>)
      } else {
      }
      %add3A_248 = arith.constant 2 : i32
      %add3A_249 = arith.addi %add3A_216, %add3A_248 : i32
      %mul3A_250 = arith.constant 32 : i32
      %mul3A_251 = arith.muli %add3A_249, %mul3A_250 : i32
      %add3A_252 = arith.addi %mul3A_251, %add3A : i32
      %lt3A_253 = arith.constant 2500 : i32
      %lt3A_254 = arith.cmpi slt, %add3A_252, %lt3A_253 : i32
      %convert_element_type3A_255 = arith.extui %lt3A_254 : i1 to i32
      %cond3A_256 = arith.constant 0 : i32
      %cond3A_257 = arith.cmpi ne, %convert_element_type3A_255, %cond3A_256 : i32
      scf.if %cond3A_257 {
        %add3A_276 = arith.constant 2 : i32
        %add3A_277 = arith.addi %add3A_216, %add3A_276 : i32
        %add3A_278 = arith.constant 2 : i32
        %add3A_279 = arith.addi %add3A_216, %add3A_278 : i32
        %rem3A_280 = arith.constant 4 : i32
        %rem3A_281 = arith.remsi %add3A_279, %rem3A_280 : i32
        %mul3A_282 = arith.constant 32 : i32
        %mul3A_283 = arith.muli %add3A_277, %mul3A_282 : i32
        %add3A_284 = arith.addi %mul3A_283, %add3A : i32
        %dma_start3A_285 = arith.constant 0 : i32
        %dma_start3A_286 = arith.constant 0 : i32
        %dma_start3A_287 = tpu.memref_slice %arg6[%rem3A_281, %dma_start3A_285, %dma_start3A_286] : memref<4x2x128xi32, #tpu.memory_space<vmem>> -> memref<1x2x128xi32, #tpu.memory_space<vmem>>
        %dma_start3A_288 = tpu.memref_squeeze %dma_start3A_287 : memref<1x2x128xi32, #tpu.memory_space<vmem>> -> memref<2x128xi32, #tpu.memory_space<vmem>>
        %dma_start3A_289 = arith.constant 0 : i32
        %dma_start3A_290 = arith.constant 0 : i32
        %dma_start3A_291 = tpu.memref_slice %arg4[%add3A_284, %dma_start3A_289, %dma_start3A_290] : memref<2500x2x128xi32, #tpu.memory_space<hbm>> -> memref<1x2x128xi32, #tpu.memory_space<hbm>>
        %dma_start3A_292 = tpu.memref_squeeze %dma_start3A_291 : memref<1x2x128xi32, #tpu.memory_space<hbm>> -> memref<2x128xi32, #tpu.memory_space<hbm>>
        %dma_start3A_293 = arith.constant 0 : i32
        %dma_start3A_294 = arith.constant 0 : i32
        %dma_start3A_295 = tpu.memref_slice %arg6[%rem3A_281, %dma_start3A_293, %dma_start3A_294] : memref<4x2x128xi32, #tpu.memory_space<vmem>> -> memref<1x2x128xi32, #tpu.memory_space<vmem>>
        %dma_start3A_296 = tpu.memref_squeeze %dma_start3A_295 : memref<1x2x128xi32, #tpu.memory_space<vmem>> -> memref<2x128xi32, #tpu.memory_space<vmem>>
        %dma_start3A_297 = arith.constant 0 : i32
        %dma_start3A_298 = arith.constant 0 : i32
        %dma_start3A_299 = tpu.memref_slice %arg4[%add3A_284, %dma_start3A_297, %dma_start3A_298] : memref<2500x2x128xi32, #tpu.memory_space<hbm>> -> memref<1x2x128xi32, #tpu.memory_space<hbm>>
        %dma_start3A_300 = tpu.memref_squeeze %dma_start3A_299 : memref<1x2x128xi32, #tpu.memory_space<hbm>> -> memref<2x128xi32, #tpu.memory_space<hbm>>
        tpu.enqueue_dma source(%dma_start3A_300 : memref<2x128xi32, #tpu.memory_space<hbm>>) target(%dma_start3A_296 : memref<2x128xi32, #tpu.memory_space<vmem>>) target_semaphore(%arg10 : memref<!tpu.dma_semaphore, #tpu.memory_space<semaphore_mem>>)
      } else {
      }
      %add3A_258 = arith.constant 1 : i32
      %add3A_259 = arith.addi %add3A_216, %add3A_258 : i32
      %mul3A_260 = arith.constant 32 : i32
      %mul3A_261 = arith.muli %add3A_259, %mul3A_260 : i32
      %add3A_262 = arith.addi %mul3A_261, %add3A : i32
      %lt3A_263 = arith.constant 2500 : i32
      %lt3A_264 = arith.cmpi slt, %add3A_262, %lt3A_263 : i32
      %convert_element_type3A_265 = arith.extui %lt3A_264 : i1 to i32
      %cond3A_266 = arith.constant 0 : i32
      %cond3A_267 = arith.cmpi ne, %convert_element_type3A_265, %cond3A_266 : i32
      scf.if %cond3A_267 {
        %add3A_276 = arith.constant 1 : i32
        %add3A_277 = arith.addi %add3A_216, %add3A_276 : i32
        %mul3A_278 = arith.constant 32 : i32
        %mul3A_279 = arith.muli %add3A_277, %mul3A_278 : i32
        %add3A_280 = arith.addi %mul3A_279, %add3A : i32
        %mul3A_281 = arith.constant 64 : i32
        %mul3A_282 = arith.muli %add3A_280, %mul3A_281 : i32
        %dma_start3A_283 = arith.constant 0 : i32
        %dma_start3A_284 = arith.constant 0 : i32
        %dma_start3A_285 = tpu.memref_slice %arg7[%rem3A_221, %dma_start3A_283, %dma_start3A_284] : memref<2x64x128xi32, #tpu.memory_space<vmem>> -> memref<1x64x128xi32, #tpu.memory_space<vmem>>
        %dma_start3A_286 = tpu.memref_squeeze %dma_start3A_285 : memref<1x64x128xi32, #tpu.memory_space<vmem>> -> memref<64x128xi32, #tpu.memory_space<vmem>>
        %dma_start3A_287 = arith.constant 0 : i32
        %dma_start3A_288 = tpu.memref_slice %arg3[%mul3A_282, %dma_start3A_287] : memref<160000x128xi32, #tpu.memory_space<hbm>> -> memref<64x128xi32, #tpu.memory_space<hbm>>
        %dma_start3A_289 = arith.constant 0 : i32
        %dma_start3A_290 = arith.constant 0 : i32
        %dma_start3A_291 = tpu.memref_slice %arg7[%rem3A_221, %dma_start3A_289, %dma_start3A_290] : memref<2x64x128xi32, #tpu.memory_space<vmem>> -> memref<1x64x128xi32, #tpu.memory_space<vmem>>
        %dma_start3A_292 = tpu.memref_squeeze %dma_start3A_291 : memref<1x64x128xi32, #tpu.memory_space<vmem>> -> memref<64x128xi32, #tpu.memory_space<vmem>>
        %dma_start3A_293 = arith.constant 0 : i32
        %dma_start3A_294 = tpu.memref_slice %arg3[%mul3A_282, %dma_start3A_293] : memref<160000x128xi32, #tpu.memory_space<hbm>> -> memref<64x128xi32, #tpu.memory_space<hbm>>
        tpu.enqueue_dma source(%dma_start3A_294 : memref<64x128xi32, #tpu.memory_space<hbm>>) target(%dma_start3A_292 : memref<64x128xi32, #tpu.memory_space<vmem>>) target_semaphore(%arg11 : memref<!tpu.dma_semaphore, #tpu.memory_space<semaphore_mem>>)
      } else {
      }
      %mul3A_268 = arith.constant 32 : i32
      %mul3A_269 = arith.muli %add3A_216, %mul3A_268 : i32
      %add3A_270 = arith.addi %mul3A_269, %add3A : i32
      %lt3A_271 = arith.constant 2500 : i32
      %lt3A_272 = arith.cmpi slt, %add3A_270, %lt3A_271 : i32
      %convert_element_type3A_273 = arith.extui %lt3A_272 : i1 to i32
      %cond3A_274 = arith.constant 0 : i32
      %cond3A_275 = arith.cmpi ne, %convert_element_type3A_273, %cond3A_274 : i32
      scf.if %cond3A_275 {
        %dma_wait3A_276 = arith.constant 0 : i32
        %dma_wait3A_277 = arith.constant 0 : i32
        %dma_wait3A_278 = arith.constant 0 : i32
        %dma_wait3A_279 = tpu.memref_slice %arg8[%rem3A_217, %dma_wait3A_277, %dma_wait3A_278] : memref<2x128x128xf32, #tpu.memory_space<vmem>> -> memref<1x128x128xf32, #tpu.memory_space<vmem>>
        %dma_wait3A_280 = tpu.memref_squeeze %dma_wait3A_279 : memref<1x128x128xf32, #tpu.memory_space<vmem>> -> memref<128x128xf32, #tpu.memory_space<vmem>>
        %dma_wait3A_281 = arith.constant 0 : i32
        %dma_wait3A_282 = tpu.memref_slice %arg6[%rem3A_223, %dma_wait3A_276, %dma_wait3A_281] : memref<4x2x128xi32, #tpu.memory_space<vmem>> -> memref<1x1x128xi32, #tpu.memory_space<vmem>>
        %dma_wait3A_283 = tpu.memref_squeeze %dma_wait3A_282 : memref<1x1x128xi32, #tpu.memory_space<vmem>> -> memref<128xi32, #tpu.memory_space<vmem>>
        %dma_wait3A_284 = arith.constant 0 : i32
        %dma_wait3A_285 = arith.constant 0 : i32
        %dma_wait3A_286 = tpu.memref_slice %arg2[%dma_wait3A_284, %dma_wait3A_285] : memref<10000x128xf32, #tpu.memory_space<hbm>> -> memref<10000x128xf32, #tpu.memory_space<hbm>>
        tpu.wait_indirect_dma semaphore(%arg12 : memref<!tpu.dma_semaphore, #tpu.memory_space<semaphore_mem>>) src(%dma_wait3A_286 : memref<10000x128xf32, #tpu.memory_space<hbm>>) dst(%dma_wait3A_280 : memref<128x128xf32, #tpu.memory_space<vmem>>)
        %dma_wait3A_287 = arith.constant 0 : i32
        %dma_wait3A_288 = arith.constant 0 : i32
        %dma_wait3A_289 = tpu.memref_slice %arg7[%rem3A_217, %dma_wait3A_287, %dma_wait3A_288] : memref<2x64x128xi32, #tpu.memory_space<vmem>> -> memref<1x64x128xi32, #tpu.memory_space<vmem>>
        %dma_wait3A_290 = tpu.memref_squeeze %dma_wait3A_289 : memref<1x64x128xi32, #tpu.memory_space<vmem>> -> memref<64x128xi32, #tpu.memory_space<vmem>>
        %dma_wait3A_291 = arith.constant 0 : i32
        %dma_wait3A_292 = arith.constant 0 : i32
        %dma_wait3A_293 = tpu.memref_slice %arg3[%dma_wait3A_291, %dma_wait3A_292] : memref<160000x128xi32, #tpu.memory_space<hbm>> -> memref<64x128xi32, #tpu.memory_space<hbm>>
        %dma_wait3A_294 = arith.constant 0 : i32
        %dma_wait3A_295 = arith.constant 0 : i32
        %dma_wait3A_296 = tpu.memref_slice %arg7[%rem3A_217, %dma_wait3A_294, %dma_wait3A_295] : memref<2x64x128xi32, #tpu.memory_space<vmem>> -> memref<1x64x128xi32, #tpu.memory_space<vmem>>
        %dma_wait3A_297 = tpu.memref_squeeze %dma_wait3A_296 : memref<1x64x128xi32, #tpu.memory_space<vmem>> -> memref<64x128xi32, #tpu.memory_space<vmem>>
        %dma_wait3A_298 = arith.constant 0 : i32
        %dma_wait3A_299 = arith.constant 0 : i32
        %dma_wait3A_300 = tpu.memref_slice %arg3[%dma_wait3A_298, %dma_wait3A_299] : memref<160000x128xi32, #tpu.memory_space<hbm>> -> memref<64x128xi32, #tpu.memory_space<hbm>>
        tpu.wait_dma2 semaphore(%arg11 : memref<!tpu.dma_semaphore, #tpu.memory_space<semaphore_mem>>) src(%dma_wait3A_300 : memref<64x128xi32, #tpu.memory_space<hbm>>) dst(%dma_wait3A_297 : memref<64x128xi32, #tpu.memory_space<vmem>>)
        %scan3A_301 = arith.constant 0 : i32
        %scan3A_302 = arith.constant 64 : i32
        %scan3A_303 = arith.addi %scan3A_301, %scan3A_302 : i32
        %scan3A_304 = arith.constant 1 : i32
        scf.for %scan3A_317 = %scan3A_301 to %scan3A_303 step %scan3A_304  : i32 {
          %mul3A_318 = arith.constant 1 : i32
          %mul3A_319 = arith.muli %scan3A_317, %mul3A_318 : i32
          %add3A_320 = arith.constant 0 : i32
          %add3A_321 = arith.addi %add3A_320, %mul3A_319 : i32
          %mul3A_322 = arith.constant 2 : i32
          %mul3A_323 = arith.muli %mul3A_322, %add3A_321 : i32
          %add3A_324 = arith.constant 0 : i32
          %add3A_325 = arith.addi %mul3A_323, %add3A_324 : i32
          %get3A = arith.index_cast %rem3A_217 : i32 to index
          %get3A_326 = arith.index_cast %add3A_321 : i32 to index
          %get3A_327 = arith.constant 0 : index
          %get3A_328 = tpu.vector_load %arg7[%get3A, %get3A_326, %get3A_327] {strides = array<i32>} : memref<2x64x128xi32, #tpu.memory_space<vmem>>, vector<1x1x16xi32>,
          %get3A_329 = vector.shape_cast %get3A_328 : vector<1x1x16xi32> to vector<16xi32>
          %shift_left3A = arith.constant 16 : i32
          %shift_left3A_330 = vector.broadcast %shift_left3A : i32 to vector<16xi32>
          %shift_left3A_331 = arith.shli %get3A_329, %shift_left3A_330 : vector<16xi32>
          %bitcast_convert_type3A = tpu.bitcast %shift_left3A_331 : vector<16xi32> -> vector<16xf32>
          %and3A_332 = arith.constant -65536 : i32
          %and3A_333 = vector.broadcast %and3A_332 : i32 to vector<16xi32>
          %and3A_334 = arith.andi %get3A_329, %and3A_333 : vector<16xi32>
          %bitcast_convert_type3A_335 = tpu.bitcast %and3A_334 : vector<16xi32> -> vector<16xf32>
          %get3A_336 = arith.index_cast %rem3A_217 : i32 to index
          %get3A_337 = arith.index_cast %add3A_325 : i32 to index
          %get3A_338 = arith.constant 0 : index
          %get3A_339 = tpu.vector_load %arg8[%get3A_336, %get3A_337, %get3A_338] {strides = array<i32>} : memref<2x128x128xf32, #tpu.memory_space<vmem>>, vector<1x1x16xf32>,
          %get3A_340 = vector.shape_cast %get3A_339 : vector<1x1x16xf32> to vector<16xf32>
          %add3A_341 = arith.addf %get3A_340, %bitcast_convert_type3A : vector<16xf32>
          %max3A = arith.constant 0.000000e+00 : f32
          %max3A_342 = vector.broadcast %max3A : f32 to vector<16xf32>
          %max3A_343 = arith.maximumf %add3A_341, %max3A_342 : vector<16xf32>
          %swap3A = arith.index_cast %rem3A_217 : i32 to index
          %swap3A_344 = arith.index_cast %add3A_325 : i32 to index
          %swap3A_345 = arith.constant 0 : index
          %swap3A_346 = tpu.vector_load %arg8[%swap3A, %swap3A_344, %swap3A_345] {strides = array<i32>} : memref<2x128x128xf32, #tpu.memory_space<vmem>>, vector<1x1x16xf32>,
          %swap3A_347 = vector.shape_cast %swap3A_346 : vector<1x1x16xf32> to vector<16xf32>
          %swap3A_348 = vector.shape_cast %max3A_343 : vector<16xf32> to vector<1x1x16xf32>
          tpu.vector_store %arg8[%swap3A, %swap3A_344, %swap3A_345], %swap3A_348 {strides = array<i32>} : memref<2x128x128xf32, #tpu.memory_space<vmem>>, vector<1x1x16xf32>,
          %get3A_349 = arith.index_cast %rem3A_217 : i32 to index
          %get3A_350 = arith.index_cast %add3A_325 : i32 to index
          %get3A_351 = arith.constant 16 : index
          %get3A_352 = tpu.vector_load %arg8[%get3A_349, %get3A_350, %get3A_351] {strides = array<i32>} : memref<2x128x128xf32, #tpu.memory_space<vmem>>, vector<1x1x16xf32>,
          %get3A_353 = vector.shape_cast %get3A_352 : vector<1x1x16xf32> to vector<16xf32>
          %add3A_354 = arith.addf %get3A_353, %bitcast_convert_type3A_335 : vector<16xf32>
          %max3A_355 = arith.constant 0.000000e+00 : f32
          %max3A_356 = vector.broadcast %max3A_355 : f32 to vector<16xf32>
          %max3A_357 = arith.maximumf %add3A_354, %max3A_356 : vector<16xf32>
          %swap3A_358 = arith.index_cast %rem3A_217 : i32 to index
          %swap3A_359 = arith.index_cast %add3A_325 : i32 to index
          %swap3A_360 = arith.constant 16 : index
          %swap3A_361 = tpu.vector_load %arg8[%swap3A_358, %swap3A_359, %swap3A_360] {strides = array<i32>} : memref<2x128x128xf32, #tpu.memory_space<vmem>>, vector<1x1x16xf32>,
          %swap3A_362 = vector.shape_cast %swap3A_361 : vector<1x1x16xf32> to vector<16xf32>
          %swap3A_363 = vector.shape_cast %max3A_357 : vector<16xf32> to vector<1x1x16xf32>
          tpu.vector_store %arg8[%swap3A_358, %swap3A_359, %swap3A_360], %swap3A_363 {strides = array<i32>} : memref<2x128x128xf32, #tpu.memory_space<vmem>>, vector<1x1x16xf32>,
          %get3A_364 = arith.index_cast %rem3A_217 : i32 to index
          %get3A_365 = arith.index_cast %add3A_321 : i32 to index
          %get3A_366 = arith.constant 16 : index
          %get3A_367 = tpu.vector_load %arg7[%get3A_364, %get3A_365, %get3A_366] {strides = array<i32>} : memref<2x64x128xi32, #tpu.memory_space<vmem>>, vector<1x1x16xi32>,
          %get3A_368 = vector.shape_cast %get3A_367 : vector<1x1x16xi32> to vector<16xi32>
          %shift_left3A_369 = arith.constant 16 : i32
          %shift_left3A_370 = vector.broadcast %shift_left3A_369 : i32 to vector<16xi32>
          %shift_left3A_371 = arith.shli %get3A_368, %shift_left3A_370 : vector<16xi32>
          %bitcast_convert_type3A_372 = tpu.bitcast %shift_left3A_371 : vector<16xi32> -> vector<16xf32>
          %and3A_373 = arith.constant -65536 : i32
          %and3A_374 = vector.broadcast %and3A_373 : i32 to vector<16xi32>
          %and3A_375 = arith.andi %get3A_368, %and3A_374 : vector<16xi32>
          %bitcast_convert_type3A_376 = tpu.bitcast %and3A_375 : vector<16xi32> -> vector<16xf32>
          %get3A_377 = arith.index_cast %rem3A_217 : i32 to index
          %get3A_378 = arith.index_cast %add3A_325 : i32 to index
          %get3A_379 = arith.constant 32 : index
          %get3A_380 = tpu.vector_load %arg8[%get3A_377, %get3A_378, %get3A_379] {strides = array<i32>} : memref<2x128x128xf32, #tpu.memory_space<vmem>>, vector<1x1x16xf32>,
          %get3A_381 = vector.shape_cast %get3A_380 : vector<1x1x16xf32> to vector<16xf32>
          %add3A_382 = arith.addf %get3A_381, %bitcast_convert_type3A_372 : vector<16xf32>
          %max3A_383 = arith.constant 0.000000e+00 : f32
          %max3A_384 = vector.broadcast %max3A_383 : f32 to vector<16xf32>
          %max3A_385 = arith.maximumf %add3A_382, %max3A_384 : vector<16xf32>
          %swap3A_386 = arith.index_cast %rem3A_217 : i32 to index
          %swap3A_387 = arith.index_cast %add3A_325 : i32 to index
          %swap3A_388 = arith.constant 32 : index
          %swap3A_389 = tpu.vector_load %arg8[%swap3A_386, %swap3A_387, %swap3A_388] {strides = array<i32>} : memref<2x128x128xf32, #tpu.memory_space<vmem>>, vector<1x1x16xf32>,
          %swap3A_390 = vector.shape_cast %swap3A_389 : vector<1x1x16xf32> to vector<16xf32>
          %swap3A_391 = vector.shape_cast %max3A_385 : vector<16xf32> to vector<1x1x16xf32>
          tpu.vector_store %arg8[%swap3A_386, %swap3A_387, %swap3A_388], %swap3A_391 {strides = array<i32>} : memref<2x128x128xf32, #tpu.memory_space<vmem>>, vector<1x1x16xf32>,
          %get3A_392 = arith.index_cast %rem3A_217 : i32 to index
          %get3A_393 = arith.index_cast %add3A_325 : i32 to index
          %get3A_394 = arith.constant 48 : index
          %get3A_395 = tpu.vector_load %arg8[%get3A_392, %get3A_393, %get3A_394] {strides = array<i32>} : memref<2x128x128xf32, #tpu.memory_space<vmem>>, vector<1x1x16xf32>,
          %get3A_396 = vector.shape_cast %get3A_395 : vector<1x1x16xf32> to vector<16xf32>
          %add3A_397 = arith.addf %get3A_396, %bitcast_convert_type3A_376 : vector<16xf32>
          %max3A_398 = arith.constant 0.000000e+00 : f32
          %max3A_399 = vector.broadcast %max3A_398 : f32 to vector<16xf32>
          %max3A_400 = arith.maximumf %add3A_397, %max3A_399 : vector<16xf32>
          %swap3A_401 = arith.index_cast %rem3A_217 : i32 to index
          %swap3A_402 = arith.index_cast %add3A_325 : i32 to index
          %swap3A_403 = arith.constant 48 : index
          %swap3A_404 = tpu.vector_load %arg8[%swap3A_401, %swap3A_402, %swap3A_403] {strides = array<i32>} : memref<2x128x128xf32, #tpu.memory_space<vmem>>, vector<1x1x16xf32>,
          %swap3A_405 = vector.shape_cast %swap3A_404 : vector<1x1x16xf32> to vector<16xf32>
          %swap3A_406 = vector.shape_cast %max3A_400 : vector<16xf32> to vector<1x1x16xf32>
          tpu.vector_store %arg8[%swap3A_401, %swap3A_402, %swap3A_403], %swap3A_406 {strides = array<i32>} : memref<2x128x128xf32, #tpu.memory_space<vmem>>, vector<1x1x16xf32>,
          %get3A_407 = arith.index_cast %rem3A_217 : i32 to index
          %get3A_408 = arith.index_cast %add3A_321 : i32 to index
          %get3A_409 = arith.constant 32 : index
          %get3A_410 = tpu.vector_load %arg7[%get3A_407, %get3A_408, %get3A_409] {strides = array<i32>} : memref<2x64x128xi32, #tpu.memory_space<vmem>>, vector<1x1x16xi32>,
          %get3A_411 = vector.shape_cast %get3A_410 : vector<1x1x16xi32> to vector<16xi32>
          %shift_left3A_412 = arith.constant 16 : i32
          %shift_left3A_413 = vector.broadcast %shift_left3A_412 : i32 to vector<16xi32>
          %shift_left3A_414 = arith.shli %get3A_411, %shift_left3A_413 : vector<16xi32>
          %bitcast_convert_type3A_415 = tpu.bitcast %shift_left3A_414 : vector<16xi32> -> vector<16xf32>
          %and3A_416 = arith.constant -65536 : i32
          %and3A_417 = vector.broadcast %and3A_416 : i32 to vector<16xi32>
          %and3A_418 = arith.andi %get3A_411, %and3A_417 : vector<16xi32>
          %bitcast_convert_type3A_419 = tpu.bitcast %and3A_418 : vector<16xi32> -> vector<16xf32>
          %get3A_420 = arith.index_cast %rem3A_217 : i32 to index
          %get3A_421 = arith.index_cast %add3A_325 : i32 to index
          %get3A_422 = arith.constant 64 : index
          %get3A_423 = tpu.vector_load %arg8[%get3A_420, %get3A_421, %get3A_422] {strides = array<i32>} : memref<2x128x128xf32, #tpu.memory_space<vmem>>, vector<1x1x16xf32>,
          %get3A_424 = vector.shape_cast %get3A_423 : vector<1x1x16xf32> to vector<16xf32>
          %add3A_425 = arith.addf %get3A_424, %bitcast_convert_type3A_415 : vector<16xf32>
          %max3A_426 = arith.constant 0.000000e+00 : f32
          %max3A_427 = vector.broadcast %max3A_426 : f32 to vector<16xf32>
          %max3A_428 = arith.maximumf %add3A_425, %max3A_427 : vector<16xf32>
          %swap3A_429 = arith.index_cast %rem3A_217 : i32 to index
          %swap3A_430 = arith.index_cast %add3A_325 : i32 to index
          %swap3A_431 = arith.constant 64 : index
          %swap3A_432 = tpu.vector_load %arg8[%swap3A_429, %swap3A_430, %swap3A_431] {strides = array<i32>} : memref<2x128x128xf32, #tpu.memory_space<vmem>>, vector<1x1x16xf32>,
          %swap3A_433 = vector.shape_cast %swap3A_432 : vector<1x1x16xf32> to vector<16xf32>
          %swap3A_434 = vector.shape_cast %max3A_428 : vector<16xf32> to vector<1x1x16xf32>
          tpu.vector_store %arg8[%swap3A_429, %swap3A_430, %swap3A_431], %swap3A_434 {strides = array<i32>} : memref<2x128x128xf32, #tpu.memory_space<vmem>>, vector<1x1x16xf32>,
          %get3A_435 = arith.index_cast %rem3A_217 : i32 to index
          %get3A_436 = arith.index_cast %add3A_325 : i32 to index
          %get3A_437 = arith.constant 80 : index
          %get3A_438 = tpu.vector_load %arg8[%get3A_435, %get3A_436, %get3A_437] {strides = array<i32>} : memref<2x128x128xf32, #tpu.memory_space<vmem>>, vector<1x1x16xf32>,
          %get3A_439 = vector.shape_cast %get3A_438 : vector<1x1x16xf32> to vector<16xf32>
          %add3A_440 = arith.addf %get3A_439, %bitcast_convert_type3A_419 : vector<16xf32>
          %max3A_441 = arith.constant 0.000000e+00 : f32
          %max3A_442 = vector.broadcast %max3A_441 : f32 to vector<16xf32>
          %max3A_443 = arith.maximumf %add3A_440, %max3A_442 : vector<16xf32>
          %swap3A_444 = arith.index_cast %rem3A_217 : i32 to index
          %swap3A_445 = arith.index_cast %add3A_325 : i32 to index
          %swap3A_446 = arith.constant 80 : index
          %swap3A_447 = tpu.vector_load %arg8[%swap3A_444, %swap3A_445, %swap3A_446] {strides = array<i32>} : memref<2x128x128xf32, #tpu.memory_space<vmem>>, vector<1x1x16xf32>,
          %swap3A_448 = vector.shape_cast %swap3A_447 : vector<1x1x16xf32> to vector<16xf32>
          %swap3A_449 = vector.shape_cast %max3A_443 : vector<16xf32> to vector<1x1x16xf32>
          tpu.vector_store %arg8[%swap3A_444, %swap3A_445, %swap3A_446], %swap3A_449 {strides = array<i32>} : memref<2x128x128xf32, #tpu.memory_space<vmem>>, vector<1x1x16xf32>,
          %get3A_450 = arith.index_cast %rem3A_217 : i32 to index
          %get3A_451 = arith.index_cast %add3A_321 : i32 to index
          %get3A_452 = arith.constant 48 : index
          %get3A_453 = tpu.vector_load %arg7[%get3A_450, %get3A_451, %get3A_452] {strides = array<i32>} : memref<2x64x128xi32, #tpu.memory_space<vmem>>, vector<1x1x16xi32>,
          %get3A_454 = vector.shape_cast %get3A_453 : vector<1x1x16xi32> to vector<16xi32>
          %shift_left3A_455 = arith.constant 16 : i32
          %shift_left3A_456 = vector.broadcast %shift_left3A_455 : i32 to vector<16xi32>
          %shift_left3A_457 = arith.shli %get3A_454, %shift_left3A_456 : vector<16xi32>
          %bitcast_convert_type3A_458 = tpu.bitcast %shift_left3A_457 : vector<16xi32> -> vector<16xf32>
          %and3A_459 = arith.constant -65536 : i32
          %and3A_460 = vector.broadcast %and3A_459 : i32 to vector<16xi32>
          %and3A_461 = arith.andi %get3A_454, %and3A_460 : vector<16xi32>
          %bitcast_convert_type3A_462 = tpu.bitcast %and3A_461 : vector<16xi32> -> vector<16xf32>
          %get3A_463 = arith.index_cast %rem3A_217 : i32 to index
          %get3A_464 = arith.index_cast %add3A_325 : i32 to index
          %get3A_465 = arith.constant 96 : index
          %get3A_466 = tpu.vector_load %arg8[%get3A_463, %get3A_464, %get3A_465] {strides = array<i32>} : memref<2x128x128xf32, #tpu.memory_space<vmem>>, vector<1x1x16xf32>,
          %get3A_467 = vector.shape_cast %get3A_466 : vector<1x1x16xf32> to vector<16xf32>
          %add3A_468 = arith.addf %get3A_467, %bitcast_convert_type3A_458 : vector<16xf32>
          %max3A_469 = arith.constant 0.000000e+00 : f32
          %max3A_470 = vector.broadcast %max3A_469 : f32 to vector<16xf32>
          %max3A_471 = arith.maximumf %add3A_468, %max3A_470 : vector<16xf32>
          %swap3A_472 = arith.index_cast %rem3A_217 : i32 to index
          %swap3A_473 = arith.index_cast %add3A_325 : i32 to index
          %swap3A_474 = arith.constant 96 : index
          %swap3A_475 = tpu.vector_load %arg8[%swap3A_472, %swap3A_473, %swap3A_474] {strides = array<i32>} : memref<2x128x128xf32, #tpu.memory_space<vmem>>, vector<1x1x16xf32>,
          %swap3A_476 = vector.shape_cast %swap3A_475 : vector<1x1x16xf32> to vector<16xf32>
          %swap3A_477 = vector.shape_cast %max3A_471 : vector<16xf32> to vector<1x1x16xf32>
          tpu.vector_store %arg8[%swap3A_472, %swap3A_473, %swap3A_474], %swap3A_477 {strides = array<i32>} : memref<2x128x128xf32, #tpu.memory_space<vmem>>, vector<1x1x16xf32>,
          %get3A_478 = arith.index_cast %rem3A_217 : i32 to index
          %get3A_479 = arith.index_cast %add3A_325 : i32 to index
          %get3A_480 = arith.constant 112 : index
          %get3A_481 = tpu.vector_load %arg8[%get3A_478, %get3A_479, %get3A_480] {strides = array<i32>} : memref<2x128x128xf32, #tpu.memory_space<vmem>>, vector<1x1x16xf32>,
          %get3A_482 = vector.shape_cast %get3A_481 : vector<1x1x16xf32> to vector<16xf32>
          %add3A_483 = arith.addf %get3A_482, %bitcast_convert_type3A_462 : vector<16xf32>
          %max3A_484 = arith.constant 0.000000e+00 : f32
          %max3A_485 = vector.broadcast %max3A_484 : f32 to vector<16xf32>
          %max3A_486 = arith.maximumf %add3A_483, %max3A_485 : vector<16xf32>
          %swap3A_487 = arith.index_cast %rem3A_217 : i32 to index
          %swap3A_488 = arith.index_cast %add3A_325 : i32 to index
          %swap3A_489 = arith.constant 112 : index
          %swap3A_490 = tpu.vector_load %arg8[%swap3A_487, %swap3A_488, %swap3A_489] {strides = array<i32>} : memref<2x128x128xf32, #tpu.memory_space<vmem>>, vector<1x1x16xf32>,
          %swap3A_491 = vector.shape_cast %swap3A_490 : vector<1x1x16xf32> to vector<16xf32>
          %swap3A_492 = vector.shape_cast %max3A_486 : vector<16xf32> to vector<1x1x16xf32>
          tpu.vector_store %arg8[%swap3A_487, %swap3A_488, %swap3A_489], %swap3A_492 {strides = array<i32>} : memref<2x128x128xf32, #tpu.memory_space<vmem>>, vector<1x1x16xf32>,
          %mul3A_493 = arith.constant 2 : i32
          %mul3A_494 = arith.muli %mul3A_493, %add3A_321 : i32
          %add3A_495 = arith.constant 1 : i32
          %add3A_496 = arith.addi %mul3A_494, %add3A_495 : i32
          %get3A_497 = arith.index_cast %rem3A_217 : i32 to index
          %get3A_498 = arith.index_cast %add3A_321 : i32 to index
          %get3A_499 = arith.constant 64 : index
          %get3A_500 = tpu.vector_load %arg7[%get3A_497, %get3A_498, %get3A_499] {strides = array<i32>} : memref<2x64x128xi32, #tpu.memory_space<vmem>>, vector<1x1x16xi32>,
          %get3A_501 = vector.shape_cast %get3A_500 : vector<1x1x16xi32> to vector<16xi32>
          %shift_left3A_502 = arith.constant 16 : i32
          %shift_left3A_503 = vector.broadcast %shift_left3A_502 : i32 to vector<16xi32>
          %shift_left3A_504 = arith.shli %get3A_501, %shift_left3A_503 : vector<16xi32>
          %bitcast_convert_type3A_505 = tpu.bitcast %shift_left3A_504 : vector<16xi32> -> vector<16xf32>
          %and3A_506 = arith.constant -65536 : i32
          %and3A_507 = vector.broadcast %and3A_506 : i32 to vector<16xi32>
          %and3A_508 = arith.andi %get3A_501, %and3A_507 : vector<16xi32>
          %bitcast_convert_type3A_509 = tpu.bitcast %and3A_508 : vector<16xi32> -> vector<16xf32>
          %get3A_510 = arith.index_cast %rem3A_217 : i32 to index
          %get3A_511 = arith.index_cast %add3A_496 : i32 to index
          %get3A_512 = arith.constant 0 : index
          %get3A_513 = tpu.vector_load %arg8[%get3A_510, %get3A_511, %get3A_512] {strides = array<i32>} : memref<2x128x128xf32, #tpu.memory_space<vmem>>, vector<1x1x16xf32>,
          %get3A_514 = vector.shape_cast %get3A_513 : vector<1x1x16xf32> to vector<16xf32>
          %add3A_515 = arith.addf %get3A_514, %bitcast_convert_type3A_505 : vector<16xf32>
          %max3A_516 = arith.constant 0.000000e+00 : f32
          %max3A_517 = vector.broadcast %max3A_516 : f32 to vector<16xf32>
          %max3A_518 = arith.maximumf %add3A_515, %max3A_517 : vector<16xf32>
          %swap3A_519 = arith.index_cast %rem3A_217 : i32 to index
          %swap3A_520 = arith.index_cast %add3A_496 : i32 to index
          %swap3A_521 = arith.constant 0 : index
          %swap3A_522 = tpu.vector_load %arg8[%swap3A_519, %swap3A_520, %swap3A_521] {strides = array<i32>} : memref<2x128x128xf32, #tpu.memory_space<vmem>>, vector<1x1x16xf32>,
          %swap3A_523 = vector.shape_cast %swap3A_522 : vector<1x1x16xf32> to vector<16xf32>
          %swap3A_524 = vector.shape_cast %max3A_518 : vector<16xf32> to vector<1x1x16xf32>
          tpu.vector_store %arg8[%swap3A_519, %swap3A_520, %swap3A_521], %swap3A_524 {strides = array<i32>} : memref<2x128x128xf32, #tpu.memory_space<vmem>>, vector<1x1x16xf32>,
          %get3A_525 = arith.index_cast %rem3A_217 : i32 to index
          %get3A_526 = arith.index_cast %add3A_496 : i32 to index
          %get3A_527 = arith.constant 16 : index
          %get3A_528 = tpu.vector_load %arg8[%get3A_525, %get3A_526, %get3A_527] {strides = array<i32>} : memref<2x128x128xf32, #tpu.memory_space<vmem>>, vector<1x1x16xf32>,
          %get3A_529 = vector.shape_cast %get3A_528 : vector<1x1x16xf32> to vector<16xf32>
          %add3A_530 = arith.addf %get3A_529, %bitcast_convert_type3A_509 : vector<16xf32>
          %max3A_531 = arith.constant 0.000000e+00 : f32
          %max3A_532 = vector.broadcast %max3A_531 : f32 to vector<16xf32>
          %max3A_533 = arith.maximumf %add3A_530, %max3A_532 : vector<16xf32>
          %swap3A_534 = arith.index_cast %rem3A_217 : i32 to index
          %swap3A_535 = arith.index_cast %add3A_496 : i32 to index
          %swap3A_536 = arith.constant 16 : index
          %swap3A_537 = tpu.vector_load %arg8[%swap3A_534, %swap3A_535, %swap3A_536] {strides = array<i32>} : memref<2x128x128xf32, #tpu.memory_space<vmem>>, vector<1x1x16xf32>,
          %swap3A_538 = vector.shape_cast %swap3A_537 : vector<1x1x16xf32> to vector<16xf32>
          %swap3A_539 = vector.shape_cast %max3A_533 : vector<16xf32> to vector<1x1x16xf32>
          tpu.vector_store %arg8[%swap3A_534, %swap3A_535, %swap3A_536], %swap3A_539 {strides = array<i32>} : memref<2x128x128xf32, #tpu.memory_space<vmem>>, vector<1x1x16xf32>,
          %get3A_540 = arith.index_cast %rem3A_217 : i32 to index
          %get3A_541 = arith.index_cast %add3A_321 : i32 to index
          %get3A_542 = arith.constant 80 : index
          %get3A_543 = tpu.vector_load %arg7[%get3A_540, %get3A_541, %get3A_542] {strides = array<i32>} : memref<2x64x128xi32, #tpu.memory_space<vmem>>, vector<1x1x16xi32>,
          %get3A_544 = vector.shape_cast %get3A_543 : vector<1x1x16xi32> to vector<16xi32>
          %shift_left3A_545 = arith.constant 16 : i32
          %shift_left3A_546 = vector.broadcast %shift_left3A_545 : i32 to vector<16xi32>
          %shift_left3A_547 = arith.shli %get3A_544, %shift_left3A_546 : vector<16xi32>
          %bitcast_convert_type3A_548 = tpu.bitcast %shift_left3A_547 : vector<16xi32> -> vector<16xf32>
          %and3A_549 = arith.constant -65536 : i32
          %and3A_550 = vector.broadcast %and3A_549 : i32 to vector<16xi32>
          %and3A_551 = arith.andi %get3A_544, %and3A_550 : vector<16xi32>
          %bitcast_convert_type3A_552 = tpu.bitcast %and3A_551 : vector<16xi32> -> vector<16xf32>
          %get3A_553 = arith.index_cast %rem3A_217 : i32 to index
          %get3A_554 = arith.index_cast %add3A_496 : i32 to index
          %get3A_555 = arith.constant 32 : index
          %get3A_556 = tpu.vector_load %arg8[%get3A_553, %get3A_554, %get3A_555] {strides = array<i32>} : memref<2x128x128xf32, #tpu.memory_space<vmem>>, vector<1x1x16xf32>,
          %get3A_557 = vector.shape_cast %get3A_556 : vector<1x1x16xf32> to vector<16xf32>
          %add3A_558 = arith.addf %get3A_557, %bitcast_convert_type3A_548 : vector<16xf32>
          %max3A_559 = arith.constant 0.000000e+00 : f32
          %max3A_560 = vector.broadcast %max3A_559 : f32 to vector<16xf32>
          %max3A_561 = arith.maximumf %add3A_558, %max3A_560 : vector<16xf32>
          %swap3A_562 = arith.index_cast %rem3A_217 : i32 to index
          %swap3A_563 = arith.index_cast %add3A_496 : i32 to index
          %swap3A_564 = arith.constant 32 : index
          %swap3A_565 = tpu.vector_load %arg8[%swap3A_562, %swap3A_563, %swap3A_564] {strides = array<i32>} : memref<2x128x128xf32, #tpu.memory_space<vmem>>, vector<1x1x16xf32>,
          %swap3A_566 = vector.shape_cast %swap3A_565 : vector<1x1x16xf32> to vector<16xf32>
          %swap3A_567 = vector.shape_cast %max3A_561 : vector<16xf32> to vector<1x1x16xf32>
          tpu.vector_store %arg8[%swap3A_562, %swap3A_563, %swap3A_564], %swap3A_567 {strides = array<i32>} : memref<2x128x128xf32, #tpu.memory_space<vmem>>, vector<1x1x16xf32>,
          %get3A_568 = arith.index_cast %rem3A_217 : i32 to index
          %get3A_569 = arith.index_cast %add3A_496 : i32 to index
          %get3A_570 = arith.constant 48 : index
          %get3A_571 = tpu.vector_load %arg8[%get3A_568, %get3A_569, %get3A_570] {strides = array<i32>} : memref<2x128x128xf32, #tpu.memory_space<vmem>>, vector<1x1x16xf32>,
          %get3A_572 = vector.shape_cast %get3A_571 : vector<1x1x16xf32> to vector<16xf32>
          %add3A_573 = arith.addf %get3A_572, %bitcast_convert_type3A_552 : vector<16xf32>
          %max3A_574 = arith.constant 0.000000e+00 : f32
          %max3A_575 = vector.broadcast %max3A_574 : f32 to vector<16xf32>
          %max3A_576 = arith.maximumf %add3A_573, %max3A_575 : vector<16xf32>
          %swap3A_577 = arith.index_cast %rem3A_217 : i32 to index
          %swap3A_578 = arith.index_cast %add3A_496 : i32 to index
          %swap3A_579 = arith.constant 48 : index
          %swap3A_580 = tpu.vector_load %arg8[%swap3A_577, %swap3A_578, %swap3A_579] {strides = array<i32>} : memref<2x128x128xf32, #tpu.memory_space<vmem>>, vector<1x1x16xf32>,
          %swap3A_581 = vector.shape_cast %swap3A_580 : vector<1x1x16xf32> to vector<16xf32>
          %swap3A_582 = vector.shape_cast %max3A_576 : vector<16xf32> to vector<1x1x16xf32>
          tpu.vector_store %arg8[%swap3A_577, %swap3A_578, %swap3A_579], %swap3A_582 {strides = array<i32>} : memref<2x128x128xf32, #tpu.memory_space<vmem>>, vector<1x1x16xf32>,
          %get3A_583 = arith.index_cast %rem3A_217 : i32 to index
          %get3A_584 = arith.index_cast %add3A_321 : i32 to index
          %get3A_585 = arith.constant 96 : index
          %get3A_586 = tpu.vector_load %arg7[%get3A_583, %get3A_584, %get3A_585] {strides = array<i32>} : memref<2x64x128xi32, #tpu.memory_space<vmem>>, vector<1x1x16xi32>,
          %get3A_587 = vector.shape_cast %get3A_586 : vector<1x1x16xi32> to vector<16xi32>
          %shift_left3A_588 = arith.constant 16 : i32
          %shift_left3A_589 = vector.broadcast %shift_left3A_588 : i32 to vector<16xi32>
          %shift_left3A_590 = arith.shli %get3A_587, %shift_left3A_589 : vector<16xi32>
          %bitcast_convert_type3A_591 = tpu.bitcast %shift_left3A_590 : vector<16xi32> -> vector<16xf32>
          %and3A_592 = arith.constant -65536 : i32
          %and3A_593 = vector.broadcast %and3A_592 : i32 to vector<16xi32>
          %and3A_594 = arith.andi %get3A_587, %and3A_593 : vector<16xi32>
          %bitcast_convert_type3A_595 = tpu.bitcast %and3A_594 : vector<16xi32> -> vector<16xf32>
          %get3A_596 = arith.index_cast %rem3A_217 : i32 to index
          %get3A_597 = arith.index_cast %add3A_496 : i32 to index
          %get3A_598 = arith.constant 64 : index
          %get3A_599 = tpu.vector_load %arg8[%get3A_596, %get3A_597, %get3A_598] {strides = array<i32>} : memref<2x128x128xf32, #tpu.memory_space<vmem>>, vector<1x1x16xf32>,
          %get3A_600 = vector.shape_cast %get3A_599 : vector<1x1x16xf32> to vector<16xf32>
          %add3A_601 = arith.addf %get3A_600, %bitcast_convert_type3A_591 : vector<16xf32>
          %max3A_602 = arith.constant 0.000000e+00 : f32
          %max3A_603 = vector.broadcast %max3A_602 : f32 to vector<16xf32>
          %max3A_604 = arith.maximumf %add3A_601, %max3A_603 : vector<16xf32>
          %swap3A_605 = arith.index_cast %rem3A_217 : i32 to index
          %swap3A_606 = arith.index_cast %add3A_496 : i32 to index
          %swap3A_607 = arith.constant 64 : index
          %swap3A_608 = tpu.vector_load %arg8[%swap3A_605, %swap3A_606, %swap3A_607] {strides = array<i32>} : memref<2x128x128xf32, #tpu.memory_space<vmem>>, vector<1x1x16xf32>,
          %swap3A_609 = vector.shape_cast %swap3A_608 : vector<1x1x16xf32> to vector<16xf32>
          %swap3A_610 = vector.shape_cast %max3A_604 : vector<16xf32> to vector<1x1x16xf32>
          tpu.vector_store %arg8[%swap3A_605, %swap3A_606, %swap3A_607], %swap3A_610 {strides = array<i32>} : memref<2x128x128xf32, #tpu.memory_space<vmem>>, vector<1x1x16xf32>,
          %get3A_611 = arith.index_cast %rem3A_217 : i32 to index
          %get3A_612 = arith.index_cast %add3A_496 : i32 to index
          %get3A_613 = arith.constant 80 : index
          %get3A_614 = tpu.vector_load %arg8[%get3A_611, %get3A_612, %get3A_613] {strides = array<i32>} : memref<2x128x128xf32, #tpu.memory_space<vmem>>, vector<1x1x16xf32>,
          %get3A_615 = vector.shape_cast %get3A_614 : vector<1x1x16xf32> to vector<16xf32>
          %add3A_616 = arith.addf %get3A_615, %bitcast_convert_type3A_595 : vector<16xf32>
          %max3A_617 = arith.constant 0.000000e+00 : f32
          %max3A_618 = vector.broadcast %max3A_617 : f32 to vector<16xf32>
          %max3A_619 = arith.maximumf %add3A_616, %max3A_618 : vector<16xf32>
          %swap3A_620 = arith.index_cast %rem3A_217 : i32 to index
          %swap3A_621 = arith.index_cast %add3A_496 : i32 to index
          %swap3A_622 = arith.constant 80 : index
          %swap3A_623 = tpu.vector_load %arg8[%swap3A_620, %swap3A_621, %swap3A_622] {strides = array<i32>} : memref<2x128x128xf32, #tpu.memory_space<vmem>>, vector<1x1x16xf32>,
          %swap3A_624 = vector.shape_cast %swap3A_623 : vector<1x1x16xf32> to vector<16xf32>
          %swap3A_625 = vector.shape_cast %max3A_619 : vector<16xf32> to vector<1x1x16xf32>
          tpu.vector_store %arg8[%swap3A_620, %swap3A_621, %swap3A_622], %swap3A_625 {strides = array<i32>} : memref<2x128x128xf32, #tpu.memory_space<vmem>>, vector<1x1x16xf32>,
          %get3A_626 = arith.index_cast %rem3A_217 : i32 to index
          %get3A_627 = arith.index_cast %add3A_321 : i32 to index
          %get3A_628 = arith.constant 112 : index
          %get3A_629 = tpu.vector_load %arg7[%get3A_626, %get3A_627, %get3A_628] {strides = array<i32>} : memref<2x64x128xi32, #tpu.memory_space<vmem>>, vector<1x1x16xi32>,
          %get3A_630 = vector.shape_cast %get3A_629 : vector<1x1x16xi32> to vector<16xi32>
          %shift_left3A_631 = arith.constant 16 : i32
          %shift_left3A_632 = vector.broadcast %shift_left3A_631 : i32 to vector<16xi32>
          %shift_left3A_633 = arith.shli %get3A_630, %shift_left3A_632 : vector<16xi32>
          %bitcast_convert_type3A_634 = tpu.bitcast %shift_left3A_633 : vector<16xi32> -> vector<16xf32>
          %and3A_635 = arith.constant -65536 : i32
          %and3A_636 = vector.broadcast %and3A_635 : i32 to vector<16xi32>
          %and3A_637 = arith.andi %get3A_630, %and3A_636 : vector<16xi32>
          %bitcast_convert_type3A_638 = tpu.bitcast %and3A_637 : vector<16xi32> -> vector<16xf32>
          %get3A_639 = arith.index_cast %rem3A_217 : i32 to index
          %get3A_640 = arith.index_cast %add3A_496 : i32 to index
          %get3A_641 = arith.constant 96 : index
          %get3A_642 = tpu.vector_load %arg8[%get3A_639, %get3A_640, %get3A_641] {strides = array<i32>} : memref<2x128x128xf32, #tpu.memory_space<vmem>>, vector<1x1x16xf32>,
          %get3A_643 = vector.shape_cast %get3A_642 : vector<1x1x16xf32> to vector<16xf32>
          %add3A_644 = arith.addf %get3A_643, %bitcast_convert_type3A_634 : vector<16xf32>
          %max3A_645 = arith.constant 0.000000e+00 : f32
          %max3A_646 = vector.broadcast %max3A_645 : f32 to vector<16xf32>
          %max3A_647 = arith.maximumf %add3A_644, %max3A_646 : vector<16xf32>
          %swap3A_648 = arith.index_cast %rem3A_217 : i32 to index
          %swap3A_649 = arith.index_cast %add3A_496 : i32 to index
          %swap3A_650 = arith.constant 96 : index
          %swap3A_651 = tpu.vector_load %arg8[%swap3A_648, %swap3A_649, %swap3A_650] {strides = array<i32>} : memref<2x128x128xf32, #tpu.memory_space<vmem>>, vector<1x1x16xf32>,
          %swap3A_652 = vector.shape_cast %swap3A_651 : vector<1x1x16xf32> to vector<16xf32>
          %swap3A_653 = vector.shape_cast %max3A_647 : vector<16xf32> to vector<1x1x16xf32>
          tpu.vector_store %arg8[%swap3A_648, %swap3A_649, %swap3A_650], %swap3A_653 {strides = array<i32>} : memref<2x128x128xf32, #tpu.memory_space<vmem>>, vector<1x1x16xf32>,
          %get3A_654 = arith.index_cast %rem3A_217 : i32 to index
          %get3A_655 = arith.index_cast %add3A_496 : i32 to index
          %get3A_656 = arith.constant 112 : index
          %get3A_657 = tpu.vector_load %arg8[%get3A_654, %get3A_655, %get3A_656] {strides = array<i32>} : memref<2x128x128xf32, #tpu.memory_space<vmem>>, vector<1x1x16xf32>,
          %get3A_658 = vector.shape_cast %get3A_657 : vector<1x1x16xf32> to vector<16xf32>
          %add3A_659 = arith.addf %get3A_658, %bitcast_convert_type3A_638 : vector<16xf32>
          %max3A_660 = arith.constant 0.000000e+00 : f32
          %max3A_661 = vector.broadcast %max3A_660 : f32 to vector<16xf32>
          %max3A_662 = arith.maximumf %add3A_659, %max3A_661 : vector<16xf32>
          %swap3A_663 = arith.index_cast %rem3A_217 : i32 to index
          %swap3A_664 = arith.index_cast %add3A_496 : i32 to index
          %swap3A_665 = arith.constant 112 : index
          %swap3A_666 = tpu.vector_load %arg8[%swap3A_663, %swap3A_664, %swap3A_665] {strides = array<i32>} : memref<2x128x128xf32, #tpu.memory_space<vmem>>, vector<1x1x16xf32>,
          %swap3A_667 = vector.shape_cast %swap3A_666 : vector<1x1x16xf32> to vector<16xf32>
          %swap3A_668 = vector.shape_cast %max3A_662 : vector<16xf32> to vector<1x1x16xf32>
          tpu.vector_store %arg8[%swap3A_663, %swap3A_664, %swap3A_665], %swap3A_668 {strides = array<i32>} : memref<2x128x128xf32, #tpu.memory_space<vmem>>, vector<1x1x16xf32>,
        }
        %scan3A_305 = arith.constant 64 : i32
        %dma_start3A_306 = arith.constant 1 : i32
        %dma_start3A_307 = arith.constant 0 : i32
        %dma_start3A_308 = arith.constant 0 : i32
        %dma_start3A_309 = tpu.memref_slice %arg8[%rem3A_217, %dma_start3A_307, %dma_start3A_308] : memref<2x128x128xf32, #tpu.memory_space<vmem>> -> memref<1x128x128xf32, #tpu.memory_space<vmem>>
        %dma_start3A_310 = tpu.memref_squeeze %dma_start3A_309 : memref<1x128x128xf32, #tpu.memory_space<vmem>> -> memref<128x128xf32, #tpu.memory_space<vmem>>
        %dma_start3A_311 = arith.constant 0 : i32
        %dma_start3A_312 = tpu.memref_slice %arg6[%rem3A_223, %dma_start3A_306, %dma_start3A_311] : memref<4x2x128xi32, #tpu.memory_space<vmem>> -> memref<1x1x128xi32, #tpu.memory_space<vmem>>
        %dma_start3A_313 = tpu.memref_squeeze %dma_start3A_312 : memref<1x1x128xi32, #tpu.memory_space<vmem>> -> memref<128xi32, #tpu.memory_space<vmem>>
        %dma_start3A_314 = arith.constant 0 : i32
        %dma_start3A_315 = arith.constant 0 : i32
        %dma_start3A_316 = tpu.memref_slice %arg9[%dma_start3A_314, %dma_start3A_315] : memref<10000x128xf32, #tpu.memory_space<vmem_shared>> -> memref<10000x128xf32, #tpu.memory_space<vmem_shared>>
        tpu.enqueue_indirect_dma source(%dma_start3A_310 : memref<128x128xf32, #tpu.memory_space<vmem>>) target(%dma_start3A_316 : memref<10000x128xf32, #tpu.memory_space<vmem_shared>>) offsets(%dma_start3A_313 : memref<128xi32, #tpu.memory_space<vmem>>) semaphore(%arg13 : memref<!tpu.dma_semaphore, #tpu.memory_space<semaphore_mem>>) {add = true}
      } else {
      }
    }
    %scan3A_147 = arith.constant 79 : i32
    %add3A_148 = arith.constant 2496 : i32
    %add3A_149 = arith.addi %add3A_148, %add3A : i32
    %lt3A_150 = arith.constant 2500 : i32
    %lt3A_151 = arith.cmpi slt, %add3A_149, %lt3A_150 : i32
    %convert_element_type3A_152 = arith.extui %lt3A_151 : i1 to i32
    %cond3A_153 = arith.constant 0 : i32
    %cond3A_154 = arith.cmpi ne, %convert_element_type3A_152, %cond3A_153 : i32
    scf.if %cond3A_154 {
      %dma_wait3A_212 = arith.constant 0 : i32
      %dma_wait3A_213 = arith.constant 0 : i32
      %dma_wait3A_214 = arith.constant 1 : i32
      %dma_wait3A_215 = arith.constant 0 : i32
      %dma_wait3A_216 = arith.constant 0 : i32
      %dma_wait3A_217 = tpu.memref_slice %arg8[%dma_wait3A_212, %dma_wait3A_215, %dma_wait3A_216] : memref<2x128x128xf32, #tpu.memory_space<vmem>> -> memref<1x128x128xf32, #tpu.memory_space<vmem>>
      %dma_wait3A_218 = tpu.memref_squeeze %dma_wait3A_217 : memref<1x128x128xf32, #tpu.memory_space<vmem>> -> memref<128x128xf32, #tpu.memory_space<vmem>>
      %dma_wait3A_219 = arith.constant 0 : i32
      %dma_wait3A_220 = tpu.memref_slice %arg6[%dma_wait3A_213, %dma_wait3A_214, %dma_wait3A_219] : memref<4x2x128xi32, #tpu.memory_space<vmem>> -> memref<1x1x128xi32, #tpu.memory_space<vmem>>
      %dma_wait3A_221 = tpu.memref_squeeze %dma_wait3A_220 : memref<1x1x128xi32, #tpu.memory_space<vmem>> -> memref<128xi32, #tpu.memory_space<vmem>>
      %dma_wait3A_222 = arith.constant 0 : i32
      %dma_wait3A_223 = arith.constant 0 : i32
      %dma_wait3A_224 = tpu.memref_slice %arg9[%dma_wait3A_222, %dma_wait3A_223] : memref<10000x128xf32, #tpu.memory_space<vmem_shared>> -> memref<10000x128xf32, #tpu.memory_space<vmem_shared>>
      tpu.wait_indirect_dma semaphore(%arg13 : memref<!tpu.dma_semaphore, #tpu.memory_space<semaphore_mem>>) src(%dma_wait3A_218 : memref<128x128xf32, #tpu.memory_space<vmem>>) dst(%dma_wait3A_224 : memref<10000x128xf32, #tpu.memory_space<vmem_shared>>)
    } else {
    }
    %barrier3A_155 = arith.constant 0 : index
    tpu.barrier barrier_id(%barrier3A_155)
    %add3A_156 = arith.constant 0 : i32
    %add3A_157 = arith.addi %add3A_156, %arg1 : i32
    %lt3A_158 = arith.constant 125 : i32
    %lt3A_159 = arith.cmpi slt, %add3A_157, %lt3A_158 : i32
    %convert_element_type3A_160 = arith.extui %lt3A_159 : i1 to i32
    %cond3A_161 = arith.constant 0 : i32
    %cond3A_162 = arith.cmpi ne, %convert_element_type3A_160, %cond3A_161 : i32
    scf.if %cond3A_162 {
      %mul3A_212 = arith.constant 80 : i32
      %mul3A_213 = arith.muli %add3A_157, %mul3A_212 : i32
      %mul3A_214 = arith.constant 80 : i32
      %mul3A_215 = arith.muli %add3A_157, %mul3A_214 : i32
      "tpu.region"() ({
        %run_scoped3A = tpu.sem_alloc : memref<!tpu.dma_semaphore, #tpu.memory_space<semaphore_mem>>
        %dma_start3A_216 = arith.constant 0 : i32
        %dma_start3A_217 = tpu.memref_slice %arg5[%arg0, %mul3A_215, %dma_start3A_216] : memref<2x10000x128xf32, #tpu.memory_space<hbm>> -> memref<1x80x128xf32, #tpu.memory_space<hbm>>
        %dma_start3A_218 = tpu.memref_squeeze %dma_start3A_217 : memref<1x80x128xf32, #tpu.memory_space<hbm>> -> memref<80x128xf32, #tpu.memory_space<hbm>>
        %dma_start3A_219 = arith.constant 0 : i32
        %dma_start3A_220 = tpu.memref_slice %arg9[%mul3A_213, %dma_start3A_219] : memref<10000x128xf32, #tpu.memory_space<vmem_shared>> -> memref<80x128xf32, #tpu.memory_space<vmem_shared>>
        tpu.enqueue_dma source(%dma_start3A_220 : memref<80x128xf32, #tpu.memory_space<vmem_shared>>) target(%dma_start3A_218 : memref<80x128xf32, #tpu.memory_space<hbm>>) target_semaphore(%run_scoped3A : memref<!tpu.dma_semaphore, #tpu.memory_space<semaphore_mem>>)
        %dma_wait3A_221 = arith.constant 0 : i32
        %dma_wait3A_222 = tpu.memref_slice %arg5[%arg0, %mul3A_215, %dma_wait3A_221] : memref<2x10000x128xf32, #tpu.memory_space<hbm>> -> memref<1x80x128xf32, #tpu.memory_space<hbm>>
        %dma_wait3A_223 = tpu.memref_squeeze %dma_wait3A_222 : memref<1x80x128xf32, #tpu.memory_space<hbm>> -> memref<80x128xf32, #tpu.memory_space<hbm>>
        %dma_wait3A_224 = arith.constant 0 : i32
        %dma_wait3A_225 = tpu.memref_slice %arg9[%mul3A_213, %dma_wait3A_224] : memref<10000x128xf32, #tpu.memory_space<vmem_shared>> -> memref<80x128xf32, #tpu.memory_space<vmem_shared>>
        tpu.wait_dma2 semaphore(%run_scoped3A : memref<!tpu.dma_semaphore, #tpu.memory_space<semaphore_mem>>) src(%dma_wait3A_225 : memref<80x128xf32, #tpu.memory_space<vmem_shared>>) dst(%dma_wait3A_223 : memref<80x128xf32, #tpu.memory_space<hbm>>)
        tpu.yield
      }) : () -> ()
    } else {
    }
    %add3A_163 = arith.constant 16 : i32
    %add3A_164 = arith.addi %add3A_163, %arg1 : i32
    %lt3A_165 = arith.constant 125 : i32
    %lt3A_166 = arith.cmpi slt, %add3A_164, %lt3A_165 : i32
    %convert_element_type3A_167 = arith.extui %lt3A_166 : i1 to i32
    %cond3A_168 = arith.constant 0 : i32
    %cond3A_169 = arith.cmpi ne, %convert_element_type3A_167, %cond3A_168 : i32
    scf.if %cond3A_169 {
      %mul3A_212 = arith.constant 80 : i32
      %mul3A_213 = arith.muli %add3A_164, %mul3A_212 : i32
      %mul3A_214 = arith.constant 80 : i32
      %mul3A_215 = arith.muli %add3A_164, %mul3A_214 : i32
      "tpu.region"() ({
        %run_scoped3A = tpu.sem_alloc : memref<!tpu.dma_semaphore, #tpu.memory_space<semaphore_mem>>
        %dma_start3A_216 = arith.constant 0 : i32
        %dma_start3A_217 = tpu.memref_slice %arg5[%arg0, %mul3A_215, %dma_start3A_216] : memref<2x10000x128xf32, #tpu.memory_space<hbm>> -> memref<1x80x128xf32, #tpu.memory_space<hbm>>
        %dma_start3A_218 = tpu.memref_squeeze %dma_start3A_217 : memref<1x80x128xf32, #tpu.memory_space<hbm>> -> memref<80x128xf32, #tpu.memory_space<hbm>>
        %dma_start3A_219 = arith.constant 0 : i32
        %dma_start3A_220 = tpu.memref_slice %arg9[%mul3A_213, %dma_start3A_219] : memref<10000x128xf32, #tpu.memory_space<vmem_shared>> -> memref<80x128xf32, #tpu.memory_space<vmem_shared>>
        tpu.enqueue_dma source(%dma_start3A_220 : memref<80x128xf32, #tpu.memory_space<vmem_shared>>) target(%dma_start3A_218 : memref<80x128xf32, #tpu.memory_space<hbm>>) target_semaphore(%run_scoped3A : memref<!tpu.dma_semaphore, #tpu.memory_space<semaphore_mem>>)
        %dma_wait3A_221 = arith.constant 0 : i32
        %dma_wait3A_222 = tpu.memref_slice %arg5[%arg0, %mul3A_215, %dma_wait3A_221] : memref<2x10000x128xf32, #tpu.memory_space<hbm>> -> memref<1x80x128xf32, #tpu.memory_space<hbm>>
        %dma_wait3A_223 = tpu.memref_squeeze %dma_wait3A_222 : memref<1x80x128xf32, #tpu.memory_space<hbm>> -> memref<80x128xf32, #tpu.memory_space<hbm>>
        %dma_wait3A_224 = arith.constant 0 : i32
        %dma_wait3A_225 = tpu.memref_slice %arg9[%mul3A_213, %dma_wait3A_224] : memref<10000x128xf32, #tpu.memory_space<vmem_shared>> -> memref<80x128xf32, #tpu.memory_space<vmem_shared>>
        tpu.wait_dma2 semaphore(%run_scoped3A : memref<!tpu.dma_semaphore, #tpu.memory_space<semaphore_mem>>) src(%dma_wait3A_225 : memref<80x128xf32, #tpu.memory_space<vmem_shared>>) dst(%dma_wait3A_223 : memref<80x128xf32, #tpu.memory_space<hbm>>)
        tpu.yield
      }) : () -> ()
    } else {
    }
    %add3A_170 = arith.constant 32 : i32
    %add3A_171 = arith.addi %add3A_170, %arg1 : i32
    %lt3A_172 = arith.constant 125 : i32
    %lt3A_173 = arith.cmpi slt, %add3A_171, %lt3A_172 : i32
    %convert_element_type3A_174 = arith.extui %lt3A_173 : i1 to i32
    %cond3A_175 = arith.constant 0 : i32
    %cond3A_176 = arith.cmpi ne, %convert_element_type3A_174, %cond3A_175 : i32
    scf.if %cond3A_176 {
      %mul3A_212 = arith.constant 80 : i32
      %mul3A_213 = arith.muli %add3A_171, %mul3A_212 : i32
      %mul3A_214 = arith.constant 80 : i32
      %mul3A_215 = arith.muli %add3A_171, %mul3A_214 : i32
      "tpu.region"() ({
        %run_scoped3A = tpu.sem_alloc : memref<!tpu.dma_semaphore, #tpu.memory_space<semaphore_mem>>
        %dma_start3A_216 = arith.constant 0 : i32
        %dma_start3A_217 = tpu.memref_slice %arg5[%arg0, %mul3A_215, %dma_start3A_216] : memref<2x10000x128xf32, #tpu.memory_space<hbm>> -> memref<1x80x128xf32, #tpu.memory_space<hbm>>
        %dma_start3A_218 = tpu.memref_squeeze %dma_start3A_217 : memref<1x80x128xf32, #tpu.memory_space<hbm>> -> memref<80x128xf32, #tpu.memory_space<hbm>>
        %dma_start3A_219 = arith.constant 0 : i32
        %dma_start3A_220 = tpu.memref_slice %arg9[%mul3A_213, %dma_start3A_219] : memref<10000x128xf32, #tpu.memory_space<vmem_shared>> -> memref<80x128xf32, #tpu.memory_space<vmem_shared>>
        tpu.enqueue_dma source(%dma_start3A_220 : memref<80x128xf32, #tpu.memory_space<vmem_shared>>) target(%dma_start3A_218 : memref<80x128xf32, #tpu.memory_space<hbm>>) target_semaphore(%run_scoped3A : memref<!tpu.dma_semaphore, #tpu.memory_space<semaphore_mem>>)
        %dma_wait3A_221 = arith.constant 0 : i32
        %dma_wait3A_222 = tpu.memref_slice %arg5[%arg0, %mul3A_215, %dma_wait3A_221] : memref<2x10000x128xf32, #tpu.memory_space<hbm>> -> memref<1x80x128xf32, #tpu.memory_space<hbm>>
        %dma_wait3A_223 = tpu.memref_squeeze %dma_wait3A_222 : memref<1x80x128xf32, #tpu.memory_space<hbm>> -> memref<80x128xf32, #tpu.memory_space<hbm>>
        %dma_wait3A_224 = arith.constant 0 : i32
        %dma_wait3A_225 = tpu.memref_slice %arg9[%mul3A_213, %dma_wait3A_224] : memref<10000x128xf32, #tpu.memory_space<vmem_shared>> -> memref<80x128xf32, #tpu.memory_space<vmem_shared>>
        tpu.wait_dma2 semaphore(%run_scoped3A : memref<!tpu.dma_semaphore, #tpu.memory_space<semaphore_mem>>) src(%dma_wait3A_225 : memref<80x128xf32, #tpu.memory_space<vmem_shared>>) dst(%dma_wait3A_223 : memref<80x128xf32, #tpu.memory_space<hbm>>)
        tpu.yield
      }) : () -> ()
    } else {
    }
    %add3A_177 = arith.constant 48 : i32
    %add3A_178 = arith.addi %add3A_177, %arg1 : i32
    %lt3A_179 = arith.constant 125 : i32
    %lt3A_180 = arith.cmpi slt, %add3A_178, %lt3A_179 : i32
    %convert_element_type3A_181 = arith.extui %lt3A_180 : i1 to i32
    %cond3A_182 = arith.constant 0 : i32
    %cond3A_183 = arith.cmpi ne, %convert_element_type3A_181, %cond3A_182 : i32
    scf.if %cond3A_183 {
      %mul3A_212 = arith.constant 80 : i32
      %mul3A_213 = arith.muli %add3A_178, %mul3A_212 : i32
      %mul3A_214 = arith.constant 80 : i32
      %mul3A_215 = arith.muli %add3A_178, %mul3A_214 : i32
      "tpu.region"() ({
        %run_scoped3A = tpu.sem_alloc : memref<!tpu.dma_semaphore, #tpu.memory_space<semaphore_mem>>
        %dma_start3A_216 = arith.constant 0 : i32
        %dma_start3A_217 = tpu.memref_slice %arg5[%arg0, %mul3A_215, %dma_start3A_216] : memref<2x10000x128xf32, #tpu.memory_space<hbm>> -> memref<1x80x128xf32, #tpu.memory_space<hbm>>
        %dma_start3A_218 = tpu.memref_squeeze %dma_start3A_217 : memref<1x80x128xf32, #tpu.memory_space<hbm>> -> memref<80x128xf32, #tpu.memory_space<hbm>>
        %dma_start3A_219 = arith.constant 0 : i32
        %dma_start3A_220 = tpu.memref_slice %arg9[%mul3A_213, %dma_start3A_219] : memref<10000x128xf32, #tpu.memory_space<vmem_shared>> -> memref<80x128xf32, #tpu.memory_space<vmem_shared>>
        tpu.enqueue_dma source(%dma_start3A_220 : memref<80x128xf32, #tpu.memory_space<vmem_shared>>) target(%dma_start3A_218 : memref<80x128xf32, #tpu.memory_space<hbm>>) target_semaphore(%run_scoped3A : memref<!tpu.dma_semaphore, #tpu.memory_space<semaphore_mem>>)
        %dma_wait3A_221 = arith.constant 0 : i32
        %dma_wait3A_222 = tpu.memref_slice %arg5[%arg0, %mul3A_215, %dma_wait3A_221] : memref<2x10000x128xf32, #tpu.memory_space<hbm>> -> memref<1x80x128xf32, #tpu.memory_space<hbm>>
        %dma_wait3A_223 = tpu.memref_squeeze %dma_wait3A_222 : memref<1x80x128xf32, #tpu.memory_space<hbm>> -> memref<80x128xf32, #tpu.memory_space<hbm>>
        %dma_wait3A_224 = arith.constant 0 : i32
        %dma_wait3A_225 = tpu.memref_slice %arg9[%mul3A_213, %dma_wait3A_224] : memref<10000x128xf32, #tpu.memory_space<vmem_shared>> -> memref<80x128xf32, #tpu.memory_space<vmem_shared>>
        tpu.wait_dma2 semaphore(%run_scoped3A : memref<!tpu.dma_semaphore, #tpu.memory_space<semaphore_mem>>) src(%dma_wait3A_225 : memref<80x128xf32, #tpu.memory_space<vmem_shared>>) dst(%dma_wait3A_223 : memref<80x128xf32, #tpu.memory_space<hbm>>)
        tpu.yield
      }) : () -> ()
    } else {
    }
    %add3A_184 = arith.constant 64 : i32
    %add3A_185 = arith.addi %add3A_184, %arg1 : i32
    %lt3A_186 = arith.constant 125 : i32
    %lt3A_187 = arith.cmpi slt, %add3A_185, %lt3A_186 : i32
    %convert_element_type3A_188 = arith.extui %lt3A_187 : i1 to i32
    %cond3A_189 = arith.constant 0 : i32
    %cond3A_190 = arith.cmpi ne, %convert_element_type3A_188, %cond3A_189 : i32
    scf.if %cond3A_190 {
      %mul3A_212 = arith.constant 80 : i32
      %mul3A_213 = arith.muli %add3A_185, %mul3A_212 : i32
      %mul3A_214 = arith.constant 80 : i32
      %mul3A_215 = arith.muli %add3A_185, %mul3A_214 : i32
      "tpu.region"() ({
        %run_scoped3A = tpu.sem_alloc : memref<!tpu.dma_semaphore, #tpu.memory_space<semaphore_mem>>
        %dma_start3A_216 = arith.constant 0 : i32
        %dma_start3A_217 = tpu.memref_slice %arg5[%arg0, %mul3A_215, %dma_start3A_216] : memref<2x10000x128xf32, #tpu.memory_space<hbm>> -> memref<1x80x128xf32, #tpu.memory_space<hbm>>
        %dma_start3A_218 = tpu.memref_squeeze %dma_start3A_217 : memref<1x80x128xf32, #tpu.memory_space<hbm>> -> memref<80x128xf32, #tpu.memory_space<hbm>>
        %dma_start3A_219 = arith.constant 0 : i32
        %dma_start3A_220 = tpu.memref_slice %arg9[%mul3A_213, %dma_start3A_219] : memref<10000x128xf32, #tpu.memory_space<vmem_shared>> -> memref<80x128xf32, #tpu.memory_space<vmem_shared>>
        tpu.enqueue_dma source(%dma_start3A_220 : memref<80x128xf32, #tpu.memory_space<vmem_shared>>) target(%dma_start3A_218 : memref<80x128xf32, #tpu.memory_space<hbm>>) target_semaphore(%run_scoped3A : memref<!tpu.dma_semaphore, #tpu.memory_space<semaphore_mem>>)
        %dma_wait3A_221 = arith.constant 0 : i32
        %dma_wait3A_222 = tpu.memref_slice %arg5[%arg0, %mul3A_215, %dma_wait3A_221] : memref<2x10000x128xf32, #tpu.memory_space<hbm>> -> memref<1x80x128xf32, #tpu.memory_space<hbm>>
        %dma_wait3A_223 = tpu.memref_squeeze %dma_wait3A_222 : memref<1x80x128xf32, #tpu.memory_space<hbm>> -> memref<80x128xf32, #tpu.memory_space<hbm>>
        %dma_wait3A_224 = arith.constant 0 : i32
        %dma_wait3A_225 = tpu.memref_slice %arg9[%mul3A_213, %dma_wait3A_224] : memref<10000x128xf32, #tpu.memory_space<vmem_shared>> -> memref<80x128xf32, #tpu.memory_space<vmem_shared>>
        tpu.wait_dma2 semaphore(%run_scoped3A : memref<!tpu.dma_semaphore, #tpu.memory_space<semaphore_mem>>) src(%dma_wait3A_225 : memref<80x128xf32, #tpu.memory_space<vmem_shared>>) dst(%dma_wait3A_223 : memref<80x128xf32, #tpu.memory_space<hbm>>)
        tpu.yield
      }) : () -> ()
    } else {
    }
    %add3A_191 = arith.constant 80 : i32
    %add3A_192 = arith.addi %add3A_191, %arg1 : i32
    %lt3A_193 = arith.constant 125 : i32
    %lt3A_194 = arith.cmpi slt, %add3A_192, %lt3A_193 : i32
    %convert_element_type3A_195 = arith.extui %lt3A_194 : i1 to i32
    %cond3A_196 = arith.constant 0 : i32
    %cond3A_197 = arith.cmpi ne, %convert_element_type3A_195, %cond3A_196 : i32
    scf.if %cond3A_197 {
      %mul3A_212 = arith.constant 80 : i32
      %mul3A_213 = arith.muli %add3A_192, %mul3A_212 : i32
      %mul3A_214 = arith.constant 80 : i32
      %mul3A_215 = arith.muli %add3A_192, %mul3A_214 : i32
      "tpu.region"() ({
        %run_scoped3A = tpu.sem_alloc : memref<!tpu.dma_semaphore, #tpu.memory_space<semaphore_mem>>
        %dma_start3A_216 = arith.constant 0 : i32
        %dma_start3A_217 = tpu.memref_slice %arg5[%arg0, %mul3A_215, %dma_start3A_216] : memref<2x10000x128xf32, #tpu.memory_space<hbm>> -> memref<1x80x128xf32, #tpu.memory_space<hbm>>
        %dma_start3A_218 = tpu.memref_squeeze %dma_start3A_217 : memref<1x80x128xf32, #tpu.memory_space<hbm>> -> memref<80x128xf32, #tpu.memory_space<hbm>>
        %dma_start3A_219 = arith.constant 0 : i32
        %dma_start3A_220 = tpu.memref_slice %arg9[%mul3A_213, %dma_start3A_219] : memref<10000x128xf32, #tpu.memory_space<vmem_shared>> -> memref<80x128xf32, #tpu.memory_space<vmem_shared>>
        tpu.enqueue_dma source(%dma_start3A_220 : memref<80x128xf32, #tpu.memory_space<vmem_shared>>) target(%dma_start3A_218 : memref<80x128xf32, #tpu.memory_space<hbm>>) target_semaphore(%run_scoped3A : memref<!tpu.dma_semaphore, #tpu.memory_space<semaphore_mem>>)
        %dma_wait3A_221 = arith.constant 0 : i32
        %dma_wait3A_222 = tpu.memref_slice %arg5[%arg0, %mul3A_215, %dma_wait3A_221] : memref<2x10000x128xf32, #tpu.memory_space<hbm>> -> memref<1x80x128xf32, #tpu.memory_space<hbm>>
        %dma_wait3A_223 = tpu.memref_squeeze %dma_wait3A_222 : memref<1x80x128xf32, #tpu.memory_space<hbm>> -> memref<80x128xf32, #tpu.memory_space<hbm>>
        %dma_wait3A_224 = arith.constant 0 : i32
        %dma_wait3A_225 = tpu.memref_slice %arg9[%mul3A_213, %dma_wait3A_224] : memref<10000x128xf32, #tpu.memory_space<vmem_shared>> -> memref<80x128xf32, #tpu.memory_space<vmem_shared>>
        tpu.wait_dma2 semaphore(%run_scoped3A : memref<!tpu.dma_semaphore, #tpu.memory_space<semaphore_mem>>) src(%dma_wait3A_225 : memref<80x128xf32, #tpu.memory_space<vmem_shared>>) dst(%dma_wait3A_223 : memref<80x128xf32, #tpu.memory_space<hbm>>)
        tpu.yield
      }) : () -> ()
    } else {
    }
    %add3A_198 = arith.constant 96 : i32
    %add3A_199 = arith.addi %add3A_198, %arg1 : i32
    %lt3A_200 = arith.constant 125 : i32
    %lt3A_201 = arith.cmpi slt, %add3A_199, %lt3A_200 : i32
    %convert_element_type3A_202 = arith.extui %lt3A_201 : i1 to i32
    %cond3A_203 = arith.constant 0 : i32
    %cond3A_204 = arith.cmpi ne, %convert_element_type3A_202, %cond3A_203 : i32
    scf.if %cond3A_204 {
      %mul3A_212 = arith.constant 80 : i32
      %mul3A_213 = arith.muli %add3A_199, %mul3A_212 : i32
      %mul3A_214 = arith.constant 80 : i32
      %mul3A_215 = arith.muli %add3A_199, %mul3A_214 : i32
      "tpu.region"() ({
        %run_scoped3A = tpu.sem_alloc : memref<!tpu.dma_semaphore, #tpu.memory_space<semaphore_mem>>
        %dma_start3A_216 = arith.constant 0 : i32
        %dma_start3A_217 = tpu.memref_slice %arg5[%arg0, %mul3A_215, %dma_start3A_216] : memref<2x10000x128xf32, #tpu.memory_space<hbm>> -> memref<1x80x128xf32, #tpu.memory_space<hbm>>
        %dma_start3A_218 = tpu.memref_squeeze %dma_start3A_217 : memref<1x80x128xf32, #tpu.memory_space<hbm>> -> memref<80x128xf32, #tpu.memory_space<hbm>>
        %dma_start3A_219 = arith.constant 0 : i32
        %dma_start3A_220 = tpu.memref_slice %arg9[%mul3A_213, %dma_start3A_219] : memref<10000x128xf32, #tpu.memory_space<vmem_shared>> -> memref<80x128xf32, #tpu.memory_space<vmem_shared>>
        tpu.enqueue_dma source(%dma_start3A_220 : memref<80x128xf32, #tpu.memory_space<vmem_shared>>) target(%dma_start3A_218 : memref<80x128xf32, #tpu.memory_space<hbm>>) target_semaphore(%run_scoped3A : memref<!tpu.dma_semaphore, #tpu.memory_space<semaphore_mem>>)
        %dma_wait3A_221 = arith.constant 0 : i32
        %dma_wait3A_222 = tpu.memref_slice %arg5[%arg0, %mul3A_215, %dma_wait3A_221] : memref<2x10000x128xf32, #tpu.memory_space<hbm>> -> memref<1x80x128xf32, #tpu.memory_space<hbm>>
        %dma_wait3A_223 = tpu.memref_squeeze %dma_wait3A_222 : memref<1x80x128xf32, #tpu.memory_space<hbm>> -> memref<80x128xf32, #tpu.memory_space<hbm>>
        %dma_wait3A_224 = arith.constant 0 : i32
        %dma_wait3A_225 = tpu.memref_slice %arg9[%mul3A_213, %dma_wait3A_224] : memref<10000x128xf32, #tpu.memory_space<vmem_shared>> -> memref<80x128xf32, #tpu.memory_space<vmem_shared>>
        tpu.wait_dma2 semaphore(%run_scoped3A : memref<!tpu.dma_semaphore, #tpu.memory_space<semaphore_mem>>) src(%dma_wait3A_225 : memref<80x128xf32, #tpu.memory_space<vmem_shared>>) dst(%dma_wait3A_223 : memref<80x128xf32, #tpu.memory_space<hbm>>)
        tpu.yield
      }) : () -> ()
    } else {
    }
    %add3A_205 = arith.constant 112 : i32
    %add3A_206 = arith.addi %add3A_205, %arg1 : i32
    %lt3A_207 = arith.constant 125 : i32
    %lt3A_208 = arith.cmpi slt, %add3A_206, %lt3A_207 : i32
    %convert_element_type3A_209 = arith.extui %lt3A_208 : i1 to i32
    %cond3A_210 = arith.constant 0 : i32
    %cond3A_211 = arith.cmpi ne, %convert_element_type3A_209, %cond3A_210 : i32
    scf.if %cond3A_211 {
      %mul3A_212 = arith.constant 80 : i32
      %mul3A_213 = arith.muli %add3A_206, %mul3A_212 : i32
      %mul3A_214 = arith.constant 80 : i32
      %mul3A_215 = arith.muli %add3A_206, %mul3A_214 : i32
      "tpu.region"() ({
        %run_scoped3A = tpu.sem_alloc : memref<!tpu.dma_semaphore, #tpu.memory_space<semaphore_mem>>
        %dma_start3A_216 = arith.constant 0 : i32
        %dma_start3A_217 = tpu.memref_slice %arg5[%arg0, %mul3A_215, %dma_start3A_216] : memref<2x10000x128xf32, #tpu.memory_space<hbm>> -> memref<1x80x128xf32, #tpu.memory_space<hbm>>
        %dma_start3A_218 = tpu.memref_squeeze %dma_start3A_217 : memref<1x80x128xf32, #tpu.memory_space<hbm>> -> memref<80x128xf32, #tpu.memory_space<hbm>>
        %dma_start3A_219 = arith.constant 0 : i32
        %dma_start3A_220 = tpu.memref_slice %arg9[%mul3A_213, %dma_start3A_219] : memref<10000x128xf32, #tpu.memory_space<vmem_shared>> -> memref<80x128xf32, #tpu.memory_space<vmem_shared>>
        tpu.enqueue_dma source(%dma_start3A_220 : memref<80x128xf32, #tpu.memory_space<vmem_shared>>) target(%dma_start3A_218 : memref<80x128xf32, #tpu.memory_space<hbm>>) target_semaphore(%run_scoped3A : memref<!tpu.dma_semaphore, #tpu.memory_space<semaphore_mem>>)
        %dma_wait3A_221 = arith.constant 0 : i32
        %dma_wait3A_222 = tpu.memref_slice %arg5[%arg0, %mul3A_215, %dma_wait3A_221] : memref<2x10000x128xf32, #tpu.memory_space<hbm>> -> memref<1x80x128xf32, #tpu.memory_space<hbm>>
        %dma_wait3A_223 = tpu.memref_squeeze %dma_wait3A_222 : memref<1x80x128xf32, #tpu.memory_space<hbm>> -> memref<80x128xf32, #tpu.memory_space<hbm>>
        %dma_wait3A_224 = arith.constant 0 : i32
        %dma_wait3A_225 = tpu.memref_slice %arg9[%mul3A_213, %dma_wait3A_224] : memref<10000x128xf32, #tpu.memory_space<vmem_shared>> -> memref<80x128xf32, #tpu.memory_space<vmem_shared>>
        tpu.wait_dma2 semaphore(%run_scoped3A : memref<!tpu.dma_semaphore, #tpu.memory_space<semaphore_mem>>) src(%dma_wait3A_225 : memref<80x128xf32, #tpu.memory_space<vmem_shared>>) dst(%dma_wait3A_223 : memref<80x128xf32, #tpu.memory_space<hbm>>)
        tpu.yield
      }) : () -> ()
    } else {
    }
    return
  }
}

#map = affine_map<(d0, d1) -> (0, 0)>
#map1 = affine_map<(d0, d1) -> (0, 0, 0)>
module attributes {stable_mosaic.version = 14 : i64} {
  func.func @_sc_edge_body(%arg0: i32, %arg1: i32, %arg2: memref<10000x128xf32, #tpu.memory_space<hbm>>, %arg3: memref<160000x128xi32, #tpu.memory_space<hbm>>, %arg4: memref<2500x2x128xi32, #tpu.memory_space<hbm>>, %arg5: memref<2x10000x128xf32, #tpu.memory_space<hbm>>, %arg6: memref<4x2x128xi32, #tpu.memory_space<vmem>>, %arg7: memref<2x64x128xi32, #tpu.memory_space<vmem>>, %arg8: memref<2x128x128xf32, #tpu.memory_space<vmem>>, %arg9: memref<10000x128xf32, #tpu.memory_space<vmem_shared>>, %arg10: memref<!tpu.dma_semaphore, #tpu.memory_space<semaphore_mem>>, %arg11: memref<!tpu.dma_semaphore, #tpu.memory_space<semaphore_mem>>, %arg12: memref<!tpu.dma_semaphore, #tpu.memory_space<semaphore_mem>>, %arg13: memref<!tpu.dma_semaphore, #tpu.memory_space<semaphore_mem>>) attributes {dimension_semantics = [#tpu.dimension_semantics<core_parallel>, #tpu.dimension_semantics<subcore_parallel>], iteration_bounds = array<i64: 2, 16>, scalar_prefetch = 0 : i64, scratch_operands = 8 : i64, tpu.core_type = #tpu.core_type<sc_vector_subcore>, window_params = [{transform_indices = #map}, {transform_indices = #map}, {transform_indices = #map1}, {transform_indices = #map1}]} {
    %mul3A = arith.constant 2 : i32
    %mul3A_0 = arith.muli %arg1, %mul3A : i32
    %add3A = arith.addi %mul3A_0, %arg0 : i32
    %broadcast_in_dim3A = arith.constant 0.000000e+00 : f32
    %broadcast_in_dim3A_1 = vector.broadcast %broadcast_in_dim3A : f32 to vector<16xf32>
    %scan3A = arith.constant 0 : i32
    %scan3A_2 = arith.constant 80 : i32
    %scan3A_3 = arith.addi %scan3A, %scan3A_2 : i32
    %scan3A_4 = arith.constant 1 : i32
    scf.for %scan3A_212 = %scan3A to %scan3A_3 step %scan3A_4  : i32 {
      %mul3A_213 = arith.constant 1 : i32
      %mul3A_214 = arith.muli %scan3A_212, %mul3A_213 : i32
      %add3A_215 = arith.constant 0 : i32
      %add3A_216 = arith.addi %add3A_215, %mul3A_214 : i32
      %swap3A = arith.constant 0 : i32
      %swap3A_217 = arith.index_cast %swap3A : i32 to index
      %swap3A_218 = arith.index_cast %add3A_216 : i32 to index
      %swap3A_219 = arith.constant 0 : index
      %swap3A_220 = tpu.vector_load %arg8[%swap3A_217, %swap3A_218, %swap3A_219] {strides = array<i32>} : memref<2x128x128xf32, #tpu.memory_space<vmem>>, vector<1x1x16xf32>,
      %swap3A_221 = vector.shape_cast %swap3A_220 : vector<1x1x16xf32> to vector<16xf32>
      %swap3A_222 = vector.shape_cast %broadcast_in_dim3A_1 : vector<16xf32> to vector<1x1x16xf32>
      tpu.vector_store %arg8[%swap3A_217, %swap3A_218, %swap3A_219], %swap3A_222 {strides = array<i32>} : memref<2x128x128xf32, #tpu.memory_space<vmem>>, vector<1x1x16xf32>,
      %swap3A_223 = arith.constant 0 : i32
      %swap3A_224 = arith.index_cast %swap3A_223 : i32 to index
      %swap3A_225 = arith.index_cast %add3A_216 : i32 to index
      %swap3A_226 = arith.constant 16 : index
      %swap3A_227 = tpu.vector_load %arg8[%swap3A_224, %swap3A_225, %swap3A_226] {strides = array<i32>} : memref<2x128x128xf32, #tpu.memory_space<vmem>>, vector<1x1x16xf32>,
      %swap3A_228 = vector.shape_cast %swap3A_227 : vector<1x1x16xf32> to vector<16xf32>
      %swap3A_229 = vector.shape_cast %broadcast_in_dim3A_1 : vector<16xf32> to vector<1x1x16xf32>
      tpu.vector_store %arg8[%swap3A_224, %swap3A_225, %swap3A_226], %swap3A_229 {strides = array<i32>} : memref<2x128x128xf32, #tpu.memory_space<vmem>>, vector<1x1x16xf32>,
      %swap3A_230 = arith.constant 0 : i32
      %swap3A_231 = arith.index_cast %swap3A_230 : i32 to index
      %swap3A_232 = arith.index_cast %add3A_216 : i32 to index
      %swap3A_233 = arith.constant 32 : index
      %swap3A_234 = tpu.vector_load %arg8[%swap3A_231, %swap3A_232, %swap3A_233] {strides = array<i32>} : memref<2x128x128xf32, #tpu.memory_space<vmem>>, vector<1x1x16xf32>,
      %swap3A_235 = vector.shape_cast %swap3A_234 : vector<1x1x16xf32> to vector<16xf32>
      %swap3A_236 = vector.shape_cast %broadcast_in_dim3A_1 : vector<16xf32> to vector<1x1x16xf32>
      tpu.vector_store %arg8[%swap3A_231, %swap3A_232, %swap3A_233], %swap3A_236 {strides = array<i32>} : memref<2x128x128xf32, #tpu.memory_space<vmem>>, vector<1x1x16xf32>,
      %swap3A_237 = arith.constant 0 : i32
      %swap3A_238 = arith.index_cast %swap3A_237 : i32 to index
      %swap3A_239 = arith.index_cast %add3A_216 : i32 to index
      %swap3A_240 = arith.constant 48 : index
      %swap3A_241 = tpu.vector_load %arg8[%swap3A_238, %swap3A_239, %swap3A_240] {strides = array<i32>} : memref<2x128x128xf32, #tpu.memory_space<vmem>>, vector<1x1x16xf32>,
      %swap3A_242 = vector.shape_cast %swap3A_241 : vector<1x1x16xf32> to vector<16xf32>
      %swap3A_243 = vector.shape_cast %broadcast_in_dim3A_1 : vector<16xf32> to vector<1x1x16xf32>
      tpu.vector_store %arg8[%swap3A_238, %swap3A_239, %swap3A_240], %swap3A_243 {strides = array<i32>} : memref<2x128x128xf32, #tpu.memory_space<vmem>>, vector<1x1x16xf32>,
      %swap3A_244 = arith.constant 0 : i32
      %swap3A_245 = arith.index_cast %swap3A_244 : i32 to index
      %swap3A_246 = arith.index_cast %add3A_216 : i32 to index
      %swap3A_247 = arith.constant 64 : index
      %swap3A_248 = tpu.vector_load %arg8[%swap3A_245, %swap3A_246, %swap3A_247] {strides = array<i32>} : memref<2x128x128xf32, #tpu.memory_space<vmem>>, vector<1x1x16xf32>,
      %swap3A_249 = vector.shape_cast %swap3A_248 : vector<1x1x16xf32> to vector<16xf32>
      %swap3A_250 = vector.shape_cast %broadcast_in_dim3A_1 : vector<16xf32> to vector<1x1x16xf32>
      tpu.vector_store %arg8[%swap3A_245, %swap3A_246, %swap3A_247], %swap3A_250 {strides = array<i32>} : memref<2x128x128xf32, #tpu.memory_space<vmem>>, vector<1x1x16xf32>,
      %swap3A_251 = arith.constant 0 : i32
      %swap3A_252 = arith.index_cast %swap3A_251 : i32 to index
      %swap3A_253 = arith.index_cast %add3A_216 : i32 to index
      %swap3A_254 = arith.constant 80 : index
      %swap3A_255 = tpu.vector_load %arg8[%swap3A_252, %swap3A_253, %swap3A_254] {strides = array<i32>} : memref<2x128x128xf32, #tpu.memory_space<vmem>>, vector<1x1x16xf32>,
      %swap3A_256 = vector.shape_cast %swap3A_255 : vector<1x1x16xf32> to vector<16xf32>
      %swap3A_257 = vector.shape_cast %broadcast_in_dim3A_1 : vector<16xf32> to vector<1x1x16xf32>
      tpu.vector_store %arg8[%swap3A_252, %swap3A_253, %swap3A_254], %swap3A_257 {strides = array<i32>} : memref<2x128x128xf32, #tpu.memory_space<vmem>>, vector<1x1x16xf32>,
      %swap3A_258 = arith.constant 0 : i32
      %swap3A_259 = arith.index_cast %swap3A_258 : i32 to index
      %swap3A_260 = arith.index_cast %add3A_216 : i32 to index
      %swap3A_261 = arith.constant 96 : index
      %swap3A_262 = tpu.vector_load %arg8[%swap3A_259, %swap3A_260, %swap3A_261] {strides = array<i32>} : memref<2x128x128xf32, #tpu.memory_space<vmem>>, vector<1x1x16xf32>,
      %swap3A_263 = vector.shape_cast %swap3A_262 : vector<1x1x16xf32> to vector<16xf32>
      %swap3A_264 = vector.shape_cast %broadcast_in_dim3A_1 : vector<16xf32> to vector<1x1x16xf32>
      tpu.vector_store %arg8[%swap3A_259, %swap3A_260, %swap3A_261], %swap3A_264 {strides = array<i32>} : memref<2x128x128xf32, #tpu.memory_space<vmem>>, vector<1x1x16xf32>,
      %swap3A_265 = arith.constant 0 : i32
      %swap3A_266 = arith.index_cast %swap3A_265 : i32 to index
      %swap3A_267 = arith.index_cast %add3A_216 : i32 to index
      %swap3A_268 = arith.constant 112 : index
      %swap3A_269 = tpu.vector_load %arg8[%swap3A_266, %swap3A_267, %swap3A_268] {strides = array<i32>} : memref<2x128x128xf32, #tpu.memory_space<vmem>>, vector<1x1x16xf32>,
      %swap3A_270 = vector.shape_cast %swap3A_269 : vector<1x1x16xf32> to vector<16xf32>
      %swap3A_271 = vector.shape_cast %broadcast_in_dim3A_1 : vector<16xf32> to vector<1x1x16xf32>
      tpu.vector_store %arg8[%swap3A_266, %swap3A_267, %swap3A_268], %swap3A_271 {strides = array<i32>} : memref<2x128x128xf32, #tpu.memory_space<vmem>>, vector<1x1x16xf32>,
    }
    %scan3A_5 = arith.constant 80 : i32
    %add3A_6 = arith.constant 0 : i32
    %add3A_7 = arith.addi %add3A_6, %arg1 : i32
    %lt3A = arith.constant 125 : i32
    %lt3A_8 = arith.cmpi slt, %add3A_7, %lt3A : i32
    %convert_element_type3A = arith.extui %lt3A_8 : i1 to i32
    %cond3A = arith.constant 0 : i32
    %cond3A_9 = arith.cmpi ne, %convert_element_type3A, %cond3A : i32
    scf.if %cond3A_9 {
      %mul3A_212 = arith.constant 80 : i32
      %mul3A_213 = arith.muli %add3A_7, %mul3A_212 : i32
      %run_scoped3A = arith.constant 0 : i32
      "tpu.region"() ({
        %run_scoped3A_214 = tpu.sem_alloc : memref<!tpu.dma_semaphore, #tpu.memory_space<semaphore_mem>>
        %dma_start3A_215 = arith.constant 0 : i32
        %dma_start3A_216 = arith.constant 0 : i32
        %dma_start3A_217 = tpu.memref_slice %arg8[%run_scoped3A, %dma_start3A_215, %dma_start3A_216] : memref<2x128x128xf32, #tpu.memory_space<vmem>> -> memref<1x80x128xf32, #tpu.memory_space<vmem>>
        %dma_start3A_218 = tpu.memref_squeeze %dma_start3A_217 : memref<1x80x128xf32, #tpu.memory_space<vmem>> -> memref<80x128xf32, #tpu.memory_space<vmem>>
        %dma_start3A_219 = arith.constant 0 : i32
        %dma_start3A_220 = tpu.memref_slice %arg9[%mul3A_213, %dma_start3A_219] : memref<10000x128xf32, #tpu.memory_space<vmem_shared>> -> memref<80x128xf32, #tpu.memory_space<vmem_shared>>
        %dma_start3A_221 = arith.constant 0 : i32
        %dma_start3A_222 = tpu.memref_slice %arg9[%mul3A_213, %dma_start3A_221] : memref<10000x128xf32, #tpu.memory_space<vmem_shared>> -> memref<80x128xf32, #tpu.memory_space<vmem_shared>>
        %dma_start3A_223 = arith.constant 0 : i32
        %dma_start3A_224 = arith.constant 0 : i32
        %dma_start3A_225 = tpu.memref_slice %arg8[%run_scoped3A, %dma_start3A_223, %dma_start3A_224] : memref<2x128x128xf32, #tpu.memory_space<vmem>> -> memref<1x80x128xf32, #tpu.memory_space<vmem>>
        %dma_start3A_226 = tpu.memref_squeeze %dma_start3A_225 : memref<1x80x128xf32, #tpu.memory_space<vmem>> -> memref<80x128xf32, #tpu.memory_space<vmem>>
        tpu.enqueue_dma source(%dma_start3A_226 : memref<80x128xf32, #tpu.memory_space<vmem>>) target(%dma_start3A_222 : memref<80x128xf32, #tpu.memory_space<vmem_shared>>) target_semaphore(%run_scoped3A_214 : memref<!tpu.dma_semaphore, #tpu.memory_space<semaphore_mem>>)
        %dma_wait3A_227 = arith.constant 0 : i32
        %dma_wait3A_228 = arith.constant 0 : i32
        %dma_wait3A_229 = tpu.memref_slice %arg8[%run_scoped3A, %dma_wait3A_227, %dma_wait3A_228] : memref<2x128x128xf32, #tpu.memory_space<vmem>> -> memref<1x80x128xf32, #tpu.memory_space<vmem>>
        %dma_wait3A_230 = tpu.memref_squeeze %dma_wait3A_229 : memref<1x80x128xf32, #tpu.memory_space<vmem>> -> memref<80x128xf32, #tpu.memory_space<vmem>>
        %dma_wait3A_231 = arith.constant 0 : i32
        %dma_wait3A_232 = tpu.memref_slice %arg9[%mul3A_213, %dma_wait3A_231] : memref<10000x128xf32, #tpu.memory_space<vmem_shared>> -> memref<80x128xf32, #tpu.memory_space<vmem_shared>>
        %dma_wait3A_233 = arith.constant 0 : i32
        %dma_wait3A_234 = tpu.memref_slice %arg9[%mul3A_213, %dma_wait3A_233] : memref<10000x128xf32, #tpu.memory_space<vmem_shared>> -> memref<80x128xf32, #tpu.memory_space<vmem_shared>>
        %dma_wait3A_235 = arith.constant 0 : i32
        %dma_wait3A_236 = arith.constant 0 : i32
        %dma_wait3A_237 = tpu.memref_slice %arg8[%run_scoped3A, %dma_wait3A_235, %dma_wait3A_236] : memref<2x128x128xf32, #tpu.memory_space<vmem>> -> memref<1x80x128xf32, #tpu.memory_space<vmem>>
        %dma_wait3A_238 = tpu.memref_squeeze %dma_wait3A_237 : memref<1x80x128xf32, #tpu.memory_space<vmem>> -> memref<80x128xf32, #tpu.memory_space<vmem>>
        tpu.wait_dma2 semaphore(%run_scoped3A_214 : memref<!tpu.dma_semaphore, #tpu.memory_space<semaphore_mem>>) src(%dma_wait3A_238 : memref<80x128xf32, #tpu.memory_space<vmem>>) dst(%dma_wait3A_234 : memref<80x128xf32, #tpu.memory_space<vmem_shared>>)
        tpu.yield
      }) : () -> ()
    } else {
    }
    %add3A_10 = arith.constant 16 : i32
    %add3A_11 = arith.addi %add3A_10, %arg1 : i32
    %lt3A_12 = arith.constant 125 : i32
    %lt3A_13 = arith.cmpi slt, %add3A_11, %lt3A_12 : i32
    %convert_element_type3A_14 = arith.extui %lt3A_13 : i1 to i32
    %cond3A_15 = arith.constant 0 : i32
    %cond3A_16 = arith.cmpi ne, %convert_element_type3A_14, %cond3A_15 : i32
    scf.if %cond3A_16 {
      %mul3A_212 = arith.constant 80 : i32
      %mul3A_213 = arith.muli %add3A_11, %mul3A_212 : i32
      %run_scoped3A = arith.constant 0 : i32
      "tpu.region"() ({
        %run_scoped3A_214 = tpu.sem_alloc : memref<!tpu.dma_semaphore, #tpu.memory_space<semaphore_mem>>
        %dma_start3A_215 = arith.constant 0 : i32
        %dma_start3A_216 = arith.constant 0 : i32
        %dma_start3A_217 = tpu.memref_slice %arg8[%run_scoped3A, %dma_start3A_215, %dma_start3A_216] : memref<2x128x128xf32, #tpu.memory_space<vmem>> -> memref<1x80x128xf32, #tpu.memory_space<vmem>>
        %dma_start3A_218 = tpu.memref_squeeze %dma_start3A_217 : memref<1x80x128xf32, #tpu.memory_space<vmem>> -> memref<80x128xf32, #tpu.memory_space<vmem>>
        %dma_start3A_219 = arith.constant 0 : i32
        %dma_start3A_220 = tpu.memref_slice %arg9[%mul3A_213, %dma_start3A_219] : memref<10000x128xf32, #tpu.memory_space<vmem_shared>> -> memref<80x128xf32, #tpu.memory_space<vmem_shared>>
        %dma_start3A_221 = arith.constant 0 : i32
        %dma_start3A_222 = tpu.memref_slice %arg9[%mul3A_213, %dma_start3A_221] : memref<10000x128xf32, #tpu.memory_space<vmem_shared>> -> memref<80x128xf32, #tpu.memory_space<vmem_shared>>
        %dma_start3A_223 = arith.constant 0 : i32
        %dma_start3A_224 = arith.constant 0 : i32
        %dma_start3A_225 = tpu.memref_slice %arg8[%run_scoped3A, %dma_start3A_223, %dma_start3A_224] : memref<2x128x128xf32, #tpu.memory_space<vmem>> -> memref<1x80x128xf32, #tpu.memory_space<vmem>>
        %dma_start3A_226 = tpu.memref_squeeze %dma_start3A_225 : memref<1x80x128xf32, #tpu.memory_space<vmem>> -> memref<80x128xf32, #tpu.memory_space<vmem>>
        tpu.enqueue_dma source(%dma_start3A_226 : memref<80x128xf32, #tpu.memory_space<vmem>>) target(%dma_start3A_222 : memref<80x128xf32, #tpu.memory_space<vmem_shared>>) target_semaphore(%run_scoped3A_214 : memref<!tpu.dma_semaphore, #tpu.memory_space<semaphore_mem>>)
        %dma_wait3A_227 = arith.constant 0 : i32
        %dma_wait3A_228 = arith.constant 0 : i32
        %dma_wait3A_229 = tpu.memref_slice %arg8[%run_scoped3A, %dma_wait3A_227, %dma_wait3A_228] : memref<2x128x128xf32, #tpu.memory_space<vmem>> -> memref<1x80x128xf32, #tpu.memory_space<vmem>>
        %dma_wait3A_230 = tpu.memref_squeeze %dma_wait3A_229 : memref<1x80x128xf32, #tpu.memory_space<vmem>> -> memref<80x128xf32, #tpu.memory_space<vmem>>
        %dma_wait3A_231 = arith.constant 0 : i32
        %dma_wait3A_232 = tpu.memref_slice %arg9[%mul3A_213, %dma_wait3A_231] : memref<10000x128xf32, #tpu.memory_space<vmem_shared>> -> memref<80x128xf32, #tpu.memory_space<vmem_shared>>
        %dma_wait3A_233 = arith.constant 0 : i32
        %dma_wait3A_234 = tpu.memref_slice %arg9[%mul3A_213, %dma_wait3A_233] : memref<10000x128xf32, #tpu.memory_space<vmem_shared>> -> memref<80x128xf32, #tpu.memory_space<vmem_shared>>
        %dma_wait3A_235 = arith.constant 0 : i32
        %dma_wait3A_236 = arith.constant 0 : i32
        %dma_wait3A_237 = tpu.memref_slice %arg8[%run_scoped3A, %dma_wait3A_235, %dma_wait3A_236] : memref<2x128x128xf32, #tpu.memory_space<vmem>> -> memref<1x80x128xf32, #tpu.memory_space<vmem>>
        %dma_wait3A_238 = tpu.memref_squeeze %dma_wait3A_237 : memref<1x80x128xf32, #tpu.memory_space<vmem>> -> memref<80x128xf32, #tpu.memory_space<vmem>>
        tpu.wait_dma2 semaphore(%run_scoped3A_214 : memref<!tpu.dma_semaphore, #tpu.memory_space<semaphore_mem>>) src(%dma_wait3A_238 : memref<80x128xf32, #tpu.memory_space<vmem>>) dst(%dma_wait3A_234 : memref<80x128xf32, #tpu.memory_space<vmem_shared>>)
        tpu.yield
      }) : () -> ()
    } else {
    }
    %add3A_17 = arith.constant 32 : i32
    %add3A_18 = arith.addi %add3A_17, %arg1 : i32
    %lt3A_19 = arith.constant 125 : i32
    %lt3A_20 = arith.cmpi slt, %add3A_18, %lt3A_19 : i32
    %convert_element_type3A_21 = arith.extui %lt3A_20 : i1 to i32
    %cond3A_22 = arith.constant 0 : i32
    %cond3A_23 = arith.cmpi ne, %convert_element_type3A_21, %cond3A_22 : i32
    scf.if %cond3A_23 {
      %mul3A_212 = arith.constant 80 : i32
      %mul3A_213 = arith.muli %add3A_18, %mul3A_212 : i32
      %run_scoped3A = arith.constant 0 : i32
      "tpu.region"() ({
        %run_scoped3A_214 = tpu.sem_alloc : memref<!tpu.dma_semaphore, #tpu.memory_space<semaphore_mem>>
        %dma_start3A_215 = arith.constant 0 : i32
        %dma_start3A_216 = arith.constant 0 : i32
        %dma_start3A_217 = tpu.memref_slice %arg8[%run_scoped3A, %dma_start3A_215, %dma_start3A_216] : memref<2x128x128xf32, #tpu.memory_space<vmem>> -> memref<1x80x128xf32, #tpu.memory_space<vmem>>
        %dma_start3A_218 = tpu.memref_squeeze %dma_start3A_217 : memref<1x80x128xf32, #tpu.memory_space<vmem>> -> memref<80x128xf32, #tpu.memory_space<vmem>>
        %dma_start3A_219 = arith.constant 0 : i32
        %dma_start3A_220 = tpu.memref_slice %arg9[%mul3A_213, %dma_start3A_219] : memref<10000x128xf32, #tpu.memory_space<vmem_shared>> -> memref<80x128xf32, #tpu.memory_space<vmem_shared>>
        %dma_start3A_221 = arith.constant 0 : i32
        %dma_start3A_222 = tpu.memref_slice %arg9[%mul3A_213, %dma_start3A_221] : memref<10000x128xf32, #tpu.memory_space<vmem_shared>> -> memref<80x128xf32, #tpu.memory_space<vmem_shared>>
        %dma_start3A_223 = arith.constant 0 : i32
        %dma_start3A_224 = arith.constant 0 : i32
        %dma_start3A_225 = tpu.memref_slice %arg8[%run_scoped3A, %dma_start3A_223, %dma_start3A_224] : memref<2x128x128xf32, #tpu.memory_space<vmem>> -> memref<1x80x128xf32, #tpu.memory_space<vmem>>
        %dma_start3A_226 = tpu.memref_squeeze %dma_start3A_225 : memref<1x80x128xf32, #tpu.memory_space<vmem>> -> memref<80x128xf32, #tpu.memory_space<vmem>>
        tpu.enqueue_dma source(%dma_start3A_226 : memref<80x128xf32, #tpu.memory_space<vmem>>) target(%dma_start3A_222 : memref<80x128xf32, #tpu.memory_space<vmem_shared>>) target_semaphore(%run_scoped3A_214 : memref<!tpu.dma_semaphore, #tpu.memory_space<semaphore_mem>>)
        %dma_wait3A_227 = arith.constant 0 : i32
        %dma_wait3A_228 = arith.constant 0 : i32
        %dma_wait3A_229 = tpu.memref_slice %arg8[%run_scoped3A, %dma_wait3A_227, %dma_wait3A_228] : memref<2x128x128xf32, #tpu.memory_space<vmem>> -> memref<1x80x128xf32, #tpu.memory_space<vmem>>
        %dma_wait3A_230 = tpu.memref_squeeze %dma_wait3A_229 : memref<1x80x128xf32, #tpu.memory_space<vmem>> -> memref<80x128xf32, #tpu.memory_space<vmem>>
        %dma_wait3A_231 = arith.constant 0 : i32
        %dma_wait3A_232 = tpu.memref_slice %arg9[%mul3A_213, %dma_wait3A_231] : memref<10000x128xf32, #tpu.memory_space<vmem_shared>> -> memref<80x128xf32, #tpu.memory_space<vmem_shared>>
        %dma_wait3A_233 = arith.constant 0 : i32
        %dma_wait3A_234 = tpu.memref_slice %arg9[%mul3A_213, %dma_wait3A_233] : memref<10000x128xf32, #tpu.memory_space<vmem_shared>> -> memref<80x128xf32, #tpu.memory_space<vmem_shared>>
        %dma_wait3A_235 = arith.constant 0 : i32
        %dma_wait3A_236 = arith.constant 0 : i32
        %dma_wait3A_237 = tpu.memref_slice %arg8[%run_scoped3A, %dma_wait3A_235, %dma_wait3A_236] : memref<2x128x128xf32, #tpu.memory_space<vmem>> -> memref<1x80x128xf32, #tpu.memory_space<vmem>>
        %dma_wait3A_238 = tpu.memref_squeeze %dma_wait3A_237 : memref<1x80x128xf32, #tpu.memory_space<vmem>> -> memref<80x128xf32, #tpu.memory_space<vmem>>
        tpu.wait_dma2 semaphore(%run_scoped3A_214 : memref<!tpu.dma_semaphore, #tpu.memory_space<semaphore_mem>>) src(%dma_wait3A_238 : memref<80x128xf32, #tpu.memory_space<vmem>>) dst(%dma_wait3A_234 : memref<80x128xf32, #tpu.memory_space<vmem_shared>>)
        tpu.yield
      }) : () -> ()
    } else {
    }
    %add3A_24 = arith.constant 48 : i32
    %add3A_25 = arith.addi %add3A_24, %arg1 : i32
    %lt3A_26 = arith.constant 125 : i32
    %lt3A_27 = arith.cmpi slt, %add3A_25, %lt3A_26 : i32
    %convert_element_type3A_28 = arith.extui %lt3A_27 : i1 to i32
    %cond3A_29 = arith.constant 0 : i32
    %cond3A_30 = arith.cmpi ne, %convert_element_type3A_28, %cond3A_29 : i32
    scf.if %cond3A_30 {
      %mul3A_212 = arith.constant 80 : i32
      %mul3A_213 = arith.muli %add3A_25, %mul3A_212 : i32
      %run_scoped3A = arith.constant 0 : i32
      "tpu.region"() ({
        %run_scoped3A_214 = tpu.sem_alloc : memref<!tpu.dma_semaphore, #tpu.memory_space<semaphore_mem>>
        %dma_start3A_215 = arith.constant 0 : i32
        %dma_start3A_216 = arith.constant 0 : i32
        %dma_start3A_217 = tpu.memref_slice %arg8[%run_scoped3A, %dma_start3A_215, %dma_start3A_216] : memref<2x128x128xf32, #tpu.memory_space<vmem>> -> memref<1x80x128xf32, #tpu.memory_space<vmem>>
        %dma_start3A_218 = tpu.memref_squeeze %dma_start3A_217 : memref<1x80x128xf32, #tpu.memory_space<vmem>> -> memref<80x128xf32, #tpu.memory_space<vmem>>
        %dma_start3A_219 = arith.constant 0 : i32
        %dma_start3A_220 = tpu.memref_slice %arg9[%mul3A_213, %dma_start3A_219] : memref<10000x128xf32, #tpu.memory_space<vmem_shared>> -> memref<80x128xf32, #tpu.memory_space<vmem_shared>>
        %dma_start3A_221 = arith.constant 0 : i32
        %dma_start3A_222 = tpu.memref_slice %arg9[%mul3A_213, %dma_start3A_221] : memref<10000x128xf32, #tpu.memory_space<vmem_shared>> -> memref<80x128xf32, #tpu.memory_space<vmem_shared>>
        %dma_start3A_223 = arith.constant 0 : i32
        %dma_start3A_224 = arith.constant 0 : i32
        %dma_start3A_225 = tpu.memref_slice %arg8[%run_scoped3A, %dma_start3A_223, %dma_start3A_224] : memref<2x128x128xf32, #tpu.memory_space<vmem>> -> memref<1x80x128xf32, #tpu.memory_space<vmem>>
        %dma_start3A_226 = tpu.memref_squeeze %dma_start3A_225 : memref<1x80x128xf32, #tpu.memory_space<vmem>> -> memref<80x128xf32, #tpu.memory_space<vmem>>
        tpu.enqueue_dma source(%dma_start3A_226 : memref<80x128xf32, #tpu.memory_space<vmem>>) target(%dma_start3A_222 : memref<80x128xf32, #tpu.memory_space<vmem_shared>>) target_semaphore(%run_scoped3A_214 : memref<!tpu.dma_semaphore, #tpu.memory_space<semaphore_mem>>)
        %dma_wait3A_227 = arith.constant 0 : i32
        %dma_wait3A_228 = arith.constant 0 : i32
        %dma_wait3A_229 = tpu.memref_slice %arg8[%run_scoped3A, %dma_wait3A_227, %dma_wait3A_228] : memref<2x128x128xf32, #tpu.memory_space<vmem>> -> memref<1x80x128xf32, #tpu.memory_space<vmem>>
        %dma_wait3A_230 = tpu.memref_squeeze %dma_wait3A_229 : memref<1x80x128xf32, #tpu.memory_space<vmem>> -> memref<80x128xf32, #tpu.memory_space<vmem>>
        %dma_wait3A_231 = arith.constant 0 : i32
        %dma_wait3A_232 = tpu.memref_slice %arg9[%mul3A_213, %dma_wait3A_231] : memref<10000x128xf32, #tpu.memory_space<vmem_shared>> -> memref<80x128xf32, #tpu.memory_space<vmem_shared>>
        %dma_wait3A_233 = arith.constant 0 : i32
        %dma_wait3A_234 = tpu.memref_slice %arg9[%mul3A_213, %dma_wait3A_233] : memref<10000x128xf32, #tpu.memory_space<vmem_shared>> -> memref<80x128xf32, #tpu.memory_space<vmem_shared>>
        %dma_wait3A_235 = arith.constant 0 : i32
        %dma_wait3A_236 = arith.constant 0 : i32
        %dma_wait3A_237 = tpu.memref_slice %arg8[%run_scoped3A, %dma_wait3A_235, %dma_wait3A_236] : memref<2x128x128xf32, #tpu.memory_space<vmem>> -> memref<1x80x128xf32, #tpu.memory_space<vmem>>
        %dma_wait3A_238 = tpu.memref_squeeze %dma_wait3A_237 : memref<1x80x128xf32, #tpu.memory_space<vmem>> -> memref<80x128xf32, #tpu.memory_space<vmem>>
        tpu.wait_dma2 semaphore(%run_scoped3A_214 : memref<!tpu.dma_semaphore, #tpu.memory_space<semaphore_mem>>) src(%dma_wait3A_238 : memref<80x128xf32, #tpu.memory_space<vmem>>) dst(%dma_wait3A_234 : memref<80x128xf32, #tpu.memory_space<vmem_shared>>)
        tpu.yield
      }) : () -> ()
    } else {
    }
    %add3A_31 = arith.constant 64 : i32
    %add3A_32 = arith.addi %add3A_31, %arg1 : i32
    %lt3A_33 = arith.constant 125 : i32
    %lt3A_34 = arith.cmpi slt, %add3A_32, %lt3A_33 : i32
    %convert_element_type3A_35 = arith.extui %lt3A_34 : i1 to i32
    %cond3A_36 = arith.constant 0 : i32
    %cond3A_37 = arith.cmpi ne, %convert_element_type3A_35, %cond3A_36 : i32
    scf.if %cond3A_37 {
      %mul3A_212 = arith.constant 80 : i32
      %mul3A_213 = arith.muli %add3A_32, %mul3A_212 : i32
      %run_scoped3A = arith.constant 0 : i32
      "tpu.region"() ({
        %run_scoped3A_214 = tpu.sem_alloc : memref<!tpu.dma_semaphore, #tpu.memory_space<semaphore_mem>>
        %dma_start3A_215 = arith.constant 0 : i32
        %dma_start3A_216 = arith.constant 0 : i32
        %dma_start3A_217 = tpu.memref_slice %arg8[%run_scoped3A, %dma_start3A_215, %dma_start3A_216] : memref<2x128x128xf32, #tpu.memory_space<vmem>> -> memref<1x80x128xf32, #tpu.memory_space<vmem>>
        %dma_start3A_218 = tpu.memref_squeeze %dma_start3A_217 : memref<1x80x128xf32, #tpu.memory_space<vmem>> -> memref<80x128xf32, #tpu.memory_space<vmem>>
        %dma_start3A_219 = arith.constant 0 : i32
        %dma_start3A_220 = tpu.memref_slice %arg9[%mul3A_213, %dma_start3A_219] : memref<10000x128xf32, #tpu.memory_space<vmem_shared>> -> memref<80x128xf32, #tpu.memory_space<vmem_shared>>
        %dma_start3A_221 = arith.constant 0 : i32
        %dma_start3A_222 = tpu.memref_slice %arg9[%mul3A_213, %dma_start3A_221] : memref<10000x128xf32, #tpu.memory_space<vmem_shared>> -> memref<80x128xf32, #tpu.memory_space<vmem_shared>>
        %dma_start3A_223 = arith.constant 0 : i32
        %dma_start3A_224 = arith.constant 0 : i32
        %dma_start3A_225 = tpu.memref_slice %arg8[%run_scoped3A, %dma_start3A_223, %dma_start3A_224] : memref<2x128x128xf32, #tpu.memory_space<vmem>> -> memref<1x80x128xf32, #tpu.memory_space<vmem>>
        %dma_start3A_226 = tpu.memref_squeeze %dma_start3A_225 : memref<1x80x128xf32, #tpu.memory_space<vmem>> -> memref<80x128xf32, #tpu.memory_space<vmem>>
        tpu.enqueue_dma source(%dma_start3A_226 : memref<80x128xf32, #tpu.memory_space<vmem>>) target(%dma_start3A_222 : memref<80x128xf32, #tpu.memory_space<vmem_shared>>) target_semaphore(%run_scoped3A_214 : memref<!tpu.dma_semaphore, #tpu.memory_space<semaphore_mem>>)
        %dma_wait3A_227 = arith.constant 0 : i32
        %dma_wait3A_228 = arith.constant 0 : i32
        %dma_wait3A_229 = tpu.memref_slice %arg8[%run_scoped3A, %dma_wait3A_227, %dma_wait3A_228] : memref<2x128x128xf32, #tpu.memory_space<vmem>> -> memref<1x80x128xf32, #tpu.memory_space<vmem>>
        %dma_wait3A_230 = tpu.memref_squeeze %dma_wait3A_229 : memref<1x80x128xf32, #tpu.memory_space<vmem>> -> memref<80x128xf32, #tpu.memory_space<vmem>>
        %dma_wait3A_231 = arith.constant 0 : i32
        %dma_wait3A_232 = tpu.memref_slice %arg9[%mul3A_213, %dma_wait3A_231] : memref<10000x128xf32, #tpu.memory_space<vmem_shared>> -> memref<80x128xf32, #tpu.memory_space<vmem_shared>>
        %dma_wait3A_233 = arith.constant 0 : i32
        %dma_wait3A_234 = tpu.memref_slice %arg9[%mul3A_213, %dma_wait3A_233] : memref<10000x128xf32, #tpu.memory_space<vmem_shared>> -> memref<80x128xf32, #tpu.memory_space<vmem_shared>>
        %dma_wait3A_235 = arith.constant 0 : i32
        %dma_wait3A_236 = arith.constant 0 : i32
        %dma_wait3A_237 = tpu.memref_slice %arg8[%run_scoped3A, %dma_wait3A_235, %dma_wait3A_236] : memref<2x128x128xf32, #tpu.memory_space<vmem>> -> memref<1x80x128xf32, #tpu.memory_space<vmem>>
        %dma_wait3A_238 = tpu.memref_squeeze %dma_wait3A_237 : memref<1x80x128xf32, #tpu.memory_space<vmem>> -> memref<80x128xf32, #tpu.memory_space<vmem>>
        tpu.wait_dma2 semaphore(%run_scoped3A_214 : memref<!tpu.dma_semaphore, #tpu.memory_space<semaphore_mem>>) src(%dma_wait3A_238 : memref<80x128xf32, #tpu.memory_space<vmem>>) dst(%dma_wait3A_234 : memref<80x128xf32, #tpu.memory_space<vmem_shared>>)
        tpu.yield
      }) : () -> ()
    } else {
    }
    %add3A_38 = arith.constant 80 : i32
    %add3A_39 = arith.addi %add3A_38, %arg1 : i32
    %lt3A_40 = arith.constant 125 : i32
    %lt3A_41 = arith.cmpi slt, %add3A_39, %lt3A_40 : i32
    %convert_element_type3A_42 = arith.extui %lt3A_41 : i1 to i32
    %cond3A_43 = arith.constant 0 : i32
    %cond3A_44 = arith.cmpi ne, %convert_element_type3A_42, %cond3A_43 : i32
    scf.if %cond3A_44 {
      %mul3A_212 = arith.constant 80 : i32
      %mul3A_213 = arith.muli %add3A_39, %mul3A_212 : i32
      %run_scoped3A = arith.constant 0 : i32
      "tpu.region"() ({
        %run_scoped3A_214 = tpu.sem_alloc : memref<!tpu.dma_semaphore, #tpu.memory_space<semaphore_mem>>
        %dma_start3A_215 = arith.constant 0 : i32
        %dma_start3A_216 = arith.constant 0 : i32
        %dma_start3A_217 = tpu.memref_slice %arg8[%run_scoped3A, %dma_start3A_215, %dma_start3A_216] : memref<2x128x128xf32, #tpu.memory_space<vmem>> -> memref<1x80x128xf32, #tpu.memory_space<vmem>>
        %dma_start3A_218 = tpu.memref_squeeze %dma_start3A_217 : memref<1x80x128xf32, #tpu.memory_space<vmem>> -> memref<80x128xf32, #tpu.memory_space<vmem>>
        %dma_start3A_219 = arith.constant 0 : i32
        %dma_start3A_220 = tpu.memref_slice %arg9[%mul3A_213, %dma_start3A_219] : memref<10000x128xf32, #tpu.memory_space<vmem_shared>> -> memref<80x128xf32, #tpu.memory_space<vmem_shared>>
        %dma_start3A_221 = arith.constant 0 : i32
        %dma_start3A_222 = tpu.memref_slice %arg9[%mul3A_213, %dma_start3A_221] : memref<10000x128xf32, #tpu.memory_space<vmem_shared>> -> memref<80x128xf32, #tpu.memory_space<vmem_shared>>
        %dma_start3A_223 = arith.constant 0 : i32
        %dma_start3A_224 = arith.constant 0 : i32
        %dma_start3A_225 = tpu.memref_slice %arg8[%run_scoped3A, %dma_start3A_223, %dma_start3A_224] : memref<2x128x128xf32, #tpu.memory_space<vmem>> -> memref<1x80x128xf32, #tpu.memory_space<vmem>>
        %dma_start3A_226 = tpu.memref_squeeze %dma_start3A_225 : memref<1x80x128xf32, #tpu.memory_space<vmem>> -> memref<80x128xf32, #tpu.memory_space<vmem>>
        tpu.enqueue_dma source(%dma_start3A_226 : memref<80x128xf32, #tpu.memory_space<vmem>>) target(%dma_start3A_222 : memref<80x128xf32, #tpu.memory_space<vmem_shared>>) target_semaphore(%run_scoped3A_214 : memref<!tpu.dma_semaphore, #tpu.memory_space<semaphore_mem>>)
        %dma_wait3A_227 = arith.constant 0 : i32
        %dma_wait3A_228 = arith.constant 0 : i32
        %dma_wait3A_229 = tpu.memref_slice %arg8[%run_scoped3A, %dma_wait3A_227, %dma_wait3A_228] : memref<2x128x128xf32, #tpu.memory_space<vmem>> -> memref<1x80x128xf32, #tpu.memory_space<vmem>>
        %dma_wait3A_230 = tpu.memref_squeeze %dma_wait3A_229 : memref<1x80x128xf32, #tpu.memory_space<vmem>> -> memref<80x128xf32, #tpu.memory_space<vmem>>
        %dma_wait3A_231 = arith.constant 0 : i32
        %dma_wait3A_232 = tpu.memref_slice %arg9[%mul3A_213, %dma_wait3A_231] : memref<10000x128xf32, #tpu.memory_space<vmem_shared>> -> memref<80x128xf32, #tpu.memory_space<vmem_shared>>
        %dma_wait3A_233 = arith.constant 0 : i32
        %dma_wait3A_234 = tpu.memref_slice %arg9[%mul3A_213, %dma_wait3A_233] : memref<10000x128xf32, #tpu.memory_space<vmem_shared>> -> memref<80x128xf32, #tpu.memory_space<vmem_shared>>
        %dma_wait3A_235 = arith.constant 0 : i32
        %dma_wait3A_236 = arith.constant 0 : i32
        %dma_wait3A_237 = tpu.memref_slice %arg8[%run_scoped3A, %dma_wait3A_235, %dma_wait3A_236] : memref<2x128x128xf32, #tpu.memory_space<vmem>> -> memref<1x80x128xf32, #tpu.memory_space<vmem>>
        %dma_wait3A_238 = tpu.memref_squeeze %dma_wait3A_237 : memref<1x80x128xf32, #tpu.memory_space<vmem>> -> memref<80x128xf32, #tpu.memory_space<vmem>>
        tpu.wait_dma2 semaphore(%run_scoped3A_214 : memref<!tpu.dma_semaphore, #tpu.memory_space<semaphore_mem>>) src(%dma_wait3A_238 : memref<80x128xf32, #tpu.memory_space<vmem>>) dst(%dma_wait3A_234 : memref<80x128xf32, #tpu.memory_space<vmem_shared>>)
        tpu.yield
      }) : () -> ()
    } else {
    }
    %add3A_45 = arith.constant 96 : i32
    %add3A_46 = arith.addi %add3A_45, %arg1 : i32
    %lt3A_47 = arith.constant 125 : i32
    %lt3A_48 = arith.cmpi slt, %add3A_46, %lt3A_47 : i32
    %convert_element_type3A_49 = arith.extui %lt3A_48 : i1 to i32
    %cond3A_50 = arith.constant 0 : i32
    %cond3A_51 = arith.cmpi ne, %convert_element_type3A_49, %cond3A_50 : i32
    scf.if %cond3A_51 {
      %mul3A_212 = arith.constant 80 : i32
      %mul3A_213 = arith.muli %add3A_46, %mul3A_212 : i32
      %run_scoped3A = arith.constant 0 : i32
      "tpu.region"() ({
        %run_scoped3A_214 = tpu.sem_alloc : memref<!tpu.dma_semaphore, #tpu.memory_space<semaphore_mem>>
        %dma_start3A_215 = arith.constant 0 : i32
        %dma_start3A_216 = arith.constant 0 : i32
        %dma_start3A_217 = tpu.memref_slice %arg8[%run_scoped3A, %dma_start3A_215, %dma_start3A_216] : memref<2x128x128xf32, #tpu.memory_space<vmem>> -> memref<1x80x128xf32, #tpu.memory_space<vmem>>
        %dma_start3A_218 = tpu.memref_squeeze %dma_start3A_217 : memref<1x80x128xf32, #tpu.memory_space<vmem>> -> memref<80x128xf32, #tpu.memory_space<vmem>>
        %dma_start3A_219 = arith.constant 0 : i32
        %dma_start3A_220 = tpu.memref_slice %arg9[%mul3A_213, %dma_start3A_219] : memref<10000x128xf32, #tpu.memory_space<vmem_shared>> -> memref<80x128xf32, #tpu.memory_space<vmem_shared>>
        %dma_start3A_221 = arith.constant 0 : i32
        %dma_start3A_222 = tpu.memref_slice %arg9[%mul3A_213, %dma_start3A_221] : memref<10000x128xf32, #tpu.memory_space<vmem_shared>> -> memref<80x128xf32, #tpu.memory_space<vmem_shared>>
        %dma_start3A_223 = arith.constant 0 : i32
        %dma_start3A_224 = arith.constant 0 : i32
        %dma_start3A_225 = tpu.memref_slice %arg8[%run_scoped3A, %dma_start3A_223, %dma_start3A_224] : memref<2x128x128xf32, #tpu.memory_space<vmem>> -> memref<1x80x128xf32, #tpu.memory_space<vmem>>
        %dma_start3A_226 = tpu.memref_squeeze %dma_start3A_225 : memref<1x80x128xf32, #tpu.memory_space<vmem>> -> memref<80x128xf32, #tpu.memory_space<vmem>>
        tpu.enqueue_dma source(%dma_start3A_226 : memref<80x128xf32, #tpu.memory_space<vmem>>) target(%dma_start3A_222 : memref<80x128xf32, #tpu.memory_space<vmem_shared>>) target_semaphore(%run_scoped3A_214 : memref<!tpu.dma_semaphore, #tpu.memory_space<semaphore_mem>>)
        %dma_wait3A_227 = arith.constant 0 : i32
        %dma_wait3A_228 = arith.constant 0 : i32
        %dma_wait3A_229 = tpu.memref_slice %arg8[%run_scoped3A, %dma_wait3A_227, %dma_wait3A_228] : memref<2x128x128xf32, #tpu.memory_space<vmem>> -> memref<1x80x128xf32, #tpu.memory_space<vmem>>
        %dma_wait3A_230 = tpu.memref_squeeze %dma_wait3A_229 : memref<1x80x128xf32, #tpu.memory_space<vmem>> -> memref<80x128xf32, #tpu.memory_space<vmem>>
        %dma_wait3A_231 = arith.constant 0 : i32
        %dma_wait3A_232 = tpu.memref_slice %arg9[%mul3A_213, %dma_wait3A_231] : memref<10000x128xf32, #tpu.memory_space<vmem_shared>> -> memref<80x128xf32, #tpu.memory_space<vmem_shared>>
        %dma_wait3A_233 = arith.constant 0 : i32
        %dma_wait3A_234 = tpu.memref_slice %arg9[%mul3A_213, %dma_wait3A_233] : memref<10000x128xf32, #tpu.memory_space<vmem_shared>> -> memref<80x128xf32, #tpu.memory_space<vmem_shared>>
        %dma_wait3A_235 = arith.constant 0 : i32
        %dma_wait3A_236 = arith.constant 0 : i32
        %dma_wait3A_237 = tpu.memref_slice %arg8[%run_scoped3A, %dma_wait3A_235, %dma_wait3A_236] : memref<2x128x128xf32, #tpu.memory_space<vmem>> -> memref<1x80x128xf32, #tpu.memory_space<vmem>>
        %dma_wait3A_238 = tpu.memref_squeeze %dma_wait3A_237 : memref<1x80x128xf32, #tpu.memory_space<vmem>> -> memref<80x128xf32, #tpu.memory_space<vmem>>
        tpu.wait_dma2 semaphore(%run_scoped3A_214 : memref<!tpu.dma_semaphore, #tpu.memory_space<semaphore_mem>>) src(%dma_wait3A_238 : memref<80x128xf32, #tpu.memory_space<vmem>>) dst(%dma_wait3A_234 : memref<80x128xf32, #tpu.memory_space<vmem_shared>>)
        tpu.yield
      }) : () -> ()
    } else {
    }
    %add3A_52 = arith.constant 112 : i32
    %add3A_53 = arith.addi %add3A_52, %arg1 : i32
    %lt3A_54 = arith.constant 125 : i32
    %lt3A_55 = arith.cmpi slt, %add3A_53, %lt3A_54 : i32
    %convert_element_type3A_56 = arith.extui %lt3A_55 : i1 to i32
    %cond3A_57 = arith.constant 0 : i32
    %cond3A_58 = arith.cmpi ne, %convert_element_type3A_56, %cond3A_57 : i32
    scf.if %cond3A_58 {
      %mul3A_212 = arith.constant 80 : i32
      %mul3A_213 = arith.muli %add3A_53, %mul3A_212 : i32
      %run_scoped3A = arith.constant 0 : i32
      "tpu.region"() ({
        %run_scoped3A_214 = tpu.sem_alloc : memref<!tpu.dma_semaphore, #tpu.memory_space<semaphore_mem>>
        %dma_start3A_215 = arith.constant 0 : i32
        %dma_start3A_216 = arith.constant 0 : i32
        %dma_start3A_217 = tpu.memref_slice %arg8[%run_scoped3A, %dma_start3A_215, %dma_start3A_216] : memref<2x128x128xf32, #tpu.memory_space<vmem>> -> memref<1x80x128xf32, #tpu.memory_space<vmem>>
        %dma_start3A_218 = tpu.memref_squeeze %dma_start3A_217 : memref<1x80x128xf32, #tpu.memory_space<vmem>> -> memref<80x128xf32, #tpu.memory_space<vmem>>
        %dma_start3A_219 = arith.constant 0 : i32
        %dma_start3A_220 = tpu.memref_slice %arg9[%mul3A_213, %dma_start3A_219] : memref<10000x128xf32, #tpu.memory_space<vmem_shared>> -> memref<80x128xf32, #tpu.memory_space<vmem_shared>>
        %dma_start3A_221 = arith.constant 0 : i32
        %dma_start3A_222 = tpu.memref_slice %arg9[%mul3A_213, %dma_start3A_221] : memref<10000x128xf32, #tpu.memory_space<vmem_shared>> -> memref<80x128xf32, #tpu.memory_space<vmem_shared>>
        %dma_start3A_223 = arith.constant 0 : i32
        %dma_start3A_224 = arith.constant 0 : i32
        %dma_start3A_225 = tpu.memref_slice %arg8[%run_scoped3A, %dma_start3A_223, %dma_start3A_224] : memref<2x128x128xf32, #tpu.memory_space<vmem>> -> memref<1x80x128xf32, #tpu.memory_space<vmem>>
        %dma_start3A_226 = tpu.memref_squeeze %dma_start3A_225 : memref<1x80x128xf32, #tpu.memory_space<vmem>> -> memref<80x128xf32, #tpu.memory_space<vmem>>
        tpu.enqueue_dma source(%dma_start3A_226 : memref<80x128xf32, #tpu.memory_space<vmem>>) target(%dma_start3A_222 : memref<80x128xf32, #tpu.memory_space<vmem_shared>>) target_semaphore(%run_scoped3A_214 : memref<!tpu.dma_semaphore, #tpu.memory_space<semaphore_mem>>)
        %dma_wait3A_227 = arith.constant 0 : i32
        %dma_wait3A_228 = arith.constant 0 : i32
        %dma_wait3A_229 = tpu.memref_slice %arg8[%run_scoped3A, %dma_wait3A_227, %dma_wait3A_228] : memref<2x128x128xf32, #tpu.memory_space<vmem>> -> memref<1x80x128xf32, #tpu.memory_space<vmem>>
        %dma_wait3A_230 = tpu.memref_squeeze %dma_wait3A_229 : memref<1x80x128xf32, #tpu.memory_space<vmem>> -> memref<80x128xf32, #tpu.memory_space<vmem>>
        %dma_wait3A_231 = arith.constant 0 : i32
        %dma_wait3A_232 = tpu.memref_slice %arg9[%mul3A_213, %dma_wait3A_231] : memref<10000x128xf32, #tpu.memory_space<vmem_shared>> -> memref<80x128xf32, #tpu.memory_space<vmem_shared>>
        %dma_wait3A_233 = arith.constant 0 : i32
        %dma_wait3A_234 = tpu.memref_slice %arg9[%mul3A_213, %dma_wait3A_233] : memref<10000x128xf32, #tpu.memory_space<vmem_shared>> -> memref<80x128xf32, #tpu.memory_space<vmem_shared>>
        %dma_wait3A_235 = arith.constant 0 : i32
        %dma_wait3A_236 = arith.constant 0 : i32
        %dma_wait3A_237 = tpu.memref_slice %arg8[%run_scoped3A, %dma_wait3A_235, %dma_wait3A_236] : memref<2x128x128xf32, #tpu.memory_space<vmem>> -> memref<1x80x128xf32, #tpu.memory_space<vmem>>
        %dma_wait3A_238 = tpu.memref_squeeze %dma_wait3A_237 : memref<1x80x128xf32, #tpu.memory_space<vmem>> -> memref<80x128xf32, #tpu.memory_space<vmem>>
        tpu.wait_dma2 semaphore(%run_scoped3A_214 : memref<!tpu.dma_semaphore, #tpu.memory_space<semaphore_mem>>) src(%dma_wait3A_238 : memref<80x128xf32, #tpu.memory_space<vmem>>) dst(%dma_wait3A_234 : memref<80x128xf32, #tpu.memory_space<vmem_shared>>)
        tpu.yield
      }) : () -> ()
    } else {
    }
    %barrier3A = arith.constant 0 : index
    tpu.barrier barrier_id(%barrier3A)
    %add3A_59 = arith.constant 0 : i32
    %add3A_60 = arith.addi %add3A_59, %add3A : i32
    %dma_start3A = arith.constant 0 : i32
    %dma_start3A_61 = arith.constant 0 : i32
    %dma_start3A_62 = arith.constant 0 : i32
    %dma_start3A_63 = tpu.memref_slice %arg6[%dma_start3A, %dma_start3A_61, %dma_start3A_62] : memref<4x2x128xi32, #tpu.memory_space<vmem>> -> memref<1x2x128xi32, #tpu.memory_space<vmem>>
    %dma_start3A_64 = tpu.memref_squeeze %dma_start3A_63 : memref<1x2x128xi32, #tpu.memory_space<vmem>> -> memref<2x128xi32, #tpu.memory_space<vmem>>
    %dma_start3A_65 = arith.constant 0 : i32
    %dma_start3A_66 = arith.constant 0 : i32
    %dma_start3A_67 = tpu.memref_slice %arg4[%add3A_60, %dma_start3A_65, %dma_start3A_66] : memref<2500x2x128xi32, #tpu.memory_space<hbm>> -> memref<1x2x128xi32, #tpu.memory_space<hbm>>
    %dma_start3A_68 = tpu.memref_squeeze %dma_start3A_67 : memref<1x2x128xi32, #tpu.memory_space<hbm>> -> memref<2x128xi32, #tpu.memory_space<hbm>>
    %dma_start3A_69 = arith.constant 0 : i32
    %dma_start3A_70 = arith.constant 0 : i32
    %dma_start3A_71 = tpu.memref_slice %arg6[%dma_start3A, %dma_start3A_69, %dma_start3A_70] : memref<4x2x128xi32, #tpu.memory_space<vmem>> -> memref<1x2x128xi32, #tpu.memory_space<vmem>>
    %dma_start3A_72 = tpu.memref_squeeze %dma_start3A_71 : memref<1x2x128xi32, #tpu.memory_space<vmem>> -> memref<2x128xi32, #tpu.memory_space<vmem>>
    %dma_start3A_73 = arith.constant 0 : i32
    %dma_start3A_74 = arith.constant 0 : i32
    %dma_start3A_75 = tpu.memref_slice %arg4[%add3A_60, %dma_start3A_73, %dma_start3A_74] : memref<2500x2x128xi32, #tpu.memory_space<hbm>> -> memref<1x2x128xi32, #tpu.memory_space<hbm>>
    %dma_start3A_76 = tpu.memref_squeeze %dma_start3A_75 : memref<1x2x128xi32, #tpu.memory_space<hbm>> -> memref<2x128xi32, #tpu.memory_space<hbm>>
    tpu.enqueue_dma source(%dma_start3A_76 : memref<2x128xi32, #tpu.memory_space<hbm>>) target(%dma_start3A_72 : memref<2x128xi32, #tpu.memory_space<vmem>>) target_semaphore(%arg10 : memref<!tpu.dma_semaphore, #tpu.memory_space<semaphore_mem>>)
    %add3A_77 = arith.constant 32 : i32
    %add3A_78 = arith.addi %add3A_77, %add3A : i32
    %dma_start3A_79 = arith.constant 1 : i32
    %dma_start3A_80 = arith.constant 0 : i32
    %dma_start3A_81 = arith.constant 0 : i32
    %dma_start3A_82 = tpu.memref_slice %arg6[%dma_start3A_79, %dma_start3A_80, %dma_start3A_81] : memref<4x2x128xi32, #tpu.memory_space<vmem>> -> memref<1x2x128xi32, #tpu.memory_space<vmem>>
    %dma_start3A_83 = tpu.memref_squeeze %dma_start3A_82 : memref<1x2x128xi32, #tpu.memory_space<vmem>> -> memref<2x128xi32, #tpu.memory_space<vmem>>
    %dma_start3A_84 = arith.constant 0 : i32
    %dma_start3A_85 = arith.constant 0 : i32
    %dma_start3A_86 = tpu.memref_slice %arg4[%add3A_78, %dma_start3A_84, %dma_start3A_85] : memref<2500x2x128xi32, #tpu.memory_space<hbm>> -> memref<1x2x128xi32, #tpu.memory_space<hbm>>
    %dma_start3A_87 = tpu.memref_squeeze %dma_start3A_86 : memref<1x2x128xi32, #tpu.memory_space<hbm>> -> memref<2x128xi32, #tpu.memory_space<hbm>>
    %dma_start3A_88 = arith.constant 0 : i32
    %dma_start3A_89 = arith.constant 0 : i32
    %dma_start3A_90 = tpu.memref_slice %arg6[%dma_start3A_79, %dma_start3A_88, %dma_start3A_89] : memref<4x2x128xi32, #tpu.memory_space<vmem>> -> memref<1x2x128xi32, #tpu.memory_space<vmem>>
    %dma_start3A_91 = tpu.memref_squeeze %dma_start3A_90 : memref<1x2x128xi32, #tpu.memory_space<vmem>> -> memref<2x128xi32, #tpu.memory_space<vmem>>
    %dma_start3A_92 = arith.constant 0 : i32
    %dma_start3A_93 = arith.constant 0 : i32
    %dma_start3A_94 = tpu.memref_slice %arg4[%add3A_78, %dma_start3A_92, %dma_start3A_93] : memref<2500x2x128xi32, #tpu.memory_space<hbm>> -> memref<1x2x128xi32, #tpu.memory_space<hbm>>
    %dma_start3A_95 = tpu.memref_squeeze %dma_start3A_94 : memref<1x2x128xi32, #tpu.memory_space<hbm>> -> memref<2x128xi32, #tpu.memory_space<hbm>>
    tpu.enqueue_dma source(%dma_start3A_95 : memref<2x128xi32, #tpu.memory_space<hbm>>) target(%dma_start3A_91 : memref<2x128xi32, #tpu.memory_space<vmem>>) target_semaphore(%arg10 : memref<!tpu.dma_semaphore, #tpu.memory_space<semaphore_mem>>)
    %add3A_96 = arith.constant 0 : i32
    %add3A_97 = arith.addi %add3A_96, %add3A : i32
    %mul3A_98 = arith.constant 64 : i32
    %mul3A_99 = arith.muli %add3A_97, %mul3A_98 : i32
    %dma_start3A_100 = arith.constant 0 : i32
    %dma_start3A_101 = arith.constant 0 : i32
    %dma_start3A_102 = arith.constant 0 : i32
    %dma_start3A_103 = tpu.memref_slice %arg7[%dma_start3A_100, %dma_start3A_101, %dma_start3A_102] : memref<2x64x128xi32, #tpu.memory_space<vmem>> -> memref<1x64x128xi32, #tpu.memory_space<vmem>>
    %dma_start3A_104 = tpu.memref_squeeze %dma_start3A_103 : memref<1x64x128xi32, #tpu.memory_space<vmem>> -> memref<64x128xi32, #tpu.memory_space<vmem>>
    %dma_start3A_105 = arith.constant 0 : i32
    %dma_start3A_106 = tpu.memref_slice %arg3[%mul3A_99, %dma_start3A_105] : memref<160000x128xi32, #tpu.memory_space<hbm>> -> memref<64x128xi32, #tpu.memory_space<hbm>>
    %dma_start3A_107 = arith.constant 0 : i32
    %dma_start3A_108 = arith.constant 0 : i32
    %dma_start3A_109 = tpu.memref_slice %arg7[%dma_start3A_100, %dma_start3A_107, %dma_start3A_108] : memref<2x64x128xi32, #tpu.memory_space<vmem>> -> memref<1x64x128xi32, #tpu.memory_space<vmem>>
    %dma_start3A_110 = tpu.memref_squeeze %dma_start3A_109 : memref<1x64x128xi32, #tpu.memory_space<vmem>> -> memref<64x128xi32, #tpu.memory_space<vmem>>
    %dma_start3A_111 = arith.constant 0 : i32
    %dma_start3A_112 = tpu.memref_slice %arg3[%mul3A_99, %dma_start3A_111] : memref<160000x128xi32, #tpu.memory_space<hbm>> -> memref<64x128xi32, #tpu.memory_space<hbm>>
    tpu.enqueue_dma source(%dma_start3A_112 : memref<64x128xi32, #tpu.memory_space<hbm>>) target(%dma_start3A_110 : memref<64x128xi32, #tpu.memory_space<vmem>>) target_semaphore(%arg11 : memref<!tpu.dma_semaphore, #tpu.memory_space<semaphore_mem>>)
    %dma_wait3A = arith.constant 0 : i32
    %dma_wait3A_113 = arith.constant 0 : i32
    %dma_wait3A_114 = arith.constant 0 : i32
    %dma_wait3A_115 = arith.constant 0 : i32
    %dma_wait3A_116 = tpu.memref_slice %arg6[%dma_wait3A_113, %dma_wait3A_114, %dma_wait3A_115] : memref<4x2x128xi32, #tpu.memory_space<vmem>> -> memref<1x2x128xi32, #tpu.memory_space<vmem>>
    %dma_wait3A_117 = tpu.memref_squeeze %dma_wait3A_116 : memref<1x2x128xi32, #tpu.memory_space<vmem>> -> memref<2x128xi32, #tpu.memory_space<vmem>>
    %dma_wait3A_118 = arith.constant 0 : i32
    %dma_wait3A_119 = arith.constant 0 : i32
    %dma_wait3A_120 = tpu.memref_slice %arg4[%dma_wait3A, %dma_wait3A_118, %dma_wait3A_119] : memref<2500x2x128xi32, #tpu.memory_space<hbm>> -> memref<1x2x128xi32, #tpu.memory_space<hbm>>
    %dma_wait3A_121 = tpu.memref_squeeze %dma_wait3A_120 : memref<1x2x128xi32, #tpu.memory_space<hbm>> -> memref<2x128xi32, #tpu.memory_space<hbm>>
    %dma_wait3A_122 = arith.constant 0 : i32
    %dma_wait3A_123 = arith.constant 0 : i32
    %dma_wait3A_124 = tpu.memref_slice %arg6[%dma_wait3A_113, %dma_wait3A_122, %dma_wait3A_123] : memref<4x2x128xi32, #tpu.memory_space<vmem>> -> memref<1x2x128xi32, #tpu.memory_space<vmem>>
    %dma_wait3A_125 = tpu.memref_squeeze %dma_wait3A_124 : memref<1x2x128xi32, #tpu.memory_space<vmem>> -> memref<2x128xi32, #tpu.memory_space<vmem>>
    %dma_wait3A_126 = arith.constant 0 : i32
    %dma_wait3A_127 = arith.constant 0 : i32
    %dma_wait3A_128 = tpu.memref_slice %arg4[%dma_wait3A, %dma_wait3A_126, %dma_wait3A_127] : memref<2500x2x128xi32, #tpu.memory_space<hbm>> -> memref<1x2x128xi32, #tpu.memory_space<hbm>>
    %dma_wait3A_129 = tpu.memref_squeeze %dma_wait3A_128 : memref<1x2x128xi32, #tpu.memory_space<hbm>> -> memref<2x128xi32, #tpu.memory_space<hbm>>
    tpu.wait_dma2 semaphore(%arg10 : memref<!tpu.dma_semaphore, #tpu.memory_space<semaphore_mem>>) src(%dma_wait3A_129 : memref<2x128xi32, #tpu.memory_space<hbm>>) dst(%dma_wait3A_125 : memref<2x128xi32, #tpu.memory_space<vmem>>)
    %dma_start3A_130 = arith.constant 0 : i32
    %dma_start3A_131 = arith.constant 0 : i32
    %dma_start3A_132 = arith.constant 0 : i32
    %dma_start3A_133 = arith.constant 0 : i32
    %dma_start3A_134 = arith.constant 0 : i32
    %dma_start3A_135 = tpu.memref_slice %arg8[%dma_start3A_132, %dma_start3A_133, %dma_start3A_134] : memref<2x128x128xf32, #tpu.memory_space<vmem>> -> memref<1x128x128xf32, #tpu.memory_space<vmem>>
    %dma_start3A_136 = tpu.memref_squeeze %dma_start3A_135 : memref<1x128x128xf32, #tpu.memory_space<vmem>> -> memref<128x128xf32, #tpu.memory_space<vmem>>
    %dma_start3A_137 = arith.constant 0 : i32
    %dma_start3A_138 = tpu.memref_slice %arg6[%dma_start3A_130, %dma_start3A_131, %dma_start3A_137] : memref<4x2x128xi32, #tpu.memory_space<vmem>> -> memref<1x1x128xi32, #tpu.memory_space<vmem>>
    %dma_start3A_139 = tpu.memref_squeeze %dma_start3A_138 : memref<1x1x128xi32, #tpu.memory_space<vmem>> -> memref<128xi32, #tpu.memory_space<vmem>>
    %dma_start3A_140 = arith.constant 0 : i32
    %dma_start3A_141 = arith.constant 0 : i32
    %dma_start3A_142 = tpu.memref_slice %arg2[%dma_start3A_140, %dma_start3A_141] : memref<10000x128xf32, #tpu.memory_space<hbm>> -> memref<10000x128xf32, #tpu.memory_space<hbm>>
    tpu.enqueue_indirect_dma source(%dma_start3A_142 : memref<10000x128xf32, #tpu.memory_space<hbm>>) target(%dma_start3A_136 : memref<128x128xf32, #tpu.memory_space<vmem>>) offsets(%dma_start3A_139 : memref<128xi32, #tpu.memory_space<vmem>>) semaphore(%arg12 : memref<!tpu.dma_semaphore, #tpu.memory_space<semaphore_mem>>)
    %scan3A_143 = arith.constant 0 : i32
    %scan3A_144 = arith.constant 79 : i32
    %scan3A_145 = arith.addi %scan3A_143, %scan3A_144 : i32
    %scan3A_146 = arith.constant 1 : i32
    scf.for %scan3A_212 = %scan3A_143 to %scan3A_145 step %scan3A_146  : i32 {
      %mul3A_213 = arith.constant 1 : i32
      %mul3A_214 = arith.muli %scan3A_212, %mul3A_213 : i32
      %add3A_215 = arith.constant 0 : i32
      %add3A_216 = arith.addi %add3A_215, %mul3A_214 : i32
      %rem3A = arith.constant 2 : i32
      %rem3A_217 = arith.remsi %add3A_216, %rem3A : i32
      %add3A_218 = arith.constant 1 : i32
      %add3A_219 = arith.addi %add3A_216, %add3A_218 : i32
      %rem3A_220 = arith.constant 2 : i32
      %rem3A_221 = arith.remsi %add3A_219, %rem3A_220 : i32
      %rem3A_222 = arith.constant 4 : i32
      %rem3A_223 = arith.remsi %add3A_216, %rem3A_222 : i32
      %add3A_224 = arith.constant 1 : i32
      %add3A_225 = arith.addi %add3A_216, %add3A_224 : i32
      %rem3A_226 = arith.constant 4 : i32
      %rem3A_227 = arith.remsi %add3A_225, %rem3A_226 : i32
      %ge3A = arith.constant 1 : i32
      %ge3A_228 = arith.cmpi sge, %add3A_216, %ge3A : i32
      %sub3A = arith.constant 1 : i32
      %sub3A_229 = arith.subi %add3A_216, %sub3A : i32
      %mul3A_230 = arith.constant 32 : i32
      %mul3A_231 = arith.muli %sub3A_229, %mul3A_230 : i32
      %add3A_232 = arith.addi %mul3A_231, %add3A : i32
      %lt3A_233 = arith.constant 2500 : i32
      %lt3A_234 = arith.cmpi slt, %add3A_232, %lt3A_233 : i32
      %and3A = arith.andi %ge3A_228, %lt3A_234 : i1
      %convert_element_type3A_235 = arith.extui %and3A : i1 to i32
      %cond3A_236 = arith.constant 0 : i32
      %cond3A_237 = arith.cmpi ne, %convert_element_type3A_235, %cond3A_236 : i32
      scf.if %cond3A_237 {
        %add3A_276 = arith.constant 3 : i32
        %add3A_277 = arith.addi %add3A_216, %add3A_276 : i32
        %rem3A_278 = arith.constant 4 : i32
        %rem3A_279 = arith.remsi %add3A_277, %rem3A_278 : i32
        %dma_wait3A_280 = arith.constant 1 : i32
        %dma_wait3A_281 = arith.constant 0 : i32
        %dma_wait3A_282 = arith.constant 0 : i32
        %dma_wait3A_283 = tpu.memref_slice %arg8[%rem3A_221, %dma_wait3A_281, %dma_wait3A_282] : memref<2x128x128xf32, #tpu.memory_space<vmem>> -> memref<1x128x128xf32, #tpu.memory_space<vmem>>
        %dma_wait3A_284 = tpu.memref_squeeze %dma_wait3A_283 : memref<1x128x128xf32, #tpu.memory_space<vmem>> -> memref<128x128xf32, #tpu.memory_space<vmem>>
        %dma_wait3A_285 = arith.constant 0 : i32
        %dma_wait3A_286 = tpu.memref_slice %arg6[%rem3A_279, %dma_wait3A_280, %dma_wait3A_285] : memref<4x2x128xi32, #tpu.memory_space<vmem>> -> memref<1x1x128xi32, #tpu.memory_space<vmem>>
        %dma_wait3A_287 = tpu.memref_squeeze %dma_wait3A_286 : memref<1x1x128xi32, #tpu.memory_space<vmem>> -> memref<128xi32, #tpu.memory_space<vmem>>
        %dma_wait3A_288 = arith.constant 0 : i32
        %dma_wait3A_289 = arith.constant 0 : i32
        %dma_wait3A_290 = tpu.memref_slice %arg9[%dma_wait3A_288, %dma_wait3A_289] : memref<10000x128xf32, #tpu.memory_space<vmem_shared>> -> memref<10000x128xf32, #tpu.memory_space<vmem_shared>>
        tpu.wait_indirect_dma semaphore(%arg13 : memref<!tpu.dma_semaphore, #tpu.memory_space<semaphore_mem>>) src(%dma_wait3A_284 : memref<128x128xf32, #tpu.memory_space<vmem>>) dst(%dma_wait3A_290 : memref<10000x128xf32, #tpu.memory_space<vmem_shared>>)
      } else {
      }
      %add3A_238 = arith.constant 1 : i32
      %add3A_239 = arith.addi %add3A_216, %add3A_238 : i32
      %mul3A_240 = arith.constant 32 : i32
      %mul3A_241 = arith.muli %add3A_239, %mul3A_240 : i32
      %add3A_242 = arith.addi %mul3A_241, %add3A : i32
      %lt3A_243 = arith.constant 2500 : i32
      %lt3A_244 = arith.cmpi slt, %add3A_242, %lt3A_243 : i32
      %convert_element_type3A_245 = arith.extui %lt3A_244 : i1 to i32
      %cond3A_246 = arith.constant 0 : i32
      %cond3A_247 = arith.cmpi ne, %convert_element_type3A_245, %cond3A_246 : i32
      scf.if %cond3A_247 {
        %dma_wait3A_276 = arith.constant 0 : i32
        %dma_wait3A_277 = arith.constant 0 : i32
        %dma_wait3A_278 = arith.constant 0 : i32
        %dma_wait3A_279 = tpu.memref_slice %arg6[%rem3A_227, %dma_wait3A_277, %dma_wait3A_278] : memref<4x2x128xi32, #tpu.memory_space<vmem>> -> memref<1x2x128xi32, #tpu.memory_space<vmem>>
        %dma_wait3A_280 = tpu.memref_squeeze %dma_wait3A_279 : memref<1x2x128xi32, #tpu.memory_space<vmem>> -> memref<2x128xi32, #tpu.memory_space<vmem>>
        %dma_wait3A_281 = arith.constant 0 : i32
        %dma_wait3A_282 = arith.constant 0 : i32
        %dma_wait3A_283 = tpu.memref_slice %arg4[%dma_wait3A_276, %dma_wait3A_281, %dma_wait3A_282] : memref<2500x2x128xi32, #tpu.memory_space<hbm>> -> memref<1x2x128xi32, #tpu.memory_space<hbm>>
        %dma_wait3A_284 = tpu.memref_squeeze %dma_wait3A_283 : memref<1x2x128xi32, #tpu.memory_space<hbm>> -> memref<2x128xi32, #tpu.memory_space<hbm>>
        %dma_wait3A_285 = arith.constant 0 : i32
        %dma_wait3A_286 = arith.constant 0 : i32
        %dma_wait3A_287 = tpu.memref_slice %arg6[%rem3A_227, %dma_wait3A_285, %dma_wait3A_286] : memref<4x2x128xi32, #tpu.memory_space<vmem>> -> memref<1x2x128xi32, #tpu.memory_space<vmem>>
        %dma_wait3A_288 = tpu.memref_squeeze %dma_wait3A_287 : memref<1x2x128xi32, #tpu.memory_space<vmem>> -> memref<2x128xi32, #tpu.memory_space<vmem>>
        %dma_wait3A_289 = arith.constant 0 : i32
        %dma_wait3A_290 = arith.constant 0 : i32
        %dma_wait3A_291 = tpu.memref_slice %arg4[%dma_wait3A_276, %dma_wait3A_289, %dma_wait3A_290] : memref<2500x2x128xi32, #tpu.memory_space<hbm>> -> memref<1x2x128xi32, #tpu.memory_space<hbm>>
        %dma_wait3A_292 = tpu.memref_squeeze %dma_wait3A_291 : memref<1x2x128xi32, #tpu.memory_space<hbm>> -> memref<2x128xi32, #tpu.memory_space<hbm>>
        tpu.wait_dma2 semaphore(%arg10 : memref<!tpu.dma_semaphore, #tpu.memory_space<semaphore_mem>>) src(%dma_wait3A_292 : memref<2x128xi32, #tpu.memory_space<hbm>>) dst(%dma_wait3A_288 : memref<2x128xi32, #tpu.memory_space<vmem>>)
        %dma_start3A_293 = arith.constant 0 : i32
        %dma_start3A_294 = arith.constant 0 : i32
        %dma_start3A_295 = arith.constant 0 : i32
        %dma_start3A_296 = tpu.memref_slice %arg8[%rem3A_221, %dma_start3A_294, %dma_start3A_295] : memref<2x128x128xf32, #tpu.memory_space<vmem>> -> memref<1x128x128xf32, #tpu.memory_space<vmem>>
        %dma_start3A_297 = tpu.memref_squeeze %dma_start3A_296 : memref<1x128x128xf32, #tpu.memory_space<vmem>> -> memref<128x128xf32, #tpu.memory_space<vmem>>
        %dma_start3A_298 = arith.constant 0 : i32
        %dma_start3A_299 = tpu.memref_slice %arg6[%rem3A_227, %dma_start3A_293, %dma_start3A_298] : memref<4x2x128xi32, #tpu.memory_space<vmem>> -> memref<1x1x128xi32, #tpu.memory_space<vmem>>
        %dma_start3A_300 = tpu.memref_squeeze %dma_start3A_299 : memref<1x1x128xi32, #tpu.memory_space<vmem>> -> memref<128xi32, #tpu.memory_space<vmem>>
        %dma_start3A_301 = arith.constant 0 : i32
        %dma_start3A_302 = arith.constant 0 : i32
        %dma_start3A_303 = tpu.memref_slice %arg2[%dma_start3A_301, %dma_start3A_302] : memref<10000x128xf32, #tpu.memory_space<hbm>> -> memref<10000x128xf32, #tpu.memory_space<hbm>>
        tpu.enqueue_indirect_dma source(%dma_start3A_303 : memref<10000x128xf32, #tpu.memory_space<hbm>>) target(%dma_start3A_297 : memref<128x128xf32, #tpu.memory_space<vmem>>) offsets(%dma_start3A_300 : memref<128xi32, #tpu.memory_space<vmem>>) semaphore(%arg12 : memref<!tpu.dma_semaphore, #tpu.memory_space<semaphore_mem>>)
      } else {
      }
      %add3A_248 = arith.constant 2 : i32
      %add3A_249 = arith.addi %add3A_216, %add3A_248 : i32
      %mul3A_250 = arith.constant 32 : i32
      %mul3A_251 = arith.muli %add3A_249, %mul3A_250 : i32
      %add3A_252 = arith.addi %mul3A_251, %add3A : i32
      %lt3A_253 = arith.constant 2500 : i32
      %lt3A_254 = arith.cmpi slt, %add3A_252, %lt3A_253 : i32
      %convert_element_type3A_255 = arith.extui %lt3A_254 : i1 to i32
      %cond3A_256 = arith.constant 0 : i32
      %cond3A_257 = arith.cmpi ne, %convert_element_type3A_255, %cond3A_256 : i32
      scf.if %cond3A_257 {
        %add3A_276 = arith.constant 2 : i32
        %add3A_277 = arith.addi %add3A_216, %add3A_276 : i32
        %add3A_278 = arith.constant 2 : i32
        %add3A_279 = arith.addi %add3A_216, %add3A_278 : i32
        %rem3A_280 = arith.constant 4 : i32
        %rem3A_281 = arith.remsi %add3A_279, %rem3A_280 : i32
        %mul3A_282 = arith.constant 32 : i32
        %mul3A_283 = arith.muli %add3A_277, %mul3A_282 : i32
        %add3A_284 = arith.addi %mul3A_283, %add3A : i32
        %dma_start3A_285 = arith.constant 0 : i32
        %dma_start3A_286 = arith.constant 0 : i32
        %dma_start3A_287 = tpu.memref_slice %arg6[%rem3A_281, %dma_start3A_285, %dma_start3A_286] : memref<4x2x128xi32, #tpu.memory_space<vmem>> -> memref<1x2x128xi32, #tpu.memory_space<vmem>>
        %dma_start3A_288 = tpu.memref_squeeze %dma_start3A_287 : memref<1x2x128xi32, #tpu.memory_space<vmem>> -> memref<2x128xi32, #tpu.memory_space<vmem>>
        %dma_start3A_289 = arith.constant 0 : i32
        %dma_start3A_290 = arith.constant 0 : i32
        %dma_start3A_291 = tpu.memref_slice %arg4[%add3A_284, %dma_start3A_289, %dma_start3A_290] : memref<2500x2x128xi32, #tpu.memory_space<hbm>> -> memref<1x2x128xi32, #tpu.memory_space<hbm>>
        %dma_start3A_292 = tpu.memref_squeeze %dma_start3A_291 : memref<1x2x128xi32, #tpu.memory_space<hbm>> -> memref<2x128xi32, #tpu.memory_space<hbm>>
        %dma_start3A_293 = arith.constant 0 : i32
        %dma_start3A_294 = arith.constant 0 : i32
        %dma_start3A_295 = tpu.memref_slice %arg6[%rem3A_281, %dma_start3A_293, %dma_start3A_294] : memref<4x2x128xi32, #tpu.memory_space<vmem>> -> memref<1x2x128xi32, #tpu.memory_space<vmem>>
        %dma_start3A_296 = tpu.memref_squeeze %dma_start3A_295 : memref<1x2x128xi32, #tpu.memory_space<vmem>> -> memref<2x128xi32, #tpu.memory_space<vmem>>
        %dma_start3A_297 = arith.constant 0 : i32
        %dma_start3A_298 = arith.constant 0 : i32
        %dma_start3A_299 = tpu.memref_slice %arg4[%add3A_284, %dma_start3A_297, %dma_start3A_298] : memref<2500x2x128xi32, #tpu.memory_space<hbm>> -> memref<1x2x128xi32, #tpu.memory_space<hbm>>
        %dma_start3A_300 = tpu.memref_squeeze %dma_start3A_299 : memref<1x2x128xi32, #tpu.memory_space<hbm>> -> memref<2x128xi32, #tpu.memory_space<hbm>>
        tpu.enqueue_dma source(%dma_start3A_300 : memref<2x128xi32, #tpu.memory_space<hbm>>) target(%dma_start3A_296 : memref<2x128xi32, #tpu.memory_space<vmem>>) target_semaphore(%arg10 : memref<!tpu.dma_semaphore, #tpu.memory_space<semaphore_mem>>)
      } else {
      }
      %add3A_258 = arith.constant 1 : i32
      %add3A_259 = arith.addi %add3A_216, %add3A_258 : i32
      %mul3A_260 = arith.constant 32 : i32
      %mul3A_261 = arith.muli %add3A_259, %mul3A_260 : i32
      %add3A_262 = arith.addi %mul3A_261, %add3A : i32
      %lt3A_263 = arith.constant 2500 : i32
      %lt3A_264 = arith.cmpi slt, %add3A_262, %lt3A_263 : i32
      %convert_element_type3A_265 = arith.extui %lt3A_264 : i1 to i32
      %cond3A_266 = arith.constant 0 : i32
      %cond3A_267 = arith.cmpi ne, %convert_element_type3A_265, %cond3A_266 : i32
      scf.if %cond3A_267 {
        %add3A_276 = arith.constant 1 : i32
        %add3A_277 = arith.addi %add3A_216, %add3A_276 : i32
        %mul3A_278 = arith.constant 32 : i32
        %mul3A_279 = arith.muli %add3A_277, %mul3A_278 : i32
        %add3A_280 = arith.addi %mul3A_279, %add3A : i32
        %mul3A_281 = arith.constant 64 : i32
        %mul3A_282 = arith.muli %add3A_280, %mul3A_281 : i32
        %dma_start3A_283 = arith.constant 0 : i32
        %dma_start3A_284 = arith.constant 0 : i32
        %dma_start3A_285 = tpu.memref_slice %arg7[%rem3A_221, %dma_start3A_283, %dma_start3A_284] : memref<2x64x128xi32, #tpu.memory_space<vmem>> -> memref<1x64x128xi32, #tpu.memory_space<vmem>>
        %dma_start3A_286 = tpu.memref_squeeze %dma_start3A_285 : memref<1x64x128xi32, #tpu.memory_space<vmem>> -> memref<64x128xi32, #tpu.memory_space<vmem>>
        %dma_start3A_287 = arith.constant 0 : i32
        %dma_start3A_288 = tpu.memref_slice %arg3[%mul3A_282, %dma_start3A_287] : memref<160000x128xi32, #tpu.memory_space<hbm>> -> memref<64x128xi32, #tpu.memory_space<hbm>>
        %dma_start3A_289 = arith.constant 0 : i32
        %dma_start3A_290 = arith.constant 0 : i32
        %dma_start3A_291 = tpu.memref_slice %arg7[%rem3A_221, %dma_start3A_289, %dma_start3A_290] : memref<2x64x128xi32, #tpu.memory_space<vmem>> -> memref<1x64x128xi32, #tpu.memory_space<vmem>>
        %dma_start3A_292 = tpu.memref_squeeze %dma_start3A_291 : memref<1x64x128xi32, #tpu.memory_space<vmem>> -> memref<64x128xi32, #tpu.memory_space<vmem>>
        %dma_start3A_293 = arith.constant 0 : i32
        %dma_start3A_294 = tpu.memref_slice %arg3[%mul3A_282, %dma_start3A_293] : memref<160000x128xi32, #tpu.memory_space<hbm>> -> memref<64x128xi32, #tpu.memory_space<hbm>>
        tpu.enqueue_dma source(%dma_start3A_294 : memref<64x128xi32, #tpu.memory_space<hbm>>) target(%dma_start3A_292 : memref<64x128xi32, #tpu.memory_space<vmem>>) target_semaphore(%arg11 : memref<!tpu.dma_semaphore, #tpu.memory_space<semaphore_mem>>)
      } else {
      }
      %mul3A_268 = arith.constant 32 : i32
      %mul3A_269 = arith.muli %add3A_216, %mul3A_268 : i32
      %add3A_270 = arith.addi %mul3A_269, %add3A : i32
      %lt3A_271 = arith.constant 2500 : i32
      %lt3A_272 = arith.cmpi slt, %add3A_270, %lt3A_271 : i32
      %convert_element_type3A_273 = arith.extui %lt3A_272 : i1 to i32
      %cond3A_274 = arith.constant 0 : i32
      %cond3A_275 = arith.cmpi ne, %convert_element_type3A_273, %cond3A_274 : i32
      scf.if %cond3A_275 {
        %dma_wait3A_276 = arith.constant 0 : i32
        %dma_wait3A_277 = arith.constant 0 : i32
        %dma_wait3A_278 = arith.constant 0 : i32
        %dma_wait3A_279 = tpu.memref_slice %arg8[%rem3A_217, %dma_wait3A_277, %dma_wait3A_278] : memref<2x128x128xf32, #tpu.memory_space<vmem>> -> memref<1x128x128xf32, #tpu.memory_space<vmem>>
        %dma_wait3A_280 = tpu.memref_squeeze %dma_wait3A_279 : memref<1x128x128xf32, #tpu.memory_space<vmem>> -> memref<128x128xf32, #tpu.memory_space<vmem>>
        %dma_wait3A_281 = arith.constant 0 : i32
        %dma_wait3A_282 = tpu.memref_slice %arg6[%rem3A_223, %dma_wait3A_276, %dma_wait3A_281] : memref<4x2x128xi32, #tpu.memory_space<vmem>> -> memref<1x1x128xi32, #tpu.memory_space<vmem>>
        %dma_wait3A_283 = tpu.memref_squeeze %dma_wait3A_282 : memref<1x1x128xi32, #tpu.memory_space<vmem>> -> memref<128xi32, #tpu.memory_space<vmem>>
        %dma_wait3A_284 = arith.constant 0 : i32
        %dma_wait3A_285 = arith.constant 0 : i32
        %dma_wait3A_286 = tpu.memref_slice %arg2[%dma_wait3A_284, %dma_wait3A_285] : memref<10000x128xf32, #tpu.memory_space<hbm>> -> memref<10000x128xf32, #tpu.memory_space<hbm>>
        tpu.wait_indirect_dma semaphore(%arg12 : memref<!tpu.dma_semaphore, #tpu.memory_space<semaphore_mem>>) src(%dma_wait3A_286 : memref<10000x128xf32, #tpu.memory_space<hbm>>) dst(%dma_wait3A_280 : memref<128x128xf32, #tpu.memory_space<vmem>>)
        %dma_wait3A_287 = arith.constant 0 : i32
        %dma_wait3A_288 = arith.constant 0 : i32
        %dma_wait3A_289 = tpu.memref_slice %arg7[%rem3A_217, %dma_wait3A_287, %dma_wait3A_288] : memref<2x64x128xi32, #tpu.memory_space<vmem>> -> memref<1x64x128xi32, #tpu.memory_space<vmem>>
        %dma_wait3A_290 = tpu.memref_squeeze %dma_wait3A_289 : memref<1x64x128xi32, #tpu.memory_space<vmem>> -> memref<64x128xi32, #tpu.memory_space<vmem>>
        %dma_wait3A_291 = arith.constant 0 : i32
        %dma_wait3A_292 = arith.constant 0 : i32
        %dma_wait3A_293 = tpu.memref_slice %arg3[%dma_wait3A_291, %dma_wait3A_292] : memref<160000x128xi32, #tpu.memory_space<hbm>> -> memref<64x128xi32, #tpu.memory_space<hbm>>
        %dma_wait3A_294 = arith.constant 0 : i32
        %dma_wait3A_295 = arith.constant 0 : i32
        %dma_wait3A_296 = tpu.memref_slice %arg7[%rem3A_217, %dma_wait3A_294, %dma_wait3A_295] : memref<2x64x128xi32, #tpu.memory_space<vmem>> -> memref<1x64x128xi32, #tpu.memory_space<vmem>>
        %dma_wait3A_297 = tpu.memref_squeeze %dma_wait3A_296 : memref<1x64x128xi32, #tpu.memory_space<vmem>> -> memref<64x128xi32, #tpu.memory_space<vmem>>
        %dma_wait3A_298 = arith.constant 0 : i32
        %dma_wait3A_299 = arith.constant 0 : i32
        %dma_wait3A_300 = tpu.memref_slice %arg3[%dma_wait3A_298, %dma_wait3A_299] : memref<160000x128xi32, #tpu.memory_space<hbm>> -> memref<64x128xi32, #tpu.memory_space<hbm>>
        tpu.wait_dma2 semaphore(%arg11 : memref<!tpu.dma_semaphore, #tpu.memory_space<semaphore_mem>>) src(%dma_wait3A_300 : memref<64x128xi32, #tpu.memory_space<hbm>>) dst(%dma_wait3A_297 : memref<64x128xi32, #tpu.memory_space<vmem>>)
        %scan3A_301 = arith.constant 0 : i32
        %scan3A_302 = arith.constant 64 : i32
        %scan3A_303 = arith.addi %scan3A_301, %scan3A_302 : i32
        %scan3A_304 = arith.constant 1 : i32
        scf.for %scan3A_317 = %scan3A_301 to %scan3A_303 step %scan3A_304  : i32 {
          %mul3A_318 = arith.constant 1 : i32
          %mul3A_319 = arith.muli %scan3A_317, %mul3A_318 : i32
          %add3A_320 = arith.constant 0 : i32
          %add3A_321 = arith.addi %add3A_320, %mul3A_319 : i32
          %mul3A_322 = arith.constant 2 : i32
          %mul3A_323 = arith.muli %mul3A_322, %add3A_321 : i32
          %add3A_324 = arith.constant 0 : i32
          %add3A_325 = arith.addi %mul3A_323, %add3A_324 : i32
          %get3A = arith.index_cast %rem3A_217 : i32 to index
          %get3A_326 = arith.index_cast %add3A_321 : i32 to index
          %get3A_327 = arith.constant 0 : index
          %get3A_328 = tpu.vector_load %arg7[%get3A, %get3A_326, %get3A_327] {strides = array<i32>} : memref<2x64x128xi32, #tpu.memory_space<vmem>>, vector<1x1x16xi32>,
          %get3A_329 = vector.shape_cast %get3A_328 : vector<1x1x16xi32> to vector<16xi32>
          %shift_left3A = arith.constant 16 : i32
          %shift_left3A_330 = vector.broadcast %shift_left3A : i32 to vector<16xi32>
          %shift_left3A_331 = arith.shli %get3A_329, %shift_left3A_330 : vector<16xi32>
          %bitcast_convert_type3A = tpu.bitcast %shift_left3A_331 : vector<16xi32> -> vector<16xf32>
          %and3A_332 = arith.constant -65536 : i32
          %and3A_333 = vector.broadcast %and3A_332 : i32 to vector<16xi32>
          %and3A_334 = arith.andi %get3A_329, %and3A_333 : vector<16xi32>
          %bitcast_convert_type3A_335 = tpu.bitcast %and3A_334 : vector<16xi32> -> vector<16xf32>
          %get3A_336 = arith.index_cast %rem3A_217 : i32 to index
          %get3A_337 = arith.index_cast %add3A_325 : i32 to index
          %get3A_338 = arith.constant 0 : index
          %get3A_339 = tpu.vector_load %arg8[%get3A_336, %get3A_337, %get3A_338] {strides = array<i32>} : memref<2x128x128xf32, #tpu.memory_space<vmem>>, vector<1x1x16xf32>,
          %get3A_340 = vector.shape_cast %get3A_339 : vector<1x1x16xf32> to vector<16xf32>
          %add3A_341 = arith.addf %get3A_340, %bitcast_convert_type3A : vector<16xf32>
          %max3A = arith.constant 0.000000e+00 : f32
          %max3A_342 = vector.broadcast %max3A : f32 to vector<16xf32>
          %max3A_343 = arith.maximumf %add3A_341, %max3A_342 : vector<16xf32>
          %swap3A = arith.index_cast %rem3A_217 : i32 to index
          %swap3A_344 = arith.index_cast %add3A_325 : i32 to index
          %swap3A_345 = arith.constant 0 : index
          %swap3A_346 = tpu.vector_load %arg8[%swap3A, %swap3A_344, %swap3A_345] {strides = array<i32>} : memref<2x128x128xf32, #tpu.memory_space<vmem>>, vector<1x1x16xf32>,
          %swap3A_347 = vector.shape_cast %swap3A_346 : vector<1x1x16xf32> to vector<16xf32>
          %swap3A_348 = vector.shape_cast %max3A_343 : vector<16xf32> to vector<1x1x16xf32>
          tpu.vector_store %arg8[%swap3A, %swap3A_344, %swap3A_345], %swap3A_348 {strides = array<i32>} : memref<2x128x128xf32, #tpu.memory_space<vmem>>, vector<1x1x16xf32>,
          %get3A_349 = arith.index_cast %rem3A_217 : i32 to index
          %get3A_350 = arith.index_cast %add3A_325 : i32 to index
          %get3A_351 = arith.constant 16 : index
          %get3A_352 = tpu.vector_load %arg8[%get3A_349, %get3A_350, %get3A_351] {strides = array<i32>} : memref<2x128x128xf32, #tpu.memory_space<vmem>>, vector<1x1x16xf32>,
          %get3A_353 = vector.shape_cast %get3A_352 : vector<1x1x16xf32> to vector<16xf32>
          %add3A_354 = arith.addf %get3A_353, %bitcast_convert_type3A_335 : vector<16xf32>
          %max3A_355 = arith.constant 0.000000e+00 : f32
          %max3A_356 = vector.broadcast %max3A_355 : f32 to vector<16xf32>
          %max3A_357 = arith.maximumf %add3A_354, %max3A_356 : vector<16xf32>
          %swap3A_358 = arith.index_cast %rem3A_217 : i32 to index
          %swap3A_359 = arith.index_cast %add3A_325 : i32 to index
          %swap3A_360 = arith.constant 16 : index
          %swap3A_361 = tpu.vector_load %arg8[%swap3A_358, %swap3A_359, %swap3A_360] {strides = array<i32>} : memref<2x128x128xf32, #tpu.memory_space<vmem>>, vector<1x1x16xf32>,
          %swap3A_362 = vector.shape_cast %swap3A_361 : vector<1x1x16xf32> to vector<16xf32>
          %swap3A_363 = vector.shape_cast %max3A_357 : vector<16xf32> to vector<1x1x16xf32>
          tpu.vector_store %arg8[%swap3A_358, %swap3A_359, %swap3A_360], %swap3A_363 {strides = array<i32>} : memref<2x128x128xf32, #tpu.memory_space<vmem>>, vector<1x1x16xf32>,
          %get3A_364 = arith.index_cast %rem3A_217 : i32 to index
          %get3A_365 = arith.index_cast %add3A_321 : i32 to index
          %get3A_366 = arith.constant 16 : index
          %get3A_367 = tpu.vector_load %arg7[%get3A_364, %get3A_365, %get3A_366] {strides = array<i32>} : memref<2x64x128xi32, #tpu.memory_space<vmem>>, vector<1x1x16xi32>,
          %get3A_368 = vector.shape_cast %get3A_367 : vector<1x1x16xi32> to vector<16xi32>
          %shift_left3A_369 = arith.constant 16 : i32
          %shift_left3A_370 = vector.broadcast %shift_left3A_369 : i32 to vector<16xi32>
          %shift_left3A_371 = arith.shli %get3A_368, %shift_left3A_370 : vector<16xi32>
          %bitcast_convert_type3A_372 = tpu.bitcast %shift_left3A_371 : vector<16xi32> -> vector<16xf32>
          %and3A_373 = arith.constant -65536 : i32
          %and3A_374 = vector.broadcast %and3A_373 : i32 to vector<16xi32>
          %and3A_375 = arith.andi %get3A_368, %and3A_374 : vector<16xi32>
          %bitcast_convert_type3A_376 = tpu.bitcast %and3A_375 : vector<16xi32> -> vector<16xf32>
          %get3A_377 = arith.index_cast %rem3A_217 : i32 to index
          %get3A_378 = arith.index_cast %add3A_325 : i32 to index
          %get3A_379 = arith.constant 32 : index
          %get3A_380 = tpu.vector_load %arg8[%get3A_377, %get3A_378, %get3A_379] {strides = array<i32>} : memref<2x128x128xf32, #tpu.memory_space<vmem>>, vector<1x1x16xf32>,
          %get3A_381 = vector.shape_cast %get3A_380 : vector<1x1x16xf32> to vector<16xf32>
          %add3A_382 = arith.addf %get3A_381, %bitcast_convert_type3A_372 : vector<16xf32>
          %max3A_383 = arith.constant 0.000000e+00 : f32
          %max3A_384 = vector.broadcast %max3A_383 : f32 to vector<16xf32>
          %max3A_385 = arith.maximumf %add3A_382, %max3A_384 : vector<16xf32>
          %swap3A_386 = arith.index_cast %rem3A_217 : i32 to index
          %swap3A_387 = arith.index_cast %add3A_325 : i32 to index
          %swap3A_388 = arith.constant 32 : index
          %swap3A_389 = tpu.vector_load %arg8[%swap3A_386, %swap3A_387, %swap3A_388] {strides = array<i32>} : memref<2x128x128xf32, #tpu.memory_space<vmem>>, vector<1x1x16xf32>,
          %swap3A_390 = vector.shape_cast %swap3A_389 : vector<1x1x16xf32> to vector<16xf32>
          %swap3A_391 = vector.shape_cast %max3A_385 : vector<16xf32> to vector<1x1x16xf32>
          tpu.vector_store %arg8[%swap3A_386, %swap3A_387, %swap3A_388], %swap3A_391 {strides = array<i32>} : memref<2x128x128xf32, #tpu.memory_space<vmem>>, vector<1x1x16xf32>,
          %get3A_392 = arith.index_cast %rem3A_217 : i32 to index
          %get3A_393 = arith.index_cast %add3A_325 : i32 to index
          %get3A_394 = arith.constant 48 : index
          %get3A_395 = tpu.vector_load %arg8[%get3A_392, %get3A_393, %get3A_394] {strides = array<i32>} : memref<2x128x128xf32, #tpu.memory_space<vmem>>, vector<1x1x16xf32>,
          %get3A_396 = vector.shape_cast %get3A_395 : vector<1x1x16xf32> to vector<16xf32>
          %add3A_397 = arith.addf %get3A_396, %bitcast_convert_type3A_376 : vector<16xf32>
          %max3A_398 = arith.constant 0.000000e+00 : f32
          %max3A_399 = vector.broadcast %max3A_398 : f32 to vector<16xf32>
          %max3A_400 = arith.maximumf %add3A_397, %max3A_399 : vector<16xf32>
          %swap3A_401 = arith.index_cast %rem3A_217 : i32 to index
          %swap3A_402 = arith.index_cast %add3A_325 : i32 to index
          %swap3A_403 = arith.constant 48 : index
          %swap3A_404 = tpu.vector_load %arg8[%swap3A_401, %swap3A_402, %swap3A_403] {strides = array<i32>} : memref<2x128x128xf32, #tpu.memory_space<vmem>>, vector<1x1x16xf32>,
          %swap3A_405 = vector.shape_cast %swap3A_404 : vector<1x1x16xf32> to vector<16xf32>
          %swap3A_406 = vector.shape_cast %max3A_400 : vector<16xf32> to vector<1x1x16xf32>
          tpu.vector_store %arg8[%swap3A_401, %swap3A_402, %swap3A_403], %swap3A_406 {strides = array<i32>} : memref<2x128x128xf32, #tpu.memory_space<vmem>>, vector<1x1x16xf32>,
          %get3A_407 = arith.index_cast %rem3A_217 : i32 to index
          %get3A_408 = arith.index_cast %add3A_321 : i32 to index
          %get3A_409 = arith.constant 32 : index
          %get3A_410 = tpu.vector_load %arg7[%get3A_407, %get3A_408, %get3A_409] {strides = array<i32>} : memref<2x64x128xi32, #tpu.memory_space<vmem>>, vector<1x1x16xi32>,
          %get3A_411 = vector.shape_cast %get3A_410 : vector<1x1x16xi32> to vector<16xi32>
          %shift_left3A_412 = arith.constant 16 : i32
          %shift_left3A_413 = vector.broadcast %shift_left3A_412 : i32 to vector<16xi32>
          %shift_left3A_414 = arith.shli %get3A_411, %shift_left3A_413 : vector<16xi32>
          %bitcast_convert_type3A_415 = tpu.bitcast %shift_left3A_414 : vector<16xi32> -> vector<16xf32>
          %and3A_416 = arith.constant -65536 : i32
          %and3A_417 = vector.broadcast %and3A_416 : i32 to vector<16xi32>
          %and3A_418 = arith.andi %get3A_411, %and3A_417 : vector<16xi32>
          %bitcast_convert_type3A_419 = tpu.bitcast %and3A_418 : vector<16xi32> -> vector<16xf32>
          %get3A_420 = arith.index_cast %rem3A_217 : i32 to index
          %get3A_421 = arith.index_cast %add3A_325 : i32 to index
          %get3A_422 = arith.constant 64 : index
          %get3A_423 = tpu.vector_load %arg8[%get3A_420, %get3A_421, %get3A_422] {strides = array<i32>} : memref<2x128x128xf32, #tpu.memory_space<vmem>>, vector<1x1x16xf32>,
          %get3A_424 = vector.shape_cast %get3A_423 : vector<1x1x16xf32> to vector<16xf32>
          %add3A_425 = arith.addf %get3A_424, %bitcast_convert_type3A_415 : vector<16xf32>
          %max3A_426 = arith.constant 0.000000e+00 : f32
          %max3A_427 = vector.broadcast %max3A_426 : f32 to vector<16xf32>
          %max3A_428 = arith.maximumf %add3A_425, %max3A_427 : vector<16xf32>
          %swap3A_429 = arith.index_cast %rem3A_217 : i32 to index
          %swap3A_430 = arith.index_cast %add3A_325 : i32 to index
          %swap3A_431 = arith.constant 64 : index
          %swap3A_432 = tpu.vector_load %arg8[%swap3A_429, %swap3A_430, %swap3A_431] {strides = array<i32>} : memref<2x128x128xf32, #tpu.memory_space<vmem>>, vector<1x1x16xf32>,
          %swap3A_433 = vector.shape_cast %swap3A_432 : vector<1x1x16xf32> to vector<16xf32>
          %swap3A_434 = vector.shape_cast %max3A_428 : vector<16xf32> to vector<1x1x16xf32>
          tpu.vector_store %arg8[%swap3A_429, %swap3A_430, %swap3A_431], %swap3A_434 {strides = array<i32>} : memref<2x128x128xf32, #tpu.memory_space<vmem>>, vector<1x1x16xf32>,
          %get3A_435 = arith.index_cast %rem3A_217 : i32 to index
          %get3A_436 = arith.index_cast %add3A_325 : i32 to index
          %get3A_437 = arith.constant 80 : index
          %get3A_438 = tpu.vector_load %arg8[%get3A_435, %get3A_436, %get3A_437] {strides = array<i32>} : memref<2x128x128xf32, #tpu.memory_space<vmem>>, vector<1x1x16xf32>,
          %get3A_439 = vector.shape_cast %get3A_438 : vector<1x1x16xf32> to vector<16xf32>
          %add3A_440 = arith.addf %get3A_439, %bitcast_convert_type3A_419 : vector<16xf32>
          %max3A_441 = arith.constant 0.000000e+00 : f32
          %max3A_442 = vector.broadcast %max3A_441 : f32 to vector<16xf32>
          %max3A_443 = arith.maximumf %add3A_440, %max3A_442 : vector<16xf32>
          %swap3A_444 = arith.index_cast %rem3A_217 : i32 to index
          %swap3A_445 = arith.index_cast %add3A_325 : i32 to index
          %swap3A_446 = arith.constant 80 : index
          %swap3A_447 = tpu.vector_load %arg8[%swap3A_444, %swap3A_445, %swap3A_446] {strides = array<i32>} : memref<2x128x128xf32, #tpu.memory_space<vmem>>, vector<1x1x16xf32>,
          %swap3A_448 = vector.shape_cast %swap3A_447 : vector<1x1x16xf32> to vector<16xf32>
          %swap3A_449 = vector.shape_cast %max3A_443 : vector<16xf32> to vector<1x1x16xf32>
          tpu.vector_store %arg8[%swap3A_444, %swap3A_445, %swap3A_446], %swap3A_449 {strides = array<i32>} : memref<2x128x128xf32, #tpu.memory_space<vmem>>, vector<1x1x16xf32>,
          %get3A_450 = arith.index_cast %rem3A_217 : i32 to index
          %get3A_451 = arith.index_cast %add3A_321 : i32 to index
          %get3A_452 = arith.constant 48 : index
          %get3A_453 = tpu.vector_load %arg7[%get3A_450, %get3A_451, %get3A_452] {strides = array<i32>} : memref<2x64x128xi32, #tpu.memory_space<vmem>>, vector<1x1x16xi32>,
          %get3A_454 = vector.shape_cast %get3A_453 : vector<1x1x16xi32> to vector<16xi32>
          %shift_left3A_455 = arith.constant 16 : i32
          %shift_left3A_456 = vector.broadcast %shift_left3A_455 : i32 to vector<16xi32>
          %shift_left3A_457 = arith.shli %get3A_454, %shift_left3A_456 : vector<16xi32>
          %bitcast_convert_type3A_458 = tpu.bitcast %shift_left3A_457 : vector<16xi32> -> vector<16xf32>
          %and3A_459 = arith.constant -65536 : i32
          %and3A_460 = vector.broadcast %and3A_459 : i32 to vector<16xi32>
          %and3A_461 = arith.andi %get3A_454, %and3A_460 : vector<16xi32>
          %bitcast_convert_type3A_462 = tpu.bitcast %and3A_461 : vector<16xi32> -> vector<16xf32>
          %get3A_463 = arith.index_cast %rem3A_217 : i32 to index
          %get3A_464 = arith.index_cast %add3A_325 : i32 to index
          %get3A_465 = arith.constant 96 : index
          %get3A_466 = tpu.vector_load %arg8[%get3A_463, %get3A_464, %get3A_465] {strides = array<i32>} : memref<2x128x128xf32, #tpu.memory_space<vmem>>, vector<1x1x16xf32>,
          %get3A_467 = vector.shape_cast %get3A_466 : vector<1x1x16xf32> to vector<16xf32>
          %add3A_468 = arith.addf %get3A_467, %bitcast_convert_type3A_458 : vector<16xf32>
          %max3A_469 = arith.constant 0.000000e+00 : f32
          %max3A_470 = vector.broadcast %max3A_469 : f32 to vector<16xf32>
          %max3A_471 = arith.maximumf %add3A_468, %max3A_470 : vector<16xf32>
          %swap3A_472 = arith.index_cast %rem3A_217 : i32 to index
          %swap3A_473 = arith.index_cast %add3A_325 : i32 to index
          %swap3A_474 = arith.constant 96 : index
          %swap3A_475 = tpu.vector_load %arg8[%swap3A_472, %swap3A_473, %swap3A_474] {strides = array<i32>} : memref<2x128x128xf32, #tpu.memory_space<vmem>>, vector<1x1x16xf32>,
          %swap3A_476 = vector.shape_cast %swap3A_475 : vector<1x1x16xf32> to vector<16xf32>
          %swap3A_477 = vector.shape_cast %max3A_471 : vector<16xf32> to vector<1x1x16xf32>
          tpu.vector_store %arg8[%swap3A_472, %swap3A_473, %swap3A_474], %swap3A_477 {strides = array<i32>} : memref<2x128x128xf32, #tpu.memory_space<vmem>>, vector<1x1x16xf32>,
          %get3A_478 = arith.index_cast %rem3A_217 : i32 to index
          %get3A_479 = arith.index_cast %add3A_325 : i32 to index
          %get3A_480 = arith.constant 112 : index
          %get3A_481 = tpu.vector_load %arg8[%get3A_478, %get3A_479, %get3A_480] {strides = array<i32>} : memref<2x128x128xf32, #tpu.memory_space<vmem>>, vector<1x1x16xf32>,
          %get3A_482 = vector.shape_cast %get3A_481 : vector<1x1x16xf32> to vector<16xf32>
          %add3A_483 = arith.addf %get3A_482, %bitcast_convert_type3A_462 : vector<16xf32>
          %max3A_484 = arith.constant 0.000000e+00 : f32
          %max3A_485 = vector.broadcast %max3A_484 : f32 to vector<16xf32>
          %max3A_486 = arith.maximumf %add3A_483, %max3A_485 : vector<16xf32>
          %swap3A_487 = arith.index_cast %rem3A_217 : i32 to index
          %swap3A_488 = arith.index_cast %add3A_325 : i32 to index
          %swap3A_489 = arith.constant 112 : index
          %swap3A_490 = tpu.vector_load %arg8[%swap3A_487, %swap3A_488, %swap3A_489] {strides = array<i32>} : memref<2x128x128xf32, #tpu.memory_space<vmem>>, vector<1x1x16xf32>,
          %swap3A_491 = vector.shape_cast %swap3A_490 : vector<1x1x16xf32> to vector<16xf32>
          %swap3A_492 = vector.shape_cast %max3A_486 : vector<16xf32> to vector<1x1x16xf32>
          tpu.vector_store %arg8[%swap3A_487, %swap3A_488, %swap3A_489], %swap3A_492 {strides = array<i32>} : memref<2x128x128xf32, #tpu.memory_space<vmem>>, vector<1x1x16xf32>,
          %mul3A_493 = arith.constant 2 : i32
          %mul3A_494 = arith.muli %mul3A_493, %add3A_321 : i32
          %add3A_495 = arith.constant 1 : i32
          %add3A_496 = arith.addi %mul3A_494, %add3A_495 : i32
          %get3A_497 = arith.index_cast %rem3A_217 : i32 to index
          %get3A_498 = arith.index_cast %add3A_321 : i32 to index
          %get3A_499 = arith.constant 64 : index
          %get3A_500 = tpu.vector_load %arg7[%get3A_497, %get3A_498, %get3A_499] {strides = array<i32>} : memref<2x64x128xi32, #tpu.memory_space<vmem>>, vector<1x1x16xi32>,
          %get3A_501 = vector.shape_cast %get3A_500 : vector<1x1x16xi32> to vector<16xi32>
          %shift_left3A_502 = arith.constant 16 : i32
          %shift_left3A_503 = vector.broadcast %shift_left3A_502 : i32 to vector<16xi32>
          %shift_left3A_504 = arith.shli %get3A_501, %shift_left3A_503 : vector<16xi32>
          %bitcast_convert_type3A_505 = tpu.bitcast %shift_left3A_504 : vector<16xi32> -> vector<16xf32>
          %and3A_506 = arith.constant -65536 : i32
          %and3A_507 = vector.broadcast %and3A_506 : i32 to vector<16xi32>
          %and3A_508 = arith.andi %get3A_501, %and3A_507 : vector<16xi32>
          %bitcast_convert_type3A_509 = tpu.bitcast %and3A_508 : vector<16xi32> -> vector<16xf32>
          %get3A_510 = arith.index_cast %rem3A_217 : i32 to index
          %get3A_511 = arith.index_cast %add3A_496 : i32 to index
          %get3A_512 = arith.constant 0 : index
          %get3A_513 = tpu.vector_load %arg8[%get3A_510, %get3A_511, %get3A_512] {strides = array<i32>} : memref<2x128x128xf32, #tpu.memory_space<vmem>>, vector<1x1x16xf32>,
          %get3A_514 = vector.shape_cast %get3A_513 : vector<1x1x16xf32> to vector<16xf32>
          %add3A_515 = arith.addf %get3A_514, %bitcast_convert_type3A_505 : vector<16xf32>
          %max3A_516 = arith.constant 0.000000e+00 : f32
          %max3A_517 = vector.broadcast %max3A_516 : f32 to vector<16xf32>
          %max3A_518 = arith.maximumf %add3A_515, %max3A_517 : vector<16xf32>
          %swap3A_519 = arith.index_cast %rem3A_217 : i32 to index
          %swap3A_520 = arith.index_cast %add3A_496 : i32 to index
          %swap3A_521 = arith.constant 0 : index
          %swap3A_522 = tpu.vector_load %arg8[%swap3A_519, %swap3A_520, %swap3A_521] {strides = array<i32>} : memref<2x128x128xf32, #tpu.memory_space<vmem>>, vector<1x1x16xf32>,
          %swap3A_523 = vector.shape_cast %swap3A_522 : vector<1x1x16xf32> to vector<16xf32>
          %swap3A_524 = vector.shape_cast %max3A_518 : vector<16xf32> to vector<1x1x16xf32>
          tpu.vector_store %arg8[%swap3A_519, %swap3A_520, %swap3A_521], %swap3A_524 {strides = array<i32>} : memref<2x128x128xf32, #tpu.memory_space<vmem>>, vector<1x1x16xf32>,
          %get3A_525 = arith.index_cast %rem3A_217 : i32 to index
          %get3A_526 = arith.index_cast %add3A_496 : i32 to index
          %get3A_527 = arith.constant 16 : index
          %get3A_528 = tpu.vector_load %arg8[%get3A_525, %get3A_526, %get3A_527] {strides = array<i32>} : memref<2x128x128xf32, #tpu.memory_space<vmem>>, vector<1x1x16xf32>,
          %get3A_529 = vector.shape_cast %get3A_528 : vector<1x1x16xf32> to vector<16xf32>
          %add3A_530 = arith.addf %get3A_529, %bitcast_convert_type3A_509 : vector<16xf32>
          %max3A_531 = arith.constant 0.000000e+00 : f32
          %max3A_532 = vector.broadcast %max3A_531 : f32 to vector<16xf32>
          %max3A_533 = arith.maximumf %add3A_530, %max3A_532 : vector<16xf32>
          %swap3A_534 = arith.index_cast %rem3A_217 : i32 to index
          %swap3A_535 = arith.index_cast %add3A_496 : i32 to index
          %swap3A_536 = arith.constant 16 : index
          %swap3A_537 = tpu.vector_load %arg8[%swap3A_534, %swap3A_535, %swap3A_536] {strides = array<i32>} : memref<2x128x128xf32, #tpu.memory_space<vmem>>, vector<1x1x16xf32>,
          %swap3A_538 = vector.shape_cast %swap3A_537 : vector<1x1x16xf32> to vector<16xf32>
          %swap3A_539 = vector.shape_cast %max3A_533 : vector<16xf32> to vector<1x1x16xf32>
          tpu.vector_store %arg8[%swap3A_534, %swap3A_535, %swap3A_536], %swap3A_539 {strides = array<i32>} : memref<2x128x128xf32, #tpu.memory_space<vmem>>, vector<1x1x16xf32>,
          %get3A_540 = arith.index_cast %rem3A_217 : i32 to index
          %get3A_541 = arith.index_cast %add3A_321 : i32 to index
          %get3A_542 = arith.constant 80 : index
          %get3A_543 = tpu.vector_load %arg7[%get3A_540, %get3A_541, %get3A_542] {strides = array<i32>} : memref<2x64x128xi32, #tpu.memory_space<vmem>>, vector<1x1x16xi32>,
          %get3A_544 = vector.shape_cast %get3A_543 : vector<1x1x16xi32> to vector<16xi32>
          %shift_left3A_545 = arith.constant 16 : i32
          %shift_left3A_546 = vector.broadcast %shift_left3A_545 : i32 to vector<16xi32>
          %shift_left3A_547 = arith.shli %get3A_544, %shift_left3A_546 : vector<16xi32>
          %bitcast_convert_type3A_548 = tpu.bitcast %shift_left3A_547 : vector<16xi32> -> vector<16xf32>
          %and3A_549 = arith.constant -65536 : i32
          %and3A_550 = vector.broadcast %and3A_549 : i32 to vector<16xi32>
          %and3A_551 = arith.andi %get3A_544, %and3A_550 : vector<16xi32>
          %bitcast_convert_type3A_552 = tpu.bitcast %and3A_551 : vector<16xi32> -> vector<16xf32>
          %get3A_553 = arith.index_cast %rem3A_217 : i32 to index
          %get3A_554 = arith.index_cast %add3A_496 : i32 to index
          %get3A_555 = arith.constant 32 : index
          %get3A_556 = tpu.vector_load %arg8[%get3A_553, %get3A_554, %get3A_555] {strides = array<i32>} : memref<2x128x128xf32, #tpu.memory_space<vmem>>, vector<1x1x16xf32>,
          %get3A_557 = vector.shape_cast %get3A_556 : vector<1x1x16xf32> to vector<16xf32>
          %add3A_558 = arith.addf %get3A_557, %bitcast_convert_type3A_548 : vector<16xf32>
          %max3A_559 = arith.constant 0.000000e+00 : f32
          %max3A_560 = vector.broadcast %max3A_559 : f32 to vector<16xf32>
          %max3A_561 = arith.maximumf %add3A_558, %max3A_560 : vector<16xf32>
          %swap3A_562 = arith.index_cast %rem3A_217 : i32 to index
          %swap3A_563 = arith.index_cast %add3A_496 : i32 to index
          %swap3A_564 = arith.constant 32 : index
          %swap3A_565 = tpu.vector_load %arg8[%swap3A_562, %swap3A_563, %swap3A_564] {strides = array<i32>} : memref<2x128x128xf32, #tpu.memory_space<vmem>>, vector<1x1x16xf32>,
          %swap3A_566 = vector.shape_cast %swap3A_565 : vector<1x1x16xf32> to vector<16xf32>
          %swap3A_567 = vector.shape_cast %max3A_561 : vector<16xf32> to vector<1x1x16xf32>
          tpu.vector_store %arg8[%swap3A_562, %swap3A_563, %swap3A_564], %swap3A_567 {strides = array<i32>} : memref<2x128x128xf32, #tpu.memory_space<vmem>>, vector<1x1x16xf32>,
          %get3A_568 = arith.index_cast %rem3A_217 : i32 to index
          %get3A_569 = arith.index_cast %add3A_496 : i32 to index
          %get3A_570 = arith.constant 48 : index
          %get3A_571 = tpu.vector_load %arg8[%get3A_568, %get3A_569, %get3A_570] {strides = array<i32>} : memref<2x128x128xf32, #tpu.memory_space<vmem>>, vector<1x1x16xf32>,
          %get3A_572 = vector.shape_cast %get3A_571 : vector<1x1x16xf32> to vector<16xf32>
          %add3A_573 = arith.addf %get3A_572, %bitcast_convert_type3A_552 : vector<16xf32>
          %max3A_574 = arith.constant 0.000000e+00 : f32
          %max3A_575 = vector.broadcast %max3A_574 : f32 to vector<16xf32>
          %max3A_576 = arith.maximumf %add3A_573, %max3A_575 : vector<16xf32>
          %swap3A_577 = arith.index_cast %rem3A_217 : i32 to index
          %swap3A_578 = arith.index_cast %add3A_496 : i32 to index
          %swap3A_579 = arith.constant 48 : index
          %swap3A_580 = tpu.vector_load %arg8[%swap3A_577, %swap3A_578, %swap3A_579] {strides = array<i32>} : memref<2x128x128xf32, #tpu.memory_space<vmem>>, vector<1x1x16xf32>,
          %swap3A_581 = vector.shape_cast %swap3A_580 : vector<1x1x16xf32> to vector<16xf32>
          %swap3A_582 = vector.shape_cast %max3A_576 : vector<16xf32> to vector<1x1x16xf32>
          tpu.vector_store %arg8[%swap3A_577, %swap3A_578, %swap3A_579], %swap3A_582 {strides = array<i32>} : memref<2x128x128xf32, #tpu.memory_space<vmem>>, vector<1x1x16xf32>,
          %get3A_583 = arith.index_cast %rem3A_217 : i32 to index
          %get3A_584 = arith.index_cast %add3A_321 : i32 to index
          %get3A_585 = arith.constant 96 : index
          %get3A_586 = tpu.vector_load %arg7[%get3A_583, %get3A_584, %get3A_585] {strides = array<i32>} : memref<2x64x128xi32, #tpu.memory_space<vmem>>, vector<1x1x16xi32>,
          %get3A_587 = vector.shape_cast %get3A_586 : vector<1x1x16xi32> to vector<16xi32>
          %shift_left3A_588 = arith.constant 16 : i32
          %shift_left3A_589 = vector.broadcast %shift_left3A_588 : i32 to vector<16xi32>
          %shift_left3A_590 = arith.shli %get3A_587, %shift_left3A_589 : vector<16xi32>
          %bitcast_convert_type3A_591 = tpu.bitcast %shift_left3A_590 : vector<16xi32> -> vector<16xf32>
          %and3A_592 = arith.constant -65536 : i32
          %and3A_593 = vector.broadcast %and3A_592 : i32 to vector<16xi32>
          %and3A_594 = arith.andi %get3A_587, %and3A_593 : vector<16xi32>
          %bitcast_convert_type3A_595 = tpu.bitcast %and3A_594 : vector<16xi32> -> vector<16xf32>
          %get3A_596 = arith.index_cast %rem3A_217 : i32 to index
          %get3A_597 = arith.index_cast %add3A_496 : i32 to index
          %get3A_598 = arith.constant 64 : index
          %get3A_599 = tpu.vector_load %arg8[%get3A_596, %get3A_597, %get3A_598] {strides = array<i32>} : memref<2x128x128xf32, #tpu.memory_space<vmem>>, vector<1x1x16xf32>,
          %get3A_600 = vector.shape_cast %get3A_599 : vector<1x1x16xf32> to vector<16xf32>
          %add3A_601 = arith.addf %get3A_600, %bitcast_convert_type3A_591 : vector<16xf32>
          %max3A_602 = arith.constant 0.000000e+00 : f32
          %max3A_603 = vector.broadcast %max3A_602 : f32 to vector<16xf32>
          %max3A_604 = arith.maximumf %add3A_601, %max3A_603 : vector<16xf32>
          %swap3A_605 = arith.index_cast %rem3A_217 : i32 to index
          %swap3A_606 = arith.index_cast %add3A_496 : i32 to index
          %swap3A_607 = arith.constant 64 : index
          %swap3A_608 = tpu.vector_load %arg8[%swap3A_605, %swap3A_606, %swap3A_607] {strides = array<i32>} : memref<2x128x128xf32, #tpu.memory_space<vmem>>, vector<1x1x16xf32>,
          %swap3A_609 = vector.shape_cast %swap3A_608 : vector<1x1x16xf32> to vector<16xf32>
          %swap3A_610 = vector.shape_cast %max3A_604 : vector<16xf32> to vector<1x1x16xf32>
          tpu.vector_store %arg8[%swap3A_605, %swap3A_606, %swap3A_607], %swap3A_610 {strides = array<i32>} : memref<2x128x128xf32, #tpu.memory_space<vmem>>, vector<1x1x16xf32>,
          %get3A_611 = arith.index_cast %rem3A_217 : i32 to index
          %get3A_612 = arith.index_cast %add3A_496 : i32 to index
          %get3A_613 = arith.constant 80 : index
          %get3A_614 = tpu.vector_load %arg8[%get3A_611, %get3A_612, %get3A_613] {strides = array<i32>} : memref<2x128x128xf32, #tpu.memory_space<vmem>>, vector<1x1x16xf32>,
          %get3A_615 = vector.shape_cast %get3A_614 : vector<1x1x16xf32> to vector<16xf32>
          %add3A_616 = arith.addf %get3A_615, %bitcast_convert_type3A_595 : vector<16xf32>
          %max3A_617 = arith.constant 0.000000e+00 : f32
          %max3A_618 = vector.broadcast %max3A_617 : f32 to vector<16xf32>
          %max3A_619 = arith.maximumf %add3A_616, %max3A_618 : vector<16xf32>
          %swap3A_620 = arith.index_cast %rem3A_217 : i32 to index
          %swap3A_621 = arith.index_cast %add3A_496 : i32 to index
          %swap3A_622 = arith.constant 80 : index
          %swap3A_623 = tpu.vector_load %arg8[%swap3A_620, %swap3A_621, %swap3A_622] {strides = array<i32>} : memref<2x128x128xf32, #tpu.memory_space<vmem>>, vector<1x1x16xf32>,
          %swap3A_624 = vector.shape_cast %swap3A_623 : vector<1x1x16xf32> to vector<16xf32>
          %swap3A_625 = vector.shape_cast %max3A_619 : vector<16xf32> to vector<1x1x16xf32>
          tpu.vector_store %arg8[%swap3A_620, %swap3A_621, %swap3A_622], %swap3A_625 {strides = array<i32>} : memref<2x128x128xf32, #tpu.memory_space<vmem>>, vector<1x1x16xf32>,
          %get3A_626 = arith.index_cast %rem3A_217 : i32 to index
          %get3A_627 = arith.index_cast %add3A_321 : i32 to index
          %get3A_628 = arith.constant 112 : index
          %get3A_629 = tpu.vector_load %arg7[%get3A_626, %get3A_627, %get3A_628] {strides = array<i32>} : memref<2x64x128xi32, #tpu.memory_space<vmem>>, vector<1x1x16xi32>,
          %get3A_630 = vector.shape_cast %get3A_629 : vector<1x1x16xi32> to vector<16xi32>
          %shift_left3A_631 = arith.constant 16 : i32
          %shift_left3A_632 = vector.broadcast %shift_left3A_631 : i32 to vector<16xi32>
          %shift_left3A_633 = arith.shli %get3A_630, %shift_left3A_632 : vector<16xi32>
          %bitcast_convert_type3A_634 = tpu.bitcast %shift_left3A_633 : vector<16xi32> -> vector<16xf32>
          %and3A_635 = arith.constant -65536 : i32
          %and3A_636 = vector.broadcast %and3A_635 : i32 to vector<16xi32>
          %and3A_637 = arith.andi %get3A_630, %and3A_636 : vector<16xi32>
          %bitcast_convert_type3A_638 = tpu.bitcast %and3A_637 : vector<16xi32> -> vector<16xf32>
          %get3A_639 = arith.index_cast %rem3A_217 : i32 to index
          %get3A_640 = arith.index_cast %add3A_496 : i32 to index
          %get3A_641 = arith.constant 96 : index
          %get3A_642 = tpu.vector_load %arg8[%get3A_639, %get3A_640, %get3A_641] {strides = array<i32>} : memref<2x128x128xf32, #tpu.memory_space<vmem>>, vector<1x1x16xf32>,
          %get3A_643 = vector.shape_cast %get3A_642 : vector<1x1x16xf32> to vector<16xf32>
          %add3A_644 = arith.addf %get3A_643, %bitcast_convert_type3A_634 : vector<16xf32>
          %max3A_645 = arith.constant 0.000000e+00 : f32
          %max3A_646 = vector.broadcast %max3A_645 : f32 to vector<16xf32>
          %max3A_647 = arith.maximumf %add3A_644, %max3A_646 : vector<16xf32>
          %swap3A_648 = arith.index_cast %rem3A_217 : i32 to index
          %swap3A_649 = arith.index_cast %add3A_496 : i32 to index
          %swap3A_650 = arith.constant 96 : index
          %swap3A_651 = tpu.vector_load %arg8[%swap3A_648, %swap3A_649, %swap3A_650] {strides = array<i32>} : memref<2x128x128xf32, #tpu.memory_space<vmem>>, vector<1x1x16xf32>,
          %swap3A_652 = vector.shape_cast %swap3A_651 : vector<1x1x16xf32> to vector<16xf32>
          %swap3A_653 = vector.shape_cast %max3A_647 : vector<16xf32> to vector<1x1x16xf32>
          tpu.vector_store %arg8[%swap3A_648, %swap3A_649, %swap3A_650], %swap3A_653 {strides = array<i32>} : memref<2x128x128xf32, #tpu.memory_space<vmem>>, vector<1x1x16xf32>,
          %get3A_654 = arith.index_cast %rem3A_217 : i32 to index
          %get3A_655 = arith.index_cast %add3A_496 : i32 to index
          %get3A_656 = arith.constant 112 : index
          %get3A_657 = tpu.vector_load %arg8[%get3A_654, %get3A_655, %get3A_656] {strides = array<i32>} : memref<2x128x128xf32, #tpu.memory_space<vmem>>, vector<1x1x16xf32>,
          %get3A_658 = vector.shape_cast %get3A_657 : vector<1x1x16xf32> to vector<16xf32>
          %add3A_659 = arith.addf %get3A_658, %bitcast_convert_type3A_638 : vector<16xf32>
          %max3A_660 = arith.constant 0.000000e+00 : f32
          %max3A_661 = vector.broadcast %max3A_660 : f32 to vector<16xf32>
          %max3A_662 = arith.maximumf %add3A_659, %max3A_661 : vector<16xf32>
          %swap3A_663 = arith.index_cast %rem3A_217 : i32 to index
          %swap3A_664 = arith.index_cast %add3A_496 : i32 to index
          %swap3A_665 = arith.constant 112 : index
          %swap3A_666 = tpu.vector_load %arg8[%swap3A_663, %swap3A_664, %swap3A_665] {strides = array<i32>} : memref<2x128x128xf32, #tpu.memory_space<vmem>>, vector<1x1x16xf32>,
          %swap3A_667 = vector.shape_cast %swap3A_666 : vector<1x1x16xf32> to vector<16xf32>
          %swap3A_668 = vector.shape_cast %max3A_662 : vector<16xf32> to vector<1x1x16xf32>
          tpu.vector_store %arg8[%swap3A_663, %swap3A_664, %swap3A_665], %swap3A_668 {strides = array<i32>} : memref<2x128x128xf32, #tpu.memory_space<vmem>>, vector<1x1x16xf32>,
        }
        %scan3A_305 = arith.constant 64 : i32
        %dma_start3A_306 = arith.constant 1 : i32
        %dma_start3A_307 = arith.constant 0 : i32
        %dma_start3A_308 = arith.constant 0 : i32
        %dma_start3A_309 = tpu.memref_slice %arg8[%rem3A_217, %dma_start3A_307, %dma_start3A_308] : memref<2x128x128xf32, #tpu.memory_space<vmem>> -> memref<1x128x128xf32, #tpu.memory_space<vmem>>
        %dma_start3A_310 = tpu.memref_squeeze %dma_start3A_309 : memref<1x128x128xf32, #tpu.memory_space<vmem>> -> memref<128x128xf32, #tpu.memory_space<vmem>>
        %dma_start3A_311 = arith.constant 0 : i32
        %dma_start3A_312 = tpu.memref_slice %arg6[%rem3A_223, %dma_start3A_306, %dma_start3A_311] : memref<4x2x128xi32, #tpu.memory_space<vmem>> -> memref<1x1x128xi32, #tpu.memory_space<vmem>>
        %dma_start3A_313 = tpu.memref_squeeze %dma_start3A_312 : memref<1x1x128xi32, #tpu.memory_space<vmem>> -> memref<128xi32, #tpu.memory_space<vmem>>
        %dma_start3A_314 = arith.constant 0 : i32
        %dma_start3A_315 = arith.constant 0 : i32
        %dma_start3A_316 = tpu.memref_slice %arg9[%dma_start3A_314, %dma_start3A_315] : memref<10000x128xf32, #tpu.memory_space<vmem_shared>> -> memref<10000x128xf32, #tpu.memory_space<vmem_shared>>
        tpu.enqueue_indirect_dma source(%dma_start3A_310 : memref<128x128xf32, #tpu.memory_space<vmem>>) target(%dma_start3A_316 : memref<10000x128xf32, #tpu.memory_space<vmem_shared>>) offsets(%dma_start3A_313 : memref<128xi32, #tpu.memory_space<vmem>>) semaphore(%arg13 : memref<!tpu.dma_semaphore, #tpu.memory_space<semaphore_mem>>) {add = true}
      } else {
      }
    }
    %scan3A_147 = arith.constant 79 : i32
    %add3A_148 = arith.constant 2496 : i32
    %add3A_149 = arith.addi %add3A_148, %add3A : i32
    %lt3A_150 = arith.constant 2500 : i32
    %lt3A_151 = arith.cmpi slt, %add3A_149, %lt3A_150 : i32
    %convert_element_type3A_152 = arith.extui %lt3A_151 : i1 to i32
    %cond3A_153 = arith.constant 0 : i32
    %cond3A_154 = arith.cmpi ne, %convert_element_type3A_152, %cond3A_153 : i32
    scf.if %cond3A_154 {
      %dma_wait3A_212 = arith.constant 0 : i32
      %dma_wait3A_213 = arith.constant 0 : i32
      %dma_wait3A_214 = arith.constant 1 : i32
      %dma_wait3A_215 = arith.constant 0 : i32
      %dma_wait3A_216 = arith.constant 0 : i32
      %dma_wait3A_217 = tpu.memref_slice %arg8[%dma_wait3A_212, %dma_wait3A_215, %dma_wait3A_216] : memref<2x128x128xf32, #tpu.memory_space<vmem>> -> memref<1x128x128xf32, #tpu.memory_space<vmem>>
      %dma_wait3A_218 = tpu.memref_squeeze %dma_wait3A_217 : memref<1x128x128xf32, #tpu.memory_space<vmem>> -> memref<128x128xf32, #tpu.memory_space<vmem>>
      %dma_wait3A_219 = arith.constant 0 : i32
      %dma_wait3A_220 = tpu.memref_slice %arg6[%dma_wait3A_213, %dma_wait3A_214, %dma_wait3A_219] : memref<4x2x128xi32, #tpu.memory_space<vmem>> -> memref<1x1x128xi32, #tpu.memory_space<vmem>>
      %dma_wait3A_221 = tpu.memref_squeeze %dma_wait3A_220 : memref<1x1x128xi32, #tpu.memory_space<vmem>> -> memref<128xi32, #tpu.memory_space<vmem>>
      %dma_wait3A_222 = arith.constant 0 : i32
      %dma_wait3A_223 = arith.constant 0 : i32
      %dma_wait3A_224 = tpu.memref_slice %arg9[%dma_wait3A_222, %dma_wait3A_223] : memref<10000x128xf32, #tpu.memory_space<vmem_shared>> -> memref<10000x128xf32, #tpu.memory_space<vmem_shared>>
      tpu.wait_indirect_dma semaphore(%arg13 : memref<!tpu.dma_semaphore, #tpu.memory_space<semaphore_mem>>) src(%dma_wait3A_218 : memref<128x128xf32, #tpu.memory_space<vmem>>) dst(%dma_wait3A_224 : memref<10000x128xf32, #tpu.memory_space<vmem_shared>>)
    } else {
    }
    %barrier3A_155 = arith.constant 0 : index
    tpu.barrier barrier_id(%barrier3A_155)
    %add3A_156 = arith.constant 0 : i32
    %add3A_157 = arith.addi %add3A_156, %arg1 : i32
    %lt3A_158 = arith.constant 125 : i32
    %lt3A_159 = arith.cmpi slt, %add3A_157, %lt3A_158 : i32
    %convert_element_type3A_160 = arith.extui %lt3A_159 : i1 to i32
    %cond3A_161 = arith.constant 0 : i32
    %cond3A_162 = arith.cmpi ne, %convert_element_type3A_160, %cond3A_161 : i32
    scf.if %cond3A_162 {
      %mul3A_212 = arith.constant 80 : i32
      %mul3A_213 = arith.muli %add3A_157, %mul3A_212 : i32
      %mul3A_214 = arith.constant 80 : i32
      %mul3A_215 = arith.muli %add3A_157, %mul3A_214 : i32
      "tpu.region"() ({
        %run_scoped3A = tpu.sem_alloc : memref<!tpu.dma_semaphore, #tpu.memory_space<semaphore_mem>>
        %dma_start3A_216 = arith.constant 0 : i32
        %dma_start3A_217 = tpu.memref_slice %arg5[%arg0, %mul3A_215, %dma_start3A_216] : memref<2x10000x128xf32, #tpu.memory_space<hbm>> -> memref<1x80x128xf32, #tpu.memory_space<hbm>>
        %dma_start3A_218 = tpu.memref_squeeze %dma_start3A_217 : memref<1x80x128xf32, #tpu.memory_space<hbm>> -> memref<80x128xf32, #tpu.memory_space<hbm>>
        %dma_start3A_219 = arith.constant 0 : i32
        %dma_start3A_220 = tpu.memref_slice %arg9[%mul3A_213, %dma_start3A_219] : memref<10000x128xf32, #tpu.memory_space<vmem_shared>> -> memref<80x128xf32, #tpu.memory_space<vmem_shared>>
        tpu.enqueue_dma source(%dma_start3A_220 : memref<80x128xf32, #tpu.memory_space<vmem_shared>>) target(%dma_start3A_218 : memref<80x128xf32, #tpu.memory_space<hbm>>) target_semaphore(%run_scoped3A : memref<!tpu.dma_semaphore, #tpu.memory_space<semaphore_mem>>)
        %dma_wait3A_221 = arith.constant 0 : i32
        %dma_wait3A_222 = tpu.memref_slice %arg5[%arg0, %mul3A_215, %dma_wait3A_221] : memref<2x10000x128xf32, #tpu.memory_space<hbm>> -> memref<1x80x128xf32, #tpu.memory_space<hbm>>
        %dma_wait3A_223 = tpu.memref_squeeze %dma_wait3A_222 : memref<1x80x128xf32, #tpu.memory_space<hbm>> -> memref<80x128xf32, #tpu.memory_space<hbm>>
        %dma_wait3A_224 = arith.constant 0 : i32
        %dma_wait3A_225 = tpu.memref_slice %arg9[%mul3A_213, %dma_wait3A_224] : memref<10000x128xf32, #tpu.memory_space<vmem_shared>> -> memref<80x128xf32, #tpu.memory_space<vmem_shared>>
        tpu.wait_dma2 semaphore(%run_scoped3A : memref<!tpu.dma_semaphore, #tpu.memory_space<semaphore_mem>>) src(%dma_wait3A_225 : memref<80x128xf32, #tpu.memory_space<vmem_shared>>) dst(%dma_wait3A_223 : memref<80x128xf32, #tpu.memory_space<hbm>>)
        tpu.yield
      }) : () -> ()
    } else {
    }
    %add3A_163 = arith.constant 16 : i32
    %add3A_164 = arith.addi %add3A_163, %arg1 : i32
    %lt3A_165 = arith.constant 125 : i32
    %lt3A_166 = arith.cmpi slt, %add3A_164, %lt3A_165 : i32
    %convert_element_type3A_167 = arith.extui %lt3A_166 : i1 to i32
    %cond3A_168 = arith.constant 0 : i32
    %cond3A_169 = arith.cmpi ne, %convert_element_type3A_167, %cond3A_168 : i32
    scf.if %cond3A_169 {
      %mul3A_212 = arith.constant 80 : i32
      %mul3A_213 = arith.muli %add3A_164, %mul3A_212 : i32
      %mul3A_214 = arith.constant 80 : i32
      %mul3A_215 = arith.muli %add3A_164, %mul3A_214 : i32
      "tpu.region"() ({
        %run_scoped3A = tpu.sem_alloc : memref<!tpu.dma_semaphore, #tpu.memory_space<semaphore_mem>>
        %dma_start3A_216 = arith.constant 0 : i32
        %dma_start3A_217 = tpu.memref_slice %arg5[%arg0, %mul3A_215, %dma_start3A_216] : memref<2x10000x128xf32, #tpu.memory_space<hbm>> -> memref<1x80x128xf32, #tpu.memory_space<hbm>>
        %dma_start3A_218 = tpu.memref_squeeze %dma_start3A_217 : memref<1x80x128xf32, #tpu.memory_space<hbm>> -> memref<80x128xf32, #tpu.memory_space<hbm>>
        %dma_start3A_219 = arith.constant 0 : i32
        %dma_start3A_220 = tpu.memref_slice %arg9[%mul3A_213, %dma_start3A_219] : memref<10000x128xf32, #tpu.memory_space<vmem_shared>> -> memref<80x128xf32, #tpu.memory_space<vmem_shared>>
        tpu.enqueue_dma source(%dma_start3A_220 : memref<80x128xf32, #tpu.memory_space<vmem_shared>>) target(%dma_start3A_218 : memref<80x128xf32, #tpu.memory_space<hbm>>) target_semaphore(%run_scoped3A : memref<!tpu.dma_semaphore, #tpu.memory_space<semaphore_mem>>)
        %dma_wait3A_221 = arith.constant 0 : i32
        %dma_wait3A_222 = tpu.memref_slice %arg5[%arg0, %mul3A_215, %dma_wait3A_221] : memref<2x10000x128xf32, #tpu.memory_space<hbm>> -> memref<1x80x128xf32, #tpu.memory_space<hbm>>
        %dma_wait3A_223 = tpu.memref_squeeze %dma_wait3A_222 : memref<1x80x128xf32, #tpu.memory_space<hbm>> -> memref<80x128xf32, #tpu.memory_space<hbm>>
        %dma_wait3A_224 = arith.constant 0 : i32
        %dma_wait3A_225 = tpu.memref_slice %arg9[%mul3A_213, %dma_wait3A_224] : memref<10000x128xf32, #tpu.memory_space<vmem_shared>> -> memref<80x128xf32, #tpu.memory_space<vmem_shared>>
        tpu.wait_dma2 semaphore(%run_scoped3A : memref<!tpu.dma_semaphore, #tpu.memory_space<semaphore_mem>>) src(%dma_wait3A_225 : memref<80x128xf32, #tpu.memory_space<vmem_shared>>) dst(%dma_wait3A_223 : memref<80x128xf32, #tpu.memory_space<hbm>>)
        tpu.yield
      }) : () -> ()
    } else {
    }
    %add3A_170 = arith.constant 32 : i32
    %add3A_171 = arith.addi %add3A_170, %arg1 : i32
    %lt3A_172 = arith.constant 125 : i32
    %lt3A_173 = arith.cmpi slt, %add3A_171, %lt3A_172 : i32
    %convert_element_type3A_174 = arith.extui %lt3A_173 : i1 to i32
    %cond3A_175 = arith.constant 0 : i32
    %cond3A_176 = arith.cmpi ne, %convert_element_type3A_174, %cond3A_175 : i32
    scf.if %cond3A_176 {
      %mul3A_212 = arith.constant 80 : i32
      %mul3A_213 = arith.muli %add3A_171, %mul3A_212 : i32
      %mul3A_214 = arith.constant 80 : i32
      %mul3A_215 = arith.muli %add3A_171, %mul3A_214 : i32
      "tpu.region"() ({
        %run_scoped3A = tpu.sem_alloc : memref<!tpu.dma_semaphore, #tpu.memory_space<semaphore_mem>>
        %dma_start3A_216 = arith.constant 0 : i32
        %dma_start3A_217 = tpu.memref_slice %arg5[%arg0, %mul3A_215, %dma_start3A_216] : memref<2x10000x128xf32, #tpu.memory_space<hbm>> -> memref<1x80x128xf32, #tpu.memory_space<hbm>>
        %dma_start3A_218 = tpu.memref_squeeze %dma_start3A_217 : memref<1x80x128xf32, #tpu.memory_space<hbm>> -> memref<80x128xf32, #tpu.memory_space<hbm>>
        %dma_start3A_219 = arith.constant 0 : i32
        %dma_start3A_220 = tpu.memref_slice %arg9[%mul3A_213, %dma_start3A_219] : memref<10000x128xf32, #tpu.memory_space<vmem_shared>> -> memref<80x128xf32, #tpu.memory_space<vmem_shared>>
        tpu.enqueue_dma source(%dma_start3A_220 : memref<80x128xf32, #tpu.memory_space<vmem_shared>>) target(%dma_start3A_218 : memref<80x128xf32, #tpu.memory_space<hbm>>) target_semaphore(%run_scoped3A : memref<!tpu.dma_semaphore, #tpu.memory_space<semaphore_mem>>)
        %dma_wait3A_221 = arith.constant 0 : i32
        %dma_wait3A_222 = tpu.memref_slice %arg5[%arg0, %mul3A_215, %dma_wait3A_221] : memref<2x10000x128xf32, #tpu.memory_space<hbm>> -> memref<1x80x128xf32, #tpu.memory_space<hbm>>
        %dma_wait3A_223 = tpu.memref_squeeze %dma_wait3A_222 : memref<1x80x128xf32, #tpu.memory_space<hbm>> -> memref<80x128xf32, #tpu.memory_space<hbm>>
        %dma_wait3A_224 = arith.constant 0 : i32
        %dma_wait3A_225 = tpu.memref_slice %arg9[%mul3A_213, %dma_wait3A_224] : memref<10000x128xf32, #tpu.memory_space<vmem_shared>> -> memref<80x128xf32, #tpu.memory_space<vmem_shared>>
        tpu.wait_dma2 semaphore(%run_scoped3A : memref<!tpu.dma_semaphore, #tpu.memory_space<semaphore_mem>>) src(%dma_wait3A_225 : memref<80x128xf32, #tpu.memory_space<vmem_shared>>) dst(%dma_wait3A_223 : memref<80x128xf32, #tpu.memory_space<hbm>>)
        tpu.yield
      }) : () -> ()
    } else {
    }
    %add3A_177 = arith.constant 48 : i32
    %add3A_178 = arith.addi %add3A_177, %arg1 : i32
    %lt3A_179 = arith.constant 125 : i32
    %lt3A_180 = arith.cmpi slt, %add3A_178, %lt3A_179 : i32
    %convert_element_type3A_181 = arith.extui %lt3A_180 : i1 to i32
    %cond3A_182 = arith.constant 0 : i32
    %cond3A_183 = arith.cmpi ne, %convert_element_type3A_181, %cond3A_182 : i32
    scf.if %cond3A_183 {
      %mul3A_212 = arith.constant 80 : i32
      %mul3A_213 = arith.muli %add3A_178, %mul3A_212 : i32
      %mul3A_214 = arith.constant 80 : i32
      %mul3A_215 = arith.muli %add3A_178, %mul3A_214 : i32
      "tpu.region"() ({
        %run_scoped3A = tpu.sem_alloc : memref<!tpu.dma_semaphore, #tpu.memory_space<semaphore_mem>>
        %dma_start3A_216 = arith.constant 0 : i32
        %dma_start3A_217 = tpu.memref_slice %arg5[%arg0, %mul3A_215, %dma_start3A_216] : memref<2x10000x128xf32, #tpu.memory_space<hbm>> -> memref<1x80x128xf32, #tpu.memory_space<hbm>>
        %dma_start3A_218 = tpu.memref_squeeze %dma_start3A_217 : memref<1x80x128xf32, #tpu.memory_space<hbm>> -> memref<80x128xf32, #tpu.memory_space<hbm>>
        %dma_start3A_219 = arith.constant 0 : i32
        %dma_start3A_220 = tpu.memref_slice %arg9[%mul3A_213, %dma_start3A_219] : memref<10000x128xf32, #tpu.memory_space<vmem_shared>> -> memref<80x128xf32, #tpu.memory_space<vmem_shared>>
        tpu.enqueue_dma source(%dma_start3A_220 : memref<80x128xf32, #tpu.memory_space<vmem_shared>>) target(%dma_start3A_218 : memref<80x128xf32, #tpu.memory_space<hbm>>) target_semaphore(%run_scoped3A : memref<!tpu.dma_semaphore, #tpu.memory_space<semaphore_mem>>)
        %dma_wait3A_221 = arith.constant 0 : i32
        %dma_wait3A_222 = tpu.memref_slice %arg5[%arg0, %mul3A_215, %dma_wait3A_221] : memref<2x10000x128xf32, #tpu.memory_space<hbm>> -> memref<1x80x128xf32, #tpu.memory_space<hbm>>
        %dma_wait3A_223 = tpu.memref_squeeze %dma_wait3A_222 : memref<1x80x128xf32, #tpu.memory_space<hbm>> -> memref<80x128xf32, #tpu.memory_space<hbm>>
        %dma_wait3A_224 = arith.constant 0 : i32
        %dma_wait3A_225 = tpu.memref_slice %arg9[%mul3A_213, %dma_wait3A_224] : memref<10000x128xf32, #tpu.memory_space<vmem_shared>> -> memref<80x128xf32, #tpu.memory_space<vmem_shared>>
        tpu.wait_dma2 semaphore(%run_scoped3A : memref<!tpu.dma_semaphore, #tpu.memory_space<semaphore_mem>>) src(%dma_wait3A_225 : memref<80x128xf32, #tpu.memory_space<vmem_shared>>) dst(%dma_wait3A_223 : memref<80x128xf32, #tpu.memory_space<hbm>>)
        tpu.yield
      }) : () -> ()
    } else {
    }
    %add3A_184 = arith.constant 64 : i32
    %add3A_185 = arith.addi %add3A_184, %arg1 : i32
    %lt3A_186 = arith.constant 125 : i32
    %lt3A_187 = arith.cmpi slt, %add3A_185, %lt3A_186 : i32
    %convert_element_type3A_188 = arith.extui %lt3A_187 : i1 to i32
    %cond3A_189 = arith.constant 0 : i32
    %cond3A_190 = arith.cmpi ne, %convert_element_type3A_188, %cond3A_189 : i32
    scf.if %cond3A_190 {
      %mul3A_212 = arith.constant 80 : i32
      %mul3A_213 = arith.muli %add3A_185, %mul3A_212 : i32
      %mul3A_214 = arith.constant 80 : i32
      %mul3A_215 = arith.muli %add3A_185, %mul3A_214 : i32
      "tpu.region"() ({
        %run_scoped3A = tpu.sem_alloc : memref<!tpu.dma_semaphore, #tpu.memory_space<semaphore_mem>>
        %dma_start3A_216 = arith.constant 0 : i32
        %dma_start3A_217 = tpu.memref_slice %arg5[%arg0, %mul3A_215, %dma_start3A_216] : memref<2x10000x128xf32, #tpu.memory_space<hbm>> -> memref<1x80x128xf32, #tpu.memory_space<hbm>>
        %dma_start3A_218 = tpu.memref_squeeze %dma_start3A_217 : memref<1x80x128xf32, #tpu.memory_space<hbm>> -> memref<80x128xf32, #tpu.memory_space<hbm>>
        %dma_start3A_219 = arith.constant 0 : i32
        %dma_start3A_220 = tpu.memref_slice %arg9[%mul3A_213, %dma_start3A_219] : memref<10000x128xf32, #tpu.memory_space<vmem_shared>> -> memref<80x128xf32, #tpu.memory_space<vmem_shared>>
        tpu.enqueue_dma source(%dma_start3A_220 : memref<80x128xf32, #tpu.memory_space<vmem_shared>>) target(%dma_start3A_218 : memref<80x128xf32, #tpu.memory_space<hbm>>) target_semaphore(%run_scoped3A : memref<!tpu.dma_semaphore, #tpu.memory_space<semaphore_mem>>)
        %dma_wait3A_221 = arith.constant 0 : i32
        %dma_wait3A_222 = tpu.memref_slice %arg5[%arg0, %mul3A_215, %dma_wait3A_221] : memref<2x10000x128xf32, #tpu.memory_space<hbm>> -> memref<1x80x128xf32, #tpu.memory_space<hbm>>
        %dma_wait3A_223 = tpu.memref_squeeze %dma_wait3A_222 : memref<1x80x128xf32, #tpu.memory_space<hbm>> -> memref<80x128xf32, #tpu.memory_space<hbm>>
        %dma_wait3A_224 = arith.constant 0 : i32
        %dma_wait3A_225 = tpu.memref_slice %arg9[%mul3A_213, %dma_wait3A_224] : memref<10000x128xf32, #tpu.memory_space<vmem_shared>> -> memref<80x128xf32, #tpu.memory_space<vmem_shared>>
        tpu.wait_dma2 semaphore(%run_scoped3A : memref<!tpu.dma_semaphore, #tpu.memory_space<semaphore_mem>>) src(%dma_wait3A_225 : memref<80x128xf32, #tpu.memory_space<vmem_shared>>) dst(%dma_wait3A_223 : memref<80x128xf32, #tpu.memory_space<hbm>>)
        tpu.yield
      }) : () -> ()
    } else {
    }
    %add3A_191 = arith.constant 80 : i32
    %add3A_192 = arith.addi %add3A_191, %arg1 : i32
    %lt3A_193 = arith.constant 125 : i32
    %lt3A_194 = arith.cmpi slt, %add3A_192, %lt3A_193 : i32
    %convert_element_type3A_195 = arith.extui %lt3A_194 : i1 to i32
    %cond3A_196 = arith.constant 0 : i32
    %cond3A_197 = arith.cmpi ne, %convert_element_type3A_195, %cond3A_196 : i32
    scf.if %cond3A_197 {
      %mul3A_212 = arith.constant 80 : i32
      %mul3A_213 = arith.muli %add3A_192, %mul3A_212 : i32
      %mul3A_214 = arith.constant 80 : i32
      %mul3A_215 = arith.muli %add3A_192, %mul3A_214 : i32
      "tpu.region"() ({
        %run_scoped3A = tpu.sem_alloc : memref<!tpu.dma_semaphore, #tpu.memory_space<semaphore_mem>>
        %dma_start3A_216 = arith.constant 0 : i32
        %dma_start3A_217 = tpu.memref_slice %arg5[%arg0, %mul3A_215, %dma_start3A_216] : memref<2x10000x128xf32, #tpu.memory_space<hbm>> -> memref<1x80x128xf32, #tpu.memory_space<hbm>>
        %dma_start3A_218 = tpu.memref_squeeze %dma_start3A_217 : memref<1x80x128xf32, #tpu.memory_space<hbm>> -> memref<80x128xf32, #tpu.memory_space<hbm>>
        %dma_start3A_219 = arith.constant 0 : i32
        %dma_start3A_220 = tpu.memref_slice %arg9[%mul3A_213, %dma_start3A_219] : memref<10000x128xf32, #tpu.memory_space<vmem_shared>> -> memref<80x128xf32, #tpu.memory_space<vmem_shared>>
        tpu.enqueue_dma source(%dma_start3A_220 : memref<80x128xf32, #tpu.memory_space<vmem_shared>>) target(%dma_start3A_218 : memref<80x128xf32, #tpu.memory_space<hbm>>) target_semaphore(%run_scoped3A : memref<!tpu.dma_semaphore, #tpu.memory_space<semaphore_mem>>)
        %dma_wait3A_221 = arith.constant 0 : i32
        %dma_wait3A_222 = tpu.memref_slice %arg5[%arg0, %mul3A_215, %dma_wait3A_221] : memref<2x10000x128xf32, #tpu.memory_space<hbm>> -> memref<1x80x128xf32, #tpu.memory_space<hbm>>
        %dma_wait3A_223 = tpu.memref_squeeze %dma_wait3A_222 : memref<1x80x128xf32, #tpu.memory_space<hbm>> -> memref<80x128xf32, #tpu.memory_space<hbm>>
        %dma_wait3A_224 = arith.constant 0 : i32
        %dma_wait3A_225 = tpu.memref_slice %arg9[%mul3A_213, %dma_wait3A_224] : memref<10000x128xf32, #tpu.memory_space<vmem_shared>> -> memref<80x128xf32, #tpu.memory_space<vmem_shared>>
        tpu.wait_dma2 semaphore(%run_scoped3A : memref<!tpu.dma_semaphore, #tpu.memory_space<semaphore_mem>>) src(%dma_wait3A_225 : memref<80x128xf32, #tpu.memory_space<vmem_shared>>) dst(%dma_wait3A_223 : memref<80x128xf32, #tpu.memory_space<hbm>>)
        tpu.yield
      }) : () -> ()
    } else {
    }
    %add3A_198 = arith.constant 96 : i32
    %add3A_199 = arith.addi %add3A_198, %arg1 : i32
    %lt3A_200 = arith.constant 125 : i32
    %lt3A_201 = arith.cmpi slt, %add3A_199, %lt3A_200 : i32
    %convert_element_type3A_202 = arith.extui %lt3A_201 : i1 to i32
    %cond3A_203 = arith.constant 0 : i32
    %cond3A_204 = arith.cmpi ne, %convert_element_type3A_202, %cond3A_203 : i32
    scf.if %cond3A_204 {
      %mul3A_212 = arith.constant 80 : i32
      %mul3A_213 = arith.muli %add3A_199, %mul3A_212 : i32
      %mul3A_214 = arith.constant 80 : i32
      %mul3A_215 = arith.muli %add3A_199, %mul3A_214 : i32
      "tpu.region"() ({
        %run_scoped3A = tpu.sem_alloc : memref<!tpu.dma_semaphore, #tpu.memory_space<semaphore_mem>>
        %dma_start3A_216 = arith.constant 0 : i32
        %dma_start3A_217 = tpu.memref_slice %arg5[%arg0, %mul3A_215, %dma_start3A_216] : memref<2x10000x128xf32, #tpu.memory_space<hbm>> -> memref<1x80x128xf32, #tpu.memory_space<hbm>>
        %dma_start3A_218 = tpu.memref_squeeze %dma_start3A_217 : memref<1x80x128xf32, #tpu.memory_space<hbm>> -> memref<80x128xf32, #tpu.memory_space<hbm>>
        %dma_start3A_219 = arith.constant 0 : i32
        %dma_start3A_220 = tpu.memref_slice %arg9[%mul3A_213, %dma_start3A_219] : memref<10000x128xf32, #tpu.memory_space<vmem_shared>> -> memref<80x128xf32, #tpu.memory_space<vmem_shared>>
        tpu.enqueue_dma source(%dma_start3A_220 : memref<80x128xf32, #tpu.memory_space<vmem_shared>>) target(%dma_start3A_218 : memref<80x128xf32, #tpu.memory_space<hbm>>) target_semaphore(%run_scoped3A : memref<!tpu.dma_semaphore, #tpu.memory_space<semaphore_mem>>)
        %dma_wait3A_221 = arith.constant 0 : i32
        %dma_wait3A_222 = tpu.memref_slice %arg5[%arg0, %mul3A_215, %dma_wait3A_221] : memref<2x10000x128xf32, #tpu.memory_space<hbm>> -> memref<1x80x128xf32, #tpu.memory_space<hbm>>
        %dma_wait3A_223 = tpu.memref_squeeze %dma_wait3A_222 : memref<1x80x128xf32, #tpu.memory_space<hbm>> -> memref<80x128xf32, #tpu.memory_space<hbm>>
        %dma_wait3A_224 = arith.constant 0 : i32
        %dma_wait3A_225 = tpu.memref_slice %arg9[%mul3A_213, %dma_wait3A_224] : memref<10000x128xf32, #tpu.memory_space<vmem_shared>> -> memref<80x128xf32, #tpu.memory_space<vmem_shared>>
        tpu.wait_dma2 semaphore(%run_scoped3A : memref<!tpu.dma_semaphore, #tpu.memory_space<semaphore_mem>>) src(%dma_wait3A_225 : memref<80x128xf32, #tpu.memory_space<vmem_shared>>) dst(%dma_wait3A_223 : memref<80x128xf32, #tpu.memory_space<hbm>>)
        tpu.yield
      }) : () -> ()
    } else {
    }
    %add3A_205 = arith.constant 112 : i32
    %add3A_206 = arith.addi %add3A_205, %arg1 : i32
    %lt3A_207 = arith.constant 125 : i32
    %lt3A_208 = arith.cmpi slt, %add3A_206, %lt3A_207 : i32
    %convert_element_type3A_209 = arith.extui %lt3A_208 : i1 to i32
    %cond3A_210 = arith.constant 0 : i32
    %cond3A_211 = arith.cmpi ne, %convert_element_type3A_209, %cond3A_210 : i32
    scf.if %cond3A_211 {
      %mul3A_212 = arith.constant 80 : i32
      %mul3A_213 = arith.muli %add3A_206, %mul3A_212 : i32
      %mul3A_214 = arith.constant 80 : i32
      %mul3A_215 = arith.muli %add3A_206, %mul3A_214 : i32
      "tpu.region"() ({
        %run_scoped3A = tpu.sem_alloc : memref<!tpu.dma_semaphore, #tpu.memory_space<semaphore_mem>>
        %dma_start3A_216 = arith.constant 0 : i32
        %dma_start3A_217 = tpu.memref_slice %arg5[%arg0, %mul3A_215, %dma_start3A_216] : memref<2x10000x128xf32, #tpu.memory_space<hbm>> -> memref<1x80x128xf32, #tpu.memory_space<hbm>>
        %dma_start3A_218 = tpu.memref_squeeze %dma_start3A_217 : memref<1x80x128xf32, #tpu.memory_space<hbm>> -> memref<80x128xf32, #tpu.memory_space<hbm>>
        %dma_start3A_219 = arith.constant 0 : i32
        %dma_start3A_220 = tpu.memref_slice %arg9[%mul3A_213, %dma_start3A_219] : memref<10000x128xf32, #tpu.memory_space<vmem_shared>> -> memref<80x128xf32, #tpu.memory_space<vmem_shared>>
        tpu.enqueue_dma source(%dma_start3A_220 : memref<80x128xf32, #tpu.memory_space<vmem_shared>>) target(%dma_start3A_218 : memref<80x128xf32, #tpu.memory_space<hbm>>) target_semaphore(%run_scoped3A : memref<!tpu.dma_semaphore, #tpu.memory_space<semaphore_mem>>)
        %dma_wait3A_221 = arith.constant 0 : i32
        %dma_wait3A_222 = tpu.memref_slice %arg5[%arg0, %mul3A_215, %dma_wait3A_221] : memref<2x10000x128xf32, #tpu.memory_space<hbm>> -> memref<1x80x128xf32, #tpu.memory_space<hbm>>
        %dma_wait3A_223 = tpu.memref_squeeze %dma_wait3A_222 : memref<1x80x128xf32, #tpu.memory_space<hbm>> -> memref<80x128xf32, #tpu.memory_space<hbm>>
        %dma_wait3A_224 = arith.constant 0 : i32
        %dma_wait3A_225 = tpu.memref_slice %arg9[%mul3A_213, %dma_wait3A_224] : memref<10000x128xf32, #tpu.memory_space<vmem_shared>> -> memref<80x128xf32, #tpu.memory_space<vmem_shared>>
        tpu.wait_dma2 semaphore(%run_scoped3A : memref<!tpu.dma_semaphore, #tpu.memory_space<semaphore_mem>>) src(%dma_wait3A_225 : memref<80x128xf32, #tpu.memory_space<vmem_shared>>) dst(%dma_wait3A_223 : memref<80x128xf32, #tpu.memory_space<hbm>>)
        tpu.yield
      }) : () -> ()
    } else {
    }
    return
  }
}

module attributes {stable_mosaic.version = 14 : i64} {
  func.func @_mm_e_body(%arg0: i32, %arg1: memref<4000x16xf32, #tpu.memory_space<vmem>>, %arg2: memref<16x128xf32, #tpu.memory_space<vmem>>, %arg3: memref<2000x128xi32, #tpu.memory_space<vmem>>) attributes {dimension_semantics = [#tpu.dimension_semantics<arbitrary>], iteration_bounds = array<i64: 80>, scalar_prefetch = 0 : i64, scratch_operands = 0 : i64, tpu.core_type = #tpu.core_type<tc>, window_params = [{transform_indices = @transform_0, window_bounds = array<i64: 4000, 16>}, {pipeline_mode = #tpu.pipeline_mode<synchronous>, transform_indices = @transform_1, window_bounds = array<i64: 16, 128>}, {transform_indices = @transform_2, window_bounds = array<i64: 2000, 128>}]} {
    %get3A = arith.constant 0 : index
    %get3A_0 = arith.constant 0 : index
    %get3A_1 = vector.load %arg1[%get3A, %get3A_0] : memref<4000x16xf32, #tpu.memory_space<vmem>>, vector<4000x16xf32>
    %get3A_2 = arith.constant 0 : index
    %get3A_3 = arith.constant 0 : index
    %get3A_4 = vector.load %arg2[%get3A_2, %get3A_3] : memref<16x128xf32, #tpu.memory_space<vmem>>, vector<16x128xf32>
    %dot_general3A = arith.constant dense<0.000000e+00> : vector<4000x128xf32>
    %dot_general3A_5 = tpu.matmul %get3A_1, %get3A_4, %dot_general3A {dimension_numbers = #tpu.dot_dimension_numbers<[1], [0], [0], [1], [0, 0, 1, 1], [], []>, transpose_lhs_hint = false} : vector<4000x16xf32>, vector<16x128xf32>, vector<4000x128xf32> -> vector<4000x128xf32>
    %bitcast_convert_type3A = tpu.bitcast %dot_general3A_5 : vector<4000x128xf32> -> vector<4000x128xi32>
    %add3A = arith.constant 32767 : i32
    %add3A_6 = vector.broadcast %add3A : i32 to vector<4000x128xi32>
    %add3A_7 = arith.addi %bitcast_convert_type3A, %add3A_6 : vector<4000x128xi32>
    %shift_right_logical3A = arith.constant 16 : i32
    %shift_right_logical3A_8 = vector.broadcast %shift_right_logical3A : i32 to vector<4000x128xi32>
    %shift_right_logical3A_9 = arith.shrui %bitcast_convert_type3A, %shift_right_logical3A_8 : vector<4000x128xi32>
    %and3A = arith.constant 1 : i32
    %and3A_10 = vector.broadcast %and3A : i32 to vector<4000x128xi32>
    %and3A_11 = arith.andi %shift_right_logical3A_9, %and3A_10 : vector<4000x128xi32>
    %add3A_12 = arith.addi %add3A_7, %and3A_11 : vector<4000x128xi32>
    %slice3A = vector.extract_strided_slice %add3A_12 {offsets = [0, 0], sizes = [4000, 16], strides = [1, 1]} : vector<4000x128xi32> to vector<4000x16xi32>
    %slice3A_13 = vector.extract_strided_slice %add3A_12 {offsets = [0, 32], sizes = [4000, 16], strides = [1, 1]} : vector<4000x128xi32> to vector<4000x16xi32>
    %slice3A_14 = vector.extract_strided_slice %add3A_12 {offsets = [0, 64], sizes = [4000, 16], strides = [1, 1]} : vector<4000x128xi32> to vector<4000x16xi32>
    %slice3A_15 = vector.extract_strided_slice %add3A_12 {offsets = [0, 96], sizes = [4000, 16], strides = [1, 1]} : vector<4000x128xi32> to vector<4000x16xi32>
    %concatenate3A = tpu.concatenate %slice3A, %slice3A_13, %slice3A_14, %slice3A_15 in 1 : vector<4000x16xi32>, vector<4000x16xi32>, vector<4000x16xi32>, vector<4000x16xi32> -> vector<4000x64xi32>
    %slice3A_16 = vector.extract_strided_slice %add3A_12 {offsets = [0, 16], sizes = [4000, 16], strides = [1, 1]} : vector<4000x128xi32> to vector<4000x16xi32>
    %slice3A_17 = vector.extract_strided_slice %add3A_12 {offsets = [0, 48], sizes = [4000, 16], strides = [1, 1]} : vector<4000x128xi32> to vector<4000x16xi32>
    %slice3A_18 = vector.extract_strided_slice %add3A_12 {offsets = [0, 80], sizes = [4000, 16], strides = [1, 1]} : vector<4000x128xi32> to vector<4000x16xi32>
    %slice3A_19 = vector.extract_strided_slice %add3A_12 {offsets = [0, 112], sizes = [4000, 16], strides = [1, 1]} : vector<4000x128xi32> to vector<4000x16xi32>
    %concatenate3A_20 = tpu.concatenate %slice3A_16, %slice3A_17, %slice3A_18, %slice3A_19 in 1 : vector<4000x16xi32>, vector<4000x16xi32>, vector<4000x16xi32>, vector<4000x16xi32> -> vector<4000x64xi32>
    %shift_right_logical3A_21 = arith.constant 16 : i32
    %shift_right_logical3A_22 = vector.broadcast %shift_right_logical3A_21 : i32 to vector<4000x64xi32>
    %shift_right_logical3A_23 = arith.shrui %concatenate3A, %shift_right_logical3A_22 : vector<4000x64xi32>
    %and3A_24 = arith.constant -65536 : i32
    %and3A_25 = vector.broadcast %and3A_24 : i32 to vector<4000x64xi32>
    %and3A_26 = arith.andi %concatenate3A_20, %and3A_25 : vector<4000x64xi32>
    %or3A = arith.ori %shift_right_logical3A_23, %and3A_26 : vector<4000x64xi32>
    %bitcast_convert_type3A_27 = tpu.bitcast %or3A : vector<4000x64xi32> -> vector<4000x64xi32>
    %slice3A_28 = vector.extract_strided_slice %bitcast_convert_type3A_27 {offsets = [0, 0], sizes = [2000, 64], strides = [1, 1]} : vector<4000x64xi32> to vector<2000x64xi32>
    %slice3A_29 = vector.extract_strided_slice %bitcast_convert_type3A_27 {offsets = [2000, 0], sizes = [2000, 64], strides = [1, 1]} : vector<4000x64xi32> to vector<2000x64xi32>
    %concatenate3A_30 = tpu.concatenate %slice3A_28, %slice3A_29 in 1 : vector<2000x64xi32>, vector<2000x64xi32> -> vector<2000x128xi32>
    %swap3A = arith.constant 0 : index
    %swap3A_31 = arith.constant 0 : index
    %swap3A_32 = vector.load %arg3[%swap3A, %swap3A_31] : memref<2000x128xi32, #tpu.memory_space<vmem>>, vector<2000x128xi32>
    tpu.vector_store %arg3[%swap3A, %swap3A_31], %concatenate3A_30 {strides = array<i32>} : memref<2000x128xi32, #tpu.memory_space<vmem>>, vector<2000x128xi32>,
    return
  }
  func.func @transform_0(%arg0: i32) -> (i32, i32) {
    %c0_i32 = arith.constant 0 : i32
    %c0_i32_0 = arith.constant 0 : i32
    return %arg0, %c0_i32 : i32, i32
  }
  func.func @transform_1(%arg0: i32) -> (i32, i32) {
    %c0_i32 = arith.constant 0 : i32
    %c0_i32_0 = arith.constant 0 : i32
    %c0_i32_1 = arith.constant 0 : i32
    return %c0_i32, %c0_i32_0 : i32, i32
  }
  func.func @transform_2(%arg0: i32) -> (i32, i32) {
    %c0_i32 = arith.constant 0 : i32
    %c0_i32_0 = arith.constant 0 : i32
    return %arg0, %c0_i32 : i32, i32
  }
}

module attributes {stable_mosaic.version = 14 : i64} {
  func.func @_mm_body(%arg0: i32, %arg1: memref<1000x128xf32, #tpu.memory_space<vmem>>, %arg2: memref<128x128xf32, #tpu.memory_space<vmem>>, %arg3: memref<1000x128xf32, #tpu.memory_space<vmem>>) attributes {dimension_semantics = [#tpu.dimension_semantics<arbitrary>], iteration_bounds = array<i64: 10>, scalar_prefetch = 0 : i64, scratch_operands = 0 : i64, tpu.core_type = #tpu.core_type<tc>, window_params = [{transform_indices = @transform_0, window_bounds = array<i64: 1000, 128>}, {pipeline_mode = #tpu.pipeline_mode<synchronous>, transform_indices = @transform_1, window_bounds = array<i64: 128, 128>}, {transform_indices = @transform_2, window_bounds = array<i64: 1000, 128>}]} {
    %get3A = arith.constant 0 : index
    %get3A_0 = arith.constant 0 : index
    %get3A_1 = vector.load %arg1[%get3A, %get3A_0] : memref<1000x128xf32, #tpu.memory_space<vmem>>, vector<1000x128xf32>
    %get3A_2 = arith.constant 0 : index
    %get3A_3 = arith.constant 0 : index
    %get3A_4 = vector.load %arg2[%get3A_2, %get3A_3] : memref<128x128xf32, #tpu.memory_space<vmem>>, vector<128x128xf32>
    %dot_general3A = arith.constant dense<0.000000e+00> : vector<1000x128xf32>
    %dot_general3A_5 = tpu.matmul %get3A_1, %get3A_4, %dot_general3A {dimension_numbers = #tpu.dot_dimension_numbers<[1], [0], [0], [1], [0, 0, 1, 1], [], []>, transpose_lhs_hint = false} : vector<1000x128xf32>, vector<128x128xf32>, vector<1000x128xf32> -> vector<1000x128xf32>
    %swap3A = arith.constant 0 : index
    %swap3A_6 = arith.constant 0 : index
    %swap3A_7 = vector.load %arg3[%swap3A, %swap3A_6] : memref<1000x128xf32, #tpu.memory_space<vmem>>, vector<1000x128xf32>
    tpu.vector_store %arg3[%swap3A, %swap3A_6], %dot_general3A_5 {strides = array<i32>} : memref<1000x128xf32, #tpu.memory_space<vmem>>, vector<1000x128xf32>,
    return
  }
  func.func @transform_0(%arg0: i32) -> (i32, i32) {
    %c0_i32 = arith.constant 0 : i32
    %c0_i32_0 = arith.constant 0 : i32
    return %arg0, %c0_i32 : i32, i32
  }
  func.func @transform_1(%arg0: i32) -> (i32, i32) {
    %c0_i32 = arith.constant 0 : i32
    %c0_i32_0 = arith.constant 0 : i32
    %c0_i32_1 = arith.constant 0 : i32
    return %c0_i32, %c0_i32_0 : i32, i32
  }
  func.func @transform_2(%arg0: i32) -> (i32, i32) {
    %c0_i32 = arith.constant 0 : i32
    %c0_i32_0 = arith.constant 0 : i32
    return %arg0, %c0_i32 : i32, i32
  }
}

module attributes {stable_mosaic.version = 14 : i64} {
  func.func @_finish_body(%arg0: i32, %arg1: memref<1000x128xf32, #tpu.memory_space<vmem>>, %arg2: memref<1000x128xf32, #tpu.memory_space<vmem>>, %arg3: memref<1000x128xf32, #tpu.memory_space<vmem>>, %arg4: memref<1000x1xi32, #tpu.memory_space<vmem>>, %arg5: memref<1x1xf32, #tpu.memory_space<vmem>>, %arg6: memref<128x128xf32, #tpu.memory_space<vmem>>, %arg7: memref<1x128xf32, #tpu.memory_space<vmem>>, %arg8: memref<128x128xf32, #tpu.memory_space<vmem>>, %arg9: memref<1000x128xf32, #tpu.memory_space<vmem>>, %arg10: memref<64x128xf32, #tpu.memory_space<vmem>>) attributes {dimension_semantics = [#tpu.dimension_semantics<arbitrary>], iteration_bounds = array<i64: 10>, scalar_prefetch = 0 : i64, scratch_operands = 0 : i64, tpu.core_type = #tpu.core_type<tc>, window_params = [{transform_indices = @transform_0, window_bounds = array<i64: 1000, 128>}, {transform_indices = @transform_1, window_bounds = array<i64: 1000, 128>}, {transform_indices = @transform_2, window_bounds = array<i64: 1000, 128>}, {transform_indices = @transform_3, window_bounds = array<i64: 1000, 1>}, {pipeline_mode = #tpu.pipeline_mode<synchronous>, transform_indices = @transform_4, window_bounds = array<i64: 1, 1>}, {pipeline_mode = #tpu.pipeline_mode<synchronous>, transform_indices = @transform_5, window_bounds = array<i64: 128, 128>}, {pipeline_mode = #tpu.pipeline_mode<synchronous>, transform_indices = @transform_6, window_bounds = array<i64: 1, 128>}, {pipeline_mode = #tpu.pipeline_mode<synchronous>, transform_indices = @transform_7, window_bounds = array<i64: 128, 128>}, {transform_indices = @transform_8, window_bounds = array<i64: 1000, 128>}, {pipeline_mode = #tpu.pipeline_mode<synchronous>, transform_indices = @transform_9, window_bounds = array<i64: 64, 128>}]} {
    %get3A = arith.constant 0 : index
    %get3A_0 = arith.constant 0 : index
    %get3A_1 = vector.load %arg5[%get3A, %get3A_0] : memref<1x1xf32, #tpu.memory_space<vmem>>, vector<1x1xf32>
    %get3A_2 = vector.extract %get3A_1[0, 0] : f32 from vector<1x1xf32>
    %add3A = arith.constant 1.000000e+00 : f32
    %add3A_3 = arith.addf %add3A, %get3A_2 : f32
    %get3A_4 = arith.constant 0 : index
    %get3A_5 = arith.constant 0 : index
    %get3A_6 = vector.load %arg1[%get3A_4, %get3A_5] : memref<1000x128xf32, #tpu.memory_space<vmem>>, vector<1000x128xf32>
    %mul3A = vector.broadcast %add3A_3 : f32 to vector<1000x128xf32>
    %mul3A_7 = arith.mulf %mul3A, %get3A_6 : vector<1000x128xf32>
    %get3A_8 = arith.constant 0 : index
    %get3A_9 = arith.constant 0 : index
    %get3A_10 = vector.load %arg2[%get3A_8, %get3A_9] : memref<1000x128xf32, #tpu.memory_space<vmem>>, vector<1000x128xf32>
    %add3A_11 = arith.addf %mul3A_7, %get3A_10 : vector<1000x128xf32>
    %get3A_12 = arith.constant 0 : index
    %get3A_13 = arith.constant 0 : index
    %get3A_14 = vector.load %arg3[%get3A_12, %get3A_13] : memref<1000x128xf32, #tpu.memory_space<vmem>>, vector<1000x128xf32>
    %add3A_15 = arith.addf %add3A_11, %get3A_14 : vector<1000x128xf32>
    %get3A_16 = arith.constant 0 : index
    %get3A_17 = arith.constant 0 : index
    %get3A_18 = vector.load %arg6[%get3A_16, %get3A_17] : memref<128x128xf32, #tpu.memory_space<vmem>>, vector<128x128xf32>
    %dot_general3A = arith.constant dense<0.000000e+00> : vector<1000x128xf32>
    %dot_general3A_19 = tpu.matmul %add3A_15, %get3A_18, %dot_general3A {dimension_numbers = #tpu.dot_dimension_numbers<[1], [0], [0], [1], [0, 0, 1, 1], [], []>, transpose_lhs_hint = false} : vector<1000x128xf32>, vector<128x128xf32>, vector<1000x128xf32> -> vector<1000x128xf32>
    %get3A_20 = arith.constant 0 : index
    %get3A_21 = arith.constant 0 : index
    %get3A_22 = vector.load %arg7[%get3A_20, %get3A_21] : memref<1x128xf32, #tpu.memory_space<vmem>>, vector<1x128xf32>
    %add3A_23 = vector.broadcast %get3A_22 : vector<1x128xf32> to vector<1000x128xf32>
    %add3A_24 = arith.addf %dot_general3A_19, %add3A_23 : vector<1000x128xf32>
    %max3A = arith.constant 0.000000e+00 : f32
    %max3A_25 = vector.broadcast %max3A : f32 to vector<1000x128xf32>
    %max3A_26 = arith.maximumf %add3A_24, %max3A_25 : vector<1000x128xf32>
    %get3A_27 = arith.constant 0 : index
    %get3A_28 = arith.constant 0 : index
    %get3A_29 = vector.load %arg8[%get3A_27, %get3A_28] : memref<128x128xf32, #tpu.memory_space<vmem>>, vector<128x128xf32>
    %dot_general3A_30 = arith.constant dense<0.000000e+00> : vector<1000x128xf32>
    %dot_general3A_31 = tpu.matmul %max3A_26, %get3A_29, %dot_general3A_30 {dimension_numbers = #tpu.dot_dimension_numbers<[1], [0], [0], [1], [0, 0, 1, 1], [], []>, transpose_lhs_hint = false} : vector<1000x128xf32>, vector<128x128xf32>, vector<1000x128xf32> -> vector<1000x128xf32>
    %swap3A = arith.constant 0 : index
    %swap3A_32 = arith.constant 0 : index
    %swap3A_33 = vector.load %arg9[%swap3A, %swap3A_32] : memref<1000x128xf32, #tpu.memory_space<vmem>>, vector<1000x128xf32>
    tpu.vector_store %arg9[%swap3A, %swap3A_32], %dot_general3A_31 {strides = array<i32>} : memref<1000x128xf32, #tpu.memory_space<vmem>>, vector<1000x128xf32>,
    %get3A_34 = arith.constant 0 : index
    %get3A_35 = arith.constant 0 : index
    %get3A_36 = vector.load %arg4[%get3A_34, %get3A_35] : memref<1000x1xi32, #tpu.memory_space<vmem>>, vector<1000x1xi32>
    %iota3A = tpu.iota {dimensions = array<i32: 1>} : vector<1x64xi32>
    %eq3A = vector.broadcast %get3A_36 : vector<1000x1xi32> to vector<1000x64xi32>
    %eq3A_37 = vector.broadcast %iota3A : vector<1x64xi32> to vector<1000x64xi32>
    %eq3A_38 = arith.cmpi eq, %eq3A, %eq3A_37 : vector<1000x64xi32>
    %convert_element_type3A = arith.extui %eq3A_38 : vector<1000x64xi1> to vector<1000x64xi32>
    %convert_element_type3A_39 = arith.sitofp %convert_element_type3A : vector<1000x64xi32> to vector<1000x64xf32>
    %dot_general3A_40 = arith.constant dense<0.000000e+00> : vector<64x128xf32>
    %dot_general3A_41 = tpu.matmul %convert_element_type3A_39, %max3A_26, %dot_general3A_40 {dimension_numbers = #tpu.dot_dimension_numbers<[0], [0], [1], [1], [0, 1, 1, 1], [], []>, transpose_lhs_hint = false} : vector<1000x64xf32>, vector<1000x128xf32>, vector<64x128xf32> -> vector<64x128xf32>
    %eq3A_42 = arith.constant 0 : i32
    %eq3A_43 = arith.cmpi eq, %arg0, %eq3A_42 : i32
    %convert_element_type3A_44 = arith.extui %eq3A_43 : i1 to i32
    %cond3A = arith.constant 0 : i32
    %cond3A_45 = arith.cmpi ne, %convert_element_type3A_44, %cond3A : i32
    scf.if %cond3A_45 {
      %broadcast_in_dim3A = arith.constant 0.000000e+00 : f32
      %broadcast_in_dim3A_53 = vector.broadcast %broadcast_in_dim3A : f32 to vector<64x128xf32>
      %swap3A_54 = arith.constant 0 : index
      %swap3A_55 = arith.constant 0 : index
      %swap3A_56 = vector.load %arg10[%swap3A_54, %swap3A_55] : memref<64x128xf32, #tpu.memory_space<vmem>>, vector<64x128xf32>
      tpu.vector_store %arg10[%swap3A_54, %swap3A_55], %broadcast_in_dim3A_53 {strides = array<i32>} : memref<64x128xf32, #tpu.memory_space<vmem>>, vector<64x128xf32>,
    } else {
    }
    %get3A_46 = arith.constant 0 : index
    %get3A_47 = arith.constant 0 : index
    %get3A_48 = vector.load %arg10[%get3A_46, %get3A_47] : memref<64x128xf32, #tpu.memory_space<vmem>>, vector<64x128xf32>
    %add3A_49 = arith.addf %get3A_48, %dot_general3A_41 : vector<64x128xf32>
    %swap3A_50 = arith.constant 0 : index
    %swap3A_51 = arith.constant 0 : index
    %swap3A_52 = vector.load %arg10[%swap3A_50, %swap3A_51] : memref<64x128xf32, #tpu.memory_space<vmem>>, vector<64x128xf32>
    tpu.vector_store %arg10[%swap3A_50, %swap3A_51], %add3A_49 {strides = array<i32>} : memref<64x128xf32, #tpu.memory_space<vmem>>, vector<64x128xf32>,
    return
  }
  func.func @transform_0(%arg0: i32) -> (i32, i32) {
    %c0_i32 = arith.constant 0 : i32
    %c0_i32_0 = arith.constant 0 : i32
    return %arg0, %c0_i32 : i32, i32
  }
  func.func @transform_1(%arg0: i32) -> (i32, i32) {
    %c0_i32 = arith.constant 0 : i32
    %c0_i32_0 = arith.constant 0 : i32
    return %arg0, %c0_i32 : i32, i32
  }
  func.func @transform_2(%arg0: i32) -> (i32, i32) {
    %c0_i32 = arith.constant 0 : i32
    %c0_i32_0 = arith.constant 0 : i32
    return %arg0, %c0_i32 : i32, i32
  }
  func.func @transform_3(%arg0: i32) -> (i32, i32) {
    %c0_i32 = arith.constant 0 : i32
    %c0_i32_0 = arith.constant 0 : i32
    return %arg0, %c0_i32 : i32, i32
  }
  func.func @transform_4(%arg0: i32) -> (i32, i32) {
    %c0_i32 = arith.constant 0 : i32
    %c0_i32_0 = arith.constant 0 : i32
    %c0_i32_1 = arith.constant 0 : i32
    return %c0_i32, %c0_i32_0 : i32, i32
  }
  func.func @transform_5(%arg0: i32) -> (i32, i32) {
    %c0_i32 = arith.constant 0 : i32
    %c0_i32_0 = arith.constant 0 : i32
    %c0_i32_1 = arith.constant 0 : i32
    return %c0_i32, %c0_i32_0 : i32, i32
  }
  func.func @transform_6(%arg0: i32) -> (i32, i32) {
    %c0_i32 = arith.constant 0 : i32
    %c0_i32_0 = arith.constant 0 : i32
    %c0_i32_1 = arith.constant 0 : i32
    return %c0_i32, %c0_i32_0 : i32, i32
  }
  func.func @transform_7(%arg0: i32) -> (i32, i32) {
    %c0_i32 = arith.constant 0 : i32
    %c0_i32_0 = arith.constant 0 : i32
    %c0_i32_1 = arith.constant 0 : i32
    return %c0_i32, %c0_i32_0 : i32, i32
  }
  func.func @transform_8(%arg0: i32) -> (i32, i32) {
    %c0_i32 = arith.constant 0 : i32
    %c0_i32_0 = arith.constant 0 : i32
    return %arg0, %c0_i32 : i32, i32
  }
  func.func @transform_9(%arg0: i32) -> (i32, i32) {
    %c0_i32 = arith.constant 0 : i32
    %c0_i32_0 = arith.constant 0 : i32
    %c0_i32_1 = arith.constant 0 : i32
    return %c0_i32, %c0_i32_0 : i32, i32
  }
}

module attributes {stable_mosaic.version = 14 : i64} {
  func.func @_finish_body(%arg0: i32, %arg1: memref<1000x128xf32, #tpu.memory_space<vmem>>, %arg2: memref<1000x128xf32, #tpu.memory_space<vmem>>, %arg3: memref<1000x128xf32, #tpu.memory_space<vmem>>, %arg4: memref<1000x1xi32, #tpu.memory_space<vmem>>, %arg5: memref<1x1xf32, #tpu.memory_space<vmem>>, %arg6: memref<128x128xf32, #tpu.memory_space<vmem>>, %arg7: memref<1x128xf32, #tpu.memory_space<vmem>>, %arg8: memref<128x128xf32, #tpu.memory_space<vmem>>, %arg9: memref<1000x128xf32, #tpu.memory_space<vmem>>, %arg10: memref<64x128xf32, #tpu.memory_space<vmem>>) attributes {dimension_semantics = [#tpu.dimension_semantics<arbitrary>], iteration_bounds = array<i64: 10>, scalar_prefetch = 0 : i64, scratch_operands = 0 : i64, tpu.core_type = #tpu.core_type<tc>, window_params = [{transform_indices = @transform_0, window_bounds = array<i64: 1000, 128>}, {transform_indices = @transform_1, window_bounds = array<i64: 1000, 128>}, {transform_indices = @transform_2, window_bounds = array<i64: 1000, 128>}, {transform_indices = @transform_3, window_bounds = array<i64: 1000, 1>}, {pipeline_mode = #tpu.pipeline_mode<synchronous>, transform_indices = @transform_4, window_bounds = array<i64: 1, 1>}, {pipeline_mode = #tpu.pipeline_mode<synchronous>, transform_indices = @transform_5, window_bounds = array<i64: 128, 128>}, {pipeline_mode = #tpu.pipeline_mode<synchronous>, transform_indices = @transform_6, window_bounds = array<i64: 1, 128>}, {pipeline_mode = #tpu.pipeline_mode<synchronous>, transform_indices = @transform_7, window_bounds = array<i64: 128, 128>}, {transform_indices = @transform_8, window_bounds = array<i64: 1000, 128>}, {pipeline_mode = #tpu.pipeline_mode<synchronous>, transform_indices = @transform_9, window_bounds = array<i64: 64, 128>}]} {
    %get3A = arith.constant 0 : index
    %get3A_0 = arith.constant 0 : index
    %get3A_1 = vector.load %arg5[%get3A, %get3A_0] : memref<1x1xf32, #tpu.memory_space<vmem>>, vector<1x1xf32>
    %get3A_2 = vector.extract %get3A_1[0, 0] : f32 from vector<1x1xf32>
    %add3A = arith.constant 1.000000e+00 : f32
    %add3A_3 = arith.addf %add3A, %get3A_2 : f32
    %get3A_4 = arith.constant 0 : index
    %get3A_5 = arith.constant 0 : index
    %get3A_6 = vector.load %arg1[%get3A_4, %get3A_5] : memref<1000x128xf32, #tpu.memory_space<vmem>>, vector<1000x128xf32>
    %mul3A = vector.broadcast %add3A_3 : f32 to vector<1000x128xf32>
    %mul3A_7 = arith.mulf %mul3A, %get3A_6 : vector<1000x128xf32>
    %get3A_8 = arith.constant 0 : index
    %get3A_9 = arith.constant 0 : index
    %get3A_10 = vector.load %arg2[%get3A_8, %get3A_9] : memref<1000x128xf32, #tpu.memory_space<vmem>>, vector<1000x128xf32>
    %add3A_11 = arith.addf %mul3A_7, %get3A_10 : vector<1000x128xf32>
    %get3A_12 = arith.constant 0 : index
    %get3A_13 = arith.constant 0 : index
    %get3A_14 = vector.load %arg3[%get3A_12, %get3A_13] : memref<1000x128xf32, #tpu.memory_space<vmem>>, vector<1000x128xf32>
    %add3A_15 = arith.addf %add3A_11, %get3A_14 : vector<1000x128xf32>
    %get3A_16 = arith.constant 0 : index
    %get3A_17 = arith.constant 0 : index
    %get3A_18 = vector.load %arg6[%get3A_16, %get3A_17] : memref<128x128xf32, #tpu.memory_space<vmem>>, vector<128x128xf32>
    %dot_general3A = arith.constant dense<0.000000e+00> : vector<1000x128xf32>
    %dot_general3A_19 = tpu.matmul %add3A_15, %get3A_18, %dot_general3A {dimension_numbers = #tpu.dot_dimension_numbers<[1], [0], [0], [1], [0, 0, 1, 1], [], []>, transpose_lhs_hint = false} : vector<1000x128xf32>, vector<128x128xf32>, vector<1000x128xf32> -> vector<1000x128xf32>
    %get3A_20 = arith.constant 0 : index
    %get3A_21 = arith.constant 0 : index
    %get3A_22 = vector.load %arg7[%get3A_20, %get3A_21] : memref<1x128xf32, #tpu.memory_space<vmem>>, vector<1x128xf32>
    %add3A_23 = vector.broadcast %get3A_22 : vector<1x128xf32> to vector<1000x128xf32>
    %add3A_24 = arith.addf %dot_general3A_19, %add3A_23 : vector<1000x128xf32>
    %max3A = arith.constant 0.000000e+00 : f32
    %max3A_25 = vector.broadcast %max3A : f32 to vector<1000x128xf32>
    %max3A_26 = arith.maximumf %add3A_24, %max3A_25 : vector<1000x128xf32>
    %get3A_27 = arith.constant 0 : index
    %get3A_28 = arith.constant 0 : index
    %get3A_29 = vector.load %arg8[%get3A_27, %get3A_28] : memref<128x128xf32, #tpu.memory_space<vmem>>, vector<128x128xf32>
    %dot_general3A_30 = arith.constant dense<0.000000e+00> : vector<1000x128xf32>
    %dot_general3A_31 = tpu.matmul %max3A_26, %get3A_29, %dot_general3A_30 {dimension_numbers = #tpu.dot_dimension_numbers<[1], [0], [0], [1], [0, 0, 1, 1], [], []>, transpose_lhs_hint = false} : vector<1000x128xf32>, vector<128x128xf32>, vector<1000x128xf32> -> vector<1000x128xf32>
    %swap3A = arith.constant 0 : index
    %swap3A_32 = arith.constant 0 : index
    %swap3A_33 = vector.load %arg9[%swap3A, %swap3A_32] : memref<1000x128xf32, #tpu.memory_space<vmem>>, vector<1000x128xf32>
    tpu.vector_store %arg9[%swap3A, %swap3A_32], %dot_general3A_31 {strides = array<i32>} : memref<1000x128xf32, #tpu.memory_space<vmem>>, vector<1000x128xf32>,
    %get3A_34 = arith.constant 0 : index
    %get3A_35 = arith.constant 0 : index
    %get3A_36 = vector.load %arg4[%get3A_34, %get3A_35] : memref<1000x1xi32, #tpu.memory_space<vmem>>, vector<1000x1xi32>
    %iota3A = tpu.iota {dimensions = array<i32: 1>} : vector<1x64xi32>
    %eq3A = vector.broadcast %get3A_36 : vector<1000x1xi32> to vector<1000x64xi32>
    %eq3A_37 = vector.broadcast %iota3A : vector<1x64xi32> to vector<1000x64xi32>
    %eq3A_38 = arith.cmpi eq, %eq3A, %eq3A_37 : vector<1000x64xi32>
    %convert_element_type3A = arith.extui %eq3A_38 : vector<1000x64xi1> to vector<1000x64xi32>
    %convert_element_type3A_39 = arith.sitofp %convert_element_type3A : vector<1000x64xi32> to vector<1000x64xf32>
    %dot_general3A_40 = arith.constant dense<0.000000e+00> : vector<64x128xf32>
    %dot_general3A_41 = tpu.matmul %convert_element_type3A_39, %max3A_26, %dot_general3A_40 {dimension_numbers = #tpu.dot_dimension_numbers<[0], [0], [1], [1], [0, 1, 1, 1], [], []>, transpose_lhs_hint = false} : vector<1000x64xf32>, vector<1000x128xf32>, vector<64x128xf32> -> vector<64x128xf32>
    %eq3A_42 = arith.constant 0 : i32
    %eq3A_43 = arith.cmpi eq, %arg0, %eq3A_42 : i32
    %convert_element_type3A_44 = arith.extui %eq3A_43 : i1 to i32
    %cond3A = arith.constant 0 : i32
    %cond3A_45 = arith.cmpi ne, %convert_element_type3A_44, %cond3A : i32
    scf.if %cond3A_45 {
      %broadcast_in_dim3A = arith.constant 0.000000e+00 : f32
      %broadcast_in_dim3A_53 = vector.broadcast %broadcast_in_dim3A : f32 to vector<64x128xf32>
      %swap3A_54 = arith.constant 0 : index
      %swap3A_55 = arith.constant 0 : index
      %swap3A_56 = vector.load %arg10[%swap3A_54, %swap3A_55] : memref<64x128xf32, #tpu.memory_space<vmem>>, vector<64x128xf32>
      tpu.vector_store %arg10[%swap3A_54, %swap3A_55], %broadcast_in_dim3A_53 {strides = array<i32>} : memref<64x128xf32, #tpu.memory_space<vmem>>, vector<64x128xf32>,
    } else {
    }
    %get3A_46 = arith.constant 0 : index
    %get3A_47 = arith.constant 0 : index
    %get3A_48 = vector.load %arg10[%get3A_46, %get3A_47] : memref<64x128xf32, #tpu.memory_space<vmem>>, vector<64x128xf32>
    %add3A_49 = arith.addf %get3A_48, %dot_general3A_41 : vector<64x128xf32>
    %swap3A_50 = arith.constant 0 : index
    %swap3A_51 = arith.constant 0 : index
    %swap3A_52 = vector.load %arg10[%swap3A_50, %swap3A_51] : memref<64x128xf32, #tpu.memory_space<vmem>>, vector<64x128xf32>
    tpu.vector_store %arg10[%swap3A_50, %swap3A_51], %add3A_49 {strides = array<i32>} : memref<64x128xf32, #tpu.memory_space<vmem>>, vector<64x128xf32>,
    return
  }
  func.func @transform_0(%arg0: i32) -> (i32, i32) {
    %c0_i32 = arith.constant 0 : i32
    %c0_i32_0 = arith.constant 0 : i32
    return %arg0, %c0_i32 : i32, i32
  }
  func.func @transform_1(%arg0: i32) -> (i32, i32) {
    %c0_i32 = arith.constant 0 : i32
    %c0_i32_0 = arith.constant 0 : i32
    return %arg0, %c0_i32 : i32, i32
  }
  func.func @transform_2(%arg0: i32) -> (i32, i32) {
    %c0_i32 = arith.constant 0 : i32
    %c0_i32_0 = arith.constant 0 : i32
    return %arg0, %c0_i32 : i32, i32
  }
  func.func @transform_3(%arg0: i32) -> (i32, i32) {
    %c0_i32 = arith.constant 0 : i32
    %c0_i32_0 = arith.constant 0 : i32
    return %arg0, %c0_i32 : i32, i32
  }
  func.func @transform_4(%arg0: i32) -> (i32, i32) {
    %c0_i32 = arith.constant 0 : i32
    %c0_i32_0 = arith.constant 0 : i32
    %c0_i32_1 = arith.constant 0 : i32
    return %c0_i32, %c0_i32_0 : i32, i32
  }
  func.func @transform_5(%arg0: i32) -> (i32, i32) {
    %c0_i32 = arith.constant 0 : i32
    %c0_i32_0 = arith.constant 0 : i32
    %c0_i32_1 = arith.constant 0 : i32
    return %c0_i32, %c0_i32_0 : i32, i32
  }
  func.func @transform_6(%arg0: i32) -> (i32, i32) {
    %c0_i32 = arith.constant 0 : i32
    %c0_i32_0 = arith.constant 0 : i32
    %c0_i32_1 = arith.constant 0 : i32
    return %c0_i32, %c0_i32_0 : i32, i32
  }
  func.func @transform_7(%arg0: i32) -> (i32, i32) {
    %c0_i32 = arith.constant 0 : i32
    %c0_i32_0 = arith.constant 0 : i32
    %c0_i32_1 = arith.constant 0 : i32
    return %c0_i32, %c0_i32_0 : i32, i32
  }
  func.func @transform_8(%arg0: i32) -> (i32, i32) {
    %c0_i32 = arith.constant 0 : i32
    %c0_i32_0 = arith.constant 0 : i32
    return %arg0, %c0_i32 : i32, i32
  }
  func.func @transform_9(%arg0: i32) -> (i32, i32) {
    %c0_i32 = arith.constant 0 : i32
    %c0_i32_0 = arith.constant 0 : i32
    %c0_i32_1 = arith.constant 0 : i32
    return %c0_i32, %c0_i32_0 : i32, i32
  }
}

module attributes {stable_mosaic.version = 14 : i64} {
  func.func @_head_body(%arg0: memref<64x128xf32, #tpu.memory_space<vmem>>, %arg1: memref<64x128xf32, #tpu.memory_space<vmem>>, %arg2: memref<64x128xf32, #tpu.memory_space<vmem>>, %arg3: memref<10000x1xi32, #tpu.memory_space<vmem>>, %arg4: memref<384x384xf32, #tpu.memory_space<vmem>>, %arg5: memref<1x384xf32, #tpu.memory_space<vmem>>, %arg6: memref<384x10xf32, #tpu.memory_space<vmem>>, %arg7: memref<1x10xf32, #tpu.memory_space<vmem>>, %arg8: memref<64x10xf32, #tpu.memory_space<vmem>>) attributes {dimension_semantics = [], scalar_prefetch = 0 : i64, scratch_operands = 0 : i64, tpu.core_type = #tpu.core_type<tc>} {
    %get3A = arith.constant 0 : index
    %get3A_0 = arith.constant 0 : index
    %get3A_1 = vector.load %arg3[%get3A, %get3A_0] : memref<10000x1xi32, #tpu.memory_space<vmem>>, vector<10000x1xi32>
    %iota3A = tpu.iota {dimensions = array<i32: 1>} : vector<1x64xi32>
    %eq3A = vector.broadcast %get3A_1 : vector<10000x1xi32> to vector<10000x64xi32>
    %eq3A_2 = vector.broadcast %iota3A : vector<1x64xi32> to vector<10000x64xi32>
    %eq3A_3 = arith.cmpi eq, %eq3A, %eq3A_2 : vector<10000x64xi32>
    %convert_element_type3A = arith.extui %eq3A_3 : vector<10000x64xi1> to vector<10000x64xi32>
    %convert_element_type3A_4 = arith.sitofp %convert_element_type3A : vector<10000x64xi32> to vector<10000x64xf32>
    %broadcast_in_dim3A = arith.constant 1.000000e+00 : f32
    %broadcast_in_dim3A_5 = vector.broadcast %broadcast_in_dim3A : f32 to vector<10000x1xf32>
    %dot_general3A = arith.constant dense<0.000000e+00> : vector<64x1xf32>
    %dot_general3A_6 = tpu.matmul %convert_element_type3A_4, %broadcast_in_dim3A_5, %dot_general3A {dimension_numbers = #tpu.dot_dimension_numbers<[0], [0], [1], [1], [0, 1, 1, 1], [], []>, transpose_lhs_hint = false} : vector<10000x64xf32>, vector<10000x1xf32>, vector<64x1xf32> -> vector<64x1xf32>
    %max3A = arith.constant 1.000000e+00 : f32
    %max3A_7 = vector.broadcast %max3A : f32 to vector<64x1xf32>
    %max3A_8 = arith.maximumf %dot_general3A_6, %max3A_7 : vector<64x1xf32>
    %get3A_9 = arith.constant 0 : index
    %get3A_10 = arith.constant 0 : index
    %get3A_11 = vector.load %arg0[%get3A_9, %get3A_10] : memref<64x128xf32, #tpu.memory_space<vmem>>, vector<64x128xf32>
    %div3A = vector.broadcast %max3A_8 : vector<64x1xf32> to vector<64x128xf32>
    %div3A_12 = arith.divf %get3A_11, %div3A : vector<64x128xf32>
    %get3A_13 = arith.constant 0 : index
    %get3A_14 = arith.constant 0 : index
    %get3A_15 = vector.load %arg1[%get3A_13, %get3A_14] : memref<64x128xf32, #tpu.memory_space<vmem>>, vector<64x128xf32>
    %div3A_16 = vector.broadcast %max3A_8 : vector<64x1xf32> to vector<64x128xf32>
    %div3A_17 = arith.divf %get3A_15, %div3A_16 : vector<64x128xf32>
    %get3A_18 = arith.constant 0 : index
    %get3A_19 = arith.constant 0 : index
    %get3A_20 = vector.load %arg2[%get3A_18, %get3A_19] : memref<64x128xf32, #tpu.memory_space<vmem>>, vector<64x128xf32>
    %div3A_21 = vector.broadcast %max3A_8 : vector<64x1xf32> to vector<64x128xf32>
    %div3A_22 = arith.divf %get3A_20, %div3A_21 : vector<64x128xf32>
    %concatenate3A = tpu.concatenate %div3A_12, %div3A_17, %div3A_22 in 1 : vector<64x128xf32>, vector<64x128xf32>, vector<64x128xf32> -> vector<64x384xf32>
    %get3A_23 = arith.constant 0 : index
    %get3A_24 = arith.constant 0 : index
    %get3A_25 = vector.load %arg4[%get3A_23, %get3A_24] : memref<384x384xf32, #tpu.memory_space<vmem>>, vector<384x384xf32>
    %dot_general3A_26 = arith.constant dense<0.000000e+00> : vector<64x384xf32>
    %dot_general3A_27 = tpu.matmul %concatenate3A, %get3A_25, %dot_general3A_26 {dimension_numbers = #tpu.dot_dimension_numbers<[1], [0], [0], [1], [0, 0, 1, 1], [], []>, transpose_lhs_hint = false} : vector<64x384xf32>, vector<384x384xf32>, vector<64x384xf32> -> vector<64x384xf32>
    %get3A_28 = arith.constant 0 : index
    %get3A_29 = arith.constant 0 : index
    %get3A_30 = vector.load %arg5[%get3A_28, %get3A_29] : memref<1x384xf32, #tpu.memory_space<vmem>>, vector<1x384xf32>
    %add3A = vector.broadcast %get3A_30 : vector<1x384xf32> to vector<64x384xf32>
    %add3A_31 = arith.addf %dot_general3A_27, %add3A : vector<64x384xf32>
    %max3A_32 = arith.constant 0.000000e+00 : f32
    %max3A_33 = vector.broadcast %max3A_32 : f32 to vector<64x384xf32>
    %max3A_34 = arith.maximumf %add3A_31, %max3A_33 : vector<64x384xf32>
    %get3A_35 = arith.constant 0 : index
    %get3A_36 = arith.constant 0 : index
    %get3A_37 = vector.load %arg6[%get3A_35, %get3A_36] : memref<384x10xf32, #tpu.memory_space<vmem>>, vector<384x10xf32>
    %dot_general3A_38 = arith.constant dense<0.000000e+00> : vector<64x10xf32>
    %dot_general3A_39 = tpu.matmul %max3A_34, %get3A_37, %dot_general3A_38 {dimension_numbers = #tpu.dot_dimension_numbers<[1], [0], [0], [1], [0, 0, 1, 1], [], []>, transpose_lhs_hint = false} : vector<64x384xf32>, vector<384x10xf32>, vector<64x10xf32> -> vector<64x10xf32>
    %get3A_40 = arith.constant 0 : index
    %get3A_41 = arith.constant 0 : index
    %get3A_42 = vector.load %arg7[%get3A_40, %get3A_41] : memref<1x10xf32, #tpu.memory_space<vmem>>, vector<1x10xf32>
    %add3A_43 = vector.broadcast %get3A_42 : vector<1x10xf32> to vector<64x10xf32>
    %add3A_44 = arith.addf %dot_general3A_39, %add3A_43 : vector<64x10xf32>
    %reduce_max3A = arith.constant dense<0xFF800000> : vector<64xf32>
    %reduce_max3A_45 = vector.multi_reduction <maximumf>, %add3A_44, %reduce_max3A [1] : vector<64x10xf32> to vector<64xf32>
    %broadcast_in_dim3A_46 = vector.shape_cast %reduce_max3A_45 : vector<64xf32> to vector<64x1xf32>
    %sub3A = vector.broadcast %broadcast_in_dim3A_46 : vector<64x1xf32> to vector<64x10xf32>
    %sub3A_47 = arith.subf %add3A_44, %sub3A : vector<64x10xf32>
    %exp3A = math.exp %sub3A_47 : vector<64x10xf32>
    %reduce_sum3A = arith.constant dense<0.000000e+00> : vector<64xf32>
    %reduce_sum3A_48 = vector.multi_reduction <add>, %exp3A, %reduce_sum3A [1] : vector<64x10xf32> to vector<64xf32>
    %broadcast_in_dim3A_49 = vector.shape_cast %reduce_sum3A_48 : vector<64xf32> to vector<64x1xf32>
    %log3A = math.log %broadcast_in_dim3A_49 : vector<64x1xf32>
    %add3A_50 = arith.addf %log3A, %broadcast_in_dim3A_46 : vector<64x1xf32>
    %sub3A_51 = vector.broadcast %add3A_50 : vector<64x1xf32> to vector<64x10xf32>
    %sub3A_52 = arith.subf %add3A_44, %sub3A_51 : vector<64x10xf32>
    %swap3A = arith.constant 0 : index
    %swap3A_53 = arith.constant 0 : index
    %swap3A_54 = vector.load %arg8[%swap3A, %swap3A_53] : memref<64x10xf32, #tpu.memory_space<vmem>>, vector<64x10xf32>
    tpu.vector_store %arg8[%swap3A, %swap3A_53], %sub3A_52 {strides = array<i32>} : memref<64x10xf32, #tpu.memory_space<vmem>>, vector<64x10xf32>,
    return
  }
}

</mosaic_0001>

<sc_bundles>
// kernel: kernel.13.cloned.1.call-start
scs
__scs_entry_jumppad:
0x0: {  	(pc) =	sbr.rel $0x88, $3  }
0x1: {  	(tag) =	ssettag $0x0;
	lr =	simm.s32 $0x1  }
0x2: {  	[smem:$0x3F8A] =	sst lr;
	_ =	strace $0xD0000000  }
0x3: {  	_ = 	snop  }
0x4: {  	_ = 	snop  }
0x5: {  	_ = 	snop  }
0x6: {  	_ = 	snop  }
0x7: {  	_ = 	snop  }
__scs_overlays_trampoline_lowered:
0x8: {  	[smem:$0x3F99] =	sst s0  }
0x9: {  	[smem:$0x3F9A] =	sst s1  }
0xa: {  	[smem:$0x3F9B] =	sst s2  }
0xb: {  	[smem:$0x3F9C] =	sst s3  }
0xc: {  	[smem:$0x3F9D] =	sst s4  }
0xd: {  	[smem:$0x3F9E] =	sst s5  }
0xe: {  	[smem:$0x3F9F] =	sst s6  }
0xf: {  	[smem:$0x3FA0] =	sst s7  }
0x10: {  	[smem:$0x3FA1] =	sst s8  }
0x11: {  	[smem:$0x3FA2] =	sst s9;
	s0 =	simm.s32 @!p0 $0x0  }
0x12: {  	s1 =	sld [smem:$0x3F88];
	s0 =	simm.s32 @p0 $0x1  }
0x13: {  	[smem:$0x3FA3] =	sst s0;
	s0 =	simm.s32 @!p1 $0x0  }
0x14: {  	s2 =	sld [smem:$0x3F87];
	s0 =	simm.s32 @p1 $0x1  }
0x15: {  	[smem:$0x3FA4] =	sst s0;
	s0 =	simm.s32 @!p2 $0x0  }
0x16: {  	s3 =	sld [smem:$0x3FDB];
	s0 =	simm.s32 @p2 $0x1  }
0x17: {  	s4 =	simm.s32 $0x1BF5;
	[smem:$0x3FA6] =	sst s0  }
0x18: {  	s0 =	sld [smem:$0x3F89];
	_ =	swait.ge [sflag:s4], $0x0  }
0x19: {  	s7 =	sld [smem:$0x3F8A]  }
0x1a: {  	s8 =	sadd.s32 $0xFFFFE003, lr  }
0x1b: {  	s9 =	sadd.s32 $0xFFFFFEF7, lr;
	s5 =	simm.s32 $0xFFFFFFFF;
	p2 =	slt.u32 s8, $0xFFFFF086  }
0x1c: {  	p1 =	slt.u32 s9, $0xF7A;
	s5 =	simm.s32 @!p2 $0x0  }
0x1d: {  	s5 =	simm.s32 @p1 $0x1;
	p0 =	seq.s32 s7, s2  }
0x1e: {  	s7 =	smul.u32 @!p0 $0xF7A, s2;
	p2 =	seq.s32 @!p0 s5, $0x0  }
0x1f: {  	s9 =	smul.u32 $0xF7A, s1;
	s8 =	simm.s32 @!p0 $0x1BF5;
	p2 =	por !p2, p0  }
0x20: {  	[sflag:s8] =	ssyncset.s32 @!p0 $0xFFFFF086;
	s6 =	sadd.s32 @!p0 s3, s7;
	s7 =	simm.s32 @!p0 $0x108  }
0x21: {  	s3 =	sadd.s32 s3, s9;
	s6 =	sadd.s32 @!p0 $0x88, s6;
	s7 =	simm.s32 @p2 $0x1082  }
0x22: {  	[simem:s7], [sflag:s8] =	dma.local @!p0 [hbm:s6], $0xF7A  }
0x23: {  	s9 =	sor.u32 $0xD0000000, s2;
	s6 =	simm.s32 $0x108;
	_ =	swait.ge @!p0 [sflag:s8], $0x0  }
0x24: {  	s3 =	sadd.s32 $0x88, s3;
	s6 =	simm.s32 @!p1 $0x1082;
	[sflag:s4] =	ssyncset.s32 $0xFFFFF086  }
0x25: {  	[simem:s6], [sflag:s4] =	dma.local [hbm:s3], $0xF7A  }
0x26: {  	[smem:$0x3F8A] =	sst s1;
	(tag) =	ssettag s2;
	_ =	strace s9  }
0x27: {  	s1 =	sld [smem:$0x3F9A]  }
0x28: {  	s2 =	sld [smem:$0x3F9B]  }
0x29: {  	s4 =	sld [smem:$0x3F9D]  }
0x2a: {  	p0 =	seq.s32 s5, $0x0;
	s5 =	sld [smem:$0x3F9E]  }
0x2b: {  	s6 =	sld [smem:$0x3F9F]  }
0x2c: {  	s7 =	sld [smem:$0x3FA0]  }
0x2d: {  	s3 =	simm.s32 $0x108;
	s8 =	sld [smem:$0x3FA1]  }
0x2e: {  	s3 =	simm.s32 @!p0 $0x1082;
	s9 =	sld [smem:$0x3FA2]  }
0x2f: {  	lr =	sadd.s32 s0, s3;
	s0 =	sld [smem:$0x3F99]  }
0x30: {  	s3 =	sld [smem:$0x3F9C]  }
0x31: {  	[smem:$0x3FA5] =	sst s10  }
0x32: {  	s10 =	sld [smem:$0x3FA3];
	_ =	sdelay $0x3  }
0x33: {  	p0 =	seq.s32 s10, $0x1;
	s10 =	sld [smem:$0x3FA5];
	_ =	sdelay $0x3  }
0x34: {  	[smem:$0x3FA5] =	sst s10  }
0x35: {  	s10 =	sld [smem:$0x3FA4];
	_ =	sdelay $0x3  }
0x36: {  	p1 =	seq.s32 s10, $0x1;
	s10 =	sld [smem:$0x3FA5];
	_ =	sdelay $0x3  }
0x37: {  	[smem:$0x3FA5] =	sst s10  }
0x38: {  	s10 =	sld [smem:$0x3FA6]  }
0x39: {  	_ = 	snop;
	(pc) =	sbr.ind lr, $3  }
0x3a: {  	_ = 	snop  }
0x3b: {  	_ = 	snop  }
0x3c: {  	p2 =	seq.s32 s10, $0x1;
	s10 =	sld [smem:$0x3FA5]  }
0x3d: {  	_ =	shalt  }
0x3e: {  	_ =	shalt  }
0x3f: {  	_ =	shalt  }
0x40: {  	_ =	shalt  }
0x41: {  	_ =	shalt  }
0x42: {  	_ =	shalt  }
0x43: {  	_ =	shalt  }
0x44: {  	_ =	shalt  }
0x45: {  	_ =	shalt  }
0x46: {  	_ =	shalt  }
0x47: {  	_ =	shalt  }
0x48: {  	_ =	shalt  }
0x49: {  	_ =	shalt  }
0x4a: {  	_ =	shalt  }
0x4b: {  	_ =	shalt  }
0x4c: {  	_ =	shalt  }
0x4d: {  	_ =	shalt  }
0x4e: {  	_ =	shalt  }
0x4f: {  	_ =	shalt  }
0x50: {  	_ =	shalt  }
0x51: {  	_ =	shalt  }
0x52: {  	_ =	shalt  }
0x53: {  	_ =	shalt  }
0x54: {  	_ =	shalt  }
0x55: {  	_ =	shalt  }
0x56: {  	_ =	shalt  }
0x57: {  	_ =	shalt  }
0x58: {  	_ =	shalt  }
0x59: {  	_ =	shalt  }
0x5a: {  	_ =	shalt  }
0x5b: {  	_ =	shalt  }
0x5c: {  	_ =	shalt  }
0x5d: {  	_ =	shalt  }
0x5e: {  	_ =	shalt  }
0x5f: {  	_ =	shalt  }
0x60: {  	_ =	shalt  }
0x61: {  	_ =	shalt  }
0x62: {  	_ =	shalt  }
0x63: {  	_ =	shalt  }
0x64: {  	_ =	shalt  }
0x65: {  	_ =	shalt  }
0x66: {  	_ =	shalt  }
0x67: {  	_ =	shalt  }
0x68: {  	_ =	shalt  }
0x69: {  	_ =	shalt  }
0x6a: {  	_ =	shalt  }
0x6b: {  	_ =	shalt  }
0x6c: {  	_ =	shalt  }
0x6d: {  	_ =	shalt  }
0x6e: {  	_ =	shalt  }
0x6f: {  	_ =	shalt  }
0x70: {  	_ =	shalt  }
0x71: {  	_ =	shalt  }
0x72: {  	_ =	shalt  }
0x73: {  	_ =	shalt  }
0x74: {  	_ =	shalt  }
0x75: {  	_ =	shalt  }
0x76: {  	_ =	shalt  }
0x77: {  	_ =	shalt  }
0x78: {  	_ =	shalt  }
0x79: {  	_ =	shalt  }
0x7a: {  	_ =	shalt  }
0x7b: {  	_ =	shalt  }
0x7c: {  	_ =	shalt  }
0x7d: {  	_ =	shalt  }
0x7e: {  	_ =	shalt  }
0x7f: {  	_ =	shalt  }
0x80: {  	_ =	shalt  }
0x81: {  	_ =	shalt  }
0x82: {  	_ =	shalt  }
0x83: {  	_ =	shalt  }
0x84: {  	_ =	shalt  }
0x85: {  	_ =	shalt  }
0x86: {  	_ =	shalt  }
0x87: {  	_ =	shalt  }
.Lfunc_end0:
.L_simem_size_0:
called_computation_lowered:
.L_overlay_start_0:
0x88: {  	s2 =	sld [smem:$0x3FD9]  }
0x89: {  	s3 =	sld [smem:$0x3FFE];
	_ =	sdelay $0x1  }
0x8a: {  	s1 =	srdreg.scid  }
0x8b: {  	s0 =	sand.u32 $0x1, s1  }
0x8c: {  	s17 =	sshll.u32 s0, $0xA;
	s2 =	sadd.s32 s3, s2  }
0x8d: {  	s2 =	sadd.s32 s2, s17  }
0x8e: {  	[smem:$0x3FB1] =	sst s2  }
0x8f: {  	_ = 	snop  }
0x90: {  	s2 =	sld [smem:$0x3FC8];
	(tm) =	ssettm $0x1  }
0x91: {  	s18 =	sld [smem:$0x3FFB];
	_ =	sdelay $0x3  }
0x92: {  	_ =	strace s18  }
0x93: {  	s3 =	sld [smem:$0x3FFC];
	_ =	sdelay $0x3  }
0x94: {  	_ =	strace s3  }
0x95: {  	s3 =	sld [smem:$0x3FFD];
	_ =	sdelay $0x3  }
0x96: {  	_ =	strace s3  }
0x97: {  	_ =	strace $0x8FFFFFFF  }
0x98: {  	s19 =	sld [smem:$0x3FDB];
	_ =	sdelay $0x1  }
0x99: {  	s4 =	simm.s32 $_scs_section_size  }
0x9a: {  	s5 =	simm.s32 $_size__tile_overlayer_lowered;
	s6 =	simm.s32 $_tile_overlayer_lowered  }
0x9b: {  	s22 =	simm.s32 $0x1BFF;
	s21 =	sshll.u32 s6, $0x1;
	s3 =	sadd.s32 s4, s19  }
0x9c: {  	s7 =	simm.s32 $0x0;
	s20 =	sshll.u32 s5, $0x1;
	s5 =	sadd.s32 s21, s3  }
0x9d: {  	[timem:s7], [sflag:s22] =	dma.local [hbm:s5], s20  }
0x9e: {  	_ =	swait.ge [sflag:s22], s20  }
0x9f: {  	s4 =	ssub.s32 $0x0, s20;
	[sflag:s22] =	ssyncset.done $0x0  }
0xa0: {  	[sflag:s22] =	ssyncadd.s32 s4;
	_ =	sdelay $0x1  }
0xa1: {  	s23 =	simm.s32 $0x1B8B  }
0xa2: {  	_ =	swait.ge [sflag:s23], $0x1  }
0xa3: {  	[sflag:s23] =	ssyncset.done $0x0  }
0xa4: {  	s25 =	simm.s32 $0x1B8E;
	s24 =	sld [smem:$0x3FFE];
	[sflag:s23] =	ssyncadd.s32 $0xFFFFFFFF  }
0xa5: {  	s26 =	simm.s32 $execute0_lowered;
	[smem:$0x3FD2] =	sst s25  }
0xa6: {  	s5 =	sshll.u32 s26, $0x1;
	_ =	strace $0x80000046;
	[dreg:$0x1] =	wrdreg $0xFFFFFFFF  }
0xa7: {  	s28 =	simm.s32 $_size_execute0_lowered;
	s3 =	sadd.s32 s3, s5;
	[dreg:$0x0] =	wrdreg $0x0  }
0xa8: {  	s5 =	sshll.u32 s28, $0x1;
	[dreg:$0x2] =	wrdreg s3  }
0xa9: {  	[dreg:$0x3] =	wrdreg s5  }
0xaa: {  	[dreg:$0x4] =	wrdreg $0xC0  }
0xab: {  	_ =	task [dreg:s7], $0x5FFFF  }
0xac: {  	[dreg:$0x1] =	wrdreg $0xFFFFFFFF  }
0xad: {  	[dreg:$0x0] =	wrdreg $0x60  }
0xae: {  	[dreg:$0x2] =	wrdreg s24  }
0xaf: {  	[dreg:$0x3] =	wrdreg s2  }
0xb0: {  	[dreg:$0x4] =	wrdreg $0xC4000  }
0xb1: {  	[dreg:$0x5] =	wrdreg $0x9  }
0xb2: {  	_ =	task.clear_ibuf [dreg:s7], $0x6FFFF;
	_ =	strace $0x90000046  }
0xb3: {  	s29 =	simm.s32 $0x9;
	_ =	strace $0x80000048  }
0xb4: {  	_ =	swait.ge [sflag:s29], $0x1  }
0xb5: {  	[sflag:s29] =	ssyncadd.s32 $0xFFFFFFFF  }
0xb6: {  	_ =	strace $0x90000048  }
0xb7: {  	_ =	sfence  }
0xb8: {  	s30 =	sld [smem:$0x0];
	_ =	sdelay $0x2  }
0xb9: {  	s31 =	sshll.u32 s1, $0xD;
	s1 =	sshrl.u32 s1, $0x2  }
0xba: {  	s3 =	sand.u32 $0x4000, s31;
	s1 =	sadd.s32 s1, s30  }
0xbb: {  	s0 =	sor.u32 s3, s0;
	s1 =	sshll.u32 s1, $0x11  }
0xbc: {  	s0 =	sor.u32 s1, s0  }
0xbd: {  	s0 =	sadd.s32 $0x8F2B, s0  }
0xbe: {  	[sflag:s0] =	ssyncadd.remote.s32 $0x1  }
0xbf: {  	_ =	sfence.sel $0xFFFF  }
0xc0: {  	[dreg:$0x0] =	wrdreg $0xFFFFFFFF;
	(pc) =	sbr.abs _section_cstart, $3  }
0xc1: {  	[dreg:$0x1] =	wrdreg $0xFFFFFFFF  }
0xc2: {  	_ =	task.clear_ibuf [dreg:s7], $0x2FFFF;
	_ =	strace $0x9FFFFFFF  }
0xc3: {  	(tm) =	ssettm $0x7FFFFFFF  }
tec
execute0_lowered:
.L_overlay_start_1:
0x0: {  	(tag) =	ssettag $0x1  }
0x1: {  	s0 =	rddreg [dreg:$0x0]  }
0x2: {  	s1 =	rddreg [dreg:$0x1]  }
0x3: {  	s2 =	rddreg [dreg:$0x2];
	s3 =	simm.s32 $0x0  }
0x4: {  	s4 =	srdreg.scid;
	s25 =	stileid.u32;
	s30 =	simm.s32 $0x4400  }
0x5: {  	s31 =	simm.s32 $0x5;
	s4 =	sand.u32 $0x1, s4;
	s9 =	smul.u32 $0x2800, s25  }
0x6: {  	[smem:$0x7FF] =	sst s3;
	s8 =	sor.u32 $0x10, s25;
	s7 =	smul.u32 $0x138800, s4  }
0x7: {  	s5 =	sadd.s32 $0x277000, s0;
	s11 =	sor.u32 $0x20, s25;
	s12 =	smul.u32 $0x2800, s8  }
0x8: {  	s6 =	sadd.s32 $0x6000, s0;
	s13 =	sor.u32 $0x30, s25;
	s14 =	smul.u32 $0x2800, s11  }
0x9: {  	s10 =	sadd.s32 $0x29E200, s0;
	s17 =	sor.u32 $0x40, s25;
	s16 =	smul.u32 $0x2800, s13  }
0xa: {  	s18 =	sor.u32 $0x50, s25;
	s19 =	sor.u32 $0x60, s25;
	s26 =	smul.u32 $0x2800, s17  }
0xb: {  	s20 =	sor.u32 $0x70, s25;
	p0 =	sgt.u32 s25, $0xC;
	s21 =	smul.u32 $0x2800, s18  }
0xc: {  	p1 =	sgt.u32 s25, $0x1;
	s24 =	ssub.s32 $0x2, s4;
	s22 =	smul.u32 $0x2800, s19  }
0xd: {  	_ =	strace $0x80000047;
	s23 =	smul.u32 $0x2800, s20;
	s15 =	sshrl.u32 s24, $0x1  }
0xe: {  	s8 =	smul.u32 $0xA000, s8;
	s0 =	ssub.s32 s24, s15;
	s9 =	sadd.s32 s9, s7  }
0xf: {  	s12 =	sadd.s32 s7, s12;
	s14 =	sadd.s32 s7, s14;
	s16 =	sadd.s32 s7, s16  }
0x10: {  	s15 =	sadd.s32 s7, s26;
	s21 =	sadd.s32 s7, s21;
	s22 =	sadd.s32 s7, s22  }
0x11: {  	s7 =	sadd.s32 s7, s23;
	s23 =	smul.u32 $0xA000, s25;
	s9 =	sshrl.u32 s9, $0x3  }
0x12: {  	s12 =	sshrl.u32 s12, $0x3;
	s24 =	sshrl.u32 s14, $0x3;
	s26 =	sshrl.u32 s16, $0x3  }
0x13: {  	s16 =	sshrl.u32 s15, $0x3;
	s21 =	sshrl.u32 s21, $0x3;
	s22 =	sshrl.u32 s22, $0x3  }
0x14: {  	s7 =	sshrl.u32 s7, $0x3;
	s28 =	smax.u32 s0, $0x1;
	s0 =	simm.s32 $0x1  }
0x15: {  	s9 =	sadd.s32 s10, s9;
	s14 =	sadd.s32 s10, s26;
	s26 =	smul.u32 $0xA000, s11  }
0x16: {  	s7 =	sadd.s32 s10, s7;
	s11 =	smul.u32 $0xA000, s13;
	[dreg:$0x4] =	wrdreg s9  }
0x17: {  	s13 =	smul.u32 $0xA000, s17;
	s9 =	sadd.s32 s10, s12;
	[dreg:$0x7] =	wrdreg s14  }
0x18: {  	[dreg:$0xb] =	wrdreg s7;
	s7 =	sshll.u32 s25, $0x1;
	s12 =	sshrl.u32 s8, $0x2  }
0x19: {  	s8 =	simm.s32 $0x2;
	[dreg:$0x5] =	wrdreg s9;
	s9 =	sadd.s32 s10, s24  }
0x1a: {  	s24 =	sadd.s32 s10, s22;
	s15 =	sor.u32 s4, s7;
	s17 =	sadd.s32 s12, s2  }
0x1b: {  	s14 =	sshrl.u32 s26, $0x2;
	s22 =	sshrl.u32 s11, $0x2;
	s26 =	smul.u32 $0xA000, s20  }
0x1c: {  	s4 =	simm.s32 $0x80;
	[dreg:$0x6] =	wrdreg s9;
	s9 =	sadd.s32 s10, s16  }
0x1d: {  	[dreg:$0xa] =	wrdreg s24;
	s24 =	sshrl.u32 s13, $0x2;
	s13 =	sshll.u32 s15, $0x5  }
0x1e: {  	[dreg:$0x8] =	wrdreg s9;
	s9 =	sadd.s32 s10, s21;
	s21 =	smul.u32 $0xA000, s18  }
0x1f: {  	s10 =	sshrl.u32 s23, $0x2;
	s18 =	sadd.s32 s14, s2;
	s23 =	smul.u32 $0xA000, s19  }
0x20: {  	s19 =	sadd.s32 s22, s2;
	s20 =	sadd.s32 s24, s2;
	s12 =	sshrl.u32 s26, $0x2  }
.Ltmp0:
0x21: {  	s14 =	sshll.u32 s15, $0xA;
	s24 =	sadd.s32 s1, s13;
	(pc) =	sbr.rel .LBB2_1-.Ltmp0, $4  }
0x22: {  	[dreg:$0x9] =	wrdreg s9;
	s16 =	sadd.s32 s10, s2;
	s26 =	sadd.s32 s6, s14  }
0x23: {  	s29 =	sadd.s32 $0x400, s24;
	s9 =	sshrl.u32 s21, $0x2;
	s11 =	sshrl.u32 s23, $0x2  }
0x24: {  	s23 =	sadd.s32 s12, s2;
	[dreg:$0xc] =	wrdreg s26;
	s26 =	ssub.s32 $0x9C4, s7  }
0x25: {  	v0 =	vimm.f32 $0.0e+00;
	s7 =	simm.s32 $0x3;
	s21 =	sadd.s32 s9, s2;
	s22 =	sadd.s32 s11, s2  }
.LBB2_9:
0x26: {  	s9 =	simm.s32 @!p1 $0x4  }
0x27: {  	_ =	swait.ge @!p1 [sflag:s9], $0x4000  }
0x28: {  	[sflag:s9] =	ssyncset.done @!p1 $0x0  }
0x29: {  	s11 =	stileid.u32;
	[sflag:s9] =	ssyncadd.s32 @!p1 $0xFFFFC000  }
0x2a: {  	s9 =	sshll.u32 s11, $0x6;
	[bflag:$0x0] =	sbarrier.arrive $0xFFFF  }
0x2b: {  	s10 =	sshrl.u32 s16, $0x3;
	s9 =	sor.u32 $0x1C05, s9;
	s11 =	rddreg [dreg:$0x4]  }
0x2c: {  	[hbm:s11], [sflag:s9] =	dma.local [spmem:s10], $0x500  }
0x2d: {  	_ =	swait.ge [sflag:s31], $0x500  }
0x2e: {  	[sflag:s31] =	ssyncset.done $0x0  }
0x2f: {  	s12 =	sshrl.u32 s17, $0x3;
	s13 =	rddreg [dreg:$0x5];
	[sflag:s31] =	ssyncadd.s32 $0xFFFFFB00  }
0x30: {  	[hbm:s13], [sflag:s9] =	dma.local [spmem:s12], $0x500  }
0x31: {  	_ =	swait.ge [sflag:s31], $0x500  }
0x32: {  	[sflag:s31] =	ssyncset.done $0x0  }
0x33: {  	s14 =	sshrl.u32 s18, $0x3;
	s25 =	rddreg [dreg:$0x6];
	[sflag:s31] =	ssyncadd.s32 $0xFFFFFB00  }
0x34: {  	[hbm:s25], [sflag:s9] =	dma.local [spmem:s14], $0x500  }
0x35: {  	_ =	swait.ge [sflag:s31], $0x500  }
0x36: {  	[sflag:s31] =	ssyncset.done $0x0  }
0x37: {  	s12 =	sshrl.u32 s19, $0x3;
	s13 =	rddreg [dreg:$0x7];
	[sflag:s31] =	ssyncadd.s32 $0xFFFFFB00  }
0x38: {  	[hbm:s13], [sflag:s9] =	dma.local [spmem:s12], $0x500  }
0x39: {  	_ =	swait.ge [sflag:s31], $0x500  }
0x3a: {  	[sflag:s31] =	ssyncset.done $0x0  }
0x3b: {  	s14 =	sshrl.u32 s20, $0x3;
	s25 =	rddreg [dreg:$0x8];
	[sflag:s31] =	ssyncadd.s32 $0xFFFFFB00  }
0x3c: {  	[hbm:s25], [sflag:s9] =	dma.local [spmem:s14], $0x500  }
0x3d: {  	_ =	swait.ge [sflag:s31], $0x500  }
0x3e: {  	[sflag:s31] =	ssyncset.done $0x0  }
0x3f: {  	s12 =	sshrl.u32 s21, $0x3;
	s13 =	rddreg [dreg:$0x9];
	[sflag:s31] =	ssyncadd.s32 $0xFFFFFB00  }
0x40: {  	[hbm:s13], [sflag:s9] =	dma.local [spmem:s12], $0x500  }
0x41: {  	_ =	swait.ge [sflag:s31], $0x500  }
0x42: {  	[sflag:s31] =	ssyncset.done $0x0  }
0x43: {  	s14 =	sshrl.u32 s22, $0x3;
	s25 =	rddreg [dreg:$0xa];
	[sflag:s31] =	ssyncadd.s32 $0xFFFFFB00  }
0x44: {  	[hbm:s25], [sflag:s9] =	dma.local [spmem:s14], $0x500  }
0x45: {  	s3 =	sadd.s32 $0x1, s3;
	_ =	swait.ge [sflag:s31], $0x500  }
0x46: {  	p2 =	sne.s32 s3, s28;
	[sflag:s31] =	ssyncset.done $0x0  }
0x47: {  	s10 =	sshrl.u32 @!p0 s23, $0x3;
	s11 =	rddreg [dreg:$0xb];
	[sflag:s31] =	ssyncadd.s32 $0xFFFFFB00  }
0x48: {  	[hbm:s11], [sflag:s9] =	dma.local @!p0 [spmem:s10], $0x500  }
.Ltmp1:
0x49: {  	_ = 	snop;
	(pc) =	sbr.rel @!p2 .LBB2_10-.Ltmp1, $4  }
0x4a: {  	s9 =	simm.s32 @!p0 $0x5  }
0x4b: {  	_ =	swait.ge @!p0 [sflag:s9], $0x500  }
0x4c: {  	[sflag:s9] =	ssyncset.done @!p0 $0x0  }
0x4d: {  	[sflag:s9] =	ssyncadd.s32 @!p0 $0xFFFFFB00  }
.LBB2_1:
0x4e: {  	s9 =	simm.s32 $0x0;
	s10 =	simm.s32 $0x200  }
.LBB2_2:
0x4f: {  	p2 =	sne.s32 s10, $0x9E00;
	[tilespmem:s9+$0x4470] =	vst v0  }
0x50: {  	[tilespmem:s9+$0x4400] =	vst v0  }
0x51: {  	[tilespmem:s9+$0x4410] =	vst v0  }
.Ltmp2:
0x52: {  	[tilespmem:s9+$0x4420] =	vst v0;
	(pc) =	sbr.rel @p2 .LBB2_2-.Ltmp2, $4  }
0x53: {  	[tilespmem:s9+$0x4430] =	vst v0  }
0x54: {  	[tilespmem:s9+$0x4440] =	vst v0  }
0x55: {  	[tilespmem:s9+$0x4450] =	vst v0  }
0x56: {  	[tilespmem:s9+$0x4460] =	vst v0;
	s9 =	sshra.s32 s10, $0x2;
	s10 =	sadd.s32 $0x200, s10  }
0x57: {  	[tilespmem:s9+$0x4470] =	vst v0  }
0x58: {  	[tilespmem:s9+$0x4400] =	vst v0  }
0x59: {  	[tilespmem:s9+$0x4410] =	vst v0  }
0x5a: {  	[tilespmem:s9+$0x4420] =	vst v0  }
0x5b: {  	[tilespmem:s9+$0x4430] =	vst v0  }
0x5c: {  	[tilespmem:s9+$0x4440] =	vst v0  }
0x5d: {  	[tilespmem:s9+$0x4450] =	vst v0  }
0x5e: {  	[tilespmem:s9+$0x4460] =	vst v0  }
0x5f: {  	[spmem:s16] =	stream.linear.scatter [tilespmem:s30], [sflag:$0x5], $0x2800, $0x38;
	[tilespmem:$0x1FC80] =	vst v63  }
0x60: {  	_ =	swait.ge [sflag:s31], $0x2800  }
0x61: {  	[sflag:s31] =	ssyncset.done $0x0  }
0x62: {  	[sflag:s31] =	ssyncadd.s32 $0xFFFFD800  }
0x63: {  	[spmem:s17] =	stream.linear.scatter [tilespmem:s30], [sflag:$0x5], $0x2800, $0x38;
	[tilespmem:$0x1FC80] =	vst v63  }
0x64: {  	_ =	swait.ge [sflag:s31], $0x2800  }
0x65: {  	[sflag:s31] =	ssyncset.done $0x0  }
0x66: {  	[sflag:s31] =	ssyncadd.s32 $0xFFFFD800  }
0x67: {  	[spmem:s18] =	stream.linear.scatter [tilespmem:s30], [sflag:$0x5], $0x2800, $0x38;
	[tilespmem:$0x1FC80] =	vst v63  }
0x68: {  	_ =	swait.ge [sflag:s31], $0x2800  }
0x69: {  	[sflag:s31] =	ssyncset.done $0x0  }
0x6a: {  	[sflag:s31] =	ssyncadd.s32 $0xFFFFD800  }
0x6b: {  	[spmem:s19] =	stream.linear.scatter [tilespmem:s30], [sflag:$0x5], $0x2800, $0x38;
	[tilespmem:$0x1FC80] =	vst v63  }
0x6c: {  	_ =	swait.ge [sflag:s31], $0x2800  }
0x6d: {  	[sflag:s31] =	ssyncset.done $0x0  }
0x6e: {  	[sflag:s31] =	ssyncadd.s32 $0xFFFFD800  }
0x6f: {  	[spmem:s20] =	stream.linear.scatter [tilespmem:s30], [sflag:$0x5], $0x2800, $0x38;
	[tilespmem:$0x1FC80] =	vst v63  }
0x70: {  	_ =	swait.ge [sflag:s31], $0x2800  }
0x71: {  	[sflag:s31] =	ssyncset.done $0x0  }
0x72: {  	[sflag:s31] =	ssyncadd.s32 $0xFFFFD800  }
0x73: {  	[spmem:s21] =	stream.linear.scatter [tilespmem:s30], [sflag:$0x5], $0x2800, $0x38;
	[tilespmem:$0x1FC80] =	vst v63  }
0x74: {  	_ =	swait.ge [sflag:s31], $0x2800  }
0x75: {  	[sflag:s31] =	ssyncset.done $0x0  }
0x76: {  	[sflag:s31] =	ssyncadd.s32 $0xFFFFD800  }
0x77: {  	[spmem:s22] =	stream.linear.scatter [tilespmem:s30], [sflag:$0x5], $0x2800, $0x38;
	[tilespmem:$0x1FC80] =	vst v63  }
0x78: {  	_ =	swait.ge [sflag:s31], $0x2800  }
0x79: {  	[sflag:s31] =	ssyncset.done $0x0  }
0x7a: {  	s9 =	simm.s32 @!p0 $0x4400;
	[sflag:s31] =	ssyncadd.s32 $0xFFFFD800  }
0x7b: {  	[spmem:s23] =	stream.linear.scatter @!p0 [tilespmem:s9], [sflag:$0x5], $0x2800, $0x38;
	[tilespmem:$0x1FC80] =	vst v63  }
0x7c: {  	s9 =	simm.s32 @!p0 $0x5  }
0x7d: {  	_ =	swait.ge @!p0 [sflag:s9], $0x2800  }
0x7e: {  	[sflag:s9] =	ssyncset.done @!p0 $0x0  }
0x7f: {  	[sflag:s9] =	ssyncadd.s32 @!p0 $0xFFFFD800  }
0x80: {  	s9 =	simm.s32 $0x0;
	[bflag:$0x0] =	sbarrier.arrive $0xFFFF  }
0x81: {  	[tilespmem:s9], [sflag:$0x1] =	stream.linear.gather [hbm4b:s24+s9], $0x100, $0x38;
	[tilespmem:$0x1FC80] =	vst v63  }
0x82: {  	s10 =	simm.s32 $0x100  }
0x83: {  	[tilespmem:s10], [sflag:$0x1] =	stream.linear.gather [hbm4b:s29+s9], $0x100, $0x38;
	[tilespmem:$0x1FC80] =	vst v63  }
0x84: {  	s11 =	simm.s32 $0x400;
	s25 =	rddreg [dreg:$0xc]  }
0x85: {  	[tilespmem:s11], [sflag:$0x2] =	stream.linear.gather [hbm4b:s25+s9], $0x2000, $0x38;
	[tilespmem:$0x1FC80] =	vst v63  }
.Ltmp3:
0x86: {  	_ = 	snop;
	(pc) =	sbr.rel .LBB2_4-.Ltmp3, $4  }
0x87: {  	_ =	swait.ge [sflag:s0], $0x100  }
0x88: {  	[sflag:s0] =	ssyncset.done $0x0  }
0x89: {  	p2 =	por $0x0, $0x0;
	[sflag:s0] =	ssyncadd.s32 $0xFFFFFF00  }
0x8a: {  	[tilespmem:s30], [sflag:$0x3] =	stream.indirect.gather [hbm4b:s5+s4], $0x80, s9, s4, $0xb8;
	[tilespmem:$0x1FC80] =	vst v63  }
.LBB2_8:
0x8b: {  	p3 =	sne.s32 s10, $0x4F  }
.Ltmp4:
0x8c: {  	_ = 	snop;
	(pc) =	sbr.rel @!p3 .LBB2_9-.Ltmp4, $2  }
0x8d: {  	_ =	sdelay $0x2  }
0x8e: {  	p2 =	por !p2, !p2;
	s9 =	smov.u32 s10  }
.LBB2_4:
0x8f: {  	s10 =	sadd.s32 $0x1, s9;
	p4 =	seq.s32 s9, $0x0  }
0x90: {  	s11 =	simm.s32 @!p4 $0x4;
	s12 =	sshll.u32 s10, $0x5  }
0x91: {  	_ =	swait.ge @!p4 [sflag:s11], $0x4000;
	s12 =	sor.u32 s15, s12  }
0x92: {  	[sflag:s11] =	ssyncset.done @!p4 $0x0;
	p3 =	sgt.u32 s12, $0x9C3  }
0x93: {  	[sflag:s11] =	ssyncadd.s32 @!p4 $0xFFFFC000;
	s11 =	simm.s32 @!p3 $0x1  }
0x94: {  	_ =	swait.ge @!p3 [sflag:s11], $0x100  }
0x95: {  	s13 =	sand.u32 $0x1, s10;
	[sflag:s11] =	ssyncset.done @!p3 $0x0  }
0x96: {  	s14 =	sshll.u32 @!p3 s10, $0x8;
	[sflag:s11] =	ssyncadd.s32 @!p3 $0xFFFFFF00;
	s11 =	sshll.u32 @!p3 s13, $0xE  }
0x97: {  	s25 =	simm.s32 @!p3 $0x80;
	s14 =	sand.u32 @!p3 $0x300, s14;
	s11 =	sadd.s32 @!p3 $0x4400, s11  }
0x98: {  	[tilespmem:s11], [sflag:$0x3] =	stream.indirect.gather @!p3 [hbm4b:s5+s25], $0x80, s14, s25, $0xb8;
	[tilespmem:$0x1FC80] =	vst v63  }
0x99: {  	s11 =	sadd.s32 $0x2, s9  }
0x9a: {  	s25 =	sshll.u32 s11, $0x5  }
0x9b: {  	s12 =	sshll.u32 @!p3 s12, $0xA;
	s14 =	sor.u32 s15, s25  }
0x9c: {  	s12 =	sadd.s32 @!p3 s6, s12;
	p4 =	sgt.u32 s14, $0x9C3  }
0x9d: {  	s13 =	sshll.u32 @!p3 s13, $0xD;
	s11 =	sshll.u32 @!p4 s11, $0x8;
	s14 =	sshll.u32 @!p4 s14, $0x5  }
0x9e: {  	s25 =	simm.s32 @!p4 $0x0;
	s11 =	sand.u32 @!p4 $0x300, s11;
	s14 =	sadd.s32 @!p4 s1, s14  }
0x9f: {  	[tilespmem:s11], [sflag:$0x1] =	stream.linear.gather @!p4 [hbm4b:s14+s25], $0x100, $0x38;
	[tilespmem:$0x1FC80] =	vst v63  }
0xa0: {  	s13 =	sor.u32 @!p3 $0x400, s13;
	s25 =	sshll.u32 s9, $0x5;
	s14 =	simm.s32 @!p3 $0x0  }
0xa1: {  	[tilespmem:s13], [sflag:$0x2] =	stream.linear.gather @!p3 [hbm4b:s12+s14], $0x2000, $0x38;
	[tilespmem:$0x1FC80] =	vst v63  }
0xa2: {  	p3 =	sge.u32 s25, s26  }
.Ltmp5:
0xa3: {  	_ = 	snop;
	(pc) =	sbr.rel @p3 .LBB2_8-.Ltmp5, $1  }
0xa4: {  	_ =	sdelay $0x3  }
0xa5: {  	s11 =	simm.s32 $0x1  }
0xa6: {  	s11 =	simm.s32 @!p2 $0x0  }
0xa7: {  	s12 =	sshll.u32 s11, $0xD  }
0xa8: {  	_ =	swait.ge [sflag:s7], $0x4000;
	s12 =	sor.u32 $0x470, s12  }
0xa9: {  	[sflag:s7] =	ssyncset.done $0x0;
	v1 =	vmov s12  }
0xaa: {  	[sflag:s7] =	ssyncadd.s32 $0xFFFFC000  }
0xab: {  	_ =	swait.ge [sflag:s8], $0x2000  }
0xac: {  	[sflag:s8] =	ssyncset.done $0x0  }
0xad: {  	s14 =	simm.s32 $0x0;
	s11 =	sshll.u32 s11, $0xE;
	[sflag:s8] =	ssyncadd.s32 $0xFFFFE000  }
0xae: {  	s11 =	sadd.s32 $0x4480, s11;
	v2 =	vld.idx.msk [tilespmem:v1+s14+$0xFFFFFF90 ss:$0x1], $0xffff  }
0xaf: {  	v3 =	vld [tilespmem:s11+$0xFFFFFF80]  }
0xb0: {  	v4 =	vld [tilespmem:s11+$0xFFFFFF90];
	_ =	sdelay $0x2  }
0xb1: {  	v5 =	vshll.u32 v2, $0x10  }
0xb2: {  	v2 =	vand.u32 $0xFFFF0000, v2;
	v3 =	vadd.f32 v5, v3  }
0xb3: {  	v2 =	vadd.f32 v2, v4  }
0xb4: {  	v3 =	vmax.f32 v3, $0.0e+00  }
0xb5: {  	v2 =	vmax.f32 v2, $0.0e+00;
	[tilespmem:s11+$0xFFFFFF80] =	vst v3  }
0xb6: {  	[tilespmem:s11+$0xFFFFFF90] =	vst v2  }
0xb7: {  	v2 =	vld.idx.msk [tilespmem:v1+s14+$0xFFFFFFA0 ss:$0x1], $0xffff  }
0xb8: {  	v3 =	vld [tilespmem:s11+$0xFFFFFFA0]  }
0xb9: {  	v4 =	vld [tilespmem:s11+$0xFFFFFFB0];
	_ =	sdelay $0x2  }
0xba: {  	v5 =	vshll.u32 v2, $0x10  }
0xbb: {  	v2 =	vand.u32 $0xFFFF0000, v2;
	v3 =	vadd.f32 v5, v3  }
0xbc: {  	v2 =	vadd.f32 v2, v4  }
0xbd: {  	v3 =	vmax.f32 v3, $0.0e+00  }
0xbe: {  	v2 =	vmax.f32 v2, $0.0e+00;
	[tilespmem:s11+$0xFFFFFFA0] =	vst v3  }
0xbf: {  	[tilespmem:s11+$0xFFFFFFB0] =	vst v2  }
0xc0: {  	v2 =	vld.idx.msk [tilespmem:v1+s14+$0xFFFFFFB0 ss:$0x1], $0xffff  }
0xc1: {  	v3 =	vld [tilespmem:s11+$0xFFFFFFC0]  }
0xc2: {  	v4 =	vld [tilespmem:s11+$0xFFFFFFD0];
	_ =	sdelay $0x2  }
0xc3: {  	v5 =	vshll.u32 v2, $0x10  }
0xc4: {  	v2 =	vand.u32 $0xFFFF0000, v2;
	v3 =	vadd.f32 v5, v3  }
0xc5: {  	v2 =	vadd.f32 v2, v4  }
0xc6: {  	v3 =	vmax.f32 v3, $0.0e+00  }
0xc7: {  	v2 =	vmax.f32 v2, $0.0e+00;
	[tilespmem:s11+$0xFFFFFFC0] =	vst v3  }
0xc8: {  	[tilespmem:s11+$0xFFFFFFD0] =	vst v2  }
0xc9: {  	v2 =	vld.idx.msk [tilespmem:v1+s14+$0xFFFFFFC0 ss:$0x1], $0xffff  }
0xca: {  	v3 =	vld [tilespmem:s11+$0xFFFFFFE0]  }
0xcb: {  	v4 =	vld [tilespmem:s11+$0xFFFFFFF0];
	_ =	sdelay $0x2  }
0xcc: {  	v5 =	vshll.u32 v2, $0x10  }
0xcd: {  	v2 =	vand.u32 $0xFFFF0000, v2;
	v3 =	vadd.f32 v5, v3  }
0xce: {  	v2 =	vadd.f32 v2, v4  }
0xcf: {  	v3 =	vmax.f32 v3, $0.0e+00  }
0xd0: {  	v2 =	vmax.f32 v2, $0.0e+00;
	[tilespmem:s11+$0xFFFFFFE0] =	vst v3  }
0xd1: {  	[tilespmem:s11+$0xFFFFFFF0] =	vst v2  }
0xd2: {  	v2 =	vld.idx.msk [tilespmem:v1+s14+$0xFFFFFFD0 ss:$0x1], $0xffff  }
0xd3: {  	v3 =	vld [tilespmem:s11+$0x0]  }
0xd4: {  	v4 =	vld [tilespmem:s11+$0x10];
	_ =	sdelay $0x2  }
0xd5: {  	v5 =	vshll.u32 v2, $0x10  }
0xd6: {  	v2 =	vand.u32 $0xFFFF0000, v2;
	v3 =	vadd.f32 v5, v3  }
0xd7: {  	v2 =	vadd.f32 v2, v4  }
0xd8: {  	v3 =	vmax.f32 v3, $0.0e+00  }
0xd9: {  	v2 =	vmax.f32 v2, $0.0e+00;
	[tilespmem:s11+$0x0] =	vst v3  }
0xda: {  	[tilespmem:s11+$0x10] =	vst v2  }
0xdb: {  	v2 =	vld.idx.msk [tilespmem:v1+s14+$0xFFFFFFE0 ss:$0x1], $0xffff  }
0xdc: {  	v3 =	vld [tilespmem:s11+$0x20]  }
0xdd: {  	v4 =	vld [tilespmem:s11+$0x30];
	_ =	sdelay $0x2  }
0xde: {  	v5 =	vshll.u32 v2, $0x10  }
0xdf: {  	v2 =	vand.u32 $0xFFFF0000, v2;
	v3 =	vadd.f32 v5, v3  }
0xe0: {  	v2 =	vadd.f32 v2, v4  }
0xe1: {  	v3 =	vmax.f32 v3, $0.0e+00  }
0xe2: {  	v2 =	vmax.f32 v2, $0.0e+00;
	[tilespmem:s11+$0x20] =	vst v3  }
0xe3: {  	[tilespmem:s11+$0x30] =	vst v2  }
0xe4: {  	v2 =	vld.idx.msk [tilespmem:v1+s14+$0xFFFFFFF0 ss:$0x1], $0xffff  }
0xe5: {  	v3 =	vld [tilespmem:s11+$0x40]  }
0xe6: {  	v4 =	vld [tilespmem:s11+$0x50];
	_ =	sdelay $0x2  }
0xe7: {  	v5 =	vshll.u32 v2, $0x10  }
0xe8: {  	v2 =	vand.u32 $0xFFFF0000, v2;
	v3 =	vadd.f32 v5, v3  }
0xe9: {  	v2 =	vadd.f32 v2, v4  }
0xea: {  	v3 =	vmax.f32 v3, $0.0e+00  }
0xeb: {  	s13 =	sand.u32 $0x1, s9;
	v4 =	vld [tilespmem:s11+$0x70];
	v2 =	vmax.f32 v2, $0.0e+00;
	[tilespmem:s11+$0x40] =	vst v3  }
0xec: {  	s25 =	sshll.u32 s13, $0xE;
	[tilespmem:s11+$0x50] =	vst v2;
	v3 =	vld [tilespmem:s11+$0x60]  }
0xed: {  	s12 =	sadd.s32 $0x4400, s25;
	s13 =	smov.u32 s11;
	v2 =	vld.idx.msk [tilespmem:v1+s14+$0x0 ss:$0x1], $0xffff;
	s14 =	simm.s32 $0x200  }
.LBB2_6:
0xee: {  	p3 =	sne.s32 s14, $0x7E00  }
0xef: {  	s11 =	sadd.s32 $0x100, s11;
	s25 =	smov.u32 s14;
	s14 =	sadd.s32 $0x200, s14  }
0xf0: {  	_ =	sdelay $0x1  }
0xf1: {  	v5 =	vshll.u32 v2, $0x10;
	v2 =	vand.u32 $0xFFFF0000, v2  }
0xf2: {  	v3 =	vadd.f32 v5, v3;
	v2 =	vadd.f32 v2, v4;
	_ =	sdelay $0x1  }
0xf3: {  	v3 =	vmax.f32 v3, $0.0e+00;
	v2 =	vmax.f32 v2, $0.0e+00  }
0xf4: {  	[tilespmem:s13+$0x60] =	vst v3  }
0xf5: {  	s25 =	sshra.s32 s25, $0x2;
	[tilespmem:s13+$0x70] =	vst v2;
	s13 =	smov.u32 s11  }
0xf6: {  	v2 =	vld.idx.msk [tilespmem:v1+s25+$0xFFFFFF90 ss:$0x1], $0xffff  }
0xf7: {  	v3 =	vld [tilespmem:s11+$0xFFFFFF90]  }
0xf8: {  	v4 =	vld [tilespmem:s11+$0xFFFFFF80];
	_ =	sdelay $0x3  }
0xf9: {  	v5 =	vshll.u32 v2, $0x10;
	v2 =	vand.u32 $0xFFFF0000, v2  }
0xfa: {  	v2 =	vadd.f32 v2, v3;
	v4 =	vadd.f32 v5, v4;
	_ =	sdelay $0x1  }
0xfb: {  	v2 =	vmax.f32 v2, $0.0e+00;
	v3 =	vmax.f32 v4, $0.0e+00  }
0xfc: {  	[tilespmem:s11+$0xFFFFFF80] =	vst v3  }
0xfd: {  	[tilespmem:s11+$0xFFFFFF90] =	vst v2  }
0xfe: {  	v2 =	vld.idx.msk [tilespmem:v1+s25+$0xFFFFFFA0 ss:$0x1], $0xffff  }
0xff: {  	v3 =	vld [tilespmem:s11+$0xFFFFFFB0]  }
0x100: {  	v4 =	vld [tilespmem:s11+$0xFFFFFFA0];
	_ =	sdelay $0x3  }
0x101: {  	v5 =	vshll.u32 v2, $0x10;
	v2 =	vand.u32 $0xFFFF0000, v2  }
0x102: {  	v2 =	vadd.f32 v2, v3;
	v4 =	vadd.f32 v5, v4;
	_ =	sdelay $0x1  }
0x103: {  	v2 =	vmax.f32 v2, $0.0e+00;
	v3 =	vmax.f32 v4, $0.0e+00  }
0x104: {  	[tilespmem:s11+$0xFFFFFFA0] =	vst v3  }
0x105: {  	[tilespmem:s11+$0xFFFFFFB0] =	vst v2  }
0x106: {  	v2 =	vld.idx.msk [tilespmem:v1+s25+$0xFFFFFFB0 ss:$0x1], $0xffff  }
0x107: {  	v3 =	vld [tilespmem:s11+$0xFFFFFFD0]  }
0x108: {  	v4 =	vld [tilespmem:s11+$0xFFFFFFC0];
	_ =	sdelay $0x3  }
0x109: {  	v5 =	vshll.u32 v2, $0x10;
	v2 =	vand.u32 $0xFFFF0000, v2  }
0x10a: {  	v2 =	vadd.f32 v2, v3;
	v4 =	vadd.f32 v5, v4;
	_ =	sdelay $0x1  }
0x10b: {  	v2 =	vmax.f32 v2, $0.0e+00;
	v3 =	vmax.f32 v4, $0.0e+00  }
0x10c: {  	[tilespmem:s11+$0xFFFFFFC0] =	vst v3  }
0x10d: {  	[tilespmem:s11+$0xFFFFFFD0] =	vst v2;
	v2 =	vld [tilespmem:s11+$0xFFFFFFF0]  }
0x10e: {  	v3 =	vld.idx.msk [tilespmem:v1+s25+$0xFFFFFFC0 ss:$0x1], $0xffff;
	_ =	sdelay $0x1  }
0x10f: {  	v4 =	vld [tilespmem:s11+$0xFFFFFFE0];
	_ =	sdelay $0x3  }
0x110: {  	v5 =	vshll.u32 v3, $0x10;
	v3 =	vand.u32 $0xFFFF0000, v3  }
0x111: {  	v2 =	vadd.f32 v3, v2;
	v4 =	vadd.f32 v5, v4;
	_ =	sdelay $0x1  }
0x112: {  	v2 =	vmax.f32 v2, $0.0e+00;
	v3 =	vmax.f32 v4, $0.0e+00  }
0x113: {  	[tilespmem:s11+$0xFFFFFFE0] =	vst v3  }
0x114: {  	[tilespmem:s11+$0xFFFFFFF0] =	vst v2  }
0x115: {  	v2 =	vld.idx.msk [tilespmem:v1+s25+$0xFFFFFFD0 ss:$0x1], $0xffff  }
0x116: {  	v3 =	vld [tilespmem:s11+$0x10]  }
0x117: {  	v4 =	vld [tilespmem:s11+$0x0];
	_ =	sdelay $0x3  }
0x118: {  	v5 =	vshll.u32 v2, $0x10;
	v2 =	vand.u32 $0xFFFF0000, v2  }
0x119: {  	v2 =	vadd.f32 v2, v3;
	v4 =	vadd.f32 v5, v4;
	_ =	sdelay $0x1  }
0x11a: {  	v2 =	vmax.f32 v2, $0.0e+00;
	v3 =	vmax.f32 v4, $0.0e+00  }
0x11b: {  	[tilespmem:s11+$0x0] =	vst v3  }
0x11c: {  	[tilespmem:s11+$0x10] =	vst v2  }
0x11d: {  	v2 =	vld.idx.msk [tilespmem:v1+s25+$0xFFFFFFE0 ss:$0x1], $0xffff  }
0x11e: {  	v3 =	vld [tilespmem:s11+$0x30]  }
0x11f: {  	v4 =	vld [tilespmem:s11+$0x20];
	_ =	sdelay $0x3  }
0x120: {  	v5 =	vshll.u32 v2, $0x10;
	v2 =	vand.u32 $0xFFFF0000, v2  }
0x121: {  	v2 =	vadd.f32 v2, v3;
	v4 =	vadd.f32 v5, v4;
	_ =	sdelay $0x1  }
0x122: {  	v2 =	vmax.f32 v2, $0.0e+00;
	v3 =	vmax.f32 v4, $0.0e+00  }
0x123: {  	[tilespmem:s11+$0x20] =	vst v3  }
0x124: {  	[tilespmem:s11+$0x30] =	vst v2  }
0x125: {  	v2 =	vld.idx.msk [tilespmem:v1+s25+$0xFFFFFFF0 ss:$0x1], $0xffff  }
0x126: {  	v3 =	vld [tilespmem:s11+$0x50]  }
0x127: {  	v4 =	vld [tilespmem:s11+$0x40];
	_ =	sdelay $0x3  }
0x128: {  	v5 =	vshll.u32 v2, $0x10;
	v2 =	vand.u32 $0xFFFF0000, v2  }
0x129: {  	v2 =	vadd.f32 v2, v3;
	v4 =	vadd.f32 v5, v4;
	_ =	sdelay $0x1  }
0x12a: {  	v2 =	vmax.f32 v2, $0.0e+00;
	v3 =	vmax.f32 v4, $0.0e+00  }
.Ltmp6:
0x12b: {  	[tilespmem:s11+$0x40] =	vst v3;
	(pc) =	sbr.rel @p3 .LBB2_6-.Ltmp6, $4  }
0x12c: {  	[tilespmem:s11+$0x50] =	vst v2  }
0x12d: {  	v2 =	vld.idx.msk [tilespmem:v1+s25+$0x0 ss:$0x1], $0xffff  }
0x12e: {  	v3 =	vld [tilespmem:s11+$0x60]  }
0x12f: {  	v4 =	vld [tilespmem:s11+$0x70]  }
0x130: {  	_ =	sdelay $0x1  }
0x131: {  	v1 =	vshll.u32 v2, $0x10  }
0x132: {  	v2 =	vand.u32 $0xFFFF0000, v2;
	v1 =	vadd.f32 v1, v3  }
.Ltmp7:
0x133: {  	v2 =	vadd.f32 v2, v4;
	(pc) =	sbr.rel .LBB2_8-.Ltmp7, $4  }
0x134: {  	s9 =	sshll.u32 s9, $0x8;
	v1 =	vmax.f32 v1, $0.0e+00  }
0x135: {  	s9 =	sand.u32 $0x300, s9;
	v2 =	vmax.f32 v2, $0.0e+00;
	[tilespmem:s13+$0x60] =	vst v1  }
0x136: {  	s9 =	sor.u32 $0x80, s9;
	[tilespmem:s13+$0x70] =	vst v2  }
0x137: {  	[spmem:s2] =	stream.indirect.scatter.add.f32 [tilespmem:s12], [sflag:$0x4], $0x80, s9, s4, $0xb8;
	[tilespmem:$0x1FC80] =	vst v63  }
.LBB2_10:
0x138: {  	_ =	sfence.sel $0x180000  }
0x139: {  	[bflag:$0x0] =	sbarrier.arrive $0xFFFF  }
0x13a: {  	_ =	strace $0x90000047  }
0x13b: {  	s0 =	stileid.u32;
	[bflag:$0x2] =	sbarrier.arrive $0xFFFF  }
0x13c: {  	p0 =	sne.s32 s0, $0x0;
	s0 =	rddreg [dreg:$0x3]  }
0x13d: {  	s0 =	sadd.s32 @!p0 $0x100000, s0  }
0x13e: {  	[sflag:s0] =	ssyncadd.tile.s32 @!p0 $0x1;
	_ =	shalt  }
.Lfunc_end2:
_tile_overlayer_lowered:
.L_overlay_start_2:
0x13f: {  	(tag) =	ssettag $0x2  }
0x140: {  	s0 =	rddreg [dreg:$0x0];
	s2 =	stileid.u32  }
0x141: {  	s1 =	rddreg [dreg:$0x1];
	p0 =	sne.s32 s2, $0x0  }
0x142: {  	s3 =	rddreg [dreg:$0x2];
	[bflag:$0x3] =	sbarrier.arrive $0xFFFF;
	s2 =	simm.s32 @!p0 $0x1C05  }
0x143: {  	[timem:s3], [sflag:s2] =	dma.local @!p0 [hbm:s0], s1  }
0x144: {  	s0 =	simm.s32 @!p0 $0x5  }
0x145: {  	_ =	swait.ge @!p0 [sflag:s0], s1  }
0x146: {  	s1 =	ssub.s32 @!p0 $0x0, s1;
	[sflag:s0] =	ssyncset.done @!p0 $0x0  }
0x147: {  	[sflag:s0] =	ssyncadd.s32 @!p0 s1  }
0x148: {  	[bflag:$0x3] =	sbarrier.arrive $0xFFFF  }
0x149: {  	_ =	shalt  }

// kernel: kernel.16.cloned.1.call-start
scs
__scs_entry_jumppad:
0x0: {  	(pc) =	sbr.rel $0x88, $3  }
0x1: {  	(tag) =	ssettag $0x0;
	lr =	simm.s32 $0x1  }
0x2: {  	[smem:$0x3F8A] =	sst lr;
	_ =	strace $0xD0000000  }
0x3: {  	_ = 	snop  }
0x4: {  	_ = 	snop  }
0x5: {  	_ = 	snop  }
0x6: {  	_ = 	snop  }
0x7: {  	_ = 	snop  }
__scs_overlays_trampoline_lowered:
0x8: {  	[smem:$0x3F99] =	sst s0  }
0x9: {  	[smem:$0x3F9A] =	sst s1  }
0xa: {  	[smem:$0x3F9B] =	sst s2  }
0xb: {  	[smem:$0x3F9C] =	sst s3  }
0xc: {  	[smem:$0x3F9D] =	sst s4  }
0xd: {  	[smem:$0x3F9E] =	sst s5  }
0xe: {  	[smem:$0x3F9F] =	sst s6  }
0xf: {  	[smem:$0x3FA0] =	sst s7  }
0x10: {  	[smem:$0x3FA1] =	sst s8  }
0x11: {  	[smem:$0x3FA2] =	sst s9;
	s0 =	simm.s32 @!p0 $0x0  }
0x12: {  	s1 =	sld [smem:$0x3F88];
	s0 =	simm.s32 @p0 $0x1  }
0x13: {  	[smem:$0x3FA3] =	sst s0;
	s0 =	simm.s32 @!p1 $0x0  }
0x14: {  	s2 =	sld [smem:$0x3F87];
	s0 =	simm.s32 @p1 $0x1  }
0x15: {  	[smem:$0x3FA4] =	sst s0;
	s0 =	simm.s32 @!p2 $0x0  }
0x16: {  	s3 =	sld [smem:$0x3FDB];
	s0 =	simm.s32 @p2 $0x1  }
0x17: {  	s4 =	simm.s32 $0x1BF5;
	[smem:$0x3FA6] =	sst s0  }
0x18: {  	s0 =	sld [smem:$0x3F89];
	_ =	swait.ge [sflag:s4], $0x0  }
0x19: {  	s7 =	sld [smem:$0x3F8A]  }
0x1a: {  	s8 =	sadd.s32 $0xFFFFE003, lr  }
0x1b: {  	s9 =	sadd.s32 $0xFFFFFEF7, lr;
	s5 =	simm.s32 $0xFFFFFFFF;
	p2 =	slt.u32 s8, $0xFFFFF086  }
0x1c: {  	p1 =	slt.u32 s9, $0xF7A;
	s5 =	simm.s32 @!p2 $0x0  }
0x1d: {  	s5 =	simm.s32 @p1 $0x1;
	p0 =	seq.s32 s7, s2  }
0x1e: {  	s7 =	smul.u32 @!p0 $0xF7A, s2;
	p2 =	seq.s32 @!p0 s5, $0x0  }
0x1f: {  	s9 =	smul.u32 $0xF7A, s1;
	s8 =	simm.s32 @!p0 $0x1BF5;
	p2 =	por !p2, p0  }
0x20: {  	[sflag:s8] =	ssyncset.s32 @!p0 $0xFFFFF086;
	s6 =	sadd.s32 @!p0 s3, s7;
	s7 =	simm.s32 @!p0 $0x108  }
0x21: {  	s3 =	sadd.s32 s3, s9;
	s6 =	sadd.s32 @!p0 $0x88, s6;
	s7 =	simm.s32 @p2 $0x1082  }
0x22: {  	[simem:s7], [sflag:s8] =	dma.local @!p0 [hbm:s6], $0xF7A  }
0x23: {  	s9 =	sor.u32 $0xD0000000, s2;
	s6 =	simm.s32 $0x108;
	_ =	swait.ge @!p0 [sflag:s8], $0x0  }
0x24: {  	s3 =	sadd.s32 $0x88, s3;
	s6 =	simm.s32 @!p1 $0x1082;
	[sflag:s4] =	ssyncset.s32 $0xFFFFF086  }
0x25: {  	[simem:s6], [sflag:s4] =	dma.local [hbm:s3], $0xF7A  }
0x26: {  	[smem:$0x3F8A] =	sst s1;
	(tag) =	ssettag s2;
	_ =	strace s9  }
0x27: {  	s1 =	sld [smem:$0x3F9A]  }
0x28: {  	s2 =	sld [smem:$0x3F9B]  }
0x29: {  	s4 =	sld [smem:$0x3F9D]  }
0x2a: {  	p0 =	seq.s32 s5, $0x0;
	s5 =	sld [smem:$0x3F9E]  }
0x2b: {  	s6 =	sld [smem:$0x3F9F]  }
0x2c: {  	s7 =	sld [smem:$0x3FA0]  }
0x2d: {  	s3 =	simm.s32 $0x108;
	s8 =	sld [smem:$0x3FA1]  }
0x2e: {  	s3 =	simm.s32 @!p0 $0x1082;
	s9 =	sld [smem:$0x3FA2]  }
0x2f: {  	lr =	sadd.s32 s0, s3;
	s0 =	sld [smem:$0x3F99]  }
0x30: {  	s3 =	sld [smem:$0x3F9C]  }
0x31: {  	[smem:$0x3FA5] =	sst s10  }
0x32: {  	s10 =	sld [smem:$0x3FA3];
	_ =	sdelay $0x3  }
0x33: {  	p0 =	seq.s32 s10, $0x1;
	s10 =	sld [smem:$0x3FA5];
	_ =	sdelay $0x3  }
0x34: {  	[smem:$0x3FA5] =	sst s10  }
0x35: {  	s10 =	sld [smem:$0x3FA4];
	_ =	sdelay $0x3  }
0x36: {  	p1 =	seq.s32 s10, $0x1;
	s10 =	sld [smem:$0x3FA5];
	_ =	sdelay $0x3  }
0x37: {  	[smem:$0x3FA5] =	sst s10  }
0x38: {  	s10 =	sld [smem:$0x3FA6]  }
0x39: {  	_ = 	snop;
	(pc) =	sbr.ind lr, $3  }
0x3a: {  	_ = 	snop  }
0x3b: {  	_ = 	snop  }
0x3c: {  	p2 =	seq.s32 s10, $0x1;
	s10 =	sld [smem:$0x3FA5]  }
0x3d: {  	_ =	shalt  }
0x3e: {  	_ =	shalt  }
0x3f: {  	_ =	shalt  }
0x40: {  	_ =	shalt  }
0x41: {  	_ =	shalt  }
0x42: {  	_ =	shalt  }
0x43: {  	_ =	shalt  }
0x44: {  	_ =	shalt  }
0x45: {  	_ =	shalt  }
0x46: {  	_ =	shalt  }
0x47: {  	_ =	shalt  }
0x48: {  	_ =	shalt  }
0x49: {  	_ =	shalt  }
0x4a: {  	_ =	shalt  }
0x4b: {  	_ =	shalt  }
0x4c: {  	_ =	shalt  }
0x4d: {  	_ =	shalt  }
0x4e: {  	_ =	shalt  }
0x4f: {  	_ =	shalt  }
0x50: {  	_ =	shalt  }
0x51: {  	_ =	shalt  }
0x52: {  	_ =	shalt  }
0x53: {  	_ =	shalt  }
0x54: {  	_ =	shalt  }
0x55: {  	_ =	shalt  }
0x56: {  	_ =	shalt  }
0x57: {  	_ =	shalt  }
0x58: {  	_ =	shalt  }
0x59: {  	_ =	shalt  }
0x5a: {  	_ =	shalt  }
0x5b: {  	_ =	shalt  }
0x5c: {  	_ =	shalt  }
0x5d: {  	_ =	shalt  }
0x5e: {  	_ =	shalt  }
0x5f: {  	_ =	shalt  }
0x60: {  	_ =	shalt  }
0x61: {  	_ =	shalt  }
0x62: {  	_ =	shalt  }
0x63: {  	_ =	shalt  }
0x64: {  	_ =	shalt  }
0x65: {  	_ =	shalt  }
0x66: {  	_ =	shalt  }
0x67: {  	_ =	shalt  }
0x68: {  	_ =	shalt  }
0x69: {  	_ =	shalt  }
0x6a: {  	_ =	shalt  }
0x6b: {  	_ =	shalt  }
0x6c: {  	_ =	shalt  }
0x6d: {  	_ =	shalt  }
0x6e: {  	_ =	shalt  }
0x6f: {  	_ =	shalt  }
0x70: {  	_ =	shalt  }
0x71: {  	_ =	shalt  }
0x72: {  	_ =	shalt  }
0x73: {  	_ =	shalt  }
0x74: {  	_ =	shalt  }
0x75: {  	_ =	shalt  }
0x76: {  	_ =	shalt  }
0x77: {  	_ =	shalt  }
0x78: {  	_ =	shalt  }
0x79: {  	_ =	shalt  }
0x7a: {  	_ =	shalt  }
0x7b: {  	_ =	shalt  }
0x7c: {  	_ =	shalt  }
0x7d: {  	_ =	shalt  }
0x7e: {  	_ =	shalt  }
0x7f: {  	_ =	shalt  }
0x80: {  	_ =	shalt  }
0x81: {  	_ =	shalt  }
0x82: {  	_ =	shalt  }
0x83: {  	_ =	shalt  }
0x84: {  	_ =	shalt  }
0x85: {  	_ =	shalt  }
0x86: {  	_ =	shalt  }
0x87: {  	_ =	shalt  }
.Lfunc_end0:
.L_simem_size_0:
called_computation.1_lowered:
.L_overlay_start_0:
0x88: {  	s2 =	sld [smem:$0x3FD9]  }
0x89: {  	s3 =	sld [smem:$0x3FFE];
	_ =	sdelay $0x1  }
0x8a: {  	s1 =	srdreg.scid  }
0x8b: {  	s0 =	sand.u32 $0x1, s1  }
0x8c: {  	s17 =	sshll.u32 s0, $0xA;
	s2 =	sadd.s32 s3, s2  }
0x8d: {  	s2 =	sadd.s32 s2, s17  }
0x8e: {  	[smem:$0x3FB1] =	sst s2  }
0x8f: {  	_ = 	snop  }
0x90: {  	s2 =	sld [smem:$0x3FC8];
	(tm) =	ssettm $0x1  }
0x91: {  	s18 =	sld [smem:$0x3FFB];
	_ =	sdelay $0x3  }
0x92: {  	_ =	strace s18  }
0x93: {  	s3 =	sld [smem:$0x3FFC];
	_ =	sdelay $0x3  }
0x94: {  	_ =	strace s3  }
0x95: {  	s3 =	sld [smem:$0x3FFD];
	_ =	sdelay $0x3  }
0x96: {  	_ =	strace s3  }
0x97: {  	_ =	strace $0x8FFFFFFF  }
0x98: {  	s19 =	sld [smem:$0x3FDB];
	_ =	sdelay $0x1  }
0x99: {  	s4 =	simm.s32 $_scs_section_size  }
0x9a: {  	s5 =	simm.s32 $_size__tile_overlayer_lowered;
	s6 =	simm.s32 $_tile_overlayer_lowered  }
0x9b: {  	s22 =	simm.s32 $0x1BFF;
	s21 =	sshll.u32 s6, $0x1;
	s3 =	sadd.s32 s4, s19  }
0x9c: {  	s7 =	simm.s32 $0x0;
	s20 =	sshll.u32 s5, $0x1;
	s5 =	sadd.s32 s21, s3  }
0x9d: {  	[timem:s7], [sflag:s22] =	dma.local [hbm:s5], s20  }
0x9e: {  	_ =	swait.ge [sflag:s22], s20  }
0x9f: {  	s4 =	ssub.s32 $0x0, s20;
	[sflag:s22] =	ssyncset.done $0x0  }
0xa0: {  	[sflag:s22] =	ssyncadd.s32 s4;
	_ =	sdelay $0x1  }
0xa1: {  	s23 =	simm.s32 $0x1B8B  }
0xa2: {  	_ =	swait.ge [sflag:s23], $0x1  }
0xa3: {  	[sflag:s23] =	ssyncset.done $0x0  }
0xa4: {  	s25 =	simm.s32 $0x1B8E;
	s24 =	sld [smem:$0x3FFE];
	[sflag:s23] =	ssyncadd.s32 $0xFFFFFFFF  }
0xa5: {  	s26 =	simm.s32 $execute0_lowered;
	[smem:$0x3FD2] =	sst s25  }
0xa6: {  	s5 =	sshll.u32 s26, $0x1;
	_ =	strace $0x80000049;
	[dreg:$0x1] =	wrdreg $0xFFFFFFFF  }
0xa7: {  	s28 =	simm.s32 $_size_execute0_lowered;
	s3 =	sadd.s32 s3, s5;
	[dreg:$0x0] =	wrdreg $0x0  }
0xa8: {  	s5 =	sshll.u32 s28, $0x1;
	[dreg:$0x2] =	wrdreg s3  }
0xa9: {  	[dreg:$0x3] =	wrdreg s5  }
0xaa: {  	[dreg:$0x4] =	wrdreg $0xC0  }
0xab: {  	_ =	task [dreg:s7], $0x5FFFF  }
0xac: {  	[dreg:$0x1] =	wrdreg $0xFFFFFFFF  }
0xad: {  	[dreg:$0x0] =	wrdreg $0x60  }
0xae: {  	[dreg:$0x2] =	wrdreg s24  }
0xaf: {  	[dreg:$0x3] =	wrdreg s2  }
0xb0: {  	[dreg:$0x4] =	wrdreg $0xC4000  }
0xb1: {  	[dreg:$0x5] =	wrdreg $0x9  }
0xb2: {  	_ =	task.clear_ibuf [dreg:s7], $0x6FFFF;
	_ =	strace $0x90000049  }
0xb3: {  	s29 =	simm.s32 $0x9;
	_ =	strace $0x8000004B  }
0xb4: {  	_ =	swait.ge [sflag:s29], $0x1  }
0xb5: {  	[sflag:s29] =	ssyncadd.s32 $0xFFFFFFFF  }
0xb6: {  	_ =	strace $0x9000004B  }
0xb7: {  	_ =	sfence  }
0xb8: {  	s30 =	sld [smem:$0x0];
	_ =	sdelay $0x2  }
0xb9: {  	s31 =	sshll.u32 s1, $0xD;
	s1 =	sshrl.u32 s1, $0x2  }
0xba: {  	s3 =	sand.u32 $0x4000, s31;
	s1 =	sadd.s32 s1, s30  }
0xbb: {  	s0 =	sor.u32 s3, s0;
	s1 =	sshll.u32 s1, $0x11  }
0xbc: {  	s0 =	sor.u32 s1, s0  }
0xbd: {  	s0 =	sadd.s32 $0x8F2B, s0  }
0xbe: {  	[sflag:s0] =	ssyncadd.remote.s32 $0x1  }
0xbf: {  	_ =	sfence.sel $0xFFFF  }
0xc0: {  	[dreg:$0x0] =	wrdreg $0xFFFFFFFF;
	(pc) =	sbr.abs _section_cstart, $3  }
0xc1: {  	[dreg:$0x1] =	wrdreg $0xFFFFFFFF  }
0xc2: {  	_ =	task.clear_ibuf [dreg:s7], $0x2FFFF;
	_ =	strace $0x9FFFFFFF  }
0xc3: {  	(tm) =	ssettm $0x7FFFFFFF  }
tec
execute0_lowered:
.L_overlay_start_1:
0x0: {  	(tag) =	ssettag $0x1  }
0x1: {  	s0 =	rddreg [dreg:$0x0]  }
0x2: {  	s1 =	rddreg [dreg:$0x1]  }
0x3: {  	s2 =	rddreg [dreg:$0x2];
	s3 =	simm.s32 $0x0  }
0x4: {  	s4 =	srdreg.scid;
	s25 =	stileid.u32;
	s30 =	simm.s32 $0x4400  }
0x5: {  	s31 =	simm.s32 $0x5;
	s4 =	sand.u32 $0x1, s4;
	s9 =	smul.u32 $0x2800, s25  }
0x6: {  	[smem:$0x7FF] =	sst s3;
	s8 =	sor.u32 $0x10, s25;
	s7 =	smul.u32 $0x138800, s4  }
0x7: {  	s5 =	sadd.s32 $0x313600, s0;
	s11 =	sor.u32 $0x20, s25;
	s12 =	smul.u32 $0x2800, s8  }
0x8: {  	s6 =	sadd.s32 $0x9CA000, s0;
	s13 =	sor.u32 $0x30, s25;
	s14 =	smul.u32 $0x2800, s11  }
0x9: {  	s10 =	sadd.s32 $0x33AC00, s0;
	s17 =	sor.u32 $0x40, s25;
	s16 =	smul.u32 $0x2800, s13  }
0xa: {  	s18 =	sor.u32 $0x50, s25;
	s19 =	sor.u32 $0x60, s25;
	s26 =	smul.u32 $0x2800, s17  }
0xb: {  	s20 =	sor.u32 $0x70, s25;
	p0 =	sgt.u32 s25, $0xC;
	s21 =	smul.u32 $0x2800, s18  }
0xc: {  	p1 =	sgt.u32 s25, $0x1;
	s24 =	ssub.s32 $0x2, s4;
	s22 =	smul.u32 $0x2800, s19  }
0xd: {  	_ =	strace $0x8000004A;
	s23 =	smul.u32 $0x2800, s20;
	s15 =	sshrl.u32 s24, $0x1  }
0xe: {  	s8 =	smul.u32 $0xA000, s8;
	s0 =	ssub.s32 s24, s15;
	s9 =	sadd.s32 s9, s7  }
0xf: {  	s12 =	sadd.s32 s7, s12;
	s14 =	sadd.s32 s7, s14;
	s16 =	sadd.s32 s7, s16  }
0x10: {  	s15 =	sadd.s32 s7, s26;
	s21 =	sadd.s32 s7, s21;
	s22 =	sadd.s32 s7, s22  }
0x11: {  	s7 =	sadd.s32 s7, s23;
	s23 =	smul.u32 $0xA000, s25;
	s9 =	sshrl.u32 s9, $0x3  }
0x12: {  	s12 =	sshrl.u32 s12, $0x3;
	s24 =	sshrl.u32 s14, $0x3;
	s26 =	sshrl.u32 s16, $0x3  }
0x13: {  	s16 =	sshrl.u32 s15, $0x3;
	s21 =	sshrl.u32 s21, $0x3;
	s22 =	sshrl.u32 s22, $0x3  }
0x14: {  	s7 =	sshrl.u32 s7, $0x3;
	s28 =	smax.u32 s0, $0x1;
	s0 =	simm.s32 $0x1  }
0x15: {  	s9 =	sadd.s32 s10, s9;
	s14 =	sadd.s32 s10, s26;
	s26 =	smul.u32 $0xA000, s11  }
0x16: {  	s7 =	sadd.s32 s10, s7;
	s11 =	smul.u32 $0xA000, s13;
	[dreg:$0x4] =	wrdreg s9  }
0x17: {  	s13 =	smul.u32 $0xA000, s17;
	s9 =	sadd.s32 s10, s12;
	[dreg:$0x7] =	wrdreg s14  }
0x18: {  	[dreg:$0xb] =	wrdreg s7;
	s7 =	sshll.u32 s25, $0x1;
	s12 =	sshrl.u32 s8, $0x2  }
0x19: {  	s8 =	simm.s32 $0x2;
	[dreg:$0x5] =	wrdreg s9;
	s9 =	sadd.s32 s10, s24  }
0x1a: {  	s24 =	sadd.s32 s10, s22;
	s15 =	sor.u32 s4, s7;
	s17 =	sadd.s32 s12, s2  }
0x1b: {  	s14 =	sshrl.u32 s26, $0x2;
	s22 =	sshrl.u32 s11, $0x2;
	s26 =	smul.u32 $0xA000, s20  }
0x1c: {  	s4 =	simm.s32 $0x80;
	[dreg:$0x6] =	wrdreg s9;
	s9 =	sadd.s32 s10, s16  }
0x1d: {  	[dreg:$0xa] =	wrdreg s24;
	s24 =	sshrl.u32 s13, $0x2;
	s13 =	sshll.u32 s15, $0x5  }
0x1e: {  	[dreg:$0x8] =	wrdreg s9;
	s9 =	sadd.s32 s10, s21;
	s21 =	smul.u32 $0xA000, s18  }
0x1f: {  	s10 =	sshrl.u32 s23, $0x2;
	s18 =	sadd.s32 s14, s2;
	s23 =	smul.u32 $0xA000, s19  }
0x20: {  	s19 =	sadd.s32 s22, s2;
	s20 =	sadd.s32 s24, s2;
	s12 =	sshrl.u32 s26, $0x2  }
.Ltmp0:
0x21: {  	s14 =	sshll.u32 s15, $0xA;
	s24 =	sadd.s32 s1, s13;
	(pc) =	sbr.rel .LBB2_1-.Ltmp0, $4  }
0x22: {  	[dreg:$0x9] =	wrdreg s9;
	s16 =	sadd.s32 s10, s2;
	s26 =	sadd.s32 s6, s14  }
0x23: {  	s29 =	sadd.s32 $0x400, s24;
	s9 =	sshrl.u32 s21, $0x2;
	s11 =	sshrl.u32 s23, $0x2  }
0x24: {  	s23 =	sadd.s32 s12, s2;
	[dreg:$0xc] =	wrdreg s26;
	s26 =	ssub.s32 $0x9C4, s7  }
0x25: {  	v0 =	vimm.f32 $0.0e+00;
	s7 =	simm.s32 $0x3;
	s21 =	sadd.s32 s9, s2;
	s22 =	sadd.s32 s11, s2  }
.LBB2_9:
0x26: {  	s9 =	simm.s32 @!p1 $0x4  }
0x27: {  	_ =	swait.ge @!p1 [sflag:s9], $0x4000  }
0x28: {  	[sflag:s9] =	ssyncset.done @!p1 $0x0  }
0x29: {  	s11 =	stileid.u32;
	[sflag:s9] =	ssyncadd.s32 @!p1 $0xFFFFC000  }
0x2a: {  	s9 =	sshll.u32 s11, $0x6;
	[bflag:$0x0] =	sbarrier.arrive $0xFFFF  }
0x2b: {  	s10 =	sshrl.u32 s16, $0x3;
	s9 =	sor.u32 $0x1C05, s9;
	s11 =	rddreg [dreg:$0x4]  }
0x2c: {  	[hbm:s11], [sflag:s9] =	dma.local [spmem:s10], $0x500  }
0x2d: {  	_ =	swait.ge [sflag:s31], $0x500  }
0x2e: {  	[sflag:s31] =	ssyncset.done $0x0  }
0x2f: {  	s12 =	sshrl.u32 s17, $0x3;
	s13 =	rddreg [dreg:$0x5];
	[sflag:s31] =	ssyncadd.s32 $0xFFFFFB00  }
0x30: {  	[hbm:s13], [sflag:s9] =	dma.local [spmem:s12], $0x500  }
0x31: {  	_ =	swait.ge [sflag:s31], $0x500  }
0x32: {  	[sflag:s31] =	ssyncset.done $0x0  }
0x33: {  	s14 =	sshrl.u32 s18, $0x3;
	s25 =	rddreg [dreg:$0x6];
	[sflag:s31] =	ssyncadd.s32 $0xFFFFFB00  }
0x34: {  	[hbm:s25], [sflag:s9] =	dma.local [spmem:s14], $0x500  }
0x35: {  	_ =	swait.ge [sflag:s31], $0x500  }
0x36: {  	[sflag:s31] =	ssyncset.done $0x0  }
0x37: {  	s12 =	sshrl.u32 s19, $0x3;
	s13 =	rddreg [dreg:$0x7];
	[sflag:s31] =	ssyncadd.s32 $0xFFFFFB00  }
0x38: {  	[hbm:s13], [sflag:s9] =	dma.local [spmem:s12], $0x500  }
0x39: {  	_ =	swait.ge [sflag:s31], $0x500  }
0x3a: {  	[sflag:s31] =	ssyncset.done $0x0  }
0x3b: {  	s14 =	sshrl.u32 s20, $0x3;
	s25 =	rddreg [dreg:$0x8];
	[sflag:s31] =	ssyncadd.s32 $0xFFFFFB00  }
0x3c: {  	[hbm:s25], [sflag:s9] =	dma.local [spmem:s14], $0x500  }
0x3d: {  	_ =	swait.ge [sflag:s31], $0x500  }
0x3e: {  	[sflag:s31] =	ssyncset.done $0x0  }
0x3f: {  	s12 =	sshrl.u32 s21, $0x3;
	s13 =	rddreg [dreg:$0x9];
	[sflag:s31] =	ssyncadd.s32 $0xFFFFFB00  }
0x40: {  	[hbm:s13], [sflag:s9] =	dma.local [spmem:s12], $0x500  }
0x41: {  	_ =	swait.ge [sflag:s31], $0x500  }
0x42: {  	[sflag:s31] =	ssyncset.done $0x0  }
0x43: {  	s14 =	sshrl.u32 s22, $0x3;
	s25 =	rddreg [dreg:$0xa];
	[sflag:s31] =	ssyncadd.s32 $0xFFFFFB00  }
0x44: {  	[hbm:s25], [sflag:s9] =	dma.local [spmem:s14], $0x500  }
0x45: {  	s3 =	sadd.s32 $0x1, s3;
	_ =	swait.ge [sflag:s31], $0x500  }
0x46: {  	p2 =	sne.s32 s3, s28;
	[sflag:s31] =	ssyncset.done $0x0  }
0x47: {  	s10 =	sshrl.u32 @!p0 s23, $0x3;
	s11 =	rddreg [dreg:$0xb];
	[sflag:s31] =	ssyncadd.s32 $0xFFFFFB00  }
0x48: {  	[hbm:s11], [sflag:s9] =	dma.local @!p0 [spmem:s10], $0x500  }
.Ltmp1:
0x49: {  	_ = 	snop;
	(pc) =	sbr.rel @!p2 .LBB2_10-.Ltmp1, $4  }
0x4a: {  	s9 =	simm.s32 @!p0 $0x5  }
0x4b: {  	_ =	swait.ge @!p0 [sflag:s9], $0x500  }
0x4c: {  	[sflag:s9] =	ssyncset.done @!p0 $0x0  }
0x4d: {  	[sflag:s9] =	ssyncadd.s32 @!p0 $0xFFFFFB00  }
.LBB2_1:
0x4e: {  	s9 =	simm.s32 $0x0;
	s10 =	simm.s32 $0x200  }
.LBB2_2:
0x4f: {  	p2 =	sne.s32 s10, $0x9E00;
	[tilespmem:s9+$0x4470] =	vst v0  }
0x50: {  	[tilespmem:s9+$0x4400] =	vst v0  }
0x51: {  	[tilespmem:s9+$0x4410] =	vst v0  }
.Ltmp2:
0x52: {  	[tilespmem:s9+$0x4420] =	vst v0;
	(pc) =	sbr.rel @p2 .LBB2_2-.Ltmp2, $4  }
0x53: {  	[tilespmem:s9+$0x4430] =	vst v0  }
0x54: {  	[tilespmem:s9+$0x4440] =	vst v0  }
0x55: {  	[tilespmem:s9+$0x4450] =	vst v0  }
0x56: {  	[tilespmem:s9+$0x4460] =	vst v0;
	s9 =	sshra.s32 s10, $0x2;
	s10 =	sadd.s32 $0x200, s10  }
0x57: {  	[tilespmem:s9+$0x4470] =	vst v0  }
0x58: {  	[tilespmem:s9+$0x4400] =	vst v0  }
0x59: {  	[tilespmem:s9+$0x4410] =	vst v0  }
0x5a: {  	[tilespmem:s9+$0x4420] =	vst v0  }
0x5b: {  	[tilespmem:s9+$0x4430] =	vst v0  }
0x5c: {  	[tilespmem:s9+$0x4440] =	vst v0  }
0x5d: {  	[tilespmem:s9+$0x4450] =	vst v0  }
0x5e: {  	[tilespmem:s9+$0x4460] =	vst v0  }
0x5f: {  	[spmem:s16] =	stream.linear.scatter [tilespmem:s30], [sflag:$0x5], $0x2800, $0x38;
	[tilespmem:$0x1FC80] =	vst v63  }
0x60: {  	_ =	swait.ge [sflag:s31], $0x2800  }
0x61: {  	[sflag:s31] =	ssyncset.done $0x0  }
0x62: {  	[sflag:s31] =	ssyncadd.s32 $0xFFFFD800  }
0x63: {  	[spmem:s17] =	stream.linear.scatter [tilespmem:s30], [sflag:$0x5], $0x2800, $0x38;
	[tilespmem:$0x1FC80] =	vst v63  }
0x64: {  	_ =	swait.ge [sflag:s31], $0x2800  }
0x65: {  	[sflag:s31] =	ssyncset.done $0x0  }
0x66: {  	[sflag:s31] =	ssyncadd.s32 $0xFFFFD800  }
0x67: {  	[spmem:s18] =	stream.linear.scatter [tilespmem:s30], [sflag:$0x5], $0x2800, $0x38;
	[tilespmem:$0x1FC80] =	vst v63  }
0x68: {  	_ =	swait.ge [sflag:s31], $0x2800  }
0x69: {  	[sflag:s31] =	ssyncset.done $0x0  }
0x6a: {  	[sflag:s31] =	ssyncadd.s32 $0xFFFFD800  }
0x6b: {  	[spmem:s19] =	stream.linear.scatter [tilespmem:s30], [sflag:$0x5], $0x2800, $0x38;
	[tilespmem:$0x1FC80] =	vst v63  }
0x6c: {  	_ =	swait.ge [sflag:s31], $0x2800  }
0x6d: {  	[sflag:s31] =	ssyncset.done $0x0  }
0x6e: {  	[sflag:s31] =	ssyncadd.s32 $0xFFFFD800  }
0x6f: {  	[spmem:s20] =	stream.linear.scatter [tilespmem:s30], [sflag:$0x5], $0x2800, $0x38;
	[tilespmem:$0x1FC80] =	vst v63  }
0x70: {  	_ =	swait.ge [sflag:s31], $0x2800  }
0x71: {  	[sflag:s31] =	ssyncset.done $0x0  }
0x72: {  	[sflag:s31] =	ssyncadd.s32 $0xFFFFD800  }
0x73: {  	[spmem:s21] =	stream.linear.scatter [tilespmem:s30], [sflag:$0x5], $0x2800, $0x38;
	[tilespmem:$0x1FC80] =	vst v63  }
0x74: {  	_ =	swait.ge [sflag:s31], $0x2800  }
0x75: {  	[sflag:s31] =	ssyncset.done $0x0  }
0x76: {  	[sflag:s31] =	ssyncadd.s32 $0xFFFFD800  }
0x77: {  	[spmem:s22] =	stream.linear.scatter [tilespmem:s30], [sflag:$0x5], $0x2800, $0x38;
	[tilespmem:$0x1FC80] =	vst v63  }
0x78: {  	_ =	swait.ge [sflag:s31], $0x2800  }
0x79: {  	[sflag:s31] =	ssyncset.done $0x0  }
0x7a: {  	s9 =	simm.s32 @!p0 $0x4400;
	[sflag:s31] =	ssyncadd.s32 $0xFFFFD800  }
0x7b: {  	[spmem:s23] =	stream.linear.scatter @!p0 [tilespmem:s9], [sflag:$0x5], $0x2800, $0x38;
	[tilespmem:$0x1FC80] =	vst v63  }
0x7c: {  	s9 =	simm.s32 @!p0 $0x5  }
0x7d: {  	_ =	swait.ge @!p0 [sflag:s9], $0x2800  }
0x7e: {  	[sflag:s9] =	ssyncset.done @!p0 $0x0  }
0x7f: {  	[sflag:s9] =	ssyncadd.s32 @!p0 $0xFFFFD800  }
0x80: {  	s9 =	simm.s32 $0x0;
	[bflag:$0x0] =	sbarrier.arrive $0xFFFF  }
0x81: {  	[tilespmem:s9], [sflag:$0x1] =	stream.linear.gather [hbm4b:s24+s9], $0x100, $0x38;
	[tilespmem:$0x1FC80] =	vst v63  }
0x82: {  	s10 =	simm.s32 $0x100  }
0x83: {  	[tilespmem:s10], [sflag:$0x1] =	stream.linear.gather [hbm4b:s29+s9], $0x100, $0x38;
	[tilespmem:$0x1FC80] =	vst v63  }
0x84: {  	s11 =	simm.s32 $0x400;
	s25 =	rddreg [dreg:$0xc]  }
0x85: {  	[tilespmem:s11], [sflag:$0x2] =	stream.linear.gather [hbm4b:s25+s9], $0x2000, $0x38;
	[tilespmem:$0x1FC80] =	vst v63  }
.Ltmp3:
0x86: {  	_ = 	snop;
	(pc) =	sbr.rel .LBB2_4-.Ltmp3, $4  }
0x87: {  	_ =	swait.ge [sflag:s0], $0x100  }
0x88: {  	[sflag:s0] =	ssyncset.done $0x0  }
0x89: {  	p2 =	por $0x0, $0x0;
	[sflag:s0] =	ssyncadd.s32 $0xFFFFFF00  }
0x8a: {  	[tilespmem:s30], [sflag:$0x3] =	stream.indirect.gather [hbm4b:s5+s4], $0x80, s9, s4, $0xb8;
	[tilespmem:$0x1FC80] =	vst v63  }
.LBB2_8:
0x8b: {  	p3 =	sne.s32 s10, $0x4F  }
.Ltmp4:
0x8c: {  	_ = 	snop;
	(pc) =	sbr.rel @!p3 .LBB2_9-.Ltmp4, $2  }
0x8d: {  	_ =	sdelay $0x2  }
0x8e: {  	p2 =	por !p2, !p2;
	s9 =	smov.u32 s10  }
.LBB2_4:
0x8f: {  	s10 =	sadd.s32 $0x1, s9;
	p4 =	seq.s32 s9, $0x0  }
0x90: {  	s11 =	simm.s32 @!p4 $0x4;
	s12 =	sshll.u32 s10, $0x5  }
0x91: {  	_ =	swait.ge @!p4 [sflag:s11], $0x4000;
	s12 =	sor.u32 s15, s12  }
0x92: {  	[sflag:s11] =	ssyncset.done @!p4 $0x0;
	p3 =	sgt.u32 s12, $0x9C3  }
0x93: {  	[sflag:s11] =	ssyncadd.s32 @!p4 $0xFFFFC000;
	s11 =	simm.s32 @!p3 $0x1  }
0x94: {  	_ =	swait.ge @!p3 [sflag:s11], $0x100  }
0x95: {  	s13 =	sand.u32 $0x1, s10;
	[sflag:s11] =	ssyncset.done @!p3 $0x0  }
0x96: {  	s14 =	sshll.u32 @!p3 s10, $0x8;
	[sflag:s11] =	ssyncadd.s32 @!p3 $0xFFFFFF00;
	s11 =	sshll.u32 @!p3 s13, $0xE  }
0x97: {  	s25 =	simm.s32 @!p3 $0x80;
	s14 =	sand.u32 @!p3 $0x300, s14;
	s11 =	sadd.s32 @!p3 $0x4400, s11  }
0x98: {  	[tilespmem:s11], [sflag:$0x3] =	stream.indirect.gather @!p3 [hbm4b:s5+s25], $0x80, s14, s25, $0xb8;
	[tilespmem:$0x1FC80] =	vst v63  }
0x99: {  	s11 =	sadd.s32 $0x2, s9  }
0x9a: {  	s25 =	sshll.u32 s11, $0x5  }
0x9b: {  	s12 =	sshll.u32 @!p3 s12, $0xA;
	s14 =	sor.u32 s15, s25  }
0x9c: {  	s12 =	sadd.s32 @!p3 s6, s12;
	p4 =	sgt.u32 s14, $0x9C3  }
0x9d: {  	s13 =	sshll.u32 @!p3 s13, $0xD;
	s11 =	sshll.u32 @!p4 s11, $0x8;
	s14 =	sshll.u32 @!p4 s14, $0x5  }
0x9e: {  	s25 =	simm.s32 @!p4 $0x0;
	s11 =	sand.u32 @!p4 $0x300, s11;
	s14 =	sadd.s32 @!p4 s1, s14  }
0x9f: {  	[tilespmem:s11], [sflag:$0x1] =	stream.linear.gather @!p4 [hbm4b:s14+s25], $0x100, $0x38;
	[tilespmem:$0x1FC80] =	vst v63  }
0xa0: {  	s13 =	sor.u32 @!p3 $0x400, s13;
	s25 =	sshll.u32 s9, $0x5;
	s14 =	simm.s32 @!p3 $0x0  }
0xa1: {  	[tilespmem:s13], [sflag:$0x2] =	stream.linear.gather @!p3 [hbm4b:s12+s14], $0x2000, $0x38;
	[tilespmem:$0x1FC80] =	vst v63  }
0xa2: {  	p3 =	sge.u32 s25, s26  }
.Ltmp5:
0xa3: {  	_ = 	snop;
	(pc) =	sbr.rel @p3 .LBB2_8-.Ltmp5, $1  }
0xa4: {  	_ =	sdelay $0x3  }
0xa5: {  	s11 =	simm.s32 $0x1  }
0xa6: {  	s11 =	simm.s32 @!p2 $0x0  }
0xa7: {  	s12 =	sshll.u32 s11, $0xD  }
0xa8: {  	_ =	swait.ge [sflag:s7], $0x4000;
	s12 =	sor.u32 $0x470, s12  }
0xa9: {  	[sflag:s7] =	ssyncset.done $0x0;
	v1 =	vmov s12  }
0xaa: {  	[sflag:s7] =	ssyncadd.s32 $0xFFFFC000  }
0xab: {  	_ =	swait.ge [sflag:s8], $0x2000  }
0xac: {  	[sflag:s8] =	ssyncset.done $0x0  }
0xad: {  	s14 =	simm.s32 $0x0;
	s11 =	sshll.u32 s11, $0xE;
	[sflag:s8] =	ssyncadd.s32 $0xFFFFE000  }
0xae: {  	s11 =	sadd.s32 $0x4480, s11;
	v2 =	vld.idx.msk [tilespmem:v1+s14+$0xFFFFFF90 ss:$0x1], $0xffff  }
0xaf: {  	v3 =	vld [tilespmem:s11+$0xFFFFFF80]  }
0xb0: {  	v4 =	vld [tilespmem:s11+$0xFFFFFF90];
	_ =	sdelay $0x2  }
0xb1: {  	v5 =	vshll.u32 v2, $0x10  }
0xb2: {  	v2 =	vand.u32 $0xFFFF0000, v2;
	v3 =	vadd.f32 v5, v3  }
0xb3: {  	v2 =	vadd.f32 v2, v4  }
0xb4: {  	v3 =	vmax.f32 v3, $0.0e+00  }
0xb5: {  	v2 =	vmax.f32 v2, $0.0e+00;
	[tilespmem:s11+$0xFFFFFF80] =	vst v3  }
0xb6: {  	[tilespmem:s11+$0xFFFFFF90] =	vst v2  }
0xb7: {  	v2 =	vld.idx.msk [tilespmem:v1+s14+$0xFFFFFFA0 ss:$0x1], $0xffff  }
0xb8: {  	v3 =	vld [tilespmem:s11+$0xFFFFFFA0]  }
0xb9: {  	v4 =	vld [tilespmem:s11+$0xFFFFFFB0];
	_ =	sdelay $0x2  }
0xba: {  	v5 =	vshll.u32 v2, $0x10  }
0xbb: {  	v2 =	vand.u32 $0xFFFF0000, v2;
	v3 =	vadd.f32 v5, v3  }
0xbc: {  	v2 =	vadd.f32 v2, v4  }
0xbd: {  	v3 =	vmax.f32 v3, $0.0e+00  }
0xbe: {  	v2 =	vmax.f32 v2, $0.0e+00;
	[tilespmem:s11+$0xFFFFFFA0] =	vst v3  }
0xbf: {  	[tilespmem:s11+$0xFFFFFFB0] =	vst v2  }
0xc0: {  	v2 =	vld.idx.msk [tilespmem:v1+s14+$0xFFFFFFB0 ss:$0x1], $0xffff  }
0xc1: {  	v3 =	vld [tilespmem:s11+$0xFFFFFFC0]  }
0xc2: {  	v4 =	vld [tilespmem:s11+$0xFFFFFFD0];
	_ =	sdelay $0x2  }
0xc3: {  	v5 =	vshll.u32 v2, $0x10  }
0xc4: {  	v2 =	vand.u32 $0xFFFF0000, v2;
	v3 =	vadd.f32 v5, v3  }
0xc5: {  	v2 =	vadd.f32 v2, v4  }
0xc6: {  	v3 =	vmax.f32 v3, $0.0e+00  }
0xc7: {  	v2 =	vmax.f32 v2, $0.0e+00;
	[tilespmem:s11+$0xFFFFFFC0] =	vst v3  }
0xc8: {  	[tilespmem:s11+$0xFFFFFFD0] =	vst v2  }
0xc9: {  	v2 =	vld.idx.msk [tilespmem:v1+s14+$0xFFFFFFC0 ss:$0x1], $0xffff  }
0xca: {  	v3 =	vld [tilespmem:s11+$0xFFFFFFE0]  }
0xcb: {  	v4 =	vld [tilespmem:s11+$0xFFFFFFF0];
	_ =	sdelay $0x2  }
0xcc: {  	v5 =	vshll.u32 v2, $0x10  }
0xcd: {  	v2 =	vand.u32 $0xFFFF0000, v2;
	v3 =	vadd.f32 v5, v3  }
0xce: {  	v2 =	vadd.f32 v2, v4  }
0xcf: {  	v3 =	vmax.f32 v3, $0.0e+00  }
0xd0: {  	v2 =	vmax.f32 v2, $0.0e+00;
	[tilespmem:s11+$0xFFFFFFE0] =	vst v3  }
0xd1: {  	[tilespmem:s11+$0xFFFFFFF0] =	vst v2  }
0xd2: {  	v2 =	vld.idx.msk [tilespmem:v1+s14+$0xFFFFFFD0 ss:$0x1], $0xffff  }
0xd3: {  	v3 =	vld [tilespmem:s11+$0x0]  }
0xd4: {  	v4 =	vld [tilespmem:s11+$0x10];
	_ =	sdelay $0x2  }
0xd5: {  	v5 =	vshll.u32 v2, $0x10  }
0xd6: {  	v2 =	vand.u32 $0xFFFF0000, v2;
	v3 =	vadd.f32 v5, v3  }
0xd7: {  	v2 =	vadd.f32 v2, v4  }
0xd8: {  	v3 =	vmax.f32 v3, $0.0e+00  }
0xd9: {  	v2 =	vmax.f32 v2, $0.0e+00;
	[tilespmem:s11+$0x0] =	vst v3  }
0xda: {  	[tilespmem:s11+$0x10] =	vst v2  }
0xdb: {  	v2 =	vld.idx.msk [tilespmem:v1+s14+$0xFFFFFFE0 ss:$0x1], $0xffff  }
0xdc: {  	v3 =	vld [tilespmem:s11+$0x20]  }
0xdd: {  	v4 =	vld [tilespmem:s11+$0x30];
	_ =	sdelay $0x2  }
0xde: {  	v5 =	vshll.u32 v2, $0x10  }
0xdf: {  	v2 =	vand.u32 $0xFFFF0000, v2;
	v3 =	vadd.f32 v5, v3  }
0xe0: {  	v2 =	vadd.f32 v2, v4  }
0xe1: {  	v3 =	vmax.f32 v3, $0.0e+00  }
0xe2: {  	v2 =	vmax.f32 v2, $0.0e+00;
	[tilespmem:s11+$0x20] =	vst v3  }
0xe3: {  	[tilespmem:s11+$0x30] =	vst v2  }
0xe4: {  	v2 =	vld.idx.msk [tilespmem:v1+s14+$0xFFFFFFF0 ss:$0x1], $0xffff  }
0xe5: {  	v3 =	vld [tilespmem:s11+$0x40]  }
0xe6: {  	v4 =	vld [tilespmem:s11+$0x50];
	_ =	sdelay $0x2  }
0xe7: {  	v5 =	vshll.u32 v2, $0x10  }
0xe8: {  	v2 =	vand.u32 $0xFFFF0000, v2;
	v3 =	vadd.f32 v5, v3  }
0xe9: {  	v2 =	vadd.f32 v2, v4  }
0xea: {  	v3 =	vmax.f32 v3, $0.0e+00  }
0xeb: {  	s13 =	sand.u32 $0x1, s9;
	v4 =	vld [tilespmem:s11+$0x70];
	v2 =	vmax.f32 v2, $0.0e+00;
	[tilespmem:s11+$0x40] =	vst v3  }
0xec: {  	s25 =	sshll.u32 s13, $0xE;
	[tilespmem:s11+$0x50] =	vst v2;
	v3 =	vld [tilespmem:s11+$0x60]  }
0xed: {  	s12 =	sadd.s32 $0x4400, s25;
	s13 =	smov.u32 s11;
	v2 =	vld.idx.msk [tilespmem:v1+s14+$0x0 ss:$0x1], $0xffff;
	s14 =	simm.s32 $0x200  }
.LBB2_6:
0xee: {  	p3 =	sne.s32 s14, $0x7E00  }
0xef: {  	s11 =	sadd.s32 $0x100, s11;
	s25 =	smov.u32 s14;
	s14 =	sadd.s32 $0x200, s14  }
0xf0: {  	_ =	sdelay $0x1  }
0xf1: {  	v5 =	vshll.u32 v2, $0x10;
	v2 =	vand.u32 $0xFFFF0000, v2  }
0xf2: {  	v3 =	vadd.f32 v5, v3;
	v2 =	vadd.f32 v2, v4;
	_ =	sdelay $0x1  }
0xf3: {  	v3 =	vmax.f32 v3, $0.0e+00;
	v2 =	vmax.f32 v2, $0.0e+00  }
0xf4: {  	[tilespmem:s13+$0x60] =	vst v3  }
0xf5: {  	s25 =	sshra.s32 s25, $0x2;
	[tilespmem:s13+$0x70] =	vst v2;
	s13 =	smov.u32 s11  }
0xf6: {  	v2 =	vld.idx.msk [tilespmem:v1+s25+$0xFFFFFF90 ss:$0x1], $0xffff  }
0xf7: {  	v3 =	vld [tilespmem:s11+$0xFFFFFF90]  }
0xf8: {  	v4 =	vld [tilespmem:s11+$0xFFFFFF80];
	_ =	sdelay $0x3  }
0xf9: {  	v5 =	vshll.u32 v2, $0x10;
	v2 =	vand.u32 $0xFFFF0000, v2  }
0xfa: {  	v2 =	vadd.f32 v2, v3;
	v4 =	vadd.f32 v5, v4;
	_ =	sdelay $0x1  }
0xfb: {  	v2 =	vmax.f32 v2, $0.0e+00;
	v3 =	vmax.f32 v4, $0.0e+00  }
0xfc: {  	[tilespmem:s11+$0xFFFFFF80] =	vst v3  }
0xfd: {  	[tilespmem:s11+$0xFFFFFF90] =	vst v2  }
0xfe: {  	v2 =	vld.idx.msk [tilespmem:v1+s25+$0xFFFFFFA0 ss:$0x1], $0xffff  }
0xff: {  	v3 =	vld [tilespmem:s11+$0xFFFFFFB0]  }
0x100: {  	v4 =	vld [tilespmem:s11+$0xFFFFFFA0];
	_ =	sdelay $0x3  }
0x101: {  	v5 =	vshll.u32 v2, $0x10;
	v2 =	vand.u32 $0xFFFF0000, v2  }
0x102: {  	v2 =	vadd.f32 v2, v3;
	v4 =	vadd.f32 v5, v4;
	_ =	sdelay $0x1  }
0x103: {  	v2 =	vmax.f32 v2, $0.0e+00;
	v3 =	vmax.f32 v4, $0.0e+00  }
0x104: {  	[tilespmem:s11+$0xFFFFFFA0] =	vst v3  }
0x105: {  	[tilespmem:s11+$0xFFFFFFB0] =	vst v2  }
0x106: {  	v2 =	vld.idx.msk [tilespmem:v1+s25+$0xFFFFFFB0 ss:$0x1], $0xffff  }
0x107: {  	v3 =	vld [tilespmem:s11+$0xFFFFFFD0]  }
0x108: {  	v4 =	vld [tilespmem:s11+$0xFFFFFFC0];
	_ =	sdelay $0x3  }
0x109: {  	v5 =	vshll.u32 v2, $0x10;
	v2 =	vand.u32 $0xFFFF0000, v2  }
0x10a: {  	v2 =	vadd.f32 v2, v3;
	v4 =	vadd.f32 v5, v4;
	_ =	sdelay $0x1  }
0x10b: {  	v2 =	vmax.f32 v2, $0.0e+00;
	v3 =	vmax.f32 v4, $0.0e+00  }
0x10c: {  	[tilespmem:s11+$0xFFFFFFC0] =	vst v3  }
0x10d: {  	[tilespmem:s11+$0xFFFFFFD0] =	vst v2;
	v2 =	vld [tilespmem:s11+$0xFFFFFFF0]  }
0x10e: {  	v3 =	vld.idx.msk [tilespmem:v1+s25+$0xFFFFFFC0 ss:$0x1], $0xffff;
	_ =	sdelay $0x1  }
0x10f: {  	v4 =	vld [tilespmem:s11+$0xFFFFFFE0];
	_ =	sdelay $0x3  }
0x110: {  	v5 =	vshll.u32 v3, $0x10;
	v3 =	vand.u32 $0xFFFF0000, v3  }
0x111: {  	v2 =	vadd.f32 v3, v2;
	v4 =	vadd.f32 v5, v4;
	_ =	sdelay $0x1  }
0x112: {  	v2 =	vmax.f32 v2, $0.0e+00;
	v3 =	vmax.f32 v4, $0.0e+00  }
0x113: {  	[tilespmem:s11+$0xFFFFFFE0] =	vst v3  }
0x114: {  	[tilespmem:s11+$0xFFFFFFF0] =	vst v2  }
0x115: {  	v2 =	vld.idx.msk [tilespmem:v1+s25+$0xFFFFFFD0 ss:$0x1], $0xffff  }
0x116: {  	v3 =	vld [tilespmem:s11+$0x10]  }
0x117: {  	v4 =	vld [tilespmem:s11+$0x0];
	_ =	sdelay $0x3  }
0x118: {  	v5 =	vshll.u32 v2, $0x10;
	v2 =	vand.u32 $0xFFFF0000, v2  }
0x119: {  	v2 =	vadd.f32 v2, v3;
	v4 =	vadd.f32 v5, v4;
	_ =	sdelay $0x1  }
0x11a: {  	v2 =	vmax.f32 v2, $0.0e+00;
	v3 =	vmax.f32 v4, $0.0e+00  }
0x11b: {  	[tilespmem:s11+$0x0] =	vst v3  }
0x11c: {  	[tilespmem:s11+$0x10] =	vst v2  }
0x11d: {  	v2 =	vld.idx.msk [tilespmem:v1+s25+$0xFFFFFFE0 ss:$0x1], $0xffff  }
0x11e: {  	v3 =	vld [tilespmem:s11+$0x30]  }
0x11f: {  	v4 =	vld [tilespmem:s11+$0x20];
	_ =	sdelay $0x3  }
0x120: {  	v5 =	vshll.u32 v2, $0x10;
	v2 =	vand.u32 $0xFFFF0000, v2  }
0x121: {  	v2 =	vadd.f32 v2, v3;
	v4 =	vadd.f32 v5, v4;
	_ =	sdelay $0x1  }
0x122: {  	v2 =	vmax.f32 v2, $0.0e+00;
	v3 =	vmax.f32 v4, $0.0e+00  }
0x123: {  	[tilespmem:s11+$0x20] =	vst v3  }
0x124: {  	[tilespmem:s11+$0x30] =	vst v2  }
0x125: {  	v2 =	vld.idx.msk [tilespmem:v1+s25+$0xFFFFFFF0 ss:$0x1], $0xffff  }
0x126: {  	v3 =	vld [tilespmem:s11+$0x50]  }
0x127: {  	v4 =	vld [tilespmem:s11+$0x40];
	_ =	sdelay $0x3  }
0x128: {  	v5 =	vshll.u32 v2, $0x10;
	v2 =	vand.u32 $0xFFFF0000, v2  }
0x129: {  	v2 =	vadd.f32 v2, v3;
	v4 =	vadd.f32 v5, v4;
	_ =	sdelay $0x1  }
0x12a: {  	v2 =	vmax.f32 v2, $0.0e+00;
	v3 =	vmax.f32 v4, $0.0e+00  }
.Ltmp6:
0x12b: {  	[tilespmem:s11+$0x40] =	vst v3;
	(pc) =	sbr.rel @p3 .LBB2_6-.Ltmp6, $4  }
0x12c: {  	[tilespmem:s11+$0x50] =	vst v2  }
0x12d: {  	v2 =	vld.idx.msk [tilespmem:v1+s25+$0x0 ss:$0x1], $0xffff  }
0x12e: {  	v3 =	vld [tilespmem:s11+$0x60]  }
0x12f: {  	v4 =	vld [tilespmem:s11+$0x70]  }
0x130: {  	_ =	sdelay $0x1  }
0x131: {  	v1 =	vshll.u32 v2, $0x10  }
0x132: {  	v2 =	vand.u32 $0xFFFF0000, v2;
	v1 =	vadd.f32 v1, v3  }
.Ltmp7:
0x133: {  	v2 =	vadd.f32 v2, v4;
	(pc) =	sbr.rel .LBB2_8-.Ltmp7, $4  }
0x134: {  	s9 =	sshll.u32 s9, $0x8;
	v1 =	vmax.f32 v1, $0.0e+00  }
0x135: {  	s9 =	sand.u32 $0x300, s9;
	v2 =	vmax.f32 v2, $0.0e+00;
	[tilespmem:s13+$0x60] =	vst v1  }
0x136: {  	s9 =	sor.u32 $0x80, s9;
	[tilespmem:s13+$0x70] =	vst v2  }
0x137: {  	[spmem:s2] =	stream.indirect.scatter.add.f32 [tilespmem:s12], [sflag:$0x4], $0x80, s9, s4, $0xb8;
	[tilespmem:$0x1FC80] =	vst v63  }
.LBB2_10:
0x138: {  	_ =	sfence.sel $0x180000  }
0x139: {  	[bflag:$0x0] =	sbarrier.arrive $0xFFFF  }
0x13a: {  	_ =	strace $0x9000004A  }
0x13b: {  	s0 =	stileid.u32;
	[bflag:$0x2] =	sbarrier.arrive $0xFFFF  }
0x13c: {  	p0 =	sne.s32 s0, $0x0;
	s0 =	rddreg [dreg:$0x3]  }
0x13d: {  	s0 =	sadd.s32 @!p0 $0x100000, s0  }
0x13e: {  	[sflag:s0] =	ssyncadd.tile.s32 @!p0 $0x1;
	_ =	shalt  }
.Lfunc_end2:
_tile_overlayer_lowered:
.L_overlay_start_2:
0x13f: {  	(tag) =	ssettag $0x2  }
0x140: {  	s0 =	rddreg [dreg:$0x0];
	s2 =	stileid.u32  }
0x141: {  	s1 =	rddreg [dreg:$0x1];
	p0 =	sne.s32 s2, $0x0  }
0x142: {  	s3 =	rddreg [dreg:$0x2];
	[bflag:$0x3] =	sbarrier.arrive $0xFFFF;
	s2 =	simm.s32 @!p0 $0x1C05  }
0x143: {  	[timem:s3], [sflag:s2] =	dma.local @!p0 [hbm:s0], s1  }
0x144: {  	s0 =	simm.s32 @!p0 $0x5  }
0x145: {  	_ =	swait.ge @!p0 [sflag:s0], s1  }
0x146: {  	s1 =	ssub.s32 @!p0 $0x0, s1;
	[sflag:s0] =	ssyncset.done @!p0 $0x0  }
0x147: {  	[sflag:s0] =	ssyncadd.s32 @!p0 s1  }
0x148: {  	[bflag:$0x3] =	sbarrier.arrive $0xFFFF  }
0x149: {  	_ =	shalt  }

// kernel: kernel.19.cloned.1.call-start
scs
__scs_entry_jumppad:
0x0: {  	(pc) =	sbr.rel $0x88, $3  }
0x1: {  	(tag) =	ssettag $0x0;
	lr =	simm.s32 $0x1  }
0x2: {  	[smem:$0x3F8A] =	sst lr;
	_ =	strace $0xD0000000  }
0x3: {  	_ = 	snop  }
0x4: {  	_ = 	snop  }
0x5: {  	_ = 	snop  }
0x6: {  	_ = 	snop  }
0x7: {  	_ = 	snop  }
__scs_overlays_trampoline_lowered:
0x8: {  	[smem:$0x3F99] =	sst s0  }
0x9: {  	[smem:$0x3F9A] =	sst s1  }
0xa: {  	[smem:$0x3F9B] =	sst s2  }
0xb: {  	[smem:$0x3F9C] =	sst s3  }
0xc: {  	[smem:$0x3F9D] =	sst s4  }
0xd: {  	[smem:$0x3F9E] =	sst s5  }
0xe: {  	[smem:$0x3F9F] =	sst s6  }
0xf: {  	[smem:$0x3FA0] =	sst s7  }
0x10: {  	[smem:$0x3FA1] =	sst s8  }
0x11: {  	[smem:$0x3FA2] =	sst s9;
	s0 =	simm.s32 @!p0 $0x0  }
0x12: {  	s1 =	sld [smem:$0x3F88];
	s0 =	simm.s32 @p0 $0x1  }
0x13: {  	[smem:$0x3FA3] =	sst s0;
	s0 =	simm.s32 @!p1 $0x0  }
0x14: {  	s2 =	sld [smem:$0x3F87];
	s0 =	simm.s32 @p1 $0x1  }
0x15: {  	[smem:$0x3FA4] =	sst s0;
	s0 =	simm.s32 @!p2 $0x0  }
0x16: {  	s3 =	sld [smem:$0x3FDB];
	s0 =	simm.s32 @p2 $0x1  }
0x17: {  	s4 =	simm.s32 $0x1BF5;
	[smem:$0x3FA6] =	sst s0  }
0x18: {  	s0 =	sld [smem:$0x3F89];
	_ =	swait.ge [sflag:s4], $0x0  }
0x19: {  	s7 =	sld [smem:$0x3F8A]  }
0x1a: {  	s8 =	sadd.s32 $0xFFFFE003, lr  }
0x1b: {  	s9 =	sadd.s32 $0xFFFFFEF7, lr;
	s5 =	simm.s32 $0xFFFFFFFF;
	p2 =	slt.u32 s8, $0xFFFFF086  }
0x1c: {  	p1 =	slt.u32 s9, $0xF7A;
	s5 =	simm.s32 @!p2 $0x0  }
0x1d: {  	s5 =	simm.s32 @p1 $0x1;
	p0 =	seq.s32 s7, s2  }
0x1e: {  	s7 =	smul.u32 @!p0 $0xF7A, s2;
	p2 =	seq.s32 @!p0 s5, $0x0  }
0x1f: {  	s9 =	smul.u32 $0xF7A, s1;
	s8 =	simm.s32 @!p0 $0x1BF5;
	p2 =	por !p2, p0  }
0x20: {  	[sflag:s8] =	ssyncset.s32 @!p0 $0xFFFFF086;
	s6 =	sadd.s32 @!p0 s3, s7;
	s7 =	simm.s32 @!p0 $0x108  }
0x21: {  	s3 =	sadd.s32 s3, s9;
	s6 =	sadd.s32 @!p0 $0x88, s6;
	s7 =	simm.s32 @p2 $0x1082  }
0x22: {  	[simem:s7], [sflag:s8] =	dma.local @!p0 [hbm:s6], $0xF7A  }
0x23: {  	s9 =	sor.u32 $0xD0000000, s2;
	s6 =	simm.s32 $0x108;
	_ =	swait.ge @!p0 [sflag:s8], $0x0  }
0x24: {  	s3 =	sadd.s32 $0x88, s3;
	s6 =	simm.s32 @!p1 $0x1082;
	[sflag:s4] =	ssyncset.s32 $0xFFFFF086  }
0x25: {  	[simem:s6], [sflag:s4] =	dma.local [hbm:s3], $0xF7A  }
0x26: {  	[smem:$0x3F8A] =	sst s1;
	(tag) =	ssettag s2;
	_ =	strace s9  }
0x27: {  	s1 =	sld [smem:$0x3F9A]  }
0x28: {  	s2 =	sld [smem:$0x3F9B]  }
0x29: {  	s4 =	sld [smem:$0x3F9D]  }
0x2a: {  	p0 =	seq.s32 s5, $0x0;
	s5 =	sld [smem:$0x3F9E]  }
0x2b: {  	s6 =	sld [smem:$0x3F9F]  }
0x2c: {  	s7 =	sld [smem:$0x3FA0]  }
0x2d: {  	s3 =	simm.s32 $0x108;
	s8 =	sld [smem:$0x3FA1]  }
0x2e: {  	s3 =	simm.s32 @!p0 $0x1082;
	s9 =	sld [smem:$0x3FA2]  }
0x2f: {  	lr =	sadd.s32 s0, s3;
	s0 =	sld [smem:$0x3F99]  }
0x30: {  	s3 =	sld [smem:$0x3F9C]  }
0x31: {  	[smem:$0x3FA5] =	sst s10  }
0x32: {  	s10 =	sld [smem:$0x3FA3];
	_ =	sdelay $0x3  }
0x33: {  	p0 =	seq.s32 s10, $0x1;
	s10 =	sld [smem:$0x3FA5];
	_ =	sdelay $0x3  }
0x34: {  	[smem:$0x3FA5] =	sst s10  }
0x35: {  	s10 =	sld [smem:$0x3FA4];
	_ =	sdelay $0x3  }
0x36: {  	p1 =	seq.s32 s10, $0x1;
	s10 =	sld [smem:$0x3FA5];
	_ =	sdelay $0x3  }
0x37: {  	[smem:$0x3FA5] =	sst s10  }
0x38: {  	s10 =	sld [smem:$0x3FA6]  }
0x39: {  	_ = 	snop;
	(pc) =	sbr.ind lr, $3  }
0x3a: {  	_ = 	snop  }
0x3b: {  	_ = 	snop  }
0x3c: {  	p2 =	seq.s32 s10, $0x1;
	s10 =	sld [smem:$0x3FA5]  }
0x3d: {  	_ =	shalt  }
0x3e: {  	_ =	shalt  }
0x3f: {  	_ =	shalt  }
0x40: {  	_ =	shalt  }
0x41: {  	_ =	shalt  }
0x42: {  	_ =	shalt  }
0x43: {  	_ =	shalt  }
0x44: {  	_ =	shalt  }
0x45: {  	_ =	shalt  }
0x46: {  	_ =	shalt  }
0x47: {  	_ =	shalt  }
0x48: {  	_ =	shalt  }
0x49: {  	_ =	shalt  }
0x4a: {  	_ =	shalt  }
0x4b: {  	_ =	shalt  }
0x4c: {  	_ =	shalt  }
0x4d: {  	_ =	shalt  }
0x4e: {  	_ =	shalt  }
0x4f: {  	_ =	shalt  }
0x50: {  	_ =	shalt  }
0x51: {  	_ =	shalt  }
0x52: {  	_ =	shalt  }
0x53: {  	_ =	shalt  }
0x54: {  	_ =	shalt  }
0x55: {  	_ =	shalt  }
0x56: {  	_ =	shalt  }
0x57: {  	_ =	shalt  }
0x58: {  	_ =	shalt  }
0x59: {  	_ =	shalt  }
0x5a: {  	_ =	shalt  }
0x5b: {  	_ =	shalt  }
0x5c: {  	_ =	shalt  }
0x5d: {  	_ =	shalt  }
0x5e: {  	_ =	shalt  }
0x5f: {  	_ =	shalt  }
0x60: {  	_ =	shalt  }
0x61: {  	_ =	shalt  }
0x62: {  	_ =	shalt  }
0x63: {  	_ =	shalt  }
0x64: {  	_ =	shalt  }
0x65: {  	_ =	shalt  }
0x66: {  	_ =	shalt  }
0x67: {  	_ =	shalt  }
0x68: {  	_ =	shalt  }
0x69: {  	_ =	shalt  }
0x6a: {  	_ =	shalt  }
0x6b: {  	_ =	shalt  }
0x6c: {  	_ =	shalt  }
0x6d: {  	_ =	shalt  }
0x6e: {  	_ =	shalt  }
0x6f: {  	_ =	shalt  }
0x70: {  	_ =	shalt  }
0x71: {  	_ =	shalt  }
0x72: {  	_ =	shalt  }
0x73: {  	_ =	shalt  }
0x74: {  	_ =	shalt  }
0x75: {  	_ =	shalt  }
0x76: {  	_ =	shalt  }
0x77: {  	_ =	shalt  }
0x78: {  	_ =	shalt  }
0x79: {  	_ =	shalt  }
0x7a: {  	_ =	shalt  }
0x7b: {  	_ =	shalt  }
0x7c: {  	_ =	shalt  }
0x7d: {  	_ =	shalt  }
0x7e: {  	_ =	shalt  }
0x7f: {  	_ =	shalt  }
0x80: {  	_ =	shalt  }
0x81: {  	_ =	shalt  }
0x82: {  	_ =	shalt  }
0x83: {  	_ =	shalt  }
0x84: {  	_ =	shalt  }
0x85: {  	_ =	shalt  }
0x86: {  	_ =	shalt  }
0x87: {  	_ =	shalt  }
.Lfunc_end0:
.L_simem_size_0:
called_computation.2_lowered:
.L_overlay_start_0:
0x88: {  	s2 =	sld [smem:$0x3FD9]  }
0x89: {  	s3 =	sld [smem:$0x3FFE];
	_ =	sdelay $0x1  }
0x8a: {  	s1 =	srdreg.scid  }
0x8b: {  	s0 =	sand.u32 $0x1, s1  }
0x8c: {  	s17 =	sshll.u32 s0, $0xA;
	s2 =	sadd.s32 s3, s2  }
0x8d: {  	s2 =	sadd.s32 s2, s17  }
0x8e: {  	[smem:$0x3FB1] =	sst s2  }
0x8f: {  	_ = 	snop  }
0x90: {  	s2 =	sld [smem:$0x3FC8];
	(tm) =	ssettm $0x1  }
0x91: {  	s18 =	sld [smem:$0x3FFB];
	_ =	sdelay $0x3  }
0x92: {  	_ =	strace s18  }
0x93: {  	s3 =	sld [smem:$0x3FFC];
	_ =	sdelay $0x3  }
0x94: {  	_ =	strace s3  }
0x95: {  	s3 =	sld [smem:$0x3FFD];
	_ =	sdelay $0x3  }
0x96: {  	_ =	strace s3  }
0x97: {  	_ =	strace $0x8FFFFFFF  }
0x98: {  	s19 =	sld [smem:$0x3FDB];
	_ =	sdelay $0x1  }
0x99: {  	s4 =	simm.s32 $_scs_section_size  }
0x9a: {  	s5 =	simm.s32 $_size__tile_overlayer_lowered;
	s6 =	simm.s32 $_tile_overlayer_lowered  }
0x9b: {  	s22 =	simm.s32 $0x1BFF;
	s21 =	sshll.u32 s6, $0x1;
	s3 =	sadd.s32 s4, s19  }
0x9c: {  	s7 =	simm.s32 $0x0;
	s20 =	sshll.u32 s5, $0x1;
	s5 =	sadd.s32 s21, s3  }
0x9d: {  	[timem:s7], [sflag:s22] =	dma.local [hbm:s5], s20  }
0x9e: {  	_ =	swait.ge [sflag:s22], s20  }
0x9f: {  	s4 =	ssub.s32 $0x0, s20;
	[sflag:s22] =	ssyncset.done $0x0  }
0xa0: {  	[sflag:s22] =	ssyncadd.s32 s4;
	_ =	sdelay $0x1  }
0xa1: {  	s23 =	simm.s32 $0x1B8B  }
0xa2: {  	_ =	swait.ge [sflag:s23], $0x1  }
0xa3: {  	[sflag:s23] =	ssyncset.done $0x0  }
0xa4: {  	s25 =	simm.s32 $0x1B8E;
	s24 =	sld [smem:$0x3FFE];
	[sflag:s23] =	ssyncadd.s32 $0xFFFFFFFF  }
0xa5: {  	s26 =	simm.s32 $execute0_lowered;
	[smem:$0x3FD2] =	sst s25  }
0xa6: {  	s5 =	sshll.u32 s26, $0x1;
	_ =	strace $0x8000004C;
	[dreg:$0x1] =	wrdreg $0xFFFFFFFF  }
0xa7: {  	s28 =	simm.s32 $_size_execute0_lowered;
	s3 =	sadd.s32 s3, s5;
	[dreg:$0x0] =	wrdreg $0x0  }
0xa8: {  	s5 =	sshll.u32 s28, $0x1;
	[dreg:$0x2] =	wrdreg s3  }
0xa9: {  	[dreg:$0x3] =	wrdreg s5  }
0xaa: {  	[dreg:$0x4] =	wrdreg $0xC0  }
0xab: {  	_ =	task [dreg:s7], $0x5FFFF  }
0xac: {  	[dreg:$0x1] =	wrdreg $0xFFFFFFFF  }
0xad: {  	[dreg:$0x0] =	wrdreg $0x60  }
0xae: {  	[dreg:$0x2] =	wrdreg s24  }
0xaf: {  	[dreg:$0x3] =	wrdreg s2  }
0xb0: {  	[dreg:$0x4] =	wrdreg $0xC4000  }
0xb1: {  	[dreg:$0x5] =	wrdreg $0x9  }
0xb2: {  	_ =	task.clear_ibuf [dreg:s7], $0x6FFFF;
	_ =	strace $0x9000004C  }
0xb3: {  	s29 =	simm.s32 $0x9;
	_ =	strace $0x8000004E  }
0xb4: {  	_ =	swait.ge [sflag:s29], $0x1  }
0xb5: {  	[sflag:s29] =	ssyncadd.s32 $0xFFFFFFFF  }
0xb6: {  	_ =	strace $0x9000004E  }
0xb7: {  	_ =	sfence  }
0xb8: {  	s30 =	sld [smem:$0x0];
	_ =	sdelay $0x2  }
0xb9: {  	s31 =	sshll.u32 s1, $0xD;
	s1 =	sshrl.u32 s1, $0x2  }
0xba: {  	s3 =	sand.u32 $0x4000, s31;
	s1 =	sadd.s32 s1, s30  }
0xbb: {  	s0 =	sor.u32 s3, s0;
	s1 =	sshll.u32 s1, $0x11  }
0xbc: {  	s0 =	sor.u32 s1, s0  }
0xbd: {  	s0 =	sadd.s32 $0x8F2B, s0  }
0xbe: {  	[sflag:s0] =	ssyncadd.remote.s32 $0x1  }
0xbf: {  	_ =	sfence.sel $0xFFFF  }
0xc0: {  	[dreg:$0x0] =	wrdreg $0xFFFFFFFF;
	(pc) =	sbr.abs _section_cstart, $3  }
0xc1: {  	[dreg:$0x1] =	wrdreg $0xFFFFFFFF  }
0xc2: {  	_ =	task.clear_ibuf [dreg:s7], $0x2FFFF;
	_ =	strace $0x9FFFFFFF  }
0xc3: {  	(tm) =	ssettm $0x7FFFFFFF  }
tec
execute0_lowered:
.L_overlay_start_1:
0x0: {  	(tag) =	ssettag $0x1  }
0x1: {  	s0 =	rddreg [dreg:$0x0]  }
0x2: {  	s1 =	rddreg [dreg:$0x1]  }
0x3: {  	s2 =	rddreg [dreg:$0x2];
	s3 =	simm.s32 $0x0  }
0x4: {  	s4 =	srdreg.scid;
	s25 =	stileid.u32;
	s30 =	simm.s32 $0x4400  }
0x5: {  	s31 =	simm.s32 $0x5;
	s4 =	sand.u32 $0x1, s4;
	s9 =	smul.u32 $0x2800, s25  }
0x6: {  	[smem:$0x7FF] =	sst s3;
	s8 =	sor.u32 $0x10, s25;
	s7 =	smul.u32 $0x138800, s4  }
0x7: {  	s5 =	sadd.s32 $0x313600, s0;
	s11 =	sor.u32 $0x20, s25;
	s12 =	smul.u32 $0x2800, s8  }
0x8: {  	s6 =	sadd.s32 $0x6000, s0;
	s13 =	sor.u32 $0x30, s25;
	s14 =	smul.u32 $0x2800, s11  }
0x9: {  	s10 =	sadd.s32 $0x277000, s0;
	s17 =	sor.u32 $0x40, s25;
	s16 =	smul.u32 $0x2800, s13  }
0xa: {  	s18 =	sor.u32 $0x50, s25;
	s19 =	sor.u32 $0x60, s25;
	s26 =	smul.u32 $0x2800, s17  }
0xb: {  	s20 =	sor.u32 $0x70, s25;
	p0 =	sgt.u32 s25, $0xC;
	s21 =	smul.u32 $0x2800, s18  }
0xc: {  	p1 =	sgt.u32 s25, $0x1;
	s24 =	ssub.s32 $0x2, s4;
	s22 =	smul.u32 $0x2800, s19  }
0xd: {  	_ =	strace $0x8000004D;
	s23 =	smul.u32 $0x2800, s20;
	s15 =	sshrl.u32 s24, $0x1  }
0xe: {  	s8 =	smul.u32 $0xA000, s8;
	s0 =	ssub.s32 s24, s15;
	s9 =	sadd.s32 s9, s7  }
0xf: {  	s12 =	sadd.s32 s7, s12;
	s14 =	sadd.s32 s7, s14;
	s16 =	sadd.s32 s7, s16  }
0x10: {  	s15 =	sadd.s32 s7, s26;
	s21 =	sadd.s32 s7, s21;
	s22 =	sadd.s32 s7, s22  }
0x11: {  	s7 =	sadd.s32 s7, s23;
	s23 =	smul.u32 $0xA000, s25;
	s9 =	sshrl.u32 s9, $0x3  }
0x12: {  	s12 =	sshrl.u32 s12, $0x3;
	s24 =	sshrl.u32 s14, $0x3;
	s26 =	sshrl.u32 s16, $0x3  }
0x13: {  	s16 =	sshrl.u32 s15, $0x3;
	s21 =	sshrl.u32 s21, $0x3;
	s22 =	sshrl.u32 s22, $0x3  }
0x14: {  	s7 =	sshrl.u32 s7, $0x3;
	s28 =	smax.u32 s0, $0x1;
	s0 =	simm.s32 $0x1  }
0x15: {  	s9 =	sadd.s32 s10, s9;
	s14 =	sadd.s32 s10, s26;
	s26 =	smul.u32 $0xA000, s11  }
0x16: {  	s7 =	sadd.s32 s10, s7;
	s11 =	smul.u32 $0xA000, s13;
	[dreg:$0x4] =	wrdreg s9  }
0x17: {  	s13 =	smul.u32 $0xA000, s17;
	s9 =	sadd.s32 s10, s12;
	[dreg:$0x7] =	wrdreg s14  }
0x18: {  	[dreg:$0xb] =	wrdreg s7;
	s7 =	sshll.u32 s25, $0x1;
	s12 =	sshrl.u32 s8, $0x2  }
0x19: {  	s8 =	simm.s32 $0x2;
	[dreg:$0x5] =	wrdreg s9;
	s9 =	sadd.s32 s10, s24  }
0x1a: {  	s24 =	sadd.s32 s10, s22;
	s15 =	sor.u32 s4, s7;
	s17 =	sadd.s32 s12, s2  }
0x1b: {  	s14 =	sshrl.u32 s26, $0x2;
	s22 =	sshrl.u32 s11, $0x2;
	s26 =	smul.u32 $0xA000, s20  }
0x1c: {  	s4 =	simm.s32 $0x80;
	[dreg:$0x6] =	wrdreg s9;
	s9 =	sadd.s32 s10, s16  }
0x1d: {  	[dreg:$0xa] =	wrdreg s24;
	s24 =	sshrl.u32 s13, $0x2;
	s13 =	sshll.u32 s15, $0x5  }
0x1e: {  	[dreg:$0x8] =	wrdreg s9;
	s9 =	sadd.s32 s10, s21;
	s21 =	smul.u32 $0xA000, s18  }
0x1f: {  	s10 =	sshrl.u32 s23, $0x2;
	s18 =	sadd.s32 s14, s2;
	s23 =	smul.u32 $0xA000, s19  }
0x20: {  	s19 =	sadd.s32 s22, s2;
	s20 =	sadd.s32 s24, s2;
	s12 =	sshrl.u32 s26, $0x2  }
.Ltmp0:
0x21: {  	s14 =	sshll.u32 s15, $0xA;
	s24 =	sadd.s32 s1, s13;
	(pc) =	sbr.rel .LBB2_1-.Ltmp0, $4  }
0x22: {  	[dreg:$0x9] =	wrdreg s9;
	s16 =	sadd.s32 s10, s2;
	s26 =	sadd.s32 s6, s14  }
0x23: {  	s29 =	sadd.s32 $0x400, s24;
	s9 =	sshrl.u32 s21, $0x2;
	s11 =	sshrl.u32 s23, $0x2  }
0x24: {  	s23 =	sadd.s32 s12, s2;
	[dreg:$0xc] =	wrdreg s26;
	s26 =	ssub.s32 $0x9C4, s7  }
0x25: {  	v0 =	vimm.f32 $0.0e+00;
	s7 =	simm.s32 $0x3;
	s21 =	sadd.s32 s9, s2;
	s22 =	sadd.s32 s11, s2  }
.LBB2_9:
0x26: {  	s9 =	simm.s32 @!p1 $0x4  }
0x27: {  	_ =	swait.ge @!p1 [sflag:s9], $0x4000  }
0x28: {  	[sflag:s9] =	ssyncset.done @!p1 $0x0  }
0x29: {  	s11 =	stileid.u32;
	[sflag:s9] =	ssyncadd.s32 @!p1 $0xFFFFC000  }
0x2a: {  	s9 =	sshll.u32 s11, $0x6;
	[bflag:$0x0] =	sbarrier.arrive $0xFFFF  }
0x2b: {  	s10 =	sshrl.u32 s16, $0x3;
	s9 =	sor.u32 $0x1C05, s9;
	s11 =	rddreg [dreg:$0x4]  }
0x2c: {  	[hbm:s11], [sflag:s9] =	dma.local [spmem:s10], $0x500  }
0x2d: {  	_ =	swait.ge [sflag:s31], $0x500  }
0x2e: {  	[sflag:s31] =	ssyncset.done $0x0  }
0x2f: {  	s12 =	sshrl.u32 s17, $0x3;
	s13 =	rddreg [dreg:$0x5];
	[sflag:s31] =	ssyncadd.s32 $0xFFFFFB00  }
0x30: {  	[hbm:s13], [sflag:s9] =	dma.local [spmem:s12], $0x500  }
0x31: {  	_ =	swait.ge [sflag:s31], $0x500  }
0x32: {  	[sflag:s31] =	ssyncset.done $0x0  }
0x33: {  	s14 =	sshrl.u32 s18, $0x3;
	s25 =	rddreg [dreg:$0x6];
	[sflag:s31] =	ssyncadd.s32 $0xFFFFFB00  }
0x34: {  	[hbm:s25], [sflag:s9] =	dma.local [spmem:s14], $0x500  }
0x35: {  	_ =	swait.ge [sflag:s31], $0x500  }
0x36: {  	[sflag:s31] =	ssyncset.done $0x0  }
0x37: {  	s12 =	sshrl.u32 s19, $0x3;
	s13 =	rddreg [dreg:$0x7];
	[sflag:s31] =	ssyncadd.s32 $0xFFFFFB00  }
0x38: {  	[hbm:s13], [sflag:s9] =	dma.local [spmem:s12], $0x500  }
0x39: {  	_ =	swait.ge [sflag:s31], $0x500  }
0x3a: {  	[sflag:s31] =	ssyncset.done $0x0  }
0x3b: {  	s14 =	sshrl.u32 s20, $0x3;
	s25 =	rddreg [dreg:$0x8];
	[sflag:s31] =	ssyncadd.s32 $0xFFFFFB00  }
0x3c: {  	[hbm:s25], [sflag:s9] =	dma.local [spmem:s14], $0x500  }
0x3d: {  	_ =	swait.ge [sflag:s31], $0x500  }
0x3e: {  	[sflag:s31] =	ssyncset.done $0x0  }
0x3f: {  	s12 =	sshrl.u32 s21, $0x3;
	s13 =	rddreg [dreg:$0x9];
	[sflag:s31] =	ssyncadd.s32 $0xFFFFFB00  }
0x40: {  	[hbm:s13], [sflag:s9] =	dma.local [spmem:s12], $0x500  }
0x41: {  	_ =	swait.ge [sflag:s31], $0x500  }
0x42: {  	[sflag:s31] =	ssyncset.done $0x0  }
0x43: {  	s14 =	sshrl.u32 s22, $0x3;
	s25 =	rddreg [dreg:$0xa];
	[sflag:s31] =	ssyncadd.s32 $0xFFFFFB00  }
0x44: {  	[hbm:s25], [sflag:s9] =	dma.local [spmem:s14], $0x500  }
0x45: {  	s3 =	sadd.s32 $0x1, s3;
	_ =	swait.ge [sflag:s31], $0x500  }
0x46: {  	p2 =	sne.s32 s3, s28;
	[sflag:s31] =	ssyncset.done $0x0  }
0x47: {  	s10 =	sshrl.u32 @!p0 s23, $0x3;
	s11 =	rddreg [dreg:$0xb];
	[sflag:s31] =	ssyncadd.s32 $0xFFFFFB00  }
0x48: {  	[hbm:s11], [sflag:s9] =	dma.local @!p0 [spmem:s10], $0x500  }
.Ltmp1:
0x49: {  	_ = 	snop;
	(pc) =	sbr.rel @!p2 .LBB2_10-.Ltmp1, $4  }
0x4a: {  	s9 =	simm.s32 @!p0 $0x5  }
0x4b: {  	_ =	swait.ge @!p0 [sflag:s9], $0x500  }
0x4c: {  	[sflag:s9] =	ssyncset.done @!p0 $0x0  }
0x4d: {  	[sflag:s9] =	ssyncadd.s32 @!p0 $0xFFFFFB00  }
.LBB2_1:
0x4e: {  	s9 =	simm.s32 $0x0;
	s10 =	simm.s32 $0x200  }
.LBB2_2:
0x4f: {  	p2 =	sne.s32 s10, $0x9E00;
	[tilespmem:s9+$0x4470] =	vst v0  }
0x50: {  	[tilespmem:s9+$0x4400] =	vst v0  }
0x51: {  	[tilespmem:s9+$0x4410] =	vst v0  }
.Ltmp2:
0x52: {  	[tilespmem:s9+$0x4420] =	vst v0;
	(pc) =	sbr.rel @p2 .LBB2_2-.Ltmp2, $4  }
0x53: {  	[tilespmem:s9+$0x4430] =	vst v0  }
0x54: {  	[tilespmem:s9+$0x4440] =	vst v0  }
0x55: {  	[tilespmem:s9+$0x4450] =	vst v0  }
0x56: {  	[tilespmem:s9+$0x4460] =	vst v0;
	s9 =	sshra.s32 s10, $0x2;
	s10 =	sadd.s32 $0x200, s10  }
0x57: {  	[tilespmem:s9+$0x4470] =	vst v0  }
0x58: {  	[tilespmem:s9+$0x4400] =	vst v0  }
0x59: {  	[tilespmem:s9+$0x4410] =	vst v0  }
0x5a: {  	[tilespmem:s9+$0x4420] =	vst v0  }
0x5b: {  	[tilespmem:s9+$0x4430] =	vst v0  }
0x5c: {  	[tilespmem:s9+$0x4440] =	vst v0  }
0x5d: {  	[tilespmem:s9+$0x4450] =	vst v0  }
0x5e: {  	[tilespmem:s9+$0x4460] =	vst v0  }
0x5f: {  	[spmem:s16] =	stream.linear.scatter [tilespmem:s30], [sflag:$0x5], $0x2800, $0x38;
	[tilespmem:$0x1FC80] =	vst v63  }
0x60: {  	_ =	swait.ge [sflag:s31], $0x2800  }
0x61: {  	[sflag:s31] =	ssyncset.done $0x0  }
0x62: {  	[sflag:s31] =	ssyncadd.s32 $0xFFFFD800  }
0x63: {  	[spmem:s17] =	stream.linear.scatter [tilespmem:s30], [sflag:$0x5], $0x2800, $0x38;
	[tilespmem:$0x1FC80] =	vst v63  }
0x64: {  	_ =	swait.ge [sflag:s31], $0x2800  }
0x65: {  	[sflag:s31] =	ssyncset.done $0x0  }
0x66: {  	[sflag:s31] =	ssyncadd.s32 $0xFFFFD800  }
0x67: {  	[spmem:s18] =	stream.linear.scatter [tilespmem:s30], [sflag:$0x5], $0x2800, $0x38;
	[tilespmem:$0x1FC80] =	vst v63  }
0x68: {  	_ =	swait.ge [sflag:s31], $0x2800  }
0x69: {  	[sflag:s31] =	ssyncset.done $0x0  }
0x6a: {  	[sflag:s31] =	ssyncadd.s32 $0xFFFFD800  }
0x6b: {  	[spmem:s19] =	stream.linear.scatter [tilespmem:s30], [sflag:$0x5], $0x2800, $0x38;
	[tilespmem:$0x1FC80] =	vst v63  }
0x6c: {  	_ =	swait.ge [sflag:s31], $0x2800  }
0x6d: {  	[sflag:s31] =	ssyncset.done $0x0  }
0x6e: {  	[sflag:s31] =	ssyncadd.s32 $0xFFFFD800  }
0x6f: {  	[spmem:s20] =	stream.linear.scatter [tilespmem:s30], [sflag:$0x5], $0x2800, $0x38;
	[tilespmem:$0x1FC80] =	vst v63  }
0x70: {  	_ =	swait.ge [sflag:s31], $0x2800  }
0x71: {  	[sflag:s31] =	ssyncset.done $0x0  }
0x72: {  	[sflag:s31] =	ssyncadd.s32 $0xFFFFD800  }
0x73: {  	[spmem:s21] =	stream.linear.scatter [tilespmem:s30], [sflag:$0x5], $0x2800, $0x38;
	[tilespmem:$0x1FC80] =	vst v63  }
0x74: {  	_ =	swait.ge [sflag:s31], $0x2800  }
0x75: {  	[sflag:s31] =	ssyncset.done $0x0  }
0x76: {  	[sflag:s31] =	ssyncadd.s32 $0xFFFFD800  }
0x77: {  	[spmem:s22] =	stream.linear.scatter [tilespmem:s30], [sflag:$0x5], $0x2800, $0x38;
	[tilespmem:$0x1FC80] =	vst v63  }
0x78: {  	_ =	swait.ge [sflag:s31], $0x2800  }
0x79: {  	[sflag:s31] =	ssyncset.done $0x0  }
0x7a: {  	s9 =	simm.s32 @!p0 $0x4400;
	[sflag:s31] =	ssyncadd.s32 $0xFFFFD800  }
0x7b: {  	[spmem:s23] =	stream.linear.scatter @!p0 [tilespmem:s9], [sflag:$0x5], $0x2800, $0x38;
	[tilespmem:$0x1FC80] =	vst v63  }
0x7c: {  	s9 =	simm.s32 @!p0 $0x5  }
0x7d: {  	_ =	swait.ge @!p0 [sflag:s9], $0x2800  }
0x7e: {  	[sflag:s9] =	ssyncset.done @!p0 $0x0  }
0x7f: {  	[sflag:s9] =	ssyncadd.s32 @!p0 $0xFFFFD800  }
0x80: {  	s9 =	simm.s32 $0x0;
	[bflag:$0x0] =	sbarrier.arrive $0xFFFF  }
0x81: {  	[tilespmem:s9], [sflag:$0x1] =	stream.linear.gather [hbm4b:s24+s9], $0x100, $0x38;
	[tilespmem:$0x1FC80] =	vst v63  }
0x82: {  	s10 =	simm.s32 $0x100  }
0x83: {  	[tilespmem:s10], [sflag:$0x1] =	stream.linear.gather [hbm4b:s29+s9], $0x100, $0x38;
	[tilespmem:$0x1FC80] =	vst v63  }
0x84: {  	s11 =	simm.s32 $0x400;
	s25 =	rddreg [dreg:$0xc]  }
0x85: {  	[tilespmem:s11], [sflag:$0x2] =	stream.linear.gather [hbm4b:s25+s9], $0x2000, $0x38;
	[tilespmem:$0x1FC80] =	vst v63  }
.Ltmp3:
0x86: {  	_ = 	snop;
	(pc) =	sbr.rel .LBB2_4-.Ltmp3, $4  }
0x87: {  	_ =	swait.ge [sflag:s0], $0x100  }
0x88: {  	[sflag:s0] =	ssyncset.done $0x0  }
0x89: {  	p2 =	por $0x0, $0x0;
	[sflag:s0] =	ssyncadd.s32 $0xFFFFFF00  }
0x8a: {  	[tilespmem:s30], [sflag:$0x3] =	stream.indirect.gather [hbm4b:s5+s4], $0x80, s9, s4, $0xb8;
	[tilespmem:$0x1FC80] =	vst v63  }
.LBB2_8:
0x8b: {  	p3 =	sne.s32 s10, $0x4F  }
.Ltmp4:
0x8c: {  	_ = 	snop;
	(pc) =	sbr.rel @!p3 .LBB2_9-.Ltmp4, $2  }
0x8d: {  	_ =	sdelay $0x2  }
0x8e: {  	p2 =	por !p2, !p2;
	s9 =	smov.u32 s10  }
.LBB2_4:
0x8f: {  	s10 =	sadd.s32 $0x1, s9;
	p4 =	seq.s32 s9, $0x0  }
0x90: {  	s11 =	simm.s32 @!p4 $0x4;
	s12 =	sshll.u32 s10, $0x5  }
0x91: {  	_ =	swait.ge @!p4 [sflag:s11], $0x4000;
	s12 =	sor.u32 s15, s12  }
0x92: {  	[sflag:s11] =	ssyncset.done @!p4 $0x0;
	p3 =	sgt.u32 s12, $0x9C3  }
0x93: {  	[sflag:s11] =	ssyncadd.s32 @!p4 $0xFFFFC000;
	s11 =	simm.s32 @!p3 $0x1  }
0x94: {  	_ =	swait.ge @!p3 [sflag:s11], $0x100  }
0x95: {  	s13 =	sand.u32 $0x1, s10;
	[sflag:s11] =	ssyncset.done @!p3 $0x0  }
0x96: {  	s14 =	sshll.u32 @!p3 s10, $0x8;
	[sflag:s11] =	ssyncadd.s32 @!p3 $0xFFFFFF00;
	s11 =	sshll.u32 @!p3 s13, $0xE  }
0x97: {  	s25 =	simm.s32 @!p3 $0x80;
	s14 =	sand.u32 @!p3 $0x300, s14;
	s11 =	sadd.s32 @!p3 $0x4400, s11  }
0x98: {  	[tilespmem:s11], [sflag:$0x3] =	stream.indirect.gather @!p3 [hbm4b:s5+s25], $0x80, s14, s25, $0xb8;
	[tilespmem:$0x1FC80] =	vst v63  }
0x99: {  	s11 =	sadd.s32 $0x2, s9  }
0x9a: {  	s25 =	sshll.u32 s11, $0x5  }
0x9b: {  	s12 =	sshll.u32 @!p3 s12, $0xA;
	s14 =	sor.u32 s15, s25  }
0x9c: {  	s12 =	sadd.s32 @!p3 s6, s12;
	p4 =	sgt.u32 s14, $0x9C3  }
0x9d: {  	s13 =	sshll.u32 @!p3 s13, $0xD;
	s11 =	sshll.u32 @!p4 s11, $0x8;
	s14 =	sshll.u32 @!p4 s14, $0x5  }
0x9e: {  	s25 =	simm.s32 @!p4 $0x0;
	s11 =	sand.u32 @!p4 $0x300, s11;
	s14 =	sadd.s32 @!p4 s1, s14  }
0x9f: {  	[tilespmem:s11], [sflag:$0x1] =	stream.linear.gather @!p4 [hbm4b:s14+s25], $0x100, $0x38;
	[tilespmem:$0x1FC80] =	vst v63  }
0xa0: {  	s13 =	sor.u32 @!p3 $0x400, s13;
	s25 =	sshll.u32 s9, $0x5;
	s14 =	simm.s32 @!p3 $0x0  }
0xa1: {  	[tilespmem:s13], [sflag:$0x2] =	stream.linear.gather @!p3 [hbm4b:s12+s14], $0x2000, $0x38;
	[tilespmem:$0x1FC80] =	vst v63  }
0xa2: {  	p3 =	sge.u32 s25, s26  }
.Ltmp5:
0xa3: {  	_ = 	snop;
	(pc) =	sbr.rel @p3 .LBB2_8-.Ltmp5, $1  }
0xa4: {  	_ =	sdelay $0x3  }
0xa5: {  	s11 =	simm.s32 $0x1  }
0xa6: {  	s11 =	simm.s32 @!p2 $0x0  }
0xa7: {  	s12 =	sshll.u32 s11, $0xD  }
0xa8: {  	_ =	swait.ge [sflag:s7], $0x4000;
	s12 =	sor.u32 $0x470, s12  }
0xa9: {  	[sflag:s7] =	ssyncset.done $0x0;
	v1 =	vmov s12  }
0xaa: {  	[sflag:s7] =	ssyncadd.s32 $0xFFFFC000  }
0xab: {  	_ =	swait.ge [sflag:s8], $0x2000  }
0xac: {  	[sflag:s8] =	ssyncset.done $0x0  }
0xad: {  	s14 =	simm.s32 $0x0;
	s11 =	sshll.u32 s11, $0xE;
	[sflag:s8] =	ssyncadd.s32 $0xFFFFE000  }
0xae: {  	s11 =	sadd.s32 $0x4480, s11;
	v2 =	vld.idx.msk [tilespmem:v1+s14+$0xFFFFFF90 ss:$0x1], $0xffff  }
0xaf: {  	v3 =	vld [tilespmem:s11+$0xFFFFFF80]  }
0xb0: {  	v4 =	vld [tilespmem:s11+$0xFFFFFF90];
	_ =	sdelay $0x2  }
0xb1: {  	v5 =	vshll.u32 v2, $0x10  }
0xb2: {  	v2 =	vand.u32 $0xFFFF0000, v2;
	v3 =	vadd.f32 v5, v3  }
0xb3: {  	v2 =	vadd.f32 v2, v4  }
0xb4: {  	v3 =	vmax.f32 v3, $0.0e+00  }
0xb5: {  	v2 =	vmax.f32 v2, $0.0e+00;
	[tilespmem:s11+$0xFFFFFF80] =	vst v3  }
0xb6: {  	[tilespmem:s11+$0xFFFFFF90] =	vst v2  }
0xb7: {  	v2 =	vld.idx.msk [tilespmem:v1+s14+$0xFFFFFFA0 ss:$0x1], $0xffff  }
0xb8: {  	v3 =	vld [tilespmem:s11+$0xFFFFFFA0]  }
0xb9: {  	v4 =	vld [tilespmem:s11+$0xFFFFFFB0];
	_ =	sdelay $0x2  }
0xba: {  	v5 =	vshll.u32 v2, $0x10  }
0xbb: {  	v2 =	vand.u32 $0xFFFF0000, v2;
	v3 =	vadd.f32 v5, v3  }
0xbc: {  	v2 =	vadd.f32 v2, v4  }
0xbd: {  	v3 =	vmax.f32 v3, $0.0e+00  }
0xbe: {  	v2 =	vmax.f32 v2, $0.0e+00;
	[tilespmem:s11+$0xFFFFFFA0] =	vst v3  }
0xbf: {  	[tilespmem:s11+$0xFFFFFFB0] =	vst v2  }
0xc0: {  	v2 =	vld.idx.msk [tilespmem:v1+s14+$0xFFFFFFB0 ss:$0x1], $0xffff  }
0xc1: {  	v3 =	vld [tilespmem:s11+$0xFFFFFFC0]  }
0xc2: {  	v4 =	vld [tilespmem:s11+$0xFFFFFFD0];
	_ =	sdelay $0x2  }
0xc3: {  	v5 =	vshll.u32 v2, $0x10  }
0xc4: {  	v2 =	vand.u32 $0xFFFF0000, v2;
	v3 =	vadd.f32 v5, v3  }
0xc5: {  	v2 =	vadd.f32 v2, v4  }
0xc6: {  	v3 =	vmax.f32 v3, $0.0e+00  }
0xc7: {  	v2 =	vmax.f32 v2, $0.0e+00;
	[tilespmem:s11+$0xFFFFFFC0] =	vst v3  }
0xc8: {  	[tilespmem:s11+$0xFFFFFFD0] =	vst v2  }
0xc9: {  	v2 =	vld.idx.msk [tilespmem:v1+s14+$0xFFFFFFC0 ss:$0x1], $0xffff  }
0xca: {  	v3 =	vld [tilespmem:s11+$0xFFFFFFE0]  }
0xcb: {  	v4 =	vld [tilespmem:s11+$0xFFFFFFF0];
	_ =	sdelay $0x2  }
0xcc: {  	v5 =	vshll.u32 v2, $0x10  }
0xcd: {  	v2 =	vand.u32 $0xFFFF0000, v2;
	v3 =	vadd.f32 v5, v3  }
0xce: {  	v2 =	vadd.f32 v2, v4  }
0xcf: {  	v3 =	vmax.f32 v3, $0.0e+00  }
0xd0: {  	v2 =	vmax.f32 v2, $0.0e+00;
	[tilespmem:s11+$0xFFFFFFE0] =	vst v3  }
0xd1: {  	[tilespmem:s11+$0xFFFFFFF0] =	vst v2  }
0xd2: {  	v2 =	vld.idx.msk [tilespmem:v1+s14+$0xFFFFFFD0 ss:$0x1], $0xffff  }
0xd3: {  	v3 =	vld [tilespmem:s11+$0x0]  }
0xd4: {  	v4 =	vld [tilespmem:s11+$0x10];
	_ =	sdelay $0x2  }
0xd5: {  	v5 =	vshll.u32 v2, $0x10  }
0xd6: {  	v2 =	vand.u32 $0xFFFF0000, v2;
	v3 =	vadd.f32 v5, v3  }
0xd7: {  	v2 =	vadd.f32 v2, v4  }
0xd8: {  	v3 =	vmax.f32 v3, $0.0e+00  }
0xd9: {  	v2 =	vmax.f32 v2, $0.0e+00;
	[tilespmem:s11+$0x0] =	vst v3  }
0xda: {  	[tilespmem:s11+$0x10] =	vst v2  }
0xdb: {  	v2 =	vld.idx.msk [tilespmem:v1+s14+$0xFFFFFFE0 ss:$0x1], $0xffff  }
0xdc: {  	v3 =	vld [tilespmem:s11+$0x20]  }
0xdd: {  	v4 =	vld [tilespmem:s11+$0x30];
	_ =	sdelay $0x2  }
0xde: {  	v5 =	vshll.u32 v2, $0x10  }
0xdf: {  	v2 =	vand.u32 $0xFFFF0000, v2;
	v3 =	vadd.f32 v5, v3  }
0xe0: {  	v2 =	vadd.f32 v2, v4  }
0xe1: {  	v3 =	vmax.f32 v3, $0.0e+00  }
0xe2: {  	v2 =	vmax.f32 v2, $0.0e+00;
	[tilespmem:s11+$0x20] =	vst v3  }
0xe3: {  	[tilespmem:s11+$0x30] =	vst v2  }
0xe4: {  	v2 =	vld.idx.msk [tilespmem:v1+s14+$0xFFFFFFF0 ss:$0x1], $0xffff  }
0xe5: {  	v3 =	vld [tilespmem:s11+$0x40]  }
0xe6: {  	v4 =	vld [tilespmem:s11+$0x50];
	_ =	sdelay $0x2  }
0xe7: {  	v5 =	vshll.u32 v2, $0x10  }
0xe8: {  	v2 =	vand.u32 $0xFFFF0000, v2;
	v3 =	vadd.f32 v5, v3  }
0xe9: {  	v2 =	vadd.f32 v2, v4  }
0xea: {  	v3 =	vmax.f32 v3, $0.0e+00  }
0xeb: {  	s13 =	sand.u32 $0x1, s9;
	v4 =	vld [tilespmem:s11+$0x70];
	v2 =	vmax.f32 v2, $0.0e+00;
	[tilespmem:s11+$0x40] =	vst v3  }
0xec: {  	s25 =	sshll.u32 s13, $0xE;
	[tilespmem:s11+$0x50] =	vst v2;
	v3 =	vld [tilespmem:s11+$0x60]  }
0xed: {  	s12 =	sadd.s32 $0x4400, s25;
	s13 =	smov.u32 s11;
	v2 =	vld.idx.msk [tilespmem:v1+s14+$0x0 ss:$0x1], $0xffff;
	s14 =	simm.s32 $0x200  }
.LBB2_6:
0xee: {  	p3 =	sne.s32 s14, $0x7E00  }
0xef: {  	s11 =	sadd.s32 $0x100, s11;
	s25 =	smov.u32 s14;
	s14 =	sadd.s32 $0x200, s14  }
0xf0: {  	_ =	sdelay $0x1  }
0xf1: {  	v5 =	vshll.u32 v2, $0x10;
	v2 =	vand.u32 $0xFFFF0000, v2  }
0xf2: {  	v3 =	vadd.f32 v5, v3;
	v2 =	vadd.f32 v2, v4;
	_ =	sdelay $0x1  }
0xf3: {  	v3 =	vmax.f32 v3, $0.0e+00;
	v2 =	vmax.f32 v2, $0.0e+00  }
0xf4: {  	[tilespmem:s13+$0x60] =	vst v3  }
0xf5: {  	s25 =	sshra.s32 s25, $0x2;
	[tilespmem:s13+$0x70] =	vst v2;
	s13 =	smov.u32 s11  }
0xf6: {  	v2 =	vld.idx.msk [tilespmem:v1+s25+$0xFFFFFF90 ss:$0x1], $0xffff  }
0xf7: {  	v3 =	vld [tilespmem:s11+$0xFFFFFF90]  }
0xf8: {  	v4 =	vld [tilespmem:s11+$0xFFFFFF80];
	_ =	sdelay $0x3  }
0xf9: {  	v5 =	vshll.u32 v2, $0x10;
	v2 =	vand.u32 $0xFFFF0000, v2  }
0xfa: {  	v2 =	vadd.f32 v2, v3;
	v4 =	vadd.f32 v5, v4;
	_ =	sdelay $0x1  }
0xfb: {  	v2 =	vmax.f32 v2, $0.0e+00;
	v3 =	vmax.f32 v4, $0.0e+00  }
0xfc: {  	[tilespmem:s11+$0xFFFFFF80] =	vst v3  }
0xfd: {  	[tilespmem:s11+$0xFFFFFF90] =	vst v2  }
0xfe: {  	v2 =	vld.idx.msk [tilespmem:v1+s25+$0xFFFFFFA0 ss:$0x1], $0xffff  }
0xff: {  	v3 =	vld [tilespmem:s11+$0xFFFFFFB0]  }
0x100: {  	v4 =	vld [tilespmem:s11+$0xFFFFFFA0];
	_ =	sdelay $0x3  }
0x101: {  	v5 =	vshll.u32 v2, $0x10;
	v2 =	vand.u32 $0xFFFF0000, v2  }
0x102: {  	v2 =	vadd.f32 v2, v3;
	v4 =	vadd.f32 v5, v4;
	_ =	sdelay $0x1  }
0x103: {  	v2 =	vmax.f32 v2, $0.0e+00;
	v3 =	vmax.f32 v4, $0.0e+00  }
0x104: {  	[tilespmem:s11+$0xFFFFFFA0] =	vst v3  }
0x105: {  	[tilespmem:s11+$0xFFFFFFB0] =	vst v2  }
0x106: {  	v2 =	vld.idx.msk [tilespmem:v1+s25+$0xFFFFFFB0 ss:$0x1], $0xffff  }
0x107: {  	v3 =	vld [tilespmem:s11+$0xFFFFFFD0]  }
0x108: {  	v4 =	vld [tilespmem:s11+$0xFFFFFFC0];
	_ =	sdelay $0x3  }
0x109: {  	v5 =	vshll.u32 v2, $0x10;
	v2 =	vand.u32 $0xFFFF0000, v2  }
0x10a: {  	v2 =	vadd.f32 v2, v3;
	v4 =	vadd.f32 v5, v4;
	_ =	sdelay $0x1  }
0x10b: {  	v2 =	vmax.f32 v2, $0.0e+00;
	v3 =	vmax.f32 v4, $0.0e+00  }
0x10c: {  	[tilespmem:s11+$0xFFFFFFC0] =	vst v3  }
0x10d: {  	[tilespmem:s11+$0xFFFFFFD0] =	vst v2;
	v2 =	vld [tilespmem:s11+$0xFFFFFFF0]  }
0x10e: {  	v3 =	vld.idx.msk [tilespmem:v1+s25+$0xFFFFFFC0 ss:$0x1], $0xffff;
	_ =	sdelay $0x1  }
0x10f: {  	v4 =	vld [tilespmem:s11+$0xFFFFFFE0];
	_ =	sdelay $0x3  }
0x110: {  	v5 =	vshll.u32 v3, $0x10;
	v3 =	vand.u32 $0xFFFF0000, v3  }
0x111: {  	v2 =	vadd.f32 v3, v2;
	v4 =	vadd.f32 v5, v4;
	_ =	sdelay $0x1  }
0x112: {  	v2 =	vmax.f32 v2, $0.0e+00;
	v3 =	vmax.f32 v4, $0.0e+00  }
0x113: {  	[tilespmem:s11+$0xFFFFFFE0] =	vst v3  }
0x114: {  	[tilespmem:s11+$0xFFFFFFF0] =	vst v2  }
0x115: {  	v2 =	vld.idx.msk [tilespmem:v1+s25+$0xFFFFFFD0 ss:$0x1], $0xffff  }
0x116: {  	v3 =	vld [tilespmem:s11+$0x10]  }
0x117: {  	v4 =	vld [tilespmem:s11+$0x0];
	_ =	sdelay $0x3  }
0x118: {  	v5 =	vshll.u32 v2, $0x10;
	v2 =	vand.u32 $0xFFFF0000, v2  }
0x119: {  	v2 =	vadd.f32 v2, v3;
	v4 =	vadd.f32 v5, v4;
	_ =	sdelay $0x1  }
0x11a: {  	v2 =	vmax.f32 v2, $0.0e+00;
	v3 =	vmax.f32 v4, $0.0e+00  }
0x11b: {  	[tilespmem:s11+$0x0] =	vst v3  }
0x11c: {  	[tilespmem:s11+$0x10] =	vst v2  }
0x11d: {  	v2 =	vld.idx.msk [tilespmem:v1+s25+$0xFFFFFFE0 ss:$0x1], $0xffff  }
0x11e: {  	v3 =	vld [tilespmem:s11+$0x30]  }
0x11f: {  	v4 =	vld [tilespmem:s11+$0x20];
	_ =	sdelay $0x3  }
0x120: {  	v5 =	vshll.u32 v2, $0x10;
	v2 =	vand.u32 $0xFFFF0000, v2  }
0x121: {  	v2 =	vadd.f32 v2, v3;
	v4 =	vadd.f32 v5, v4;
	_ =	sdelay $0x1  }
0x122: {  	v2 =	vmax.f32 v2, $0.0e+00;
	v3 =	vmax.f32 v4, $0.0e+00  }
0x123: {  	[tilespmem:s11+$0x20] =	vst v3  }
0x124: {  	[tilespmem:s11+$0x30] =	vst v2  }
0x125: {  	v2 =	vld.idx.msk [tilespmem:v1+s25+$0xFFFFFFF0 ss:$0x1], $0xffff  }
0x126: {  	v3 =	vld [tilespmem:s11+$0x50]  }
0x127: {  	v4 =	vld [tilespmem:s11+$0x40];
	_ =	sdelay $0x3  }
0x128: {  	v5 =	vshll.u32 v2, $0x10;
	v2 =	vand.u32 $0xFFFF0000, v2  }
0x129: {  	v2 =	vadd.f32 v2, v3;
	v4 =	vadd.f32 v5, v4;
	_ =	sdelay $0x1  }
0x12a: {  	v2 =	vmax.f32 v2, $0.0e+00;
	v3 =	vmax.f32 v4, $0.0e+00  }
.Ltmp6:
0x12b: {  	[tilespmem:s11+$0x40] =	vst v3;
	(pc) =	sbr.rel @p3 .LBB2_6-.Ltmp6, $4  }
0x12c: {  	[tilespmem:s11+$0x50] =	vst v2  }
0x12d: {  	v2 =	vld.idx.msk [tilespmem:v1+s25+$0x0 ss:$0x1], $0xffff  }
0x12e: {  	v3 =	vld [tilespmem:s11+$0x60]  }
0x12f: {  	v4 =	vld [tilespmem:s11+$0x70]  }
0x130: {  	_ =	sdelay $0x1  }
0x131: {  	v1 =	vshll.u32 v2, $0x10  }
0x132: {  	v2 =	vand.u32 $0xFFFF0000, v2;
	v1 =	vadd.f32 v1, v3  }
.Ltmp7:
0x133: {  	v2 =	vadd.f32 v2, v4;
	(pc) =	sbr.rel .LBB2_8-.Ltmp7, $4  }
0x134: {  	s9 =	sshll.u32 s9, $0x8;
	v1 =	vmax.f32 v1, $0.0e+00  }
0x135: {  	s9 =	sand.u32 $0x300, s9;
	v2 =	vmax.f32 v2, $0.0e+00;
	[tilespmem:s13+$0x60] =	vst v1  }
0x136: {  	s9 =	sor.u32 $0x80, s9;
	[tilespmem:s13+$0x70] =	vst v2  }
0x137: {  	[spmem:s2] =	stream.indirect.scatter.add.f32 [tilespmem:s12], [sflag:$0x4], $0x80, s9, s4, $0xb8;
	[tilespmem:$0x1FC80] =	vst v63  }
.LBB2_10:
0x138: {  	_ =	sfence.sel $0x180000  }
0x139: {  	[bflag:$0x0] =	sbarrier.arrive $0xFFFF  }
0x13a: {  	_ =	strace $0x9000004D  }
0x13b: {  	s0 =	stileid.u32;
	[bflag:$0x2] =	sbarrier.arrive $0xFFFF  }
0x13c: {  	p0 =	sne.s32 s0, $0x0;
	s0 =	rddreg [dreg:$0x3]  }
0x13d: {  	s0 =	sadd.s32 @!p0 $0x100000, s0  }
0x13e: {  	[sflag:s0] =	ssyncadd.tile.s32 @!p0 $0x1;
	_ =	shalt  }
.Lfunc_end2:
_tile_overlayer_lowered:
.L_overlay_start_2:
0x13f: {  	(tag) =	ssettag $0x2  }
0x140: {  	s0 =	rddreg [dreg:$0x0];
	s2 =	stileid.u32  }
0x141: {  	s1 =	rddreg [dreg:$0x1];
	p0 =	sne.s32 s2, $0x0  }
0x142: {  	s3 =	rddreg [dreg:$0x2];
	[bflag:$0x3] =	sbarrier.arrive $0xFFFF;
	s2 =	simm.s32 @!p0 $0x1C05  }
0x143: {  	[timem:s3], [sflag:s2] =	dma.local @!p0 [hbm:s0], s1  }
0x144: {  	s0 =	simm.s32 @!p0 $0x5  }
0x145: {  	_ =	swait.ge @!p0 [sflag:s0], s1  }
0x146: {  	s1 =	ssub.s32 @!p0 $0x0, s1;
	[sflag:s0] =	ssyncset.done @!p0 $0x0  }
0x147: {  	[sflag:s0] =	ssyncadd.s32 @!p0 s1  }
0x148: {  	[bflag:$0x3] =	sbarrier.arrive $0xFFFF  }
0x149: {  	_ =	shalt  }

</sc_bundles>
